<compile_context>
chip_gen: v7x
topology: tpu7x:2x2x1
jax: 0.10.2.dev20260603
libtpu: 0.0.44.dev20260713+nightly
codegen_flags: <defaults>
</compile_context>

<pallas_src>
import functools

import jax
import jax.numpy as jnp
from jax import lax
from jax.experimental import pallas as pl
from jax.experimental.pallas import tpu as pltpu
from jax.experimental.pallas import tpu_sc as plsc

DIGITS = 8
HIDDEN = 128
BATCH = 16384
NLANES = 16
NCORES = 2
NSUB = 16
NW = NCORES * NSUB
BPW = BATCH // NW
NPAIR = DIGITS // 2
NCHUNK = HIDDEN // (2 * NLANES)
PSTRIDE = 256


def _sc_body(nums_hbm, emb_hbm, out_hbm, embb_v, pairb_v, nums_v, out_v,
             sem0, sem1):
    wid = lax.axis_index("s") * NCORES + lax.axis_index("c")
    base = wid * BPW
    pltpu.sync_copy(emb_hbm, out_v.at[pl.ds(0, DIGITS * 10)])
    pltpu.sync_copy(nums_hbm.at[pl.ds(base, BPW)], nums_v)

    def prepack(a, c):
        prev = None
        for ch in range(NCHUNK):
            loads = (out_v[a, pl.ds(ch * 32, NLANES)],
                     out_v[a, pl.ds(ch * 32 + NLANES, NLANES)])
            if prev is not None:
                (l0, l1), pch = prev
                embb_v[pl.ds(a * PSTRIDE + pch * 32, 32)] = plsc.pack(
                    l0, l1, format=plsc.PackFormat.INTERLEAVED)
            prev = (loads, ch)
        (l0, l1), pch = prev
        embb_v[pl.ds(a * PSTRIDE + pch * 32, 32)] = plsc.pack(
            l0, l1, format=plsc.PackFormat.INTERLEAVED)
        return c

    lax.fori_loop(0, DIGITS * 10, prepack, 0)

    def build(v, c):
        d1 = lax.rem(v, 10)
        d2 = lax.div(v, 10)
        prev = None
        for p in range(NPAIR):
            a = 20 * p + d1
            b = 20 * p + 10 + d2
            r = 100 * p + v
            for ch in range(NCHUNK):
                loads = (embb_v[pl.ds(a * PSTRIDE + ch * 32, 32)],
                         embb_v[pl.ds(b * PSTRIDE + ch * 32, 32)])
                if prev is not None:
                    (l0, l1), pr, pch = prev
                    pairb_v[pl.ds(pr * PSTRIDE + pch * 32, 32)] = l0 + l1
                prev = (loads, r, ch)
        (l0, l1), pr, pch = prev
        pairb_v[pl.ds(pr * PSTRIDE + pch * 32, 32)] = l0 + l1
        return c

    lax.fori_loop(0, 100, build, 0)

    def load4(rows, ch):
        return [pairb_v[pl.ds(rows[p] * PSTRIDE + ch * 32, 32)]
                for p in range(NPAIR)]

    def chunk_compute(j, vals, ch):
        acc = (vals[0] + vals[1]) + (vals[2] + vals[3])
        acc0, acc1 = plsc.unpack(acc, format=plsc.PackFormat.INTERLEAVED)
        out_v[j, pl.ds(ch * 32, NLANES)] = acc0
        out_v[j, pl.ds(ch * 32 + NLANES, NLANES)] = acc1

    def split_rows(n):
        q1 = lax.div(n, 100)
        q2 = lax.div(q1, 100)
        q3 = lax.div(q2, 100)
        return [n - q1 * 100,
                q1 - q2 * 100 + 100,
                q2 - q3 * 100 + 200,
                q3 + 300]

    def body(g, c):
        nv = nums_v[pl.ds(g * NLANES, NLANES)]
        prev = None
        rows = split_rows(nv[0])
        for k in range(NLANES):
            cur = []
            for ch in range(NCHUNK):
                cur.append(load4(rows, ch))
                if ch == 0 and k + 1 < NLANES:
                    rows_next = split_rows(nv[k + 1])
                if prev is not None:
                    chunk_compute(prev[1], prev[0][ch], ch)
            prev = (cur, g * NLANES + k)
            if k + 1 < NLANES:
                rows = rows_next
        for ch in range(NCHUNK):
            chunk_compute(prev[1], prev[0][ch], ch)
        return c

    half = BPW // 2

    def body2(g, c):
        body(g, c)

        @pl.when(g == BPW // NLANES // 2 - 1)
        def _():
            pltpu.async_copy(out_v.at[pl.ds(0, half)],
                             out_hbm.at[pl.ds(base, half)], sem0)

        return c

    lax.fori_loop(0, BPW // NLANES, body2, 0)
    c1 = pltpu.async_copy(out_v.at[pl.ds(half, half)],
                          out_hbm.at[pl.ds(base + half, half)], sem1)
    pltpu.make_async_copy(out_v.at[pl.ds(0, half)],
                          out_hbm.at[pl.ds(base, half)], sem0).wait()
    c1.wait()


@functools.partial(jax.jit, static_argnames=())
def kernel(nums, emb):
    nums = nums.astype(jnp.int32)
    mesh = plsc.VectorSubcoreMesh(core_axis_name="c", subcore_axis_name="s")
    f = functools.partial(
        pl.kernel,
        out_type=jax.ShapeDtypeStruct((BATCH, HIDDEN), jnp.float32),
        mesh=mesh,
        compiler_params=pltpu.CompilerParams(needs_layout_passes=False),
        scratch_types=[
            pltpu.VMEM((DIGITS * 10 * PSTRIDE,), jnp.bfloat16),
            pltpu.VMEM((NPAIR * 100 * PSTRIDE,), jnp.bfloat16),
            pltpu.VMEM((BPW,), jnp.int32),
            pltpu.VMEM((BPW, HIDDEN), jnp.float32),
            pltpu.SemaphoreType.DMA,
            pltpu.SemaphoreType.DMA,
        ],
    )(_sc_body)
    return f(nums, emb)

# --- scband reference (transcript-rebuilt; emitter-appended) ---
"""Pipeline reference for scband-number-embedder-52819507806298 (READ-ONLY COPY).

The authoritative reference and input builder live on the scoring server;
editing this copy changes nothing except your own understanding.
"""

import jax, jax.numpy as jnp
import numpy as np

DIGITS = 8
HIDDEN = 128
BATCH = 16384

def setup_inputs(seed: int = 0) -> dict:
    key = jax.random.key(seed)
    k_nums, k_emb = jax.random.split(key)
    nums = jax.random.randint(k_nums, (BATCH,), 0, 10**DIGITS)
    # nn.Embedding(digits*10, hidden) with normal init std=0.2
    emb = jax.random.normal(k_emb, (DIGITS * 10, HIDDEN), dtype=jnp.float32) * 0.2
    return {"nums": nums, "emb": emb}

def reference(nums, emb):
    # to_digit_tensor: reversed decimal digits, zero-padded to DIGITS
    # digit i (least-significant first): d_i = (num // 10**i) % 10
    i = jnp.arange(DIGITS, dtype=nums.dtype)
    pow10 = jnp.power(jnp.asarray(10, dtype=nums.dtype), i)          # [DIGITS]
    d = (nums[:, None] // pow10[None, :]) % 10                        # [B, DIGITS]
    # embedding index for digit position i with value d: 10*i + d
    idx = 10 * i[None, :] + d                                         # [B, DIGITS]
    vecs = jnp.take(emb, idx, axis=0)                                 # [B, DIGITS, HIDDEN]
    # sum over digit positions (the loop 'y = y + self.emb(...)')
    return vecs.sum(axis=1)                                           # [B, HIDDEN]

if __name__ == "__main__":
    import jax
    _d = setup_inputs()
    print(jax.jit(kernel)(*tuple(_d.values())))

</pallas_src>

<mosaic_0001>
#map = affine_map<(d0, d1) -> (0)>
#map1 = affine_map<(d0, d1) -> (0, 0)>
module attributes {stable_mosaic.version = 14 : i64} {
  func.func @_sc_body(%arg0: i32, %arg1: i32, %arg2: memref<16384xi32, #tpu.memory_space<hbm>>, %arg3: memref<80x128xf32, #tpu.memory_space<hbm>>, %arg4: memref<16384x128xf32, #tpu.memory_space<hbm>>, %arg5: memref<20480xbf16, #tpu.memory_space<vmem>>, %arg6: memref<102400xbf16, #tpu.memory_space<vmem>>, %arg7: memref<512xi32, #tpu.memory_space<vmem>>, %arg8: memref<512x128xf32, #tpu.memory_space<vmem>>, %arg9: memref<!tpu.dma_semaphore, #tpu.memory_space<semaphore_mem>>, %arg10: memref<!tpu.dma_semaphore, #tpu.memory_space<semaphore_mem>>) attributes {dimension_semantics = [#tpu.dimension_semantics<core_parallel>, #tpu.dimension_semantics<subcore_parallel>], iteration_bounds = array<i64: 2, 16>, scalar_prefetch = 0 : i64, scratch_operands = 6 : i64, tpu.core_type = #tpu.core_type<sc_vector_subcore>, window_params = [{transform_indices = #map}, {transform_indices = #map1}, {transform_indices = #map1}]} {
    %mul3A = arith.constant 2 : i32
    %mul3A_0 = arith.muli %arg1, %mul3A : i32
    %add3A = arith.addi %mul3A_0, %arg0 : i32
    %mul3A_1 = arith.constant 512 : i32
    %mul3A_2 = arith.muli %add3A, %mul3A_1 : i32
    "tpu.region"() ({
      %run_scoped3A = tpu.sem_alloc : memref<!tpu.dma_semaphore, #tpu.memory_space<semaphore_mem>>
      %dma_start3A_50 = arith.constant 0 : i32
      %dma_start3A_51 = arith.constant 0 : i32
      %dma_start3A_52 = tpu.memref_slice %arg8[%dma_start3A_50, %dma_start3A_51] : memref<512x128xf32, #tpu.memory_space<vmem>> -> memref<80x128xf32, #tpu.memory_space<vmem>>
      %dma_start3A_53 = arith.constant 0 : i32
      %dma_start3A_54 = arith.constant 0 : i32
      %dma_start3A_55 = tpu.memref_slice %arg8[%dma_start3A_53, %dma_start3A_54] : memref<512x128xf32, #tpu.memory_space<vmem>> -> memref<80x128xf32, #tpu.memory_space<vmem>>
      tpu.enqueue_dma source(%arg3 : memref<80x128xf32, #tpu.memory_space<hbm>>) target(%dma_start3A_55 : memref<80x128xf32, #tpu.memory_space<vmem>>) target_semaphore(%run_scoped3A : memref<!tpu.dma_semaphore, #tpu.memory_space<semaphore_mem>>)
      %dma_wait3A_56 = arith.constant 0 : i32
      %dma_wait3A_57 = arith.constant 0 : i32
      %dma_wait3A_58 = tpu.memref_slice %arg8[%dma_wait3A_56, %dma_wait3A_57] : memref<512x128xf32, #tpu.memory_space<vmem>> -> memref<80x128xf32, #tpu.memory_space<vmem>>
      %dma_wait3A_59 = arith.constant 0 : i32
      %dma_wait3A_60 = arith.constant 0 : i32
      %dma_wait3A_61 = tpu.memref_slice %arg8[%dma_wait3A_59, %dma_wait3A_60] : memref<512x128xf32, #tpu.memory_space<vmem>> -> memref<80x128xf32, #tpu.memory_space<vmem>>
      tpu.wait_dma2 semaphore(%run_scoped3A : memref<!tpu.dma_semaphore, #tpu.memory_space<semaphore_mem>>) src(%arg3 : memref<80x128xf32, #tpu.memory_space<hbm>>) dst(%dma_wait3A_61 : memref<80x128xf32, #tpu.memory_space<vmem>>)
      tpu.yield
    }) : () -> ()
    "tpu.region"() ({
      %run_scoped3A = tpu.sem_alloc : memref<!tpu.dma_semaphore, #tpu.memory_space<semaphore_mem>>
      %dma_start3A_50 = tpu.memref_slice %arg2[%mul3A_2] : memref<16384xi32, #tpu.memory_space<hbm>> -> memref<512xi32, #tpu.memory_space<hbm>>
      %dma_start3A_51 = tpu.memref_slice %arg2[%mul3A_2] : memref<16384xi32, #tpu.memory_space<hbm>> -> memref<512xi32, #tpu.memory_space<hbm>>
      tpu.enqueue_dma source(%dma_start3A_51 : memref<512xi32, #tpu.memory_space<hbm>>) target(%arg7 : memref<512xi32, #tpu.memory_space<vmem>>) target_semaphore(%run_scoped3A : memref<!tpu.dma_semaphore, #tpu.memory_space<semaphore_mem>>)
      %dma_wait3A_52 = tpu.memref_slice %arg2[%mul3A_2] : memref<16384xi32, #tpu.memory_space<hbm>> -> memref<512xi32, #tpu.memory_space<hbm>>
      %dma_wait3A_53 = tpu.memref_slice %arg2[%mul3A_2] : memref<16384xi32, #tpu.memory_space<hbm>> -> memref<512xi32, #tpu.memory_space<hbm>>
      tpu.wait_dma2 semaphore(%run_scoped3A : memref<!tpu.dma_semaphore, #tpu.memory_space<semaphore_mem>>) src(%dma_wait3A_53 : memref<512xi32, #tpu.memory_space<hbm>>) dst(%arg7 : memref<512xi32, #tpu.memory_space<vmem>>)
      tpu.yield
    }) : () -> ()
    %scan3A = arith.constant 0 : i32
    %scan3A_3 = arith.constant 0 : i32
    %scan3A_4 = arith.constant 80 : i32
    %scan3A_5 = arith.addi %scan3A_3, %scan3A_4 : i32
    %scan3A_6 = arith.constant 1 : i32
    scf.for %scan3A_50 = %scan3A_3 to %scan3A_5 step %scan3A_6  : i32 {
      %get3A = arith.index_cast %scan3A_50 : i32 to index
      %get3A_51 = arith.constant 0 : index
      %get3A_52 = tpu.vector_load %arg8[%get3A, %get3A_51] {strides = array<i32>} : memref<512x128xf32, #tpu.memory_space<vmem>>, vector<16xf32>,
      %get3A_53 = arith.index_cast %scan3A_50 : i32 to index
      %get3A_54 = arith.constant 16 : index
      %get3A_55 = tpu.vector_load %arg8[%get3A_53, %get3A_54] {strides = array<i32>} : memref<512x128xf32, #tpu.memory_space<vmem>>, vector<16xf32>,
      %get3A_56 = arith.index_cast %scan3A_50 : i32 to index
      %get3A_57 = arith.constant 32 : index
      %get3A_58 = tpu.vector_load %arg8[%get3A_56, %get3A_57] {strides = array<i32>} : memref<512x128xf32, #tpu.memory_space<vmem>>, vector<16xf32>,
      %get3A_59 = arith.index_cast %scan3A_50 : i32 to index
      %get3A_60 = arith.constant 48 : index
      %get3A_61 = tpu.vector_load %arg8[%get3A_59, %get3A_60] {strides = array<i32>} : memref<512x128xf32, #tpu.memory_space<vmem>>, vector<16xf32>,
      %pack3A = tpu.pack_subelements %get3A_52, %get3A_55 {pack_format = #tpu.pack_format<interleaved>, positions = array<i32: 0, 1>} : vector<16xf32>, vector<16xf32> -> vector<32xbf16>
      %mul3A_62 = arith.constant 256 : i32
      %mul3A_63 = arith.muli %scan3A_50, %mul3A_62 : i32
      %add3A_64 = arith.constant 0 : i32
      %add3A_65 = arith.addi %mul3A_63, %add3A_64 : i32
      %swap3A = arith.index_cast %add3A_65 : i32 to index
      %swap3A_66 = tpu.vector_load %arg5[%swap3A] {strides = array<i32>} : memref<20480xbf16, #tpu.memory_space<vmem>>, vector<32xbf16>,
      tpu.vector_store %arg5[%swap3A], %pack3A {strides = array<i32>} : memref<20480xbf16, #tpu.memory_space<vmem>>, vector<32xbf16>,
      %get3A_67 = arith.index_cast %scan3A_50 : i32 to index
      %get3A_68 = arith.constant 64 : index
      %get3A_69 = tpu.vector_load %arg8[%get3A_67, %get3A_68] {strides = array<i32>} : memref<512x128xf32, #tpu.memory_space<vmem>>, vector<16xf32>,
      %get3A_70 = arith.index_cast %scan3A_50 : i32 to index
      %get3A_71 = arith.constant 80 : index
      %get3A_72 = tpu.vector_load %arg8[%get3A_70, %get3A_71] {strides = array<i32>} : memref<512x128xf32, #tpu.memory_space<vmem>>, vector<16xf32>,
      %pack3A_73 = tpu.pack_subelements %get3A_58, %get3A_61 {pack_format = #tpu.pack_format<interleaved>, positions = array<i32: 0, 1>} : vector<16xf32>, vector<16xf32> -> vector<32xbf16>
      %mul3A_74 = arith.constant 256 : i32
      %mul3A_75 = arith.muli %scan3A_50, %mul3A_74 : i32
      %add3A_76 = arith.constant 32 : i32
      %add3A_77 = arith.addi %mul3A_75, %add3A_76 : i32
      %swap3A_78 = arith.index_cast %add3A_77 : i32 to index
      %swap3A_79 = tpu.vector_load %arg5[%swap3A_78] {strides = array<i32>} : memref<20480xbf16, #tpu.memory_space<vmem>>, vector<32xbf16>,
      tpu.vector_store %arg5[%swap3A_78], %pack3A_73 {strides = array<i32>} : memref<20480xbf16, #tpu.memory_space<vmem>>, vector<32xbf16>,
      %get3A_80 = arith.index_cast %scan3A_50 : i32 to index
      %get3A_81 = arith.constant 96 : index
      %get3A_82 = tpu.vector_load %arg8[%get3A_80, %get3A_81] {strides = array<i32>} : memref<512x128xf32, #tpu.memory_space<vmem>>, vector<16xf32>,
      %get3A_83 = arith.index_cast %scan3A_50 : i32 to index
      %get3A_84 = arith.constant 112 : index
      %get3A_85 = tpu.vector_load %arg8[%get3A_83, %get3A_84] {strides = array<i32>} : memref<512x128xf32, #tpu.memory_space<vmem>>, vector<16xf32>,
      %pack3A_86 = tpu.pack_subelements %get3A_69, %get3A_72 {pack_format = #tpu.pack_format<interleaved>, positions = array<i32: 0, 1>} : vector<16xf32>, vector<16xf32> -> vector<32xbf16>
      %mul3A_87 = arith.constant 256 : i32
      %mul3A_88 = arith.muli %scan3A_50, %mul3A_87 : i32
      %add3A_89 = arith.constant 64 : i32
      %add3A_90 = arith.addi %mul3A_88, %add3A_89 : i32
      %swap3A_91 = arith.index_cast %add3A_90 : i32 to index
      %swap3A_92 = tpu.vector_load %arg5[%swap3A_91] {strides = array<i32>} : memref<20480xbf16, #tpu.memory_space<vmem>>, vector<32xbf16>,
      tpu.vector_store %arg5[%swap3A_91], %pack3A_86 {strides = array<i32>} : memref<20480xbf16, #tpu.memory_space<vmem>>, vector<32xbf16>,
      %pack3A_93 = tpu.pack_subelements %get3A_82, %get3A_85 {pack_format = #tpu.pack_format<interleaved>, positions = array<i32: 0, 1>} : vector<16xf32>, vector<16xf32> -> vector<32xbf16>
      %mul3A_94 = arith.constant 256 : i32
      %mul3A_95 = arith.muli %scan3A_50, %mul3A_94 : i32
      %add3A_96 = arith.constant 96 : i32
      %add3A_97 = arith.addi %mul3A_95, %add3A_96 : i32
      %swap3A_98 = arith.index_cast %add3A_97 : i32 to index
      %swap3A_99 = tpu.vector_load %arg5[%swap3A_98] {strides = array<i32>} : memref<20480xbf16, #tpu.memory_space<vmem>>, vector<32xbf16>,
      tpu.vector_store %arg5[%swap3A_98], %pack3A_93 {strides = array<i32>} : memref<20480xbf16, #tpu.memory_space<vmem>>, vector<32xbf16>,
    }
    %scan3A_7 = arith.constant 80 : i32
    %scan3A_8 = arith.constant 0 : i32
    %scan3A_9 = arith.constant 0 : i32
    %scan3A_10 = arith.constant 100 : i32
    %scan3A_11 = arith.addi %scan3A_9, %scan3A_10 : i32
    %scan3A_12 = arith.constant 1 : i32
    scf.for %scan3A_50 = %scan3A_9 to %scan3A_11 step %scan3A_12  : i32 {
      %rem3A = arith.constant 10 : i32
      %rem3A_51 = arith.remsi %scan3A_50, %rem3A : i32
      %div3A = arith.constant 10 : i32
      %div3A_52 = arith.divsi %scan3A_50, %div3A : i32
      %add3A_53 = arith.constant 0 : i32
      %add3A_54 = arith.addi %add3A_53, %rem3A_51 : i32
      %add3A_55 = arith.constant 10 : i32
      %add3A_56 = arith.addi %add3A_55, %div3A_52 : i32
      %add3A_57 = arith.constant 0 : i32
      %add3A_58 = arith.addi %add3A_57, %scan3A_50 : i32
      %mul3A_59 = arith.constant 256 : i32
      %mul3A_60 = arith.muli %add3A_54, %mul3A_59 : i32
      %add3A_61 = arith.constant 0 : i32
      %add3A_62 = arith.addi %mul3A_60, %add3A_61 : i32
      %get3A = arith.index_cast %add3A_62 : i32 to index
      %get3A_63 = tpu.vector_load %arg5[%get3A] {strides = array<i32>} : memref<20480xbf16, #tpu.memory_space<vmem>>, vector<32xbf16>,
      %mul3A_64 = arith.constant 256 : i32
      %mul3A_65 = arith.muli %add3A_56, %mul3A_64 : i32
      %add3A_66 = arith.constant 0 : i32
      %add3A_67 = arith.addi %mul3A_65, %add3A_66 : i32
      %get3A_68 = arith.index_cast %add3A_67 : i32 to index
      %get3A_69 = tpu.vector_load %arg5[%get3A_68] {strides = array<i32>} : memref<20480xbf16, #tpu.memory_space<vmem>>, vector<32xbf16>,
      %mul3A_70 = arith.constant 256 : i32
      %mul3A_71 = arith.muli %add3A_54, %mul3A_70 : i32
      %add3A_72 = arith.constant 32 : i32
      %add3A_73 = arith.addi %mul3A_71, %add3A_72 : i32
      %get3A_74 = arith.index_cast %add3A_73 : i32 to index
      %get3A_75 = tpu.vector_load %arg5[%get3A_74] {strides = array<i32>} : memref<20480xbf16, #tpu.memory_space<vmem>>, vector<32xbf16>,
      %mul3A_76 = arith.constant 256 : i32
      %mul3A_77 = arith.muli %add3A_56, %mul3A_76 : i32
      %add3A_78 = arith.constant 32 : i32
      %add3A_79 = arith.addi %mul3A_77, %add3A_78 : i32
      %get3A_80 = arith.index_cast %add3A_79 : i32 to index
      %get3A_81 = tpu.vector_load %arg5[%get3A_80] {strides = array<i32>} : memref<20480xbf16, #tpu.memory_space<vmem>>, vector<32xbf16>,
      %add3A_82 = arith.addf %get3A_63, %get3A_69 : vector<32xbf16>
      %mul3A_83 = arith.constant 256 : i32
      %mul3A_84 = arith.muli %add3A_58, %mul3A_83 : i32
      %add3A_85 = arith.constant 0 : i32
      %add3A_86 = arith.addi %mul3A_84, %add3A_85 : i32
      %swap3A = arith.index_cast %add3A_86 : i32 to index
      %swap3A_87 = tpu.vector_load %arg6[%swap3A] {strides = array<i32>} : memref<102400xbf16, #tpu.memory_space<vmem>>, vector<32xbf16>,
      tpu.vector_store %arg6[%swap3A], %add3A_82 {strides = array<i32>} : memref<102400xbf16, #tpu.memory_space<vmem>>, vector<32xbf16>,
      %mul3A_88 = arith.constant 256 : i32
      %mul3A_89 = arith.muli %add3A_54, %mul3A_88 : i32
      %add3A_90 = arith.constant 64 : i32
      %add3A_91 = arith.addi %mul3A_89, %add3A_90 : i32
      %get3A_92 = arith.index_cast %add3A_91 : i32 to index
      %get3A_93 = tpu.vector_load %arg5[%get3A_92] {strides = array<i32>} : memref<20480xbf16, #tpu.memory_space<vmem>>, vector<32xbf16>,
      %mul3A_94 = arith.constant 256 : i32
      %mul3A_95 = arith.muli %add3A_56, %mul3A_94 : i32
      %add3A_96 = arith.constant 64 : i32
      %add3A_97 = arith.addi %mul3A_95, %add3A_96 : i32
      %get3A_98 = arith.index_cast %add3A_97 : i32 to index
      %get3A_99 = tpu.vector_load %arg5[%get3A_98] {strides = array<i32>} : memref<20480xbf16, #tpu.memory_space<vmem>>, vector<32xbf16>,
      %add3A_100 = arith.addf %get3A_75, %get3A_81 : vector<32xbf16>
      %mul3A_101 = arith.constant 256 : i32
      %mul3A_102 = arith.muli %add3A_58, %mul3A_101 : i32
      %add3A_103 = arith.constant 32 : i32
      %add3A_104 = arith.addi %mul3A_102, %add3A_103 : i32
      %swap3A_105 = arith.index_cast %add3A_104 : i32 to index
      %swap3A_106 = tpu.vector_load %arg6[%swap3A_105] {strides = array<i32>} : memref<102400xbf16, #tpu.memory_space<vmem>>, vector<32xbf16>,
      tpu.vector_store %arg6[%swap3A_105], %add3A_100 {strides = array<i32>} : memref<102400xbf16, #tpu.memory_space<vmem>>, vector<32xbf16>,
      %mul3A_107 = arith.constant 256 : i32
      %mul3A_108 = arith.muli %add3A_54, %mul3A_107 : i32
      %add3A_109 = arith.constant 96 : i32
      %add3A_110 = arith.addi %mul3A_108, %add3A_109 : i32
      %get3A_111 = arith.index_cast %add3A_110 : i32 to index
      %get3A_112 = tpu.vector_load %arg5[%get3A_111] {strides = array<i32>} : memref<20480xbf16, #tpu.memory_space<vmem>>, vector<32xbf16>,
      %mul3A_113 = arith.constant 256 : i32
      %mul3A_114 = arith.muli %add3A_56, %mul3A_113 : i32
      %add3A_115 = arith.constant 96 : i32
      %add3A_116 = arith.addi %mul3A_114, %add3A_115 : i32
      %get3A_117 = arith.index_cast %add3A_116 : i32 to index
      %get3A_118 = tpu.vector_load %arg5[%get3A_117] {strides = array<i32>} : memref<20480xbf16, #tpu.memory_space<vmem>>, vector<32xbf16>,
      %add3A_119 = arith.addf %get3A_93, %get3A_99 : vector<32xbf16>
      %mul3A_120 = arith.constant 256 : i32
      %mul3A_121 = arith.muli %add3A_58, %mul3A_120 : i32
      %add3A_122 = arith.constant 64 : i32
      %add3A_123 = arith.addi %mul3A_121, %add3A_122 : i32
      %swap3A_124 = arith.index_cast %add3A_123 : i32 to index
      %swap3A_125 = tpu.vector_load %arg6[%swap3A_124] {strides = array<i32>} : memref<102400xbf16, #tpu.memory_space<vmem>>, vector<32xbf16>,
      tpu.vector_store %arg6[%swap3A_124], %add3A_119 {strides = array<i32>} : memref<102400xbf16, #tpu.memory_space<vmem>>, vector<32xbf16>,
      %add3A_126 = arith.constant 20 : i32
      %add3A_127 = arith.addi %add3A_126, %rem3A_51 : i32
      %add3A_128 = arith.constant 30 : i32
      %add3A_129 = arith.addi %add3A_128, %div3A_52 : i32
      %add3A_130 = arith.constant 100 : i32
      %add3A_131 = arith.addi %add3A_130, %scan3A_50 : i32
      %mul3A_132 = arith.constant 256 : i32
      %mul3A_133 = arith.muli %add3A_127, %mul3A_132 : i32
      %add3A_134 = arith.constant 0 : i32
      %add3A_135 = arith.addi %mul3A_133, %add3A_134 : i32
      %get3A_136 = arith.index_cast %add3A_135 : i32 to index
      %get3A_137 = tpu.vector_load %arg5[%get3A_136] {strides = array<i32>} : memref<20480xbf16, #tpu.memory_space<vmem>>, vector<32xbf16>,
      %mul3A_138 = arith.constant 256 : i32
      %mul3A_139 = arith.muli %add3A_129, %mul3A_138 : i32
      %add3A_140 = arith.constant 0 : i32
      %add3A_141 = arith.addi %mul3A_139, %add3A_140 : i32
      %get3A_142 = arith.index_cast %add3A_141 : i32 to index
      %get3A_143 = tpu.vector_load %arg5[%get3A_142] {strides = array<i32>} : memref<20480xbf16, #tpu.memory_space<vmem>>, vector<32xbf16>,
      %add3A_144 = arith.addf %get3A_112, %get3A_118 : vector<32xbf16>
      %mul3A_145 = arith.constant 256 : i32
      %mul3A_146 = arith.muli %add3A_58, %mul3A_145 : i32
      %add3A_147 = arith.constant 96 : i32
      %add3A_148 = arith.addi %mul3A_146, %add3A_147 : i32
      %swap3A_149 = arith.index_cast %add3A_148 : i32 to index
      %swap3A_150 = tpu.vector_load %arg6[%swap3A_149] {strides = array<i32>} : memref<102400xbf16, #tpu.memory_space<vmem>>, vector<32xbf16>,
      tpu.vector_store %arg6[%swap3A_149], %add3A_144 {strides = array<i32>} : memref<102400xbf16, #tpu.memory_space<vmem>>, vector<32xbf16>,
      %mul3A_151 = arith.constant 256 : i32
      %mul3A_152 = arith.muli %add3A_127, %mul3A_151 : i32
      %add3A_153 = arith.constant 32 : i32
      %add3A_154 = arith.addi %mul3A_152, %add3A_153 : i32
      %get3A_155 = arith.index_cast %add3A_154 : i32 to index
      %get3A_156 = tpu.vector_load %arg5[%get3A_155] {strides = array<i32>} : memref<20480xbf16, #tpu.memory_space<vmem>>, vector<32xbf16>,
      %mul3A_157 = arith.constant 256 : i32
      %mul3A_158 = arith.muli %add3A_129, %mul3A_157 : i32
      %add3A_159 = arith.constant 32 : i32
      %add3A_160 = arith.addi %mul3A_158, %add3A_159 : i32
      %get3A_161 = arith.index_cast %add3A_160 : i32 to index
      %get3A_162 = tpu.vector_load %arg5[%get3A_161] {strides = array<i32>} : memref<20480xbf16, #tpu.memory_space<vmem>>, vector<32xbf16>,
      %add3A_163 = arith.addf %get3A_137, %get3A_143 : vector<32xbf16>
      %mul3A_164 = arith.constant 256 : i32
      %mul3A_165 = arith.muli %add3A_131, %mul3A_164 : i32
      %add3A_166 = arith.constant 0 : i32
      %add3A_167 = arith.addi %mul3A_165, %add3A_166 : i32
      %swap3A_168 = arith.index_cast %add3A_167 : i32 to index
      %swap3A_169 = tpu.vector_load %arg6[%swap3A_168] {strides = array<i32>} : memref<102400xbf16, #tpu.memory_space<vmem>>, vector<32xbf16>,
      tpu.vector_store %arg6[%swap3A_168], %add3A_163 {strides = array<i32>} : memref<102400xbf16, #tpu.memory_space<vmem>>, vector<32xbf16>,
      %mul3A_170 = arith.constant 256 : i32
      %mul3A_171 = arith.muli %add3A_127, %mul3A_170 : i32
      %add3A_172 = arith.constant 64 : i32
      %add3A_173 = arith.addi %mul3A_171, %add3A_172 : i32
      %get3A_174 = arith.index_cast %add3A_173 : i32 to index
      %get3A_175 = tpu.vector_load %arg5[%get3A_174] {strides = array<i32>} : memref<20480xbf16, #tpu.memory_space<vmem>>, vector<32xbf16>,
      %mul3A_176 = arith.constant 256 : i32
      %mul3A_177 = arith.muli %add3A_129, %mul3A_176 : i32
      %add3A_178 = arith.constant 64 : i32
      %add3A_179 = arith.addi %mul3A_177, %add3A_178 : i32
      %get3A_180 = arith.index_cast %add3A_179 : i32 to index
      %get3A_181 = tpu.vector_load %arg5[%get3A_180] {strides = array<i32>} : memref<20480xbf16, #tpu.memory_space<vmem>>, vector<32xbf16>,
      %add3A_182 = arith.addf %get3A_156, %get3A_162 : vector<32xbf16>
      %mul3A_183 = arith.constant 256 : i32
      %mul3A_184 = arith.muli %add3A_131, %mul3A_183 : i32
      %add3A_185 = arith.constant 32 : i32
      %add3A_186 = arith.addi %mul3A_184, %add3A_185 : i32
      %swap3A_187 = arith.index_cast %add3A_186 : i32 to index
      %swap3A_188 = tpu.vector_load %arg6[%swap3A_187] {strides = array<i32>} : memref<102400xbf16, #tpu.memory_space<vmem>>, vector<32xbf16>,
      tpu.vector_store %arg6[%swap3A_187], %add3A_182 {strides = array<i32>} : memref<102400xbf16, #tpu.memory_space<vmem>>, vector<32xbf16>,
      %mul3A_189 = arith.constant 256 : i32
      %mul3A_190 = arith.muli %add3A_127, %mul3A_189 : i32
      %add3A_191 = arith.constant 96 : i32
      %add3A_192 = arith.addi %mul3A_190, %add3A_191 : i32
      %get3A_193 = arith.index_cast %add3A_192 : i32 to index
      %get3A_194 = tpu.vector_load %arg5[%get3A_193] {strides = array<i32>} : memref<20480xbf16, #tpu.memory_space<vmem>>, vector<32xbf16>,
      %mul3A_195 = arith.constant 256 : i32
      %mul3A_196 = arith.muli %add3A_129, %mul3A_195 : i32
      %add3A_197 = arith.constant 96 : i32
      %add3A_198 = arith.addi %mul3A_196, %add3A_197 : i32
      %get3A_199 = arith.index_cast %add3A_198 : i32 to index
      %get3A_200 = tpu.vector_load %arg5[%get3A_199] {strides = array<i32>} : memref<20480xbf16, #tpu.memory_space<vmem>>, vector<32xbf16>,
      %add3A_201 = arith.addf %get3A_175, %get3A_181 : vector<32xbf16>
      %mul3A_202 = arith.constant 256 : i32
      %mul3A_203 = arith.muli %add3A_131, %mul3A_202 : i32
      %add3A_204 = arith.constant 64 : i32
      %add3A_205 = arith.addi %mul3A_203, %add3A_204 : i32
      %swap3A_206 = arith.index_cast %add3A_205 : i32 to index
      %swap3A_207 = tpu.vector_load %arg6[%swap3A_206] {strides = array<i32>} : memref<102400xbf16, #tpu.memory_space<vmem>>, vector<32xbf16>,
      tpu.vector_store %arg6[%swap3A_206], %add3A_201 {strides = array<i32>} : memref<102400xbf16, #tpu.memory_space<vmem>>, vector<32xbf16>,
      %add3A_208 = arith.constant 40 : i32
      %add3A_209 = arith.addi %add3A_208, %rem3A_51 : i32
      %add3A_210 = arith.constant 50 : i32
      %add3A_211 = arith.addi %add3A_210, %div3A_52 : i32
      %add3A_212 = arith.constant 200 : i32
      %add3A_213 = arith.addi %add3A_212, %scan3A_50 : i32
      %mul3A_214 = arith.constant 256 : i32
      %mul3A_215 = arith.muli %add3A_209, %mul3A_214 : i32
      %add3A_216 = arith.constant 0 : i32
      %add3A_217 = arith.addi %mul3A_215, %add3A_216 : i32
      %get3A_218 = arith.index_cast %add3A_217 : i32 to index
      %get3A_219 = tpu.vector_load %arg5[%get3A_218] {strides = array<i32>} : memref<20480xbf16, #tpu.memory_space<vmem>>, vector<32xbf16>,
      %mul3A_220 = arith.constant 256 : i32
      %mul3A_221 = arith.muli %add3A_211, %mul3A_220 : i32
      %add3A_222 = arith.constant 0 : i32
      %add3A_223 = arith.addi %mul3A_221, %add3A_222 : i32
      %get3A_224 = arith.index_cast %add3A_223 : i32 to index
      %get3A_225 = tpu.vector_load %arg5[%get3A_224] {strides = array<i32>} : memref<20480xbf16, #tpu.memory_space<vmem>>, vector<32xbf16>,
      %add3A_226 = arith.addf %get3A_194, %get3A_200 : vector<32xbf16>
      %mul3A_227 = arith.constant 256 : i32
      %mul3A_228 = arith.muli %add3A_131, %mul3A_227 : i32
      %add3A_229 = arith.constant 96 : i32
      %add3A_230 = arith.addi %mul3A_228, %add3A_229 : i32
      %swap3A_231 = arith.index_cast %add3A_230 : i32 to index
      %swap3A_232 = tpu.vector_load %arg6[%swap3A_231] {strides = array<i32>} : memref<102400xbf16, #tpu.memory_space<vmem>>, vector<32xbf16>,
      tpu.vector_store %arg6[%swap3A_231], %add3A_226 {strides = array<i32>} : memref<102400xbf16, #tpu.memory_space<vmem>>, vector<32xbf16>,
      %mul3A_233 = arith.constant 256 : i32
      %mul3A_234 = arith.muli %add3A_209, %mul3A_233 : i32
      %add3A_235 = arith.constant 32 : i32
      %add3A_236 = arith.addi %mul3A_234, %add3A_235 : i32
      %get3A_237 = arith.index_cast %add3A_236 : i32 to index
      %get3A_238 = tpu.vector_load %arg5[%get3A_237] {strides = array<i32>} : memref<20480xbf16, #tpu.memory_space<vmem>>, vector<32xbf16>,
      %mul3A_239 = arith.constant 256 : i32
      %mul3A_240 = arith.muli %add3A_211, %mul3A_239 : i32
      %add3A_241 = arith.constant 32 : i32
      %add3A_242 = arith.addi %mul3A_240, %add3A_241 : i32
      %get3A_243 = arith.index_cast %add3A_242 : i32 to index
      %get3A_244 = tpu.vector_load %arg5[%get3A_243] {strides = array<i32>} : memref<20480xbf16, #tpu.memory_space<vmem>>, vector<32xbf16>,
      %add3A_245 = arith.addf %get3A_219, %get3A_225 : vector<32xbf16>
      %mul3A_246 = arith.constant 256 : i32
      %mul3A_247 = arith.muli %add3A_213, %mul3A_246 : i32
      %add3A_248 = arith.constant 0 : i32
      %add3A_249 = arith.addi %mul3A_247, %add3A_248 : i32
      %swap3A_250 = arith.index_cast %add3A_249 : i32 to index
      %swap3A_251 = tpu.vector_load %arg6[%swap3A_250] {strides = array<i32>} : memref<102400xbf16, #tpu.memory_space<vmem>>, vector<32xbf16>,
      tpu.vector_store %arg6[%swap3A_250], %add3A_245 {strides = array<i32>} : memref<102400xbf16, #tpu.memory_space<vmem>>, vector<32xbf16>,
      %mul3A_252 = arith.constant 256 : i32
      %mul3A_253 = arith.muli %add3A_209, %mul3A_252 : i32
      %add3A_254 = arith.constant 64 : i32
      %add3A_255 = arith.addi %mul3A_253, %add3A_254 : i32
      %get3A_256 = arith.index_cast %add3A_255 : i32 to index
      %get3A_257 = tpu.vector_load %arg5[%get3A_256] {strides = array<i32>} : memref<20480xbf16, #tpu.memory_space<vmem>>, vector<32xbf16>,
      %mul3A_258 = arith.constant 256 : i32
      %mul3A_259 = arith.muli %add3A_211, %mul3A_258 : i32
      %add3A_260 = arith.constant 64 : i32
      %add3A_261 = arith.addi %mul3A_259, %add3A_260 : i32
      %get3A_262 = arith.index_cast %add3A_261 : i32 to index
      %get3A_263 = tpu.vector_load %arg5[%get3A_262] {strides = array<i32>} : memref<20480xbf16, #tpu.memory_space<vmem>>, vector<32xbf16>,
      %add3A_264 = arith.addf %get3A_238, %get3A_244 : vector<32xbf16>
      %mul3A_265 = arith.constant 256 : i32
      %mul3A_266 = arith.muli %add3A_213, %mul3A_265 : i32
      %add3A_267 = arith.constant 32 : i32
      %add3A_268 = arith.addi %mul3A_266, %add3A_267 : i32
      %swap3A_269 = arith.index_cast %add3A_268 : i32 to index
      %swap3A_270 = tpu.vector_load %arg6[%swap3A_269] {strides = array<i32>} : memref<102400xbf16, #tpu.memory_space<vmem>>, vector<32xbf16>,
      tpu.vector_store %arg6[%swap3A_269], %add3A_264 {strides = array<i32>} : memref<102400xbf16, #tpu.memory_space<vmem>>, vector<32xbf16>,
      %mul3A_271 = arith.constant 256 : i32
      %mul3A_272 = arith.muli %add3A_209, %mul3A_271 : i32
      %add3A_273 = arith.constant 96 : i32
      %add3A_274 = arith.addi %mul3A_272, %add3A_273 : i32
      %get3A_275 = arith.index_cast %add3A_274 : i32 to index
      %get3A_276 = tpu.vector_load %arg5[%get3A_275] {strides = array<i32>} : memref<20480xbf16, #tpu.memory_space<vmem>>, vector<32xbf16>,
      %mul3A_277 = arith.constant 256 : i32
      %mul3A_278 = arith.muli %add3A_211, %mul3A_277 : i32
      %add3A_279 = arith.constant 96 : i32
      %add3A_280 = arith.addi %mul3A_278, %add3A_279 : i32
      %get3A_281 = arith.index_cast %add3A_280 : i32 to index
      %get3A_282 = tpu.vector_load %arg5[%get3A_281] {strides = array<i32>} : memref<20480xbf16, #tpu.memory_space<vmem>>, vector<32xbf16>,
      %add3A_283 = arith.addf %get3A_257, %get3A_263 : vector<32xbf16>
      %mul3A_284 = arith.constant 256 : i32
      %mul3A_285 = arith.muli %add3A_213, %mul3A_284 : i32
      %add3A_286 = arith.constant 64 : i32
      %add3A_287 = arith.addi %mul3A_285, %add3A_286 : i32
      %swap3A_288 = arith.index_cast %add3A_287 : i32 to index
      %swap3A_289 = tpu.vector_load %arg6[%swap3A_288] {strides = array<i32>} : memref<102400xbf16, #tpu.memory_space<vmem>>, vector<32xbf16>,
      tpu.vector_store %arg6[%swap3A_288], %add3A_283 {strides = array<i32>} : memref<102400xbf16, #tpu.memory_space<vmem>>, vector<32xbf16>,
      %add3A_290 = arith.constant 60 : i32
      %add3A_291 = arith.addi %add3A_290, %rem3A_51 : i32
      %add3A_292 = arith.constant 70 : i32
      %add3A_293 = arith.addi %add3A_292, %div3A_52 : i32
      %add3A_294 = arith.constant 300 : i32
      %add3A_295 = arith.addi %add3A_294, %scan3A_50 : i32
      %mul3A_296 = arith.constant 256 : i32
      %mul3A_297 = arith.muli %add3A_291, %mul3A_296 : i32
      %add3A_298 = arith.constant 0 : i32
      %add3A_299 = arith.addi %mul3A_297, %add3A_298 : i32
      %get3A_300 = arith.index_cast %add3A_299 : i32 to index
      %get3A_301 = tpu.vector_load %arg5[%get3A_300] {strides = array<i32>} : memref<20480xbf16, #tpu.memory_space<vmem>>, vector<32xbf16>,
      %mul3A_302 = arith.constant 256 : i32
      %mul3A_303 = arith.muli %add3A_293, %mul3A_302 : i32
      %add3A_304 = arith.constant 0 : i32
      %add3A_305 = arith.addi %mul3A_303, %add3A_304 : i32
      %get3A_306 = arith.index_cast %add3A_305 : i32 to index
      %get3A_307 = tpu.vector_load %arg5[%get3A_306] {strides = array<i32>} : memref<20480xbf16, #tpu.memory_space<vmem>>, vector<32xbf16>,
      %add3A_308 = arith.addf %get3A_276, %get3A_282 : vector<32xbf16>
      %mul3A_309 = arith.constant 256 : i32
      %mul3A_310 = arith.muli %add3A_213, %mul3A_309 : i32
      %add3A_311 = arith.constant 96 : i32
      %add3A_312 = arith.addi %mul3A_310, %add3A_311 : i32
      %swap3A_313 = arith.index_cast %add3A_312 : i32 to index
      %swap3A_314 = tpu.vector_load %arg6[%swap3A_313] {strides = array<i32>} : memref<102400xbf16, #tpu.memory_space<vmem>>, vector<32xbf16>,
      tpu.vector_store %arg6[%swap3A_313], %add3A_308 {strides = array<i32>} : memref<102400xbf16, #tpu.memory_space<vmem>>, vector<32xbf16>,
      %mul3A_315 = arith.constant 256 : i32
      %mul3A_316 = arith.muli %add3A_291, %mul3A_315 : i32
      %add3A_317 = arith.constant 32 : i32
      %add3A_318 = arith.addi %mul3A_316, %add3A_317 : i32
      %get3A_319 = arith.index_cast %add3A_318 : i32 to index
      %get3A_320 = tpu.vector_load %arg5[%get3A_319] {strides = array<i32>} : memref<20480xbf16, #tpu.memory_space<vmem>>, vector<32xbf16>,
      %mul3A_321 = arith.constant 256 : i32
      %mul3A_322 = arith.muli %add3A_293, %mul3A_321 : i32
      %add3A_323 = arith.constant 32 : i32
      %add3A_324 = arith.addi %mul3A_322, %add3A_323 : i32
      %get3A_325 = arith.index_cast %add3A_324 : i32 to index
      %get3A_326 = tpu.vector_load %arg5[%get3A_325] {strides = array<i32>} : memref<20480xbf16, #tpu.memory_space<vmem>>, vector<32xbf16>,
      %add3A_327 = arith.addf %get3A_301, %get3A_307 : vector<32xbf16>
      %mul3A_328 = arith.constant 256 : i32
      %mul3A_329 = arith.muli %add3A_295, %mul3A_328 : i32
      %add3A_330 = arith.constant 0 : i32
      %add3A_331 = arith.addi %mul3A_329, %add3A_330 : i32
      %swap3A_332 = arith.index_cast %add3A_331 : i32 to index
      %swap3A_333 = tpu.vector_load %arg6[%swap3A_332] {strides = array<i32>} : memref<102400xbf16, #tpu.memory_space<vmem>>, vector<32xbf16>,
      tpu.vector_store %arg6[%swap3A_332], %add3A_327 {strides = array<i32>} : memref<102400xbf16, #tpu.memory_space<vmem>>, vector<32xbf16>,
      %mul3A_334 = arith.constant 256 : i32
      %mul3A_335 = arith.muli %add3A_291, %mul3A_334 : i32
      %add3A_336 = arith.constant 64 : i32
      %add3A_337 = arith.addi %mul3A_335, %add3A_336 : i32
      %get3A_338 = arith.index_cast %add3A_337 : i32 to index
      %get3A_339 = tpu.vector_load %arg5[%get3A_338] {strides = array<i32>} : memref<20480xbf16, #tpu.memory_space<vmem>>, vector<32xbf16>,
      %mul3A_340 = arith.constant 256 : i32
      %mul3A_341 = arith.muli %add3A_293, %mul3A_340 : i32
      %add3A_342 = arith.constant 64 : i32
      %add3A_343 = arith.addi %mul3A_341, %add3A_342 : i32
      %get3A_344 = arith.index_cast %add3A_343 : i32 to index
      %get3A_345 = tpu.vector_load %arg5[%get3A_344] {strides = array<i32>} : memref<20480xbf16, #tpu.memory_space<vmem>>, vector<32xbf16>,
      %add3A_346 = arith.addf %get3A_320, %get3A_326 : vector<32xbf16>
      %mul3A_347 = arith.constant 256 : i32
      %mul3A_348 = arith.muli %add3A_295, %mul3A_347 : i32
      %add3A_349 = arith.constant 32 : i32
      %add3A_350 = arith.addi %mul3A_348, %add3A_349 : i32
      %swap3A_351 = arith.index_cast %add3A_350 : i32 to index
      %swap3A_352 = tpu.vector_load %arg6[%swap3A_351] {strides = array<i32>} : memref<102400xbf16, #tpu.memory_space<vmem>>, vector<32xbf16>,
      tpu.vector_store %arg6[%swap3A_351], %add3A_346 {strides = array<i32>} : memref<102400xbf16, #tpu.memory_space<vmem>>, vector<32xbf16>,
      %mul3A_353 = arith.constant 256 : i32
      %mul3A_354 = arith.muli %add3A_291, %mul3A_353 : i32
      %add3A_355 = arith.constant 96 : i32
      %add3A_356 = arith.addi %mul3A_354, %add3A_355 : i32
      %get3A_357 = arith.index_cast %add3A_356 : i32 to index
      %get3A_358 = tpu.vector_load %arg5[%get3A_357] {strides = array<i32>} : memref<20480xbf16, #tpu.memory_space<vmem>>, vector<32xbf16>,
      %mul3A_359 = arith.constant 256 : i32
      %mul3A_360 = arith.muli %add3A_293, %mul3A_359 : i32
      %add3A_361 = arith.constant 96 : i32
      %add3A_362 = arith.addi %mul3A_360, %add3A_361 : i32
      %get3A_363 = arith.index_cast %add3A_362 : i32 to index
      %get3A_364 = tpu.vector_load %arg5[%get3A_363] {strides = array<i32>} : memref<20480xbf16, #tpu.memory_space<vmem>>, vector<32xbf16>,
      %add3A_365 = arith.addf %get3A_339, %get3A_345 : vector<32xbf16>
      %mul3A_366 = arith.constant 256 : i32
      %mul3A_367 = arith.muli %add3A_295, %mul3A_366 : i32
      %add3A_368 = arith.constant 64 : i32
      %add3A_369 = arith.addi %mul3A_367, %add3A_368 : i32
      %swap3A_370 = arith.index_cast %add3A_369 : i32 to index
      %swap3A_371 = tpu.vector_load %arg6[%swap3A_370] {strides = array<i32>} : memref<102400xbf16, #tpu.memory_space<vmem>>, vector<32xbf16>,
      tpu.vector_store %arg6[%swap3A_370], %add3A_365 {strides = array<i32>} : memref<102400xbf16, #tpu.memory_space<vmem>>, vector<32xbf16>,
      %add3A_372 = arith.addf %get3A_358, %get3A_364 : vector<32xbf16>
      %mul3A_373 = arith.constant 256 : i32
      %mul3A_374 = arith.muli %add3A_295, %mul3A_373 : i32
      %add3A_375 = arith.constant 96 : i32
      %add3A_376 = arith.addi %mul3A_374, %add3A_375 : i32
      %swap3A_377 = arith.index_cast %add3A_376 : i32 to index
      %swap3A_378 = tpu.vector_load %arg6[%swap3A_377] {strides = array<i32>} : memref<102400xbf16, #tpu.memory_space<vmem>>, vector<32xbf16>,
      tpu.vector_store %arg6[%swap3A_377], %add3A_372 {strides = array<i32>} : memref<102400xbf16, #tpu.memory_space<vmem>>, vector<32xbf16>,
    }
    %scan3A_13 = arith.constant 100 : i32
    %scan3A_14 = arith.constant 0 : i32
    %scan3A_15 = arith.constant 0 : i32
    %scan3A_16 = arith.constant 32 : i32
    %scan3A_17 = arith.addi %scan3A_15, %scan3A_16 : i32
    %scan3A_18 = arith.constant 1 : i32
    scf.for %scan3A_50 = %scan3A_15 to %scan3A_17 step %scan3A_18  : i32 {
      %mul3A_51 = arith.constant 16 : i32
      %mul3A_52 = arith.muli %scan3A_50, %mul3A_51 : i32
      %get3A = arith.index_cast %mul3A_52 : i32 to index
      %get3A_53 = tpu.vector_load %arg7[%get3A] {strides = array<i32>} : memref<512xi32, #tpu.memory_space<vmem>>, vector<16xi32>,
      %slice3A = vector.extract_strided_slice %get3A_53 {offsets = [0], sizes = [1], strides = [1]} : vector<16xi32> to vector<1xi32>
      %squeeze3A = vector.extract %slice3A[0] : i32 from vector<1xi32>
      %div3A = arith.constant 100 : i32
      %div3A_54 = arith.divsi %squeeze3A, %div3A : i32
      %div3A_55 = arith.constant 100 : i32
      %div3A_56 = arith.divsi %div3A_54, %div3A_55 : i32
      %div3A_57 = arith.constant 100 : i32
      %div3A_58 = arith.divsi %div3A_56, %div3A_57 : i32
      %mul3A_59 = arith.constant 100 : i32
      %mul3A_60 = arith.muli %div3A_54, %mul3A_59 : i32
      %sub3A = arith.subi %squeeze3A, %mul3A_60 : i32
      %mul3A_61 = arith.constant 100 : i32
      %mul3A_62 = arith.muli %div3A_56, %mul3A_61 : i32
      %sub3A_63 = arith.subi %div3A_54, %mul3A_62 : i32
      %add3A_64 = arith.constant 100 : i32
      %add3A_65 = arith.addi %sub3A_63, %add3A_64 : i32
      %mul3A_66 = arith.constant 100 : i32
      %mul3A_67 = arith.muli %div3A_58, %mul3A_66 : i32
      %sub3A_68 = arith.subi %div3A_56, %mul3A_67 : i32
      %add3A_69 = arith.constant 200 : i32
      %add3A_70 = arith.addi %sub3A_68, %add3A_69 : i32
      %add3A_71 = arith.constant 300 : i32
      %add3A_72 = arith.addi %div3A_58, %add3A_71 : i32
      %mul3A_73 = arith.constant 256 : i32
      %mul3A_74 = arith.muli %sub3A, %mul3A_73 : i32
      %add3A_75 = arith.constant 0 : i32
      %add3A_76 = arith.addi %mul3A_74, %add3A_75 : i32
      %get3A_77 = arith.index_cast %add3A_76 : i32 to index
      %get3A_78 = tpu.vector_load %arg6[%get3A_77] {strides = array<i32>} : memref<102400xbf16, #tpu.memory_space<vmem>>, vector<32xbf16>,
      %mul3A_79 = arith.constant 256 : i32
      %mul3A_80 = arith.muli %add3A_65, %mul3A_79 : i32
      %add3A_81 = arith.constant 0 : i32
      %add3A_82 = arith.addi %mul3A_80, %add3A_81 : i32
      %get3A_83 = arith.index_cast %add3A_82 : i32 to index
      %get3A_84 = tpu.vector_load %arg6[%get3A_83] {strides = array<i32>} : memref<102400xbf16, #tpu.memory_space<vmem>>, vector<32xbf16>,
      %mul3A_85 = arith.constant 256 : i32
      %mul3A_86 = arith.muli %add3A_70, %mul3A_85 : i32
      %add3A_87 = arith.constant 0 : i32
      %add3A_88 = arith.addi %mul3A_86, %add3A_87 : i32
      %get3A_89 = arith.index_cast %add3A_88 : i32 to index
      %get3A_90 = tpu.vector_load %arg6[%get3A_89] {strides = array<i32>} : memref<102400xbf16, #tpu.memory_space<vmem>>, vector<32xbf16>,
      %mul3A_91 = arith.constant 256 : i32
      %mul3A_92 = arith.muli %add3A_72, %mul3A_91 : i32
      %add3A_93 = arith.constant 0 : i32
      %add3A_94 = arith.addi %mul3A_92, %add3A_93 : i32
      %get3A_95 = arith.index_cast %add3A_94 : i32 to index
      %get3A_96 = tpu.vector_load %arg6[%get3A_95] {strides = array<i32>} : memref<102400xbf16, #tpu.memory_space<vmem>>, vector<32xbf16>,
      %slice3A_97 = vector.extract_strided_slice %get3A_53 {offsets = [1], sizes = [1], strides = [1]} : vector<16xi32> to vector<1xi32>
      %squeeze3A_98 = vector.extract %slice3A_97[0] : i32 from vector<1xi32>
      %div3A_99 = arith.constant 100 : i32
      %div3A_100 = arith.divsi %squeeze3A_98, %div3A_99 : i32
      %div3A_101 = arith.constant 100 : i32
      %div3A_102 = arith.divsi %div3A_100, %div3A_101 : i32
      %div3A_103 = arith.constant 100 : i32
      %div3A_104 = arith.divsi %div3A_102, %div3A_103 : i32
      %mul3A_105 = arith.constant 100 : i32
      %mul3A_106 = arith.muli %div3A_100, %mul3A_105 : i32
      %sub3A_107 = arith.subi %squeeze3A_98, %mul3A_106 : i32
      %mul3A_108 = arith.constant 100 : i32
      %mul3A_109 = arith.muli %div3A_102, %mul3A_108 : i32
      %sub3A_110 = arith.subi %div3A_100, %mul3A_109 : i32
      %add3A_111 = arith.constant 100 : i32
      %add3A_112 = arith.addi %sub3A_110, %add3A_111 : i32
      %mul3A_113 = arith.constant 100 : i32
      %mul3A_114 = arith.muli %div3A_104, %mul3A_113 : i32
      %sub3A_115 = arith.subi %div3A_102, %mul3A_114 : i32
      %add3A_116 = arith.constant 200 : i32
      %add3A_117 = arith.addi %sub3A_115, %add3A_116 : i32
      %add3A_118 = arith.constant 300 : i32
      %add3A_119 = arith.addi %div3A_104, %add3A_118 : i32
      %mul3A_120 = arith.constant 256 : i32
      %mul3A_121 = arith.muli %sub3A, %mul3A_120 : i32
      %add3A_122 = arith.constant 32 : i32
      %add3A_123 = arith.addi %mul3A_121, %add3A_122 : i32
      %get3A_124 = arith.index_cast %add3A_123 : i32 to index
      %get3A_125 = tpu.vector_load %arg6[%get3A_124] {strides = array<i32>} : memref<102400xbf16, #tpu.memory_space<vmem>>, vector<32xbf16>,
      %mul3A_126 = arith.constant 256 : i32
      %mul3A_127 = arith.muli %add3A_65, %mul3A_126 : i32
      %add3A_128 = arith.constant 32 : i32
      %add3A_129 = arith.addi %mul3A_127, %add3A_128 : i32
      %get3A_130 = arith.index_cast %add3A_129 : i32 to index
      %get3A_131 = tpu.vector_load %arg6[%get3A_130] {strides = array<i32>} : memref<102400xbf16, #tpu.memory_space<vmem>>, vector<32xbf16>,
      %mul3A_132 = arith.constant 256 : i32
      %mul3A_133 = arith.muli %add3A_70, %mul3A_132 : i32
      %add3A_134 = arith.constant 32 : i32
      %add3A_135 = arith.addi %mul3A_133, %add3A_134 : i32
      %get3A_136 = arith.index_cast %add3A_135 : i32 to index
      %get3A_137 = tpu.vector_load %arg6[%get3A_136] {strides = array<i32>} : memref<102400xbf16, #tpu.memory_space<vmem>>, vector<32xbf16>,
      %mul3A_138 = arith.constant 256 : i32
      %mul3A_139 = arith.muli %add3A_72, %mul3A_138 : i32
      %add3A_140 = arith.constant 32 : i32
      %add3A_141 = arith.addi %mul3A_139, %add3A_140 : i32
      %get3A_142 = arith.index_cast %add3A_141 : i32 to index
      %get3A_143 = tpu.vector_load %arg6[%get3A_142] {strides = array<i32>} : memref<102400xbf16, #tpu.memory_space<vmem>>, vector<32xbf16>,
      %mul3A_144 = arith.constant 256 : i32
      %mul3A_145 = arith.muli %sub3A, %mul3A_144 : i32
      %add3A_146 = arith.constant 64 : i32
      %add3A_147 = arith.addi %mul3A_145, %add3A_146 : i32
      %get3A_148 = arith.index_cast %add3A_147 : i32 to index
      %get3A_149 = tpu.vector_load %arg6[%get3A_148] {strides = array<i32>} : memref<102400xbf16, #tpu.memory_space<vmem>>, vector<32xbf16>,
      %mul3A_150 = arith.constant 256 : i32
      %mul3A_151 = arith.muli %add3A_65, %mul3A_150 : i32
      %add3A_152 = arith.constant 64 : i32
      %add3A_153 = arith.addi %mul3A_151, %add3A_152 : i32
      %get3A_154 = arith.index_cast %add3A_153 : i32 to index
      %get3A_155 = tpu.vector_load %arg6[%get3A_154] {strides = array<i32>} : memref<102400xbf16, #tpu.memory_space<vmem>>, vector<32xbf16>,
      %mul3A_156 = arith.constant 256 : i32
      %mul3A_157 = arith.muli %add3A_70, %mul3A_156 : i32
      %add3A_158 = arith.constant 64 : i32
      %add3A_159 = arith.addi %mul3A_157, %add3A_158 : i32
      %get3A_160 = arith.index_cast %add3A_159 : i32 to index
      %get3A_161 = tpu.vector_load %arg6[%get3A_160] {strides = array<i32>} : memref<102400xbf16, #tpu.memory_space<vmem>>, vector<32xbf16>,
      %mul3A_162 = arith.constant 256 : i32
      %mul3A_163 = arith.muli %add3A_72, %mul3A_162 : i32
      %add3A_164 = arith.constant 64 : i32
      %add3A_165 = arith.addi %mul3A_163, %add3A_164 : i32
      %get3A_166 = arith.index_cast %add3A_165 : i32 to index
      %get3A_167 = tpu.vector_load %arg6[%get3A_166] {strides = array<i32>} : memref<102400xbf16, #tpu.memory_space<vmem>>, vector<32xbf16>,
      %mul3A_168 = arith.constant 256 : i32
      %mul3A_169 = arith.muli %sub3A, %mul3A_168 : i32
      %add3A_170 = arith.constant 96 : i32
      %add3A_171 = arith.addi %mul3A_169, %add3A_170 : i32
      %get3A_172 = arith.index_cast %add3A_171 : i32 to index
      %get3A_173 = tpu.vector_load %arg6[%get3A_172] {strides = array<i32>} : memref<102400xbf16, #tpu.memory_space<vmem>>, vector<32xbf16>,
      %mul3A_174 = arith.constant 256 : i32
      %mul3A_175 = arith.muli %add3A_65, %mul3A_174 : i32
      %add3A_176 = arith.constant 96 : i32
      %add3A_177 = arith.addi %mul3A_175, %add3A_176 : i32
      %get3A_178 = arith.index_cast %add3A_177 : i32 to index
      %get3A_179 = tpu.vector_load %arg6[%get3A_178] {strides = array<i32>} : memref<102400xbf16, #tpu.memory_space<vmem>>, vector<32xbf16>,
      %mul3A_180 = arith.constant 256 : i32
      %mul3A_181 = arith.muli %add3A_70, %mul3A_180 : i32
      %add3A_182 = arith.constant 96 : i32
      %add3A_183 = arith.addi %mul3A_181, %add3A_182 : i32
      %get3A_184 = arith.index_cast %add3A_183 : i32 to index
      %get3A_185 = tpu.vector_load %arg6[%get3A_184] {strides = array<i32>} : memref<102400xbf16, #tpu.memory_space<vmem>>, vector<32xbf16>,
      %mul3A_186 = arith.constant 256 : i32
      %mul3A_187 = arith.muli %add3A_72, %mul3A_186 : i32
      %add3A_188 = arith.constant 96 : i32
      %add3A_189 = arith.addi %mul3A_187, %add3A_188 : i32
      %get3A_190 = arith.index_cast %add3A_189 : i32 to index
      %get3A_191 = tpu.vector_load %arg6[%get3A_190] {strides = array<i32>} : memref<102400xbf16, #tpu.memory_space<vmem>>, vector<32xbf16>,
      %mul3A_192 = arith.constant 16 : i32
      %mul3A_193 = arith.muli %scan3A_50, %mul3A_192 : i32
      %add3A_194 = arith.constant 0 : i32
      %add3A_195 = arith.addi %mul3A_193, %add3A_194 : i32
      %mul3A_196 = arith.constant 256 : i32
      %mul3A_197 = arith.muli %sub3A_107, %mul3A_196 : i32
      %add3A_198 = arith.constant 0 : i32
      %add3A_199 = arith.addi %mul3A_197, %add3A_198 : i32
      %get3A_200 = arith.index_cast %add3A_199 : i32 to index
      %get3A_201 = tpu.vector_load %arg6[%get3A_200] {strides = array<i32>} : memref<102400xbf16, #tpu.memory_space<vmem>>, vector<32xbf16>,
      %mul3A_202 = arith.constant 256 : i32
      %mul3A_203 = arith.muli %add3A_112, %mul3A_202 : i32
      %add3A_204 = arith.constant 0 : i32
      %add3A_205 = arith.addi %mul3A_203, %add3A_204 : i32
      %get3A_206 = arith.index_cast %add3A_205 : i32 to index
      %get3A_207 = tpu.vector_load %arg6[%get3A_206] {strides = array<i32>} : memref<102400xbf16, #tpu.memory_space<vmem>>, vector<32xbf16>,
      %mul3A_208 = arith.constant 256 : i32
      %mul3A_209 = arith.muli %add3A_117, %mul3A_208 : i32
      %add3A_210 = arith.constant 0 : i32
      %add3A_211 = arith.addi %mul3A_209, %add3A_210 : i32
      %get3A_212 = arith.index_cast %add3A_211 : i32 to index
      %get3A_213 = tpu.vector_load %arg6[%get3A_212] {strides = array<i32>} : memref<102400xbf16, #tpu.memory_space<vmem>>, vector<32xbf16>,
      %mul3A_214 = arith.constant 256 : i32
      %mul3A_215 = arith.muli %add3A_119, %mul3A_214 : i32
      %add3A_216 = arith.constant 0 : i32
      %add3A_217 = arith.addi %mul3A_215, %add3A_216 : i32
      %get3A_218 = arith.index_cast %add3A_217 : i32 to index
      %get3A_219 = tpu.vector_load %arg6[%get3A_218] {strides = array<i32>} : memref<102400xbf16, #tpu.memory_space<vmem>>, vector<32xbf16>,
      %slice3A_220 = vector.extract_strided_slice %get3A_53 {offsets = [2], sizes = [1], strides = [1]} : vector<16xi32> to vector<1xi32>
      %squeeze3A_221 = vector.extract %slice3A_220[0] : i32 from vector<1xi32>
      %div3A_222 = arith.constant 100 : i32
      %div3A_223 = arith.divsi %squeeze3A_221, %div3A_222 : i32
      %div3A_224 = arith.constant 100 : i32
      %div3A_225 = arith.divsi %div3A_223, %div3A_224 : i32
      %div3A_226 = arith.constant 100 : i32
      %div3A_227 = arith.divsi %div3A_225, %div3A_226 : i32
      %mul3A_228 = arith.constant 100 : i32
      %mul3A_229 = arith.muli %div3A_223, %mul3A_228 : i32
      %sub3A_230 = arith.subi %squeeze3A_221, %mul3A_229 : i32
      %mul3A_231 = arith.constant 100 : i32
      %mul3A_232 = arith.muli %div3A_225, %mul3A_231 : i32
      %sub3A_233 = arith.subi %div3A_223, %mul3A_232 : i32
      %add3A_234 = arith.constant 100 : i32
      %add3A_235 = arith.addi %sub3A_233, %add3A_234 : i32
      %mul3A_236 = arith.constant 100 : i32
      %mul3A_237 = arith.muli %div3A_227, %mul3A_236 : i32
      %sub3A_238 = arith.subi %div3A_225, %mul3A_237 : i32
      %add3A_239 = arith.constant 200 : i32
      %add3A_240 = arith.addi %sub3A_238, %add3A_239 : i32
      %add3A_241 = arith.constant 300 : i32
      %add3A_242 = arith.addi %div3A_227, %add3A_241 : i32
      %add3A_243 = arith.addf %get3A_78, %get3A_84 : vector<32xbf16>
      %add3A_244 = arith.addf %get3A_90, %get3A_96 : vector<32xbf16>
      %add3A_245 = arith.addf %add3A_243, %add3A_244 : vector<32xbf16>
      %unpack3A = tpu.unpack_subelements %add3A_245, 0 {pack_format = #tpu.pack_format<interleaved>} : vector<32xbf16> -> vector<16xf32>
      %unpack3A_246 = tpu.unpack_subelements %add3A_245, 1 {pack_format = #tpu.pack_format<interleaved>} : vector<32xbf16> -> vector<16xf32>
      %swap3A = arith.index_cast %add3A_195 : i32 to index
      %swap3A_247 = arith.constant 0 : index
      %swap3A_248 = tpu.vector_load %arg8[%swap3A, %swap3A_247] {strides = array<i32>} : memref<512x128xf32, #tpu.memory_space<vmem>>, vector<16xf32>,
      tpu.vector_store %arg8[%swap3A, %swap3A_247], %unpack3A {strides = array<i32>} : memref<512x128xf32, #tpu.memory_space<vmem>>, vector<16xf32>,
      %swap3A_249 = arith.index_cast %add3A_195 : i32 to index
      %swap3A_250 = arith.constant 16 : index
      %swap3A_251 = tpu.vector_load %arg8[%swap3A_249, %swap3A_250] {strides = array<i32>} : memref<512x128xf32, #tpu.memory_space<vmem>>, vector<16xf32>,
      tpu.vector_store %arg8[%swap3A_249, %swap3A_250], %unpack3A_246 {strides = array<i32>} : memref<512x128xf32, #tpu.memory_space<vmem>>, vector<16xf32>,
      %mul3A_252 = arith.constant 256 : i32
      %mul3A_253 = arith.muli %sub3A_107, %mul3A_252 : i32
      %add3A_254 = arith.constant 32 : i32
      %add3A_255 = arith.addi %mul3A_253, %add3A_254 : i32
      %get3A_256 = arith.index_cast %add3A_255 : i32 to index
      %get3A_257 = tpu.vector_load %arg6[%get3A_256] {strides = array<i32>} : memref<102400xbf16, #tpu.memory_space<vmem>>, vector<32xbf16>,
      %mul3A_258 = arith.constant 256 : i32
      %mul3A_259 = arith.muli %add3A_112, %mul3A_258 : i32
      %add3A_260 = arith.constant 32 : i32
      %add3A_261 = arith.addi %mul3A_259, %add3A_260 : i32
      %get3A_262 = arith.index_cast %add3A_261 : i32 to index
      %get3A_263 = tpu.vector_load %arg6[%get3A_262] {strides = array<i32>} : memref<102400xbf16, #tpu.memory_space<vmem>>, vector<32xbf16>,
      %mul3A_264 = arith.constant 256 : i32
      %mul3A_265 = arith.muli %add3A_117, %mul3A_264 : i32
      %add3A_266 = arith.constant 32 : i32
      %add3A_267 = arith.addi %mul3A_265, %add3A_266 : i32
      %get3A_268 = arith.index_cast %add3A_267 : i32 to index
      %get3A_269 = tpu.vector_load %arg6[%get3A_268] {strides = array<i32>} : memref<102400xbf16, #tpu.memory_space<vmem>>, vector<32xbf16>,
      %mul3A_270 = arith.constant 256 : i32
      %mul3A_271 = arith.muli %add3A_119, %mul3A_270 : i32
      %add3A_272 = arith.constant 32 : i32
      %add3A_273 = arith.addi %mul3A_271, %add3A_272 : i32
      %get3A_274 = arith.index_cast %add3A_273 : i32 to index
      %get3A_275 = tpu.vector_load %arg6[%get3A_274] {strides = array<i32>} : memref<102400xbf16, #tpu.memory_space<vmem>>, vector<32xbf16>,
      %add3A_276 = arith.addf %get3A_125, %get3A_131 : vector<32xbf16>
      %add3A_277 = arith.addf %get3A_137, %get3A_143 : vector<32xbf16>
      %add3A_278 = arith.addf %add3A_276, %add3A_277 : vector<32xbf16>
      %unpack3A_279 = tpu.unpack_subelements %add3A_278, 0 {pack_format = #tpu.pack_format<interleaved>} : vector<32xbf16> -> vector<16xf32>
      %unpack3A_280 = tpu.unpack_subelements %add3A_278, 1 {pack_format = #tpu.pack_format<interleaved>} : vector<32xbf16> -> vector<16xf32>
      %swap3A_281 = arith.index_cast %add3A_195 : i32 to index
      %swap3A_282 = arith.constant 32 : index
      %swap3A_283 = tpu.vector_load %arg8[%swap3A_281, %swap3A_282] {strides = array<i32>} : memref<512x128xf32, #tpu.memory_space<vmem>>, vector<16xf32>,
      tpu.vector_store %arg8[%swap3A_281, %swap3A_282], %unpack3A_279 {strides = array<i32>} : memref<512x128xf32, #tpu.memory_space<vmem>>, vector<16xf32>,
      %swap3A_284 = arith.index_cast %add3A_195 : i32 to index
      %swap3A_285 = arith.constant 48 : index
      %swap3A_286 = tpu.vector_load %arg8[%swap3A_284, %swap3A_285] {strides = array<i32>} : memref<512x128xf32, #tpu.memory_space<vmem>>, vector<16xf32>,
      tpu.vector_store %arg8[%swap3A_284, %swap3A_285], %unpack3A_280 {strides = array<i32>} : memref<512x128xf32, #tpu.memory_space<vmem>>, vector<16xf32>,
      %mul3A_287 = arith.constant 256 : i32
      %mul3A_288 = arith.muli %sub3A_107, %mul3A_287 : i32
      %add3A_289 = arith.constant 64 : i32
      %add3A_290 = arith.addi %mul3A_288, %add3A_289 : i32
      %get3A_291 = arith.index_cast %add3A_290 : i32 to index
      %get3A_292 = tpu.vector_load %arg6[%get3A_291] {strides = array<i32>} : memref<102400xbf16, #tpu.memory_space<vmem>>, vector<32xbf16>,
      %mul3A_293 = arith.constant 256 : i32
      %mul3A_294 = arith.muli %add3A_112, %mul3A_293 : i32
      %add3A_295 = arith.constant 64 : i32
      %add3A_296 = arith.addi %mul3A_294, %add3A_295 : i32
      %get3A_297 = arith.index_cast %add3A_296 : i32 to index
      %get3A_298 = tpu.vector_load %arg6[%get3A_297] {strides = array<i32>} : memref<102400xbf16, #tpu.memory_space<vmem>>, vector<32xbf16>,
      %mul3A_299 = arith.constant 256 : i32
      %mul3A_300 = arith.muli %add3A_117, %mul3A_299 : i32
      %add3A_301 = arith.constant 64 : i32
      %add3A_302 = arith.addi %mul3A_300, %add3A_301 : i32
      %get3A_303 = arith.index_cast %add3A_302 : i32 to index
      %get3A_304 = tpu.vector_load %arg6[%get3A_303] {strides = array<i32>} : memref<102400xbf16, #tpu.memory_space<vmem>>, vector<32xbf16>,
      %mul3A_305 = arith.constant 256 : i32
      %mul3A_306 = arith.muli %add3A_119, %mul3A_305 : i32
      %add3A_307 = arith.constant 64 : i32
      %add3A_308 = arith.addi %mul3A_306, %add3A_307 : i32
      %get3A_309 = arith.index_cast %add3A_308 : i32 to index
      %get3A_310 = tpu.vector_load %arg6[%get3A_309] {strides = array<i32>} : memref<102400xbf16, #tpu.memory_space<vmem>>, vector<32xbf16>,
      %add3A_311 = arith.addf %get3A_149, %get3A_155 : vector<32xbf16>
      %add3A_312 = arith.addf %get3A_161, %get3A_167 : vector<32xbf16>
      %add3A_313 = arith.addf %add3A_311, %add3A_312 : vector<32xbf16>
      %unpack3A_314 = tpu.unpack_subelements %add3A_313, 0 {pack_format = #tpu.pack_format<interleaved>} : vector<32xbf16> -> vector<16xf32>
      %unpack3A_315 = tpu.unpack_subelements %add3A_313, 1 {pack_format = #tpu.pack_format<interleaved>} : vector<32xbf16> -> vector<16xf32>
      %swap3A_316 = arith.index_cast %add3A_195 : i32 to index
      %swap3A_317 = arith.constant 64 : index
      %swap3A_318 = tpu.vector_load %arg8[%swap3A_316, %swap3A_317] {strides = array<i32>} : memref<512x128xf32, #tpu.memory_space<vmem>>, vector<16xf32>,
      tpu.vector_store %arg8[%swap3A_316, %swap3A_317], %unpack3A_314 {strides = array<i32>} : memref<512x128xf32, #tpu.memory_space<vmem>>, vector<16xf32>,
      %swap3A_319 = arith.index_cast %add3A_195 : i32 to index
      %swap3A_320 = arith.constant 80 : index
      %swap3A_321 = tpu.vector_load %arg8[%swap3A_319, %swap3A_320] {strides = array<i32>} : memref<512x128xf32, #tpu.memory_space<vmem>>, vector<16xf32>,
      tpu.vector_store %arg8[%swap3A_319, %swap3A_320], %unpack3A_315 {strides = array<i32>} : memref<512x128xf32, #tpu.memory_space<vmem>>, vector<16xf32>,
      %mul3A_322 = arith.constant 256 : i32
      %mul3A_323 = arith.muli %sub3A_107, %mul3A_322 : i32
      %add3A_324 = arith.constant 96 : i32
      %add3A_325 = arith.addi %mul3A_323, %add3A_324 : i32
      %get3A_326 = arith.index_cast %add3A_325 : i32 to index
      %get3A_327 = tpu.vector_load %arg6[%get3A_326] {strides = array<i32>} : memref<102400xbf16, #tpu.memory_space<vmem>>, vector<32xbf16>,
      %mul3A_328 = arith.constant 256 : i32
      %mul3A_329 = arith.muli %add3A_112, %mul3A_328 : i32
      %add3A_330 = arith.constant 96 : i32
      %add3A_331 = arith.addi %mul3A_329, %add3A_330 : i32
      %get3A_332 = arith.index_cast %add3A_331 : i32 to index
      %get3A_333 = tpu.vector_load %arg6[%get3A_332] {strides = array<i32>} : memref<102400xbf16, #tpu.memory_space<vmem>>, vector<32xbf16>,
      %mul3A_334 = arith.constant 256 : i32
      %mul3A_335 = arith.muli %add3A_117, %mul3A_334 : i32
      %add3A_336 = arith.constant 96 : i32
      %add3A_337 = arith.addi %mul3A_335, %add3A_336 : i32
      %get3A_338 = arith.index_cast %add3A_337 : i32 to index
      %get3A_339 = tpu.vector_load %arg6[%get3A_338] {strides = array<i32>} : memref<102400xbf16, #tpu.memory_space<vmem>>, vector<32xbf16>,
      %mul3A_340 = arith.constant 256 : i32
      %mul3A_341 = arith.muli %add3A_119, %mul3A_340 : i32
      %add3A_342 = arith.constant 96 : i32
      %add3A_343 = arith.addi %mul3A_341, %add3A_342 : i32
      %get3A_344 = arith.index_cast %add3A_343 : i32 to index
      %get3A_345 = tpu.vector_load %arg6[%get3A_344] {strides = array<i32>} : memref<102400xbf16, #tpu.memory_space<vmem>>, vector<32xbf16>,
      %add3A_346 = arith.addf %get3A_173, %get3A_179 : vector<32xbf16>
      %add3A_347 = arith.addf %get3A_185, %get3A_191 : vector<32xbf16>
      %add3A_348 = arith.addf %add3A_346, %add3A_347 : vector<32xbf16>
      %unpack3A_349 = tpu.unpack_subelements %add3A_348, 0 {pack_format = #tpu.pack_format<interleaved>} : vector<32xbf16> -> vector<16xf32>
      %unpack3A_350 = tpu.unpack_subelements %add3A_348, 1 {pack_format = #tpu.pack_format<interleaved>} : vector<32xbf16> -> vector<16xf32>
      %swap3A_351 = arith.index_cast %add3A_195 : i32 to index
      %swap3A_352 = arith.constant 96 : index
      %swap3A_353 = tpu.vector_load %arg8[%swap3A_351, %swap3A_352] {strides = array<i32>} : memref<512x128xf32, #tpu.memory_space<vmem>>, vector<16xf32>,
      tpu.vector_store %arg8[%swap3A_351, %swap3A_352], %unpack3A_349 {strides = array<i32>} : memref<512x128xf32, #tpu.memory_space<vmem>>, vector<16xf32>,
      %swap3A_354 = arith.index_cast %add3A_195 : i32 to index
      %swap3A_355 = arith.constant 112 : index
      %swap3A_356 = tpu.vector_load %arg8[%swap3A_354, %swap3A_355] {strides = array<i32>} : memref<512x128xf32, #tpu.memory_space<vmem>>, vector<16xf32>,
      tpu.vector_store %arg8[%swap3A_354, %swap3A_355], %unpack3A_350 {strides = array<i32>} : memref<512x128xf32, #tpu.memory_space<vmem>>, vector<16xf32>,
      %mul3A_357 = arith.constant 16 : i32
      %mul3A_358 = arith.muli %scan3A_50, %mul3A_357 : i32
      %add3A_359 = arith.constant 1 : i32
      %add3A_360 = arith.addi %mul3A_358, %add3A_359 : i32
      %mul3A_361 = arith.constant 256 : i32
      %mul3A_362 = arith.muli %sub3A_230, %mul3A_361 : i32
      %add3A_363 = arith.constant 0 : i32
      %add3A_364 = arith.addi %mul3A_362, %add3A_363 : i32
      %get3A_365 = arith.index_cast %add3A_364 : i32 to index
      %get3A_366 = tpu.vector_load %arg6[%get3A_365] {strides = array<i32>} : memref<102400xbf16, #tpu.memory_space<vmem>>, vector<32xbf16>,
      %mul3A_367 = arith.constant 256 : i32
      %mul3A_368 = arith.muli %add3A_235, %mul3A_367 : i32
      %add3A_369 = arith.constant 0 : i32
      %add3A_370 = arith.addi %mul3A_368, %add3A_369 : i32
      %get3A_371 = arith.index_cast %add3A_370 : i32 to index
      %get3A_372 = tpu.vector_load %arg6[%get3A_371] {strides = array<i32>} : memref<102400xbf16, #tpu.memory_space<vmem>>, vector<32xbf16>,
      %mul3A_373 = arith.constant 256 : i32
      %mul3A_374 = arith.muli %add3A_240, %mul3A_373 : i32
      %add3A_375 = arith.constant 0 : i32
      %add3A_376 = arith.addi %mul3A_374, %add3A_375 : i32
      %get3A_377 = arith.index_cast %add3A_376 : i32 to index
      %get3A_378 = tpu.vector_load %arg6[%get3A_377] {strides = array<i32>} : memref<102400xbf16, #tpu.memory_space<vmem>>, vector<32xbf16>,
      %mul3A_379 = arith.constant 256 : i32
      %mul3A_380 = arith.muli %add3A_242, %mul3A_379 : i32
      %add3A_381 = arith.constant 0 : i32
      %add3A_382 = arith.addi %mul3A_380, %add3A_381 : i32
      %get3A_383 = arith.index_cast %add3A_382 : i32 to index
      %get3A_384 = tpu.vector_load %arg6[%get3A_383] {strides = array<i32>} : memref<102400xbf16, #tpu.memory_space<vmem>>, vector<32xbf16>,
      %slice3A_385 = vector.extract_strided_slice %get3A_53 {offsets = [3], sizes = [1], strides = [1]} : vector<16xi32> to vector<1xi32>
      %squeeze3A_386 = vector.extract %slice3A_385[0] : i32 from vector<1xi32>
      %div3A_387 = arith.constant 100 : i32
      %div3A_388 = arith.divsi %squeeze3A_386, %div3A_387 : i32
      %div3A_389 = arith.constant 100 : i32
      %div3A_390 = arith.divsi %div3A_388, %div3A_389 : i32
      %div3A_391 = arith.constant 100 : i32
      %div3A_392 = arith.divsi %div3A_390, %div3A_391 : i32
      %mul3A_393 = arith.constant 100 : i32
      %mul3A_394 = arith.muli %div3A_388, %mul3A_393 : i32
      %sub3A_395 = arith.subi %squeeze3A_386, %mul3A_394 : i32
      %mul3A_396 = arith.constant 100 : i32
      %mul3A_397 = arith.muli %div3A_390, %mul3A_396 : i32
      %sub3A_398 = arith.subi %div3A_388, %mul3A_397 : i32
      %add3A_399 = arith.constant 100 : i32
      %add3A_400 = arith.addi %sub3A_398, %add3A_399 : i32
      %mul3A_401 = arith.constant 100 : i32
      %mul3A_402 = arith.muli %div3A_392, %mul3A_401 : i32
      %sub3A_403 = arith.subi %div3A_390, %mul3A_402 : i32
      %add3A_404 = arith.constant 200 : i32
      %add3A_405 = arith.addi %sub3A_403, %add3A_404 : i32
      %add3A_406 = arith.constant 300 : i32
      %add3A_407 = arith.addi %div3A_392, %add3A_406 : i32
      %add3A_408 = arith.addf %get3A_201, %get3A_207 : vector<32xbf16>
      %add3A_409 = arith.addf %get3A_213, %get3A_219 : vector<32xbf16>
      %add3A_410 = arith.addf %add3A_408, %add3A_409 : vector<32xbf16>
      %unpack3A_411 = tpu.unpack_subelements %add3A_410, 0 {pack_format = #tpu.pack_format<interleaved>} : vector<32xbf16> -> vector<16xf32>
      %unpack3A_412 = tpu.unpack_subelements %add3A_410, 1 {pack_format = #tpu.pack_format<interleaved>} : vector<32xbf16> -> vector<16xf32>
      %swap3A_413 = arith.index_cast %add3A_360 : i32 to index
      %swap3A_414 = arith.constant 0 : index
      %swap3A_415 = tpu.vector_load %arg8[%swap3A_413, %swap3A_414] {strides = array<i32>} : memref<512x128xf32, #tpu.memory_space<vmem>>, vector<16xf32>,
      tpu.vector_store %arg8[%swap3A_413, %swap3A_414], %unpack3A_411 {strides = array<i32>} : memref<512x128xf32, #tpu.memory_space<vmem>>, vector<16xf32>,
      %swap3A_416 = arith.index_cast %add3A_360 : i32 to index
      %swap3A_417 = arith.constant 16 : index
      %swap3A_418 = tpu.vector_load %arg8[%swap3A_416, %swap3A_417] {strides = array<i32>} : memref<512x128xf32, #tpu.memory_space<vmem>>, vector<16xf32>,
      tpu.vector_store %arg8[%swap3A_416, %swap3A_417], %unpack3A_412 {strides = array<i32>} : memref<512x128xf32, #tpu.memory_space<vmem>>, vector<16xf32>,
      %mul3A_419 = arith.constant 256 : i32
      %mul3A_420 = arith.muli %sub3A_230, %mul3A_419 : i32
      %add3A_421 = arith.constant 32 : i32
      %add3A_422 = arith.addi %mul3A_420, %add3A_421 : i32
      %get3A_423 = arith.index_cast %add3A_422 : i32 to index
      %get3A_424 = tpu.vector_load %arg6[%get3A_423] {strides = array<i32>} : memref<102400xbf16, #tpu.memory_space<vmem>>, vector<32xbf16>,
      %mul3A_425 = arith.constant 256 : i32
      %mul3A_426 = arith.muli %add3A_235, %mul3A_425 : i32
      %add3A_427 = arith.constant 32 : i32
      %add3A_428 = arith.addi %mul3A_426, %add3A_427 : i32
      %get3A_429 = arith.index_cast %add3A_428 : i32 to index
      %get3A_430 = tpu.vector_load %arg6[%get3A_429] {strides = array<i32>} : memref<102400xbf16, #tpu.memory_space<vmem>>, vector<32xbf16>,
      %mul3A_431 = arith.constant 256 : i32
      %mul3A_432 = arith.muli %add3A_240, %mul3A_431 : i32
      %add3A_433 = arith.constant 32 : i32
      %add3A_434 = arith.addi %mul3A_432, %add3A_433 : i32
      %get3A_435 = arith.index_cast %add3A_434 : i32 to index
      %get3A_436 = tpu.vector_load %arg6[%get3A_435] {strides = array<i32>} : memref<102400xbf16, #tpu.memory_space<vmem>>, vector<32xbf16>,
      %mul3A_437 = arith.constant 256 : i32
      %mul3A_438 = arith.muli %add3A_242, %mul3A_437 : i32
      %add3A_439 = arith.constant 32 : i32
      %add3A_440 = arith.addi %mul3A_438, %add3A_439 : i32
      %get3A_441 = arith.index_cast %add3A_440 : i32 to index
      %get3A_442 = tpu.vector_load %arg6[%get3A_441] {strides = array<i32>} : memref<102400xbf16, #tpu.memory_space<vmem>>, vector<32xbf16>,
      %add3A_443 = arith.addf %get3A_257, %get3A_263 : vector<32xbf16>
      %add3A_444 = arith.addf %get3A_269, %get3A_275 : vector<32xbf16>
      %add3A_445 = arith.addf %add3A_443, %add3A_444 : vector<32xbf16>
      %unpack3A_446 = tpu.unpack_subelements %add3A_445, 0 {pack_format = #tpu.pack_format<interleaved>} : vector<32xbf16> -> vector<16xf32>
      %unpack3A_447 = tpu.unpack_subelements %add3A_445, 1 {pack_format = #tpu.pack_format<interleaved>} : vector<32xbf16> -> vector<16xf32>
      %swap3A_448 = arith.index_cast %add3A_360 : i32 to index
      %swap3A_449 = arith.constant 32 : index
      %swap3A_450 = tpu.vector_load %arg8[%swap3A_448, %swap3A_449] {strides = array<i32>} : memref<512x128xf32, #tpu.memory_space<vmem>>, vector<16xf32>,
      tpu.vector_store %arg8[%swap3A_448, %swap3A_449], %unpack3A_446 {strides = array<i32>} : memref<512x128xf32, #tpu.memory_space<vmem>>, vector<16xf32>,
      %swap3A_451 = arith.index_cast %add3A_360 : i32 to index
      %swap3A_452 = arith.constant 48 : index
      %swap3A_453 = tpu.vector_load %arg8[%swap3A_451, %swap3A_452] {strides = array<i32>} : memref<512x128xf32, #tpu.memory_space<vmem>>, vector<16xf32>,
      tpu.vector_store %arg8[%swap3A_451, %swap3A_452], %unpack3A_447 {strides = array<i32>} : memref<512x128xf32, #tpu.memory_space<vmem>>, vector<16xf32>,
      %mul3A_454 = arith.constant 256 : i32
      %mul3A_455 = arith.muli %sub3A_230, %mul3A_454 : i32
      %add3A_456 = arith.constant 64 : i32
      %add3A_457 = arith.addi %mul3A_455, %add3A_456 : i32
      %get3A_458 = arith.index_cast %add3A_457 : i32 to index
      %get3A_459 = tpu.vector_load %arg6[%get3A_458] {strides = array<i32>} : memref<102400xbf16, #tpu.memory_space<vmem>>, vector<32xbf16>,
      %mul3A_460 = arith.constant 256 : i32
      %mul3A_461 = arith.muli %add3A_235, %mul3A_460 : i32
      %add3A_462 = arith.constant 64 : i32
      %add3A_463 = arith.addi %mul3A_461, %add3A_462 : i32
      %get3A_464 = arith.index_cast %add3A_463 : i32 to index
      %get3A_465 = tpu.vector_load %arg6[%get3A_464] {strides = array<i32>} : memref<102400xbf16, #tpu.memory_space<vmem>>, vector<32xbf16>,
      %mul3A_466 = arith.constant 256 : i32
      %mul3A_467 = arith.muli %add3A_240, %mul3A_466 : i32
      %add3A_468 = arith.constant 64 : i32
      %add3A_469 = arith.addi %mul3A_467, %add3A_468 : i32
      %get3A_470 = arith.index_cast %add3A_469 : i32 to index
      %get3A_471 = tpu.vector_load %arg6[%get3A_470] {strides = array<i32>} : memref<102400xbf16, #tpu.memory_space<vmem>>, vector<32xbf16>,
      %mul3A_472 = arith.constant 256 : i32
      %mul3A_473 = arith.muli %add3A_242, %mul3A_472 : i32
      %add3A_474 = arith.constant 64 : i32
      %add3A_475 = arith.addi %mul3A_473, %add3A_474 : i32
      %get3A_476 = arith.index_cast %add3A_475 : i32 to index
      %get3A_477 = tpu.vector_load %arg6[%get3A_476] {strides = array<i32>} : memref<102400xbf16, #tpu.memory_space<vmem>>, vector<32xbf16>,
      %add3A_478 = arith.addf %get3A_292, %get3A_298 : vector<32xbf16>
      %add3A_479 = arith.addf %get3A_304, %get3A_310 : vector<32xbf16>
      %add3A_480 = arith.addf %add3A_478, %add3A_479 : vector<32xbf16>
      %unpack3A_481 = tpu.unpack_subelements %add3A_480, 0 {pack_format = #tpu.pack_format<interleaved>} : vector<32xbf16> -> vector<16xf32>
      %unpack3A_482 = tpu.unpack_subelements %add3A_480, 1 {pack_format = #tpu.pack_format<interleaved>} : vector<32xbf16> -> vector<16xf32>
      %swap3A_483 = arith.index_cast %add3A_360 : i32 to index
      %swap3A_484 = arith.constant 64 : index
      %swap3A_485 = tpu.vector_load %arg8[%swap3A_483, %swap3A_484] {strides = array<i32>} : memref<512x128xf32, #tpu.memory_space<vmem>>, vector<16xf32>,
      tpu.vector_store %arg8[%swap3A_483, %swap3A_484], %unpack3A_481 {strides = array<i32>} : memref<512x128xf32, #tpu.memory_space<vmem>>, vector<16xf32>,
      %swap3A_486 = arith.index_cast %add3A_360 : i32 to index
      %swap3A_487 = arith.constant 80 : index
      %swap3A_488 = tpu.vector_load %arg8[%swap3A_486, %swap3A_487] {strides = array<i32>} : memref<512x128xf32, #tpu.memory_space<vmem>>, vector<16xf32>,
      tpu.vector_store %arg8[%swap3A_486, %swap3A_487], %unpack3A_482 {strides = array<i32>} : memref<512x128xf32, #tpu.memory_space<vmem>>, vector<16xf32>,
      %mul3A_489 = arith.constant 256 : i32
      %mul3A_490 = arith.muli %sub3A_230, %mul3A_489 : i32
      %add3A_491 = arith.constant 96 : i32
      %add3A_492 = arith.addi %mul3A_490, %add3A_491 : i32
      %get3A_493 = arith.index_cast %add3A_492 : i32 to index
      %get3A_494 = tpu.vector_load %arg6[%get3A_493] {strides = array<i32>} : memref<102400xbf16, #tpu.memory_space<vmem>>, vector<32xbf16>,
      %mul3A_495 = arith.constant 256 : i32
      %mul3A_496 = arith.muli %add3A_235, %mul3A_495 : i32
      %add3A_497 = arith.constant 96 : i32
      %add3A_498 = arith.addi %mul3A_496, %add3A_497 : i32
      %get3A_499 = arith.index_cast %add3A_498 : i32 to index
      %get3A_500 = tpu.vector_load %arg6[%get3A_499] {strides = array<i32>} : memref<102400xbf16, #tpu.memory_space<vmem>>, vector<32xbf16>,
      %mul3A_501 = arith.constant 256 : i32
      %mul3A_502 = arith.muli %add3A_240, %mul3A_501 : i32
      %add3A_503 = arith.constant 96 : i32
      %add3A_504 = arith.addi %mul3A_502, %add3A_503 : i32
      %get3A_505 = arith.index_cast %add3A_504 : i32 to index
      %get3A_506 = tpu.vector_load %arg6[%get3A_505] {strides = array<i32>} : memref<102400xbf16, #tpu.memory_space<vmem>>, vector<32xbf16>,
      %mul3A_507 = arith.constant 256 : i32
      %mul3A_508 = arith.muli %add3A_242, %mul3A_507 : i32
      %add3A_509 = arith.constant 96 : i32
      %add3A_510 = arith.addi %mul3A_508, %add3A_509 : i32
      %get3A_511 = arith.index_cast %add3A_510 : i32 to index
      %get3A_512 = tpu.vector_load %arg6[%get3A_511] {strides = array<i32>} : memref<102400xbf16, #tpu.memory_space<vmem>>, vector<32xbf16>,
      %add3A_513 = arith.addf %get3A_327, %get3A_333 : vector<32xbf16>
      %add3A_514 = arith.addf %get3A_339, %get3A_345 : vector<32xbf16>
      %add3A_515 = arith.addf %add3A_513, %add3A_514 : vector<32xbf16>
      %unpack3A_516 = tpu.unpack_subelements %add3A_515, 0 {pack_format = #tpu.pack_format<interleaved>} : vector<32xbf16> -> vector<16xf32>
      %unpack3A_517 = tpu.unpack_subelements %add3A_515, 1 {pack_format = #tpu.pack_format<interleaved>} : vector<32xbf16> -> vector<16xf32>
      %swap3A_518 = arith.index_cast %add3A_360 : i32 to index
      %swap3A_519 = arith.constant 96 : index
      %swap3A_520 = tpu.vector_load %arg8[%swap3A_518, %swap3A_519] {strides = array<i32>} : memref<512x128xf32, #tpu.memory_space<vmem>>, vector<16xf32>,
      tpu.vector_store %arg8[%swap3A_518, %swap3A_519], %unpack3A_516 {strides = array<i32>} : memref<512x128xf32, #tpu.memory_space<vmem>>, vector<16xf32>,
      %swap3A_521 = arith.index_cast %add3A_360 : i32 to index
      %swap3A_522 = arith.constant 112 : index
      %swap3A_523 = tpu.vector_load %arg8[%swap3A_521, %swap3A_522] {strides = array<i32>} : memref<512x128xf32, #tpu.memory_space<vmem>>, vector<16xf32>,
      tpu.vector_store %arg8[%swap3A_521, %swap3A_522], %unpack3A_517 {strides = array<i32>} : memref<512x128xf32, #tpu.memory_space<vmem>>, vector<16xf32>,
      %mul3A_524 = arith.constant 16 : i32
      %mul3A_525 = arith.muli %scan3A_50, %mul3A_524 : i32
      %add3A_526 = arith.constant 2 : i32
      %add3A_527 = arith.addi %mul3A_525, %add3A_526 : i32
      %mul3A_528 = arith.constant 256 : i32
      %mul3A_529 = arith.muli %sub3A_395, %mul3A_528 : i32
      %add3A_530 = arith.constant 0 : i32
      %add3A_531 = arith.addi %mul3A_529, %add3A_530 : i32
      %get3A_532 = arith.index_cast %add3A_531 : i32 to index
      %get3A_533 = tpu.vector_load %arg6[%get3A_532] {strides = array<i32>} : memref<102400xbf16, #tpu.memory_space<vmem>>, vector<32xbf16>,
      %mul3A_534 = arith.constant 256 : i32
      %mul3A_535 = arith.muli %add3A_400, %mul3A_534 : i32
      %add3A_536 = arith.constant 0 : i32
      %add3A_537 = arith.addi %mul3A_535, %add3A_536 : i32
      %get3A_538 = arith.index_cast %add3A_537 : i32 to index
      %get3A_539 = tpu.vector_load %arg6[%get3A_538] {strides = array<i32>} : memref<102400xbf16, #tpu.memory_space<vmem>>, vector<32xbf16>,
      %mul3A_540 = arith.constant 256 : i32
      %mul3A_541 = arith.muli %add3A_405, %mul3A_540 : i32
      %add3A_542 = arith.constant 0 : i32
      %add3A_543 = arith.addi %mul3A_541, %add3A_542 : i32
      %get3A_544 = arith.index_cast %add3A_543 : i32 to index
      %get3A_545 = tpu.vector_load %arg6[%get3A_544] {strides = array<i32>} : memref<102400xbf16, #tpu.memory_space<vmem>>, vector<32xbf16>,
      %mul3A_546 = arith.constant 256 : i32
      %mul3A_547 = arith.muli %add3A_407, %mul3A_546 : i32
      %add3A_548 = arith.constant 0 : i32
      %add3A_549 = arith.addi %mul3A_547, %add3A_548 : i32
      %get3A_550 = arith.index_cast %add3A_549 : i32 to index
      %get3A_551 = tpu.vector_load %arg6[%get3A_550] {strides = array<i32>} : memref<102400xbf16, #tpu.memory_space<vmem>>, vector<32xbf16>,
      %slice3A_552 = vector.extract_strided_slice %get3A_53 {offsets = [4], sizes = [1], strides = [1]} : vector<16xi32> to vector<1xi32>
      %squeeze3A_553 = vector.extract %slice3A_552[0] : i32 from vector<1xi32>
      %div3A_554 = arith.constant 100 : i32
      %div3A_555 = arith.divsi %squeeze3A_553, %div3A_554 : i32
      %div3A_556 = arith.constant 100 : i32
      %div3A_557 = arith.divsi %div3A_555, %div3A_556 : i32
      %div3A_558 = arith.constant 100 : i32
      %div3A_559 = arith.divsi %div3A_557, %div3A_558 : i32
      %mul3A_560 = arith.constant 100 : i32
      %mul3A_561 = arith.muli %div3A_555, %mul3A_560 : i32
      %sub3A_562 = arith.subi %squeeze3A_553, %mul3A_561 : i32
      %mul3A_563 = arith.constant 100 : i32
      %mul3A_564 = arith.muli %div3A_557, %mul3A_563 : i32
      %sub3A_565 = arith.subi %div3A_555, %mul3A_564 : i32
      %add3A_566 = arith.constant 100 : i32
      %add3A_567 = arith.addi %sub3A_565, %add3A_566 : i32
      %mul3A_568 = arith.constant 100 : i32
      %mul3A_569 = arith.muli %div3A_559, %mul3A_568 : i32
      %sub3A_570 = arith.subi %div3A_557, %mul3A_569 : i32
      %add3A_571 = arith.constant 200 : i32
      %add3A_572 = arith.addi %sub3A_570, %add3A_571 : i32
      %add3A_573 = arith.constant 300 : i32
      %add3A_574 = arith.addi %div3A_559, %add3A_573 : i32
      %add3A_575 = arith.addf %get3A_366, %get3A_372 : vector<32xbf16>
      %add3A_576 = arith.addf %get3A_378, %get3A_384 : vector<32xbf16>
      %add3A_577 = arith.addf %add3A_575, %add3A_576 : vector<32xbf16>
      %unpack3A_578 = tpu.unpack_subelements %add3A_577, 0 {pack_format = #tpu.pack_format<interleaved>} : vector<32xbf16> -> vector<16xf32>
      %unpack3A_579 = tpu.unpack_subelements %add3A_577, 1 {pack_format = #tpu.pack_format<interleaved>} : vector<32xbf16> -> vector<16xf32>
      %swap3A_580 = arith.index_cast %add3A_527 : i32 to index
      %swap3A_581 = arith.constant 0 : index
      %swap3A_582 = tpu.vector_load %arg8[%swap3A_580, %swap3A_581] {strides = array<i32>} : memref<512x128xf32, #tpu.memory_space<vmem>>, vector<16xf32>,
      tpu.vector_store %arg8[%swap3A_580, %swap3A_581], %unpack3A_578 {strides = array<i32>} : memref<512x128xf32, #tpu.memory_space<vmem>>, vector<16xf32>,
      %swap3A_583 = arith.index_cast %add3A_527 : i32 to index
      %swap3A_584 = arith.constant 16 : index
      %swap3A_585 = tpu.vector_load %arg8[%swap3A_583, %swap3A_584] {strides = array<i32>} : memref<512x128xf32, #tpu.memory_space<vmem>>, vector<16xf32>,
      tpu.vector_store %arg8[%swap3A_583, %swap3A_584], %unpack3A_579 {strides = array<i32>} : memref<512x128xf32, #tpu.memory_space<vmem>>, vector<16xf32>,
      %mul3A_586 = arith.constant 256 : i32
      %mul3A_587 = arith.muli %sub3A_395, %mul3A_586 : i32
      %add3A_588 = arith.constant 32 : i32
      %add3A_589 = arith.addi %mul3A_587, %add3A_588 : i32
      %get3A_590 = arith.index_cast %add3A_589 : i32 to index
      %get3A_591 = tpu.vector_load %arg6[%get3A_590] {strides = array<i32>} : memref<102400xbf16, #tpu.memory_space<vmem>>, vector<32xbf16>,
      %mul3A_592 = arith.constant 256 : i32
      %mul3A_593 = arith.muli %add3A_400, %mul3A_592 : i32
      %add3A_594 = arith.constant 32 : i32
      %add3A_595 = arith.addi %mul3A_593, %add3A_594 : i32
      %get3A_596 = arith.index_cast %add3A_595 : i32 to index
      %get3A_597 = tpu.vector_load %arg6[%get3A_596] {strides = array<i32>} : memref<102400xbf16, #tpu.memory_space<vmem>>, vector<32xbf16>,
      %mul3A_598 = arith.constant 256 : i32
      %mul3A_599 = arith.muli %add3A_405, %mul3A_598 : i32
      %add3A_600 = arith.constant 32 : i32
      %add3A_601 = arith.addi %mul3A_599, %add3A_600 : i32
      %get3A_602 = arith.index_cast %add3A_601 : i32 to index
      %get3A_603 = tpu.vector_load %arg6[%get3A_602] {strides = array<i32>} : memref<102400xbf16, #tpu.memory_space<vmem>>, vector<32xbf16>,
      %mul3A_604 = arith.constant 256 : i32
      %mul3A_605 = arith.muli %add3A_407, %mul3A_604 : i32
      %add3A_606 = arith.constant 32 : i32
      %add3A_607 = arith.addi %mul3A_605, %add3A_606 : i32
      %get3A_608 = arith.index_cast %add3A_607 : i32 to index
      %get3A_609 = tpu.vector_load %arg6[%get3A_608] {strides = array<i32>} : memref<102400xbf16, #tpu.memory_space<vmem>>, vector<32xbf16>,
      %add3A_610 = arith.addf %get3A_424, %get3A_430 : vector<32xbf16>
      %add3A_611 = arith.addf %get3A_436, %get3A_442 : vector<32xbf16>
      %add3A_612 = arith.addf %add3A_610, %add3A_611 : vector<32xbf16>
      %unpack3A_613 = tpu.unpack_subelements %add3A_612, 0 {pack_format = #tpu.pack_format<interleaved>} : vector<32xbf16> -> vector<16xf32>
      %unpack3A_614 = tpu.unpack_subelements %add3A_612, 1 {pack_format = #tpu.pack_format<interleaved>} : vector<32xbf16> -> vector<16xf32>
      %swap3A_615 = arith.index_cast %add3A_527 : i32 to index
      %swap3A_616 = arith.constant 32 : index
      %swap3A_617 = tpu.vector_load %arg8[%swap3A_615, %swap3A_616] {strides = array<i32>} : memref<512x128xf32, #tpu.memory_space<vmem>>, vector<16xf32>,
      tpu.vector_store %arg8[%swap3A_615, %swap3A_616], %unpack3A_613 {strides = array<i32>} : memref<512x128xf32, #tpu.memory_space<vmem>>, vector<16xf32>,
      %swap3A_618 = arith.index_cast %add3A_527 : i32 to index
      %swap3A_619 = arith.constant 48 : index
      %swap3A_620 = tpu.vector_load %arg8[%swap3A_618, %swap3A_619] {strides = array<i32>} : memref<512x128xf32, #tpu.memory_space<vmem>>, vector<16xf32>,
      tpu.vector_store %arg8[%swap3A_618, %swap3A_619], %unpack3A_614 {strides = array<i32>} : memref<512x128xf32, #tpu.memory_space<vmem>>, vector<16xf32>,
      %mul3A_621 = arith.constant 256 : i32
      %mul3A_622 = arith.muli %sub3A_395, %mul3A_621 : i32
      %add3A_623 = arith.constant 64 : i32
      %add3A_624 = arith.addi %mul3A_622, %add3A_623 : i32
      %get3A_625 = arith.index_cast %add3A_624 : i32 to index
      %get3A_626 = tpu.vector_load %arg6[%get3A_625] {strides = array<i32>} : memref<102400xbf16, #tpu.memory_space<vmem>>, vector<32xbf16>,
      %mul3A_627 = arith.constant 256 : i32
      %mul3A_628 = arith.muli %add3A_400, %mul3A_627 : i32
      %add3A_629 = arith.constant 64 : i32
      %add3A_630 = arith.addi %mul3A_628, %add3A_629 : i32
      %get3A_631 = arith.index_cast %add3A_630 : i32 to index
      %get3A_632 = tpu.vector_load %arg6[%get3A_631] {strides = array<i32>} : memref<102400xbf16, #tpu.memory_space<vmem>>, vector<32xbf16>,
      %mul3A_633 = arith.constant 256 : i32
      %mul3A_634 = arith.muli %add3A_405, %mul3A_633 : i32
      %add3A_635 = arith.constant 64 : i32
      %add3A_636 = arith.addi %mul3A_634, %add3A_635 : i32
      %get3A_637 = arith.index_cast %add3A_636 : i32 to index
      %get3A_638 = tpu.vector_load %arg6[%get3A_637] {strides = array<i32>} : memref<102400xbf16, #tpu.memory_space<vmem>>, vector<32xbf16>,
      %mul3A_639 = arith.constant 256 : i32
      %mul3A_640 = arith.muli %add3A_407, %mul3A_639 : i32
      %add3A_641 = arith.constant 64 : i32
      %add3A_642 = arith.addi %mul3A_640, %add3A_641 : i32
      %get3A_643 = arith.index_cast %add3A_642 : i32 to index
      %get3A_644 = tpu.vector_load %arg6[%get3A_643] {strides = array<i32>} : memref<102400xbf16, #tpu.memory_space<vmem>>, vector<32xbf16>,
      %add3A_645 = arith.addf %get3A_459, %get3A_465 : vector<32xbf16>
      %add3A_646 = arith.addf %get3A_471, %get3A_477 : vector<32xbf16>
      %add3A_647 = arith.addf %add3A_645, %add3A_646 : vector<32xbf16>
      %unpack3A_648 = tpu.unpack_subelements %add3A_647, 0 {pack_format = #tpu.pack_format<interleaved>} : vector<32xbf16> -> vector<16xf32>
      %unpack3A_649 = tpu.unpack_subelements %add3A_647, 1 {pack_format = #tpu.pack_format<interleaved>} : vector<32xbf16> -> vector<16xf32>
      %swap3A_650 = arith.index_cast %add3A_527 : i32 to index
      %swap3A_651 = arith.constant 64 : index
      %swap3A_652 = tpu.vector_load %arg8[%swap3A_650, %swap3A_651] {strides = array<i32>} : memref<512x128xf32, #tpu.memory_space<vmem>>, vector<16xf32>,
      tpu.vector_store %arg8[%swap3A_650, %swap3A_651], %unpack3A_648 {strides = array<i32>} : memref<512x128xf32, #tpu.memory_space<vmem>>, vector<16xf32>,
      %swap3A_653 = arith.index_cast %add3A_527 : i32 to index
      %swap3A_654 = arith.constant 80 : index
      %swap3A_655 = tpu.vector_load %arg8[%swap3A_653, %swap3A_654] {strides = array<i32>} : memref<512x128xf32, #tpu.memory_space<vmem>>, vector<16xf32>,
      tpu.vector_store %arg8[%swap3A_653, %swap3A_654], %unpack3A_649 {strides = array<i32>} : memref<512x128xf32, #tpu.memory_space<vmem>>, vector<16xf32>,
      %mul3A_656 = arith.constant 256 : i32
      %mul3A_657 = arith.muli %sub3A_395, %mul3A_656 : i32
      %add3A_658 = arith.constant 96 : i32
      %add3A_659 = arith.addi %mul3A_657, %add3A_658 : i32
      %get3A_660 = arith.index_cast %add3A_659 : i32 to index
      %get3A_661 = tpu.vector_load %arg6[%get3A_660] {strides = array<i32>} : memref<102400xbf16, #tpu.memory_space<vmem>>, vector<32xbf16>,
      %mul3A_662 = arith.constant 256 : i32
      %mul3A_663 = arith.muli %add3A_400, %mul3A_662 : i32
      %add3A_664 = arith.constant 96 : i32
      %add3A_665 = arith.addi %mul3A_663, %add3A_664 : i32
      %get3A_666 = arith.index_cast %add3A_665 : i32 to index
      %get3A_667 = tpu.vector_load %arg6[%get3A_666] {strides = array<i32>} : memref<102400xbf16, #tpu.memory_space<vmem>>, vector<32xbf16>,
      %mul3A_668 = arith.constant 256 : i32
      %mul3A_669 = arith.muli %add3A_405, %mul3A_668 : i32
      %add3A_670 = arith.constant 96 : i32
      %add3A_671 = arith.addi %mul3A_669, %add3A_670 : i32
      %get3A_672 = arith.index_cast %add3A_671 : i32 to index
      %get3A_673 = tpu.vector_load %arg6[%get3A_672] {strides = array<i32>} : memref<102400xbf16, #tpu.memory_space<vmem>>, vector<32xbf16>,
      %mul3A_674 = arith.constant 256 : i32
      %mul3A_675 = arith.muli %add3A_407, %mul3A_674 : i32
      %add3A_676 = arith.constant 96 : i32
      %add3A_677 = arith.addi %mul3A_675, %add3A_676 : i32
      %get3A_678 = arith.index_cast %add3A_677 : i32 to index
      %get3A_679 = tpu.vector_load %arg6[%get3A_678] {strides = array<i32>} : memref<102400xbf16, #tpu.memory_space<vmem>>, vector<32xbf16>,
      %add3A_680 = arith.addf %get3A_494, %get3A_500 : vector<32xbf16>
      %add3A_681 = arith.addf %get3A_506, %get3A_512 : vector<32xbf16>
      %add3A_682 = arith.addf %add3A_680, %add3A_681 : vector<32xbf16>
      %unpack3A_683 = tpu.unpack_subelements %add3A_682, 0 {pack_format = #tpu.pack_format<interleaved>} : vector<32xbf16> -> vector<16xf32>
      %unpack3A_684 = tpu.unpack_subelements %add3A_682, 1 {pack_format = #tpu.pack_format<interleaved>} : vector<32xbf16> -> vector<16xf32>
      %swap3A_685 = arith.index_cast %add3A_527 : i32 to index
      %swap3A_686 = arith.constant 96 : index
      %swap3A_687 = tpu.vector_load %arg8[%swap3A_685, %swap3A_686] {strides = array<i32>} : memref<512x128xf32, #tpu.memory_space<vmem>>, vector<16xf32>,
      tpu.vector_store %arg8[%swap3A_685, %swap3A_686], %unpack3A_683 {strides = array<i32>} : memref<512x128xf32, #tpu.memory_space<vmem>>, vector<16xf32>,
      %swap3A_688 = arith.index_cast %add3A_527 : i32 to index
      %swap3A_689 = arith.constant 112 : index
      %swap3A_690 = tpu.vector_load %arg8[%swap3A_688, %swap3A_689] {strides = array<i32>} : memref<512x128xf32, #tpu.memory_space<vmem>>, vector<16xf32>,
      tpu.vector_store %arg8[%swap3A_688, %swap3A_689], %unpack3A_684 {strides = array<i32>} : memref<512x128xf32, #tpu.memory_space<vmem>>, vector<16xf32>,
      %mul3A_691 = arith.constant 16 : i32
      %mul3A_692 = arith.muli %scan3A_50, %mul3A_691 : i32
      %add3A_693 = arith.constant 3 : i32
      %add3A_694 = arith.addi %mul3A_692, %add3A_693 : i32
      %mul3A_695 = arith.constant 256 : i32
      %mul3A_696 = arith.muli %sub3A_562, %mul3A_695 : i32
      %add3A_697 = arith.constant 0 : i32
      %add3A_698 = arith.addi %mul3A_696, %add3A_697 : i32
      %get3A_699 = arith.index_cast %add3A_698 : i32 to index
      %get3A_700 = tpu.vector_load %arg6[%get3A_699] {strides = array<i32>} : memref<102400xbf16, #tpu.memory_space<vmem>>, vector<32xbf16>,
      %mul3A_701 = arith.constant 256 : i32
      %mul3A_702 = arith.muli %add3A_567, %mul3A_701 : i32
      %add3A_703 = arith.constant 0 : i32
      %add3A_704 = arith.addi %mul3A_702, %add3A_703 : i32
      %get3A_705 = arith.index_cast %add3A_704 : i32 to index
      %get3A_706 = tpu.vector_load %arg6[%get3A_705] {strides = array<i32>} : memref<102400xbf16, #tpu.memory_space<vmem>>, vector<32xbf16>,
      %mul3A_707 = arith.constant 256 : i32
      %mul3A_708 = arith.muli %add3A_572, %mul3A_707 : i32
      %add3A_709 = arith.constant 0 : i32
      %add3A_710 = arith.addi %mul3A_708, %add3A_709 : i32
      %get3A_711 = arith.index_cast %add3A_710 : i32 to index
      %get3A_712 = tpu.vector_load %arg6[%get3A_711] {strides = array<i32>} : memref<102400xbf16, #tpu.memory_space<vmem>>, vector<32xbf16>,
      %mul3A_713 = arith.constant 256 : i32
      %mul3A_714 = arith.muli %add3A_574, %mul3A_713 : i32
      %add3A_715 = arith.constant 0 : i32
      %add3A_716 = arith.addi %mul3A_714, %add3A_715 : i32
      %get3A_717 = arith.index_cast %add3A_716 : i32 to index
      %get3A_718 = tpu.vector_load %arg6[%get3A_717] {strides = array<i32>} : memref<102400xbf16, #tpu.memory_space<vmem>>, vector<32xbf16>,
      %slice3A_719 = vector.extract_strided_slice %get3A_53 {offsets = [5], sizes = [1], strides = [1]} : vector<16xi32> to vector<1xi32>
      %squeeze3A_720 = vector.extract %slice3A_719[0] : i32 from vector<1xi32>
      %div3A_721 = arith.constant 100 : i32
      %div3A_722 = arith.divsi %squeeze3A_720, %div3A_721 : i32
      %div3A_723 = arith.constant 100 : i32
      %div3A_724 = arith.divsi %div3A_722, %div3A_723 : i32
      %div3A_725 = arith.constant 100 : i32
      %div3A_726 = arith.divsi %div3A_724, %div3A_725 : i32
      %mul3A_727 = arith.constant 100 : i32
      %mul3A_728 = arith.muli %div3A_722, %mul3A_727 : i32
      %sub3A_729 = arith.subi %squeeze3A_720, %mul3A_728 : i32
      %mul3A_730 = arith.constant 100 : i32
      %mul3A_731 = arith.muli %div3A_724, %mul3A_730 : i32
      %sub3A_732 = arith.subi %div3A_722, %mul3A_731 : i32
      %add3A_733 = arith.constant 100 : i32
      %add3A_734 = arith.addi %sub3A_732, %add3A_733 : i32
      %mul3A_735 = arith.constant 100 : i32
      %mul3A_736 = arith.muli %div3A_726, %mul3A_735 : i32
      %sub3A_737 = arith.subi %div3A_724, %mul3A_736 : i32
      %add3A_738 = arith.constant 200 : i32
      %add3A_739 = arith.addi %sub3A_737, %add3A_738 : i32
      %add3A_740 = arith.constant 300 : i32
      %add3A_741 = arith.addi %div3A_726, %add3A_740 : i32
      %add3A_742 = arith.addf %get3A_533, %get3A_539 : vector<32xbf16>
      %add3A_743 = arith.addf %get3A_545, %get3A_551 : vector<32xbf16>
      %add3A_744 = arith.addf %add3A_742, %add3A_743 : vector<32xbf16>
      %unpack3A_745 = tpu.unpack_subelements %add3A_744, 0 {pack_format = #tpu.pack_format<interleaved>} : vector<32xbf16> -> vector<16xf32>
      %unpack3A_746 = tpu.unpack_subelements %add3A_744, 1 {pack_format = #tpu.pack_format<interleaved>} : vector<32xbf16> -> vector<16xf32>
      %swap3A_747 = arith.index_cast %add3A_694 : i32 to index
      %swap3A_748 = arith.constant 0 : index
      %swap3A_749 = tpu.vector_load %arg8[%swap3A_747, %swap3A_748] {strides = array<i32>} : memref<512x128xf32, #tpu.memory_space<vmem>>, vector<16xf32>,
      tpu.vector_store %arg8[%swap3A_747, %swap3A_748], %unpack3A_745 {strides = array<i32>} : memref<512x128xf32, #tpu.memory_space<vmem>>, vector<16xf32>,
      %swap3A_750 = arith.index_cast %add3A_694 : i32 to index
      %swap3A_751 = arith.constant 16 : index
      %swap3A_752 = tpu.vector_load %arg8[%swap3A_750, %swap3A_751] {strides = array<i32>} : memref<512x128xf32, #tpu.memory_space<vmem>>, vector<16xf32>,
      tpu.vector_store %arg8[%swap3A_750, %swap3A_751], %unpack3A_746 {strides = array<i32>} : memref<512x128xf32, #tpu.memory_space<vmem>>, vector<16xf32>,
      %mul3A_753 = arith.constant 256 : i32
      %mul3A_754 = arith.muli %sub3A_562, %mul3A_753 : i32
      %add3A_755 = arith.constant 32 : i32
      %add3A_756 = arith.addi %mul3A_754, %add3A_755 : i32
      %get3A_757 = arith.index_cast %add3A_756 : i32 to index
      %get3A_758 = tpu.vector_load %arg6[%get3A_757] {strides = array<i32>} : memref<102400xbf16, #tpu.memory_space<vmem>>, vector<32xbf16>,
      %mul3A_759 = arith.constant 256 : i32
      %mul3A_760 = arith.muli %add3A_567, %mul3A_759 : i32
      %add3A_761 = arith.constant 32 : i32
      %add3A_762 = arith.addi %mul3A_760, %add3A_761 : i32
      %get3A_763 = arith.index_cast %add3A_762 : i32 to index
      %get3A_764 = tpu.vector_load %arg6[%get3A_763] {strides = array<i32>} : memref<102400xbf16, #tpu.memory_space<vmem>>, vector<32xbf16>,
      %mul3A_765 = arith.constant 256 : i32
      %mul3A_766 = arith.muli %add3A_572, %mul3A_765 : i32
      %add3A_767 = arith.constant 32 : i32
      %add3A_768 = arith.addi %mul3A_766, %add3A_767 : i32
      %get3A_769 = arith.index_cast %add3A_768 : i32 to index
      %get3A_770 = tpu.vector_load %arg6[%get3A_769] {strides = array<i32>} : memref<102400xbf16, #tpu.memory_space<vmem>>, vector<32xbf16>,
      %mul3A_771 = arith.constant 256 : i32
      %mul3A_772 = arith.muli %add3A_574, %mul3A_771 : i32
      %add3A_773 = arith.constant 32 : i32
      %add3A_774 = arith.addi %mul3A_772, %add3A_773 : i32
      %get3A_775 = arith.index_cast %add3A_774 : i32 to index
      %get3A_776 = tpu.vector_load %arg6[%get3A_775] {strides = array<i32>} : memref<102400xbf16, #tpu.memory_space<vmem>>, vector<32xbf16>,
      %add3A_777 = arith.addf %get3A_591, %get3A_597 : vector<32xbf16>
      %add3A_778 = arith.addf %get3A_603, %get3A_609 : vector<32xbf16>
      %add3A_779 = arith.addf %add3A_777, %add3A_778 : vector<32xbf16>
      %unpack3A_780 = tpu.unpack_subelements %add3A_779, 0 {pack_format = #tpu.pack_format<interleaved>} : vector<32xbf16> -> vector<16xf32>
      %unpack3A_781 = tpu.unpack_subelements %add3A_779, 1 {pack_format = #tpu.pack_format<interleaved>} : vector<32xbf16> -> vector<16xf32>
      %swap3A_782 = arith.index_cast %add3A_694 : i32 to index
      %swap3A_783 = arith.constant 32 : index
      %swap3A_784 = tpu.vector_load %arg8[%swap3A_782, %swap3A_783] {strides = array<i32>} : memref<512x128xf32, #tpu.memory_space<vmem>>, vector<16xf32>,
      tpu.vector_store %arg8[%swap3A_782, %swap3A_783], %unpack3A_780 {strides = array<i32>} : memref<512x128xf32, #tpu.memory_space<vmem>>, vector<16xf32>,
      %swap3A_785 = arith.index_cast %add3A_694 : i32 to index
      %swap3A_786 = arith.constant 48 : index
      %swap3A_787 = tpu.vector_load %arg8[%swap3A_785, %swap3A_786] {strides = array<i32>} : memref<512x128xf32, #tpu.memory_space<vmem>>, vector<16xf32>,
      tpu.vector_store %arg8[%swap3A_785, %swap3A_786], %unpack3A_781 {strides = array<i32>} : memref<512x128xf32, #tpu.memory_space<vmem>>, vector<16xf32>,
      %mul3A_788 = arith.constant 256 : i32
      %mul3A_789 = arith.muli %sub3A_562, %mul3A_788 : i32
      %add3A_790 = arith.constant 64 : i32
      %add3A_791 = arith.addi %mul3A_789, %add3A_790 : i32
      %get3A_792 = arith.index_cast %add3A_791 : i32 to index
      %get3A_793 = tpu.vector_load %arg6[%get3A_792] {strides = array<i32>} : memref<102400xbf16, #tpu.memory_space<vmem>>, vector<32xbf16>,
      %mul3A_794 = arith.constant 256 : i32
      %mul3A_795 = arith.muli %add3A_567, %mul3A_794 : i32
      %add3A_796 = arith.constant 64 : i32
      %add3A_797 = arith.addi %mul3A_795, %add3A_796 : i32
      %get3A_798 = arith.index_cast %add3A_797 : i32 to index
      %get3A_799 = tpu.vector_load %arg6[%get3A_798] {strides = array<i32>} : memref<102400xbf16, #tpu.memory_space<vmem>>, vector<32xbf16>,
      %mul3A_800 = arith.constant 256 : i32
      %mul3A_801 = arith.muli %add3A_572, %mul3A_800 : i32
      %add3A_802 = arith.constant 64 : i32
      %add3A_803 = arith.addi %mul3A_801, %add3A_802 : i32
      %get3A_804 = arith.index_cast %add3A_803 : i32 to index
      %get3A_805 = tpu.vector_load %arg6[%get3A_804] {strides = array<i32>} : memref<102400xbf16, #tpu.memory_space<vmem>>, vector<32xbf16>,
      %mul3A_806 = arith.constant 256 : i32
      %mul3A_807 = arith.muli %add3A_574, %mul3A_806 : i32
      %add3A_808 = arith.constant 64 : i32
      %add3A_809 = arith.addi %mul3A_807, %add3A_808 : i32
      %get3A_810 = arith.index_cast %add3A_809 : i32 to index
      %get3A_811 = tpu.vector_load %arg6[%get3A_810] {strides = array<i32>} : memref<102400xbf16, #tpu.memory_space<vmem>>, vector<32xbf16>,
      %add3A_812 = arith.addf %get3A_626, %get3A_632 : vector<32xbf16>
      %add3A_813 = arith.addf %get3A_638, %get3A_644 : vector<32xbf16>
      %add3A_814 = arith.addf %add3A_812, %add3A_813 : vector<32xbf16>
      %unpack3A_815 = tpu.unpack_subelements %add3A_814, 0 {pack_format = #tpu.pack_format<interleaved>} : vector<32xbf16> -> vector<16xf32>
      %unpack3A_816 = tpu.unpack_subelements %add3A_814, 1 {pack_format = #tpu.pack_format<interleaved>} : vector<32xbf16> -> vector<16xf32>
      %swap3A_817 = arith.index_cast %add3A_694 : i32 to index
      %swap3A_818 = arith.constant 64 : index
      %swap3A_819 = tpu.vector_load %arg8[%swap3A_817, %swap3A_818] {strides = array<i32>} : memref<512x128xf32, #tpu.memory_space<vmem>>, vector<16xf32>,
      tpu.vector_store %arg8[%swap3A_817, %swap3A_818], %unpack3A_815 {strides = array<i32>} : memref<512x128xf32, #tpu.memory_space<vmem>>, vector<16xf32>,
      %swap3A_820 = arith.index_cast %add3A_694 : i32 to index
      %swap3A_821 = arith.constant 80 : index
      %swap3A_822 = tpu.vector_load %arg8[%swap3A_820, %swap3A_821] {strides = array<i32>} : memref<512x128xf32, #tpu.memory_space<vmem>>, vector<16xf32>,
      tpu.vector_store %arg8[%swap3A_820, %swap3A_821], %unpack3A_816 {strides = array<i32>} : memref<512x128xf32, #tpu.memory_space<vmem>>, vector<16xf32>,
      %mul3A_823 = arith.constant 256 : i32
      %mul3A_824 = arith.muli %sub3A_562, %mul3A_823 : i32
      %add3A_825 = arith.constant 96 : i32
      %add3A_826 = arith.addi %mul3A_824, %add3A_825 : i32
      %get3A_827 = arith.index_cast %add3A_826 : i32 to index
      %get3A_828 = tpu.vector_load %arg6[%get3A_827] {strides = array<i32>} : memref<102400xbf16, #tpu.memory_space<vmem>>, vector<32xbf16>,
      %mul3A_829 = arith.constant 256 : i32
      %mul3A_830 = arith.muli %add3A_567, %mul3A_829 : i32
      %add3A_831 = arith.constant 96 : i32
      %add3A_832 = arith.addi %mul3A_830, %add3A_831 : i32
      %get3A_833 = arith.index_cast %add3A_832 : i32 to index
      %get3A_834 = tpu.vector_load %arg6[%get3A_833] {strides = array<i32>} : memref<102400xbf16, #tpu.memory_space<vmem>>, vector<32xbf16>,
      %mul3A_835 = arith.constant 256 : i32
      %mul3A_836 = arith.muli %add3A_572, %mul3A_835 : i32
      %add3A_837 = arith.constant 96 : i32
      %add3A_838 = arith.addi %mul3A_836, %add3A_837 : i32
      %get3A_839 = arith.index_cast %add3A_838 : i32 to index
      %get3A_840 = tpu.vector_load %arg6[%get3A_839] {strides = array<i32>} : memref<102400xbf16, #tpu.memory_space<vmem>>, vector<32xbf16>,
      %mul3A_841 = arith.constant 256 : i32
      %mul3A_842 = arith.muli %add3A_574, %mul3A_841 : i32
      %add3A_843 = arith.constant 96 : i32
      %add3A_844 = arith.addi %mul3A_842, %add3A_843 : i32
      %get3A_845 = arith.index_cast %add3A_844 : i32 to index
      %get3A_846 = tpu.vector_load %arg6[%get3A_845] {strides = array<i32>} : memref<102400xbf16, #tpu.memory_space<vmem>>, vector<32xbf16>,
      %add3A_847 = arith.addf %get3A_661, %get3A_667 : vector<32xbf16>
      %add3A_848 = arith.addf %get3A_673, %get3A_679 : vector<32xbf16>
      %add3A_849 = arith.addf %add3A_847, %add3A_848 : vector<32xbf16>
      %unpack3A_850 = tpu.unpack_subelements %add3A_849, 0 {pack_format = #tpu.pack_format<interleaved>} : vector<32xbf16> -> vector<16xf32>
      %unpack3A_851 = tpu.unpack_subelements %add3A_849, 1 {pack_format = #tpu.pack_format<interleaved>} : vector<32xbf16> -> vector<16xf32>
      %swap3A_852 = arith.index_cast %add3A_694 : i32 to index
      %swap3A_853 = arith.constant 96 : index
      %swap3A_854 = tpu.vector_load %arg8[%swap3A_852, %swap3A_853] {strides = array<i32>} : memref<512x128xf32, #tpu.memory_space<vmem>>, vector<16xf32>,
      tpu.vector_store %arg8[%swap3A_852, %swap3A_853], %unpack3A_850 {strides = array<i32>} : memref<512x128xf32, #tpu.memory_space<vmem>>, vector<16xf32>,
      %swap3A_855 = arith.index_cast %add3A_694 : i32 to index
      %swap3A_856 = arith.constant 112 : index
      %swap3A_857 = tpu.vector_load %arg8[%swap3A_855, %swap3A_856] {strides = array<i32>} : memref<512x128xf32, #tpu.memory_space<vmem>>, vector<16xf32>,
      tpu.vector_store %arg8[%swap3A_855, %swap3A_856], %unpack3A_851 {strides = array<i32>} : memref<512x128xf32, #tpu.memory_space<vmem>>, vector<16xf32>,
      %mul3A_858 = arith.constant 16 : i32
      %mul3A_859 = arith.muli %scan3A_50, %mul3A_858 : i32
      %add3A_860 = arith.constant 4 : i32
      %add3A_861 = arith.addi %mul3A_859, %add3A_860 : i32
      %mul3A_862 = arith.constant 256 : i32
      %mul3A_863 = arith.muli %sub3A_729, %mul3A_862 : i32
      %add3A_864 = arith.constant 0 : i32
      %add3A_865 = arith.addi %mul3A_863, %add3A_864 : i32
      %get3A_866 = arith.index_cast %add3A_865 : i32 to index
      %get3A_867 = tpu.vector_load %arg6[%get3A_866] {strides = array<i32>} : memref<102400xbf16, #tpu.memory_space<vmem>>, vector<32xbf16>,
      %mul3A_868 = arith.constant 256 : i32
      %mul3A_869 = arith.muli %add3A_734, %mul3A_868 : i32
      %add3A_870 = arith.constant 0 : i32
      %add3A_871 = arith.addi %mul3A_869, %add3A_870 : i32
      %get3A_872 = arith.index_cast %add3A_871 : i32 to index
      %get3A_873 = tpu.vector_load %arg6[%get3A_872] {strides = array<i32>} : memref<102400xbf16, #tpu.memory_space<vmem>>, vector<32xbf16>,
      %mul3A_874 = arith.constant 256 : i32
      %mul3A_875 = arith.muli %add3A_739, %mul3A_874 : i32
      %add3A_876 = arith.constant 0 : i32
      %add3A_877 = arith.addi %mul3A_875, %add3A_876 : i32
      %get3A_878 = arith.index_cast %add3A_877 : i32 to index
      %get3A_879 = tpu.vector_load %arg6[%get3A_878] {strides = array<i32>} : memref<102400xbf16, #tpu.memory_space<vmem>>, vector<32xbf16>,
      %mul3A_880 = arith.constant 256 : i32
      %mul3A_881 = arith.muli %add3A_741, %mul3A_880 : i32
      %add3A_882 = arith.constant 0 : i32
      %add3A_883 = arith.addi %mul3A_881, %add3A_882 : i32
      %get3A_884 = arith.index_cast %add3A_883 : i32 to index
      %get3A_885 = tpu.vector_load %arg6[%get3A_884] {strides = array<i32>} : memref<102400xbf16, #tpu.memory_space<vmem>>, vector<32xbf16>,
      %slice3A_886 = vector.extract_strided_slice %get3A_53 {offsets = [6], sizes = [1], strides = [1]} : vector<16xi32> to vector<1xi32>
      %squeeze3A_887 = vector.extract %slice3A_886[0] : i32 from vector<1xi32>
      %div3A_888 = arith.constant 100 : i32
      %div3A_889 = arith.divsi %squeeze3A_887, %div3A_888 : i32
      %div3A_890 = arith.constant 100 : i32
      %div3A_891 = arith.divsi %div3A_889, %div3A_890 : i32
      %div3A_892 = arith.constant 100 : i32
      %div3A_893 = arith.divsi %div3A_891, %div3A_892 : i32
      %mul3A_894 = arith.constant 100 : i32
      %mul3A_895 = arith.muli %div3A_889, %mul3A_894 : i32
      %sub3A_896 = arith.subi %squeeze3A_887, %mul3A_895 : i32
      %mul3A_897 = arith.constant 100 : i32
      %mul3A_898 = arith.muli %div3A_891, %mul3A_897 : i32
      %sub3A_899 = arith.subi %div3A_889, %mul3A_898 : i32
      %add3A_900 = arith.constant 100 : i32
      %add3A_901 = arith.addi %sub3A_899, %add3A_900 : i32
      %mul3A_902 = arith.constant 100 : i32
      %mul3A_903 = arith.muli %div3A_893, %mul3A_902 : i32
      %sub3A_904 = arith.subi %div3A_891, %mul3A_903 : i32
      %add3A_905 = arith.constant 200 : i32
      %add3A_906 = arith.addi %sub3A_904, %add3A_905 : i32
      %add3A_907 = arith.constant 300 : i32
      %add3A_908 = arith.addi %div3A_893, %add3A_907 : i32
      %add3A_909 = arith.addf %get3A_700, %get3A_706 : vector<32xbf16>
      %add3A_910 = arith.addf %get3A_712, %get3A_718 : vector<32xbf16>
      %add3A_911 = arith.addf %add3A_909, %add3A_910 : vector<32xbf16>
      %unpack3A_912 = tpu.unpack_subelements %add3A_911, 0 {pack_format = #tpu.pack_format<interleaved>} : vector<32xbf16> -> vector<16xf32>
      %unpack3A_913 = tpu.unpack_subelements %add3A_911, 1 {pack_format = #tpu.pack_format<interleaved>} : vector<32xbf16> -> vector<16xf32>
      %swap3A_914 = arith.index_cast %add3A_861 : i32 to index
      %swap3A_915 = arith.constant 0 : index
      %swap3A_916 = tpu.vector_load %arg8[%swap3A_914, %swap3A_915] {strides = array<i32>} : memref<512x128xf32, #tpu.memory_space<vmem>>, vector<16xf32>,
      tpu.vector_store %arg8[%swap3A_914, %swap3A_915], %unpack3A_912 {strides = array<i32>} : memref<512x128xf32, #tpu.memory_space<vmem>>, vector<16xf32>,
      %swap3A_917 = arith.index_cast %add3A_861 : i32 to index
      %swap3A_918 = arith.constant 16 : index
      %swap3A_919 = tpu.vector_load %arg8[%swap3A_917, %swap3A_918] {strides = array<i32>} : memref<512x128xf32, #tpu.memory_space<vmem>>, vector<16xf32>,
      tpu.vector_store %arg8[%swap3A_917, %swap3A_918], %unpack3A_913 {strides = array<i32>} : memref<512x128xf32, #tpu.memory_space<vmem>>, vector<16xf32>,
      %mul3A_920 = arith.constant 256 : i32
      %mul3A_921 = arith.muli %sub3A_729, %mul3A_920 : i32
      %add3A_922 = arith.constant 32 : i32
      %add3A_923 = arith.addi %mul3A_921, %add3A_922 : i32
      %get3A_924 = arith.index_cast %add3A_923 : i32 to index
      %get3A_925 = tpu.vector_load %arg6[%get3A_924] {strides = array<i32>} : memref<102400xbf16, #tpu.memory_space<vmem>>, vector<32xbf16>,
      %mul3A_926 = arith.constant 256 : i32
      %mul3A_927 = arith.muli %add3A_734, %mul3A_926 : i32
      %add3A_928 = arith.constant 32 : i32
      %add3A_929 = arith.addi %mul3A_927, %add3A_928 : i32
      %get3A_930 = arith.index_cast %add3A_929 : i32 to index
      %get3A_931 = tpu.vector_load %arg6[%get3A_930] {strides = array<i32>} : memref<102400xbf16, #tpu.memory_space<vmem>>, vector<32xbf16>,
      %mul3A_932 = arith.constant 256 : i32
      %mul3A_933 = arith.muli %add3A_739, %mul3A_932 : i32
      %add3A_934 = arith.constant 32 : i32
      %add3A_935 = arith.addi %mul3A_933, %add3A_934 : i32
      %get3A_936 = arith.index_cast %add3A_935 : i32 to index
      %get3A_937 = tpu.vector_load %arg6[%get3A_936] {strides = array<i32>} : memref<102400xbf16, #tpu.memory_space<vmem>>, vector<32xbf16>,
      %mul3A_938 = arith.constant 256 : i32
      %mul3A_939 = arith.muli %add3A_741, %mul3A_938 : i32
      %add3A_940 = arith.constant 32 : i32
      %add3A_941 = arith.addi %mul3A_939, %add3A_940 : i32
      %get3A_942 = arith.index_cast %add3A_941 : i32 to index
      %get3A_943 = tpu.vector_load %arg6[%get3A_942] {strides = array<i32>} : memref<102400xbf16, #tpu.memory_space<vmem>>, vector<32xbf16>,
      %add3A_944 = arith.addf %get3A_758, %get3A_764 : vector<32xbf16>
      %add3A_945 = arith.addf %get3A_770, %get3A_776 : vector<32xbf16>
      %add3A_946 = arith.addf %add3A_944, %add3A_945 : vector<32xbf16>
      %unpack3A_947 = tpu.unpack_subelements %add3A_946, 0 {pack_format = #tpu.pack_format<interleaved>} : vector<32xbf16> -> vector<16xf32>
      %unpack3A_948 = tpu.unpack_subelements %add3A_946, 1 {pack_format = #tpu.pack_format<interleaved>} : vector<32xbf16> -> vector<16xf32>
      %swap3A_949 = arith.index_cast %add3A_861 : i32 to index
      %swap3A_950 = arith.constant 32 : index
      %swap3A_951 = tpu.vector_load %arg8[%swap3A_949, %swap3A_950] {strides = array<i32>} : memref<512x128xf32, #tpu.memory_space<vmem>>, vector<16xf32>,
      tpu.vector_store %arg8[%swap3A_949, %swap3A_950], %unpack3A_947 {strides = array<i32>} : memref<512x128xf32, #tpu.memory_space<vmem>>, vector<16xf32>,
      %swap3A_952 = arith.index_cast %add3A_861 : i32 to index
      %swap3A_953 = arith.constant 48 : index
      %swap3A_954 = tpu.vector_load %arg8[%swap3A_952, %swap3A_953] {strides = array<i32>} : memref<512x128xf32, #tpu.memory_space<vmem>>, vector<16xf32>,
      tpu.vector_store %arg8[%swap3A_952, %swap3A_953], %unpack3A_948 {strides = array<i32>} : memref<512x128xf32, #tpu.memory_space<vmem>>, vector<16xf32>,
      %mul3A_955 = arith.constant 256 : i32
      %mul3A_956 = arith.muli %sub3A_729, %mul3A_955 : i32
      %add3A_957 = arith.constant 64 : i32
      %add3A_958 = arith.addi %mul3A_956, %add3A_957 : i32
      %get3A_959 = arith.index_cast %add3A_958 : i32 to index
      %get3A_960 = tpu.vector_load %arg6[%get3A_959] {strides = array<i32>} : memref<102400xbf16, #tpu.memory_space<vmem>>, vector<32xbf16>,
      %mul3A_961 = arith.constant 256 : i32
      %mul3A_962 = arith.muli %add3A_734, %mul3A_961 : i32
      %add3A_963 = arith.constant 64 : i32
      %add3A_964 = arith.addi %mul3A_962, %add3A_963 : i32
      %get3A_965 = arith.index_cast %add3A_964 : i32 to index
      %get3A_966 = tpu.vector_load %arg6[%get3A_965] {strides = array<i32>} : memref<102400xbf16, #tpu.memory_space<vmem>>, vector<32xbf16>,
      %mul3A_967 = arith.constant 256 : i32
      %mul3A_968 = arith.muli %add3A_739, %mul3A_967 : i32
      %add3A_969 = arith.constant 64 : i32
      %add3A_970 = arith.addi %mul3A_968, %add3A_969 : i32
      %get3A_971 = arith.index_cast %add3A_970 : i32 to index
      %get3A_972 = tpu.vector_load %arg6[%get3A_971] {strides = array<i32>} : memref<102400xbf16, #tpu.memory_space<vmem>>, vector<32xbf16>,
      %mul3A_973 = arith.constant 256 : i32
      %mul3A_974 = arith.muli %add3A_741, %mul3A_973 : i32
      %add3A_975 = arith.constant 64 : i32
      %add3A_976 = arith.addi %mul3A_974, %add3A_975 : i32
      %get3A_977 = arith.index_cast %add3A_976 : i32 to index
      %get3A_978 = tpu.vector_load %arg6[%get3A_977] {strides = array<i32>} : memref<102400xbf16, #tpu.memory_space<vmem>>, vector<32xbf16>,
      %add3A_979 = arith.addf %get3A_793, %get3A_799 : vector<32xbf16>
      %add3A_980 = arith.addf %get3A_805, %get3A_811 : vector<32xbf16>
      %add3A_981 = arith.addf %add3A_979, %add3A_980 : vector<32xbf16>
      %unpack3A_982 = tpu.unpack_subelements %add3A_981, 0 {pack_format = #tpu.pack_format<interleaved>} : vector<32xbf16> -> vector<16xf32>
      %unpack3A_983 = tpu.unpack_subelements %add3A_981, 1 {pack_format = #tpu.pack_format<interleaved>} : vector<32xbf16> -> vector<16xf32>
      %swap3A_984 = arith.index_cast %add3A_861 : i32 to index
      %swap3A_985 = arith.constant 64 : index
      %swap3A_986 = tpu.vector_load %arg8[%swap3A_984, %swap3A_985] {strides = array<i32>} : memref<512x128xf32, #tpu.memory_space<vmem>>, vector<16xf32>,
      tpu.vector_store %arg8[%swap3A_984, %swap3A_985], %unpack3A_982 {strides = array<i32>} : memref<512x128xf32, #tpu.memory_space<vmem>>, vector<16xf32>,
      %swap3A_987 = arith.index_cast %add3A_861 : i32 to index
      %swap3A_988 = arith.constant 80 : index
      %swap3A_989 = tpu.vector_load %arg8[%swap3A_987, %swap3A_988] {strides = array<i32>} : memref<512x128xf32, #tpu.memory_space<vmem>>, vector<16xf32>,
      tpu.vector_store %arg8[%swap3A_987, %swap3A_988], %unpack3A_983 {strides = array<i32>} : memref<512x128xf32, #tpu.memory_space<vmem>>, vector<16xf32>,
      %mul3A_990 = arith.constant 256 : i32
      %mul3A_991 = arith.muli %sub3A_729, %mul3A_990 : i32
      %add3A_992 = arith.constant 96 : i32
      %add3A_993 = arith.addi %mul3A_991, %add3A_992 : i32
      %get3A_994 = arith.index_cast %add3A_993 : i32 to index
      %get3A_995 = tpu.vector_load %arg6[%get3A_994] {strides = array<i32>} : memref<102400xbf16, #tpu.memory_space<vmem>>, vector<32xbf16>,
      %mul3A_996 = arith.constant 256 : i32
      %mul3A_997 = arith.muli %add3A_734, %mul3A_996 : i32
      %add3A_998 = arith.constant 96 : i32
      %add3A_999 = arith.addi %mul3A_997, %add3A_998 : i32
      %get3A_1000 = arith.index_cast %add3A_999 : i32 to index
      %get3A_1001 = tpu.vector_load %arg6[%get3A_1000] {strides = array<i32>} : memref<102400xbf16, #tpu.memory_space<vmem>>, vector<32xbf16>,
      %mul3A_1002 = arith.constant 256 : i32
      %mul3A_1003 = arith.muli %add3A_739, %mul3A_1002 : i32
      %add3A_1004 = arith.constant 96 : i32
      %add3A_1005 = arith.addi %mul3A_1003, %add3A_1004 : i32
      %get3A_1006 = arith.index_cast %add3A_1005 : i32 to index
      %get3A_1007 = tpu.vector_load %arg6[%get3A_1006] {strides = array<i32>} : memref<102400xbf16, #tpu.memory_space<vmem>>, vector<32xbf16>,
      %mul3A_1008 = arith.constant 256 : i32
      %mul3A_1009 = arith.muli %add3A_741, %mul3A_1008 : i32
      %add3A_1010 = arith.constant 96 : i32
      %add3A_1011 = arith.addi %mul3A_1009, %add3A_1010 : i32
      %get3A_1012 = arith.index_cast %add3A_1011 : i32 to index
      %get3A_1013 = tpu.vector_load %arg6[%get3A_1012] {strides = array<i32>} : memref<102400xbf16, #tpu.memory_space<vmem>>, vector<32xbf16>,
      %add3A_1014 = arith.addf %get3A_828, %get3A_834 : vector<32xbf16>
      %add3A_1015 = arith.addf %get3A_840, %get3A_846 : vector<32xbf16>
      %add3A_1016 = arith.addf %add3A_1014, %add3A_1015 : vector<32xbf16>
      %unpack3A_1017 = tpu.unpack_subelements %add3A_1016, 0 {pack_format = #tpu.pack_format<interleaved>} : vector<32xbf16> -> vector<16xf32>
      %unpack3A_1018 = tpu.unpack_subelements %add3A_1016, 1 {pack_format = #tpu.pack_format<interleaved>} : vector<32xbf16> -> vector<16xf32>
      %swap3A_1019 = arith.index_cast %add3A_861 : i32 to index
      %swap3A_1020 = arith.constant 96 : index
      %swap3A_1021 = tpu.vector_load %arg8[%swap3A_1019, %swap3A_1020] {strides = array<i32>} : memref<512x128xf32, #tpu.memory_space<vmem>>, vector<16xf32>,
      tpu.vector_store %arg8[%swap3A_1019, %swap3A_1020], %unpack3A_1017 {strides = array<i32>} : memref<512x128xf32, #tpu.memory_space<vmem>>, vector<16xf32>,
      %swap3A_1022 = arith.index_cast %add3A_861 : i32 to index
      %swap3A_1023 = arith.constant 112 : index
      %swap3A_1024 = tpu.vector_load %arg8[%swap3A_1022, %swap3A_1023] {strides = array<i32>} : memref<512x128xf32, #tpu.memory_space<vmem>>, vector<16xf32>,
      tpu.vector_store %arg8[%swap3A_1022, %swap3A_1023], %unpack3A_1018 {strides = array<i32>} : memref<512x128xf32, #tpu.memory_space<vmem>>, vector<16xf32>,
      %mul3A_1025 = arith.constant 16 : i32
      %mul3A_1026 = arith.muli %scan3A_50, %mul3A_1025 : i32
      %add3A_1027 = arith.constant 5 : i32
      %add3A_1028 = arith.addi %mul3A_1026, %add3A_1027 : i32
      %mul3A_1029 = arith.constant 256 : i32
      %mul3A_1030 = arith.muli %sub3A_896, %mul3A_1029 : i32
      %add3A_1031 = arith.constant 0 : i32
      %add3A_1032 = arith.addi %mul3A_1030, %add3A_1031 : i32
      %get3A_1033 = arith.index_cast %add3A_1032 : i32 to index
      %get3A_1034 = tpu.vector_load %arg6[%get3A_1033] {strides = array<i32>} : memref<102400xbf16, #tpu.memory_space<vmem>>, vector<32xbf16>,
      %mul3A_1035 = arith.constant 256 : i32
      %mul3A_1036 = arith.muli %add3A_901, %mul3A_1035 : i32
      %add3A_1037 = arith.constant 0 : i32
      %add3A_1038 = arith.addi %mul3A_1036, %add3A_1037 : i32
      %get3A_1039 = arith.index_cast %add3A_1038 : i32 to index
      %get3A_1040 = tpu.vector_load %arg6[%get3A_1039] {strides = array<i32>} : memref<102400xbf16, #tpu.memory_space<vmem>>, vector<32xbf16>,
      %mul3A_1041 = arith.constant 256 : i32
      %mul3A_1042 = arith.muli %add3A_906, %mul3A_1041 : i32
      %add3A_1043 = arith.constant 0 : i32
      %add3A_1044 = arith.addi %mul3A_1042, %add3A_1043 : i32
      %get3A_1045 = arith.index_cast %add3A_1044 : i32 to index
      %get3A_1046 = tpu.vector_load %arg6[%get3A_1045] {strides = array<i32>} : memref<102400xbf16, #tpu.memory_space<vmem>>, vector<32xbf16>,
      %mul3A_1047 = arith.constant 256 : i32
      %mul3A_1048 = arith.muli %add3A_908, %mul3A_1047 : i32
      %add3A_1049 = arith.constant 0 : i32
      %add3A_1050 = arith.addi %mul3A_1048, %add3A_1049 : i32
      %get3A_1051 = arith.index_cast %add3A_1050 : i32 to index
      %get3A_1052 = tpu.vector_load %arg6[%get3A_1051] {strides = array<i32>} : memref<102400xbf16, #tpu.memory_space<vmem>>, vector<32xbf16>,
      %slice3A_1053 = vector.extract_strided_slice %get3A_53 {offsets = [7], sizes = [1], strides = [1]} : vector<16xi32> to vector<1xi32>
      %squeeze3A_1054 = vector.extract %slice3A_1053[0] : i32 from vector<1xi32>
      %div3A_1055 = arith.constant 100 : i32
      %div3A_1056 = arith.divsi %squeeze3A_1054, %div3A_1055 : i32
      %div3A_1057 = arith.constant 100 : i32
      %div3A_1058 = arith.divsi %div3A_1056, %div3A_1057 : i32
      %div3A_1059 = arith.constant 100 : i32
      %div3A_1060 = arith.divsi %div3A_1058, %div3A_1059 : i32
      %mul3A_1061 = arith.constant 100 : i32
      %mul3A_1062 = arith.muli %div3A_1056, %mul3A_1061 : i32
      %sub3A_1063 = arith.subi %squeeze3A_1054, %mul3A_1062 : i32
      %mul3A_1064 = arith.constant 100 : i32
      %mul3A_1065 = arith.muli %div3A_1058, %mul3A_1064 : i32
      %sub3A_1066 = arith.subi %div3A_1056, %mul3A_1065 : i32
      %add3A_1067 = arith.constant 100 : i32
      %add3A_1068 = arith.addi %sub3A_1066, %add3A_1067 : i32
      %mul3A_1069 = arith.constant 100 : i32
      %mul3A_1070 = arith.muli %div3A_1060, %mul3A_1069 : i32
      %sub3A_1071 = arith.subi %div3A_1058, %mul3A_1070 : i32
      %add3A_1072 = arith.constant 200 : i32
      %add3A_1073 = arith.addi %sub3A_1071, %add3A_1072 : i32
      %add3A_1074 = arith.constant 300 : i32
      %add3A_1075 = arith.addi %div3A_1060, %add3A_1074 : i32
      %add3A_1076 = arith.addf %get3A_867, %get3A_873 : vector<32xbf16>
      %add3A_1077 = arith.addf %get3A_879, %get3A_885 : vector<32xbf16>
      %add3A_1078 = arith.addf %add3A_1076, %add3A_1077 : vector<32xbf16>
      %unpack3A_1079 = tpu.unpack_subelements %add3A_1078, 0 {pack_format = #tpu.pack_format<interleaved>} : vector<32xbf16> -> vector<16xf32>
      %unpack3A_1080 = tpu.unpack_subelements %add3A_1078, 1 {pack_format = #tpu.pack_format<interleaved>} : vector<32xbf16> -> vector<16xf32>
      %swap3A_1081 = arith.index_cast %add3A_1028 : i32 to index
      %swap3A_1082 = arith.constant 0 : index
      %swap3A_1083 = tpu.vector_load %arg8[%swap3A_1081, %swap3A_1082] {strides = array<i32>} : memref<512x128xf32, #tpu.memory_space<vmem>>, vector<16xf32>,
      tpu.vector_store %arg8[%swap3A_1081, %swap3A_1082], %unpack3A_1079 {strides = array<i32>} : memref<512x128xf32, #tpu.memory_space<vmem>>, vector<16xf32>,
      %swap3A_1084 = arith.index_cast %add3A_1028 : i32 to index
      %swap3A_1085 = arith.constant 16 : index
      %swap3A_1086 = tpu.vector_load %arg8[%swap3A_1084, %swap3A_1085] {strides = array<i32>} : memref<512x128xf32, #tpu.memory_space<vmem>>, vector<16xf32>,
      tpu.vector_store %arg8[%swap3A_1084, %swap3A_1085], %unpack3A_1080 {strides = array<i32>} : memref<512x128xf32, #tpu.memory_space<vmem>>, vector<16xf32>,
      %mul3A_1087 = arith.constant 256 : i32
      %mul3A_1088 = arith.muli %sub3A_896, %mul3A_1087 : i32
      %add3A_1089 = arith.constant 32 : i32
      %add3A_1090 = arith.addi %mul3A_1088, %add3A_1089 : i32
      %get3A_1091 = arith.index_cast %add3A_1090 : i32 to index
      %get3A_1092 = tpu.vector_load %arg6[%get3A_1091] {strides = array<i32>} : memref<102400xbf16, #tpu.memory_space<vmem>>, vector<32xbf16>,
      %mul3A_1093 = arith.constant 256 : i32
      %mul3A_1094 = arith.muli %add3A_901, %mul3A_1093 : i32
      %add3A_1095 = arith.constant 32 : i32
      %add3A_1096 = arith.addi %mul3A_1094, %add3A_1095 : i32
      %get3A_1097 = arith.index_cast %add3A_1096 : i32 to index
      %get3A_1098 = tpu.vector_load %arg6[%get3A_1097] {strides = array<i32>} : memref<102400xbf16, #tpu.memory_space<vmem>>, vector<32xbf16>,
      %mul3A_1099 = arith.constant 256 : i32
      %mul3A_1100 = arith.muli %add3A_906, %mul3A_1099 : i32
      %add3A_1101 = arith.constant 32 : i32
      %add3A_1102 = arith.addi %mul3A_1100, %add3A_1101 : i32
      %get3A_1103 = arith.index_cast %add3A_1102 : i32 to index
      %get3A_1104 = tpu.vector_load %arg6[%get3A_1103] {strides = array<i32>} : memref<102400xbf16, #tpu.memory_space<vmem>>, vector<32xbf16>,
      %mul3A_1105 = arith.constant 256 : i32
      %mul3A_1106 = arith.muli %add3A_908, %mul3A_1105 : i32
      %add3A_1107 = arith.constant 32 : i32
      %add3A_1108 = arith.addi %mul3A_1106, %add3A_1107 : i32
      %get3A_1109 = arith.index_cast %add3A_1108 : i32 to index
      %get3A_1110 = tpu.vector_load %arg6[%get3A_1109] {strides = array<i32>} : memref<102400xbf16, #tpu.memory_space<vmem>>, vector<32xbf16>,
      %add3A_1111 = arith.addf %get3A_925, %get3A_931 : vector<32xbf16>
      %add3A_1112 = arith.addf %get3A_937, %get3A_943 : vector<32xbf16>
      %add3A_1113 = arith.addf %add3A_1111, %add3A_1112 : vector<32xbf16>
      %unpack3A_1114 = tpu.unpack_subelements %add3A_1113, 0 {pack_format = #tpu.pack_format<interleaved>} : vector<32xbf16> -> vector<16xf32>
      %unpack3A_1115 = tpu.unpack_subelements %add3A_1113, 1 {pack_format = #tpu.pack_format<interleaved>} : vector<32xbf16> -> vector<16xf32>
      %swap3A_1116 = arith.index_cast %add3A_1028 : i32 to index
      %swap3A_1117 = arith.constant 32 : index
      %swap3A_1118 = tpu.vector_load %arg8[%swap3A_1116, %swap3A_1117] {strides = array<i32>} : memref<512x128xf32, #tpu.memory_space<vmem>>, vector<16xf32>,
      tpu.vector_store %arg8[%swap3A_1116, %swap3A_1117], %unpack3A_1114 {strides = array<i32>} : memref<512x128xf32, #tpu.memory_space<vmem>>, vector<16xf32>,
      %swap3A_1119 = arith.index_cast %add3A_1028 : i32 to index
      %swap3A_1120 = arith.constant 48 : index
      %swap3A_1121 = tpu.vector_load %arg8[%swap3A_1119, %swap3A_1120] {strides = array<i32>} : memref<512x128xf32, #tpu.memory_space<vmem>>, vector<16xf32>,
      tpu.vector_store %arg8[%swap3A_1119, %swap3A_1120], %unpack3A_1115 {strides = array<i32>} : memref<512x128xf32, #tpu.memory_space<vmem>>, vector<16xf32>,
      %mul3A_1122 = arith.constant 256 : i32
      %mul3A_1123 = arith.muli %sub3A_896, %mul3A_1122 : i32
      %add3A_1124 = arith.constant 64 : i32
      %add3A_1125 = arith.addi %mul3A_1123, %add3A_1124 : i32
      %get3A_1126 = arith.index_cast %add3A_1125 : i32 to index
      %get3A_1127 = tpu.vector_load %arg6[%get3A_1126] {strides = array<i32>} : memref<102400xbf16, #tpu.memory_space<vmem>>, vector<32xbf16>,
      %mul3A_1128 = arith.constant 256 : i32
      %mul3A_1129 = arith.muli %add3A_901, %mul3A_1128 : i32
      %add3A_1130 = arith.constant 64 : i32
      %add3A_1131 = arith.addi %mul3A_1129, %add3A_1130 : i32
      %get3A_1132 = arith.index_cast %add3A_1131 : i32 to index
      %get3A_1133 = tpu.vector_load %arg6[%get3A_1132] {strides = array<i32>} : memref<102400xbf16, #tpu.memory_space<vmem>>, vector<32xbf16>,
      %mul3A_1134 = arith.constant 256 : i32
      %mul3A_1135 = arith.muli %add3A_906, %mul3A_1134 : i32
      %add3A_1136 = arith.constant 64 : i32
      %add3A_1137 = arith.addi %mul3A_1135, %add3A_1136 : i32
      %get3A_1138 = arith.index_cast %add3A_1137 : i32 to index
      %get3A_1139 = tpu.vector_load %arg6[%get3A_1138] {strides = array<i32>} : memref<102400xbf16, #tpu.memory_space<vmem>>, vector<32xbf16>,
      %mul3A_1140 = arith.constant 256 : i32
      %mul3A_1141 = arith.muli %add3A_908, %mul3A_1140 : i32
      %add3A_1142 = arith.constant 64 : i32
      %add3A_1143 = arith.addi %mul3A_1141, %add3A_1142 : i32
      %get3A_1144 = arith.index_cast %add3A_1143 : i32 to index
      %get3A_1145 = tpu.vector_load %arg6[%get3A_1144] {strides = array<i32>} : memref<102400xbf16, #tpu.memory_space<vmem>>, vector<32xbf16>,
      %add3A_1146 = arith.addf %get3A_960, %get3A_966 : vector<32xbf16>
      %add3A_1147 = arith.addf %get3A_972, %get3A_978 : vector<32xbf16>
      %add3A_1148 = arith.addf %add3A_1146, %add3A_1147 : vector<32xbf16>
      %unpack3A_1149 = tpu.unpack_subelements %add3A_1148, 0 {pack_format = #tpu.pack_format<interleaved>} : vector<32xbf16> -> vector<16xf32>
      %unpack3A_1150 = tpu.unpack_subelements %add3A_1148, 1 {pack_format = #tpu.pack_format<interleaved>} : vector<32xbf16> -> vector<16xf32>
      %swap3A_1151 = arith.index_cast %add3A_1028 : i32 to index
      %swap3A_1152 = arith.constant 64 : index
      %swap3A_1153 = tpu.vector_load %arg8[%swap3A_1151, %swap3A_1152] {strides = array<i32>} : memref<512x128xf32, #tpu.memory_space<vmem>>, vector<16xf32>,
      tpu.vector_store %arg8[%swap3A_1151, %swap3A_1152], %unpack3A_1149 {strides = array<i32>} : memref<512x128xf32, #tpu.memory_space<vmem>>, vector<16xf32>,
      %swap3A_1154 = arith.index_cast %add3A_1028 : i32 to index
      %swap3A_1155 = arith.constant 80 : index
      %swap3A_1156 = tpu.vector_load %arg8[%swap3A_1154, %swap3A_1155] {strides = array<i32>} : memref<512x128xf32, #tpu.memory_space<vmem>>, vector<16xf32>,
      tpu.vector_store %arg8[%swap3A_1154, %swap3A_1155], %unpack3A_1150 {strides = array<i32>} : memref<512x128xf32, #tpu.memory_space<vmem>>, vector<16xf32>,
      %mul3A_1157 = arith.constant 256 : i32
      %mul3A_1158 = arith.muli %sub3A_896, %mul3A_1157 : i32
      %add3A_1159 = arith.constant 96 : i32
      %add3A_1160 = arith.addi %mul3A_1158, %add3A_1159 : i32
      %get3A_1161 = arith.index_cast %add3A_1160 : i32 to index
      %get3A_1162 = tpu.vector_load %arg6[%get3A_1161] {strides = array<i32>} : memref<102400xbf16, #tpu.memory_space<vmem>>, vector<32xbf16>,
      %mul3A_1163 = arith.constant 256 : i32
      %mul3A_1164 = arith.muli %add3A_901, %mul3A_1163 : i32
      %add3A_1165 = arith.constant 96 : i32
      %add3A_1166 = arith.addi %mul3A_1164, %add3A_1165 : i32
      %get3A_1167 = arith.index_cast %add3A_1166 : i32 to index
      %get3A_1168 = tpu.vector_load %arg6[%get3A_1167] {strides = array<i32>} : memref<102400xbf16, #tpu.memory_space<vmem>>, vector<32xbf16>,
      %mul3A_1169 = arith.constant 256 : i32
      %mul3A_1170 = arith.muli %add3A_906, %mul3A_1169 : i32
      %add3A_1171 = arith.constant 96 : i32
      %add3A_1172 = arith.addi %mul3A_1170, %add3A_1171 : i32
      %get3A_1173 = arith.index_cast %add3A_1172 : i32 to index
      %get3A_1174 = tpu.vector_load %arg6[%get3A_1173] {strides = array<i32>} : memref<102400xbf16, #tpu.memory_space<vmem>>, vector<32xbf16>,
      %mul3A_1175 = arith.constant 256 : i32
      %mul3A_1176 = arith.muli %add3A_908, %mul3A_1175 : i32
      %add3A_1177 = arith.constant 96 : i32
      %add3A_1178 = arith.addi %mul3A_1176, %add3A_1177 : i32
      %get3A_1179 = arith.index_cast %add3A_1178 : i32 to index
      %get3A_1180 = tpu.vector_load %arg6[%get3A_1179] {strides = array<i32>} : memref<102400xbf16, #tpu.memory_space<vmem>>, vector<32xbf16>,
      %add3A_1181 = arith.addf %get3A_995, %get3A_1001 : vector<32xbf16>
      %add3A_1182 = arith.addf %get3A_1007, %get3A_1013 : vector<32xbf16>
      %add3A_1183 = arith.addf %add3A_1181, %add3A_1182 : vector<32xbf16>
      %unpack3A_1184 = tpu.unpack_subelements %add3A_1183, 0 {pack_format = #tpu.pack_format<interleaved>} : vector<32xbf16> -> vector<16xf32>
      %unpack3A_1185 = tpu.unpack_subelements %add3A_1183, 1 {pack_format = #tpu.pack_format<interleaved>} : vector<32xbf16> -> vector<16xf32>
      %swap3A_1186 = arith.index_cast %add3A_1028 : i32 to index
      %swap3A_1187 = arith.constant 96 : index
      %swap3A_1188 = tpu.vector_load %arg8[%swap3A_1186, %swap3A_1187] {strides = array<i32>} : memref<512x128xf32, #tpu.memory_space<vmem>>, vector<16xf32>,
      tpu.vector_store %arg8[%swap3A_1186, %swap3A_1187], %unpack3A_1184 {strides = array<i32>} : memref<512x128xf32, #tpu.memory_space<vmem>>, vector<16xf32>,
      %swap3A_1189 = arith.index_cast %add3A_1028 : i32 to index
      %swap3A_1190 = arith.constant 112 : index
      %swap3A_1191 = tpu.vector_load %arg8[%swap3A_1189, %swap3A_1190] {strides = array<i32>} : memref<512x128xf32, #tpu.memory_space<vmem>>, vector<16xf32>,
      tpu.vector_store %arg8[%swap3A_1189, %swap3A_1190], %unpack3A_1185 {strides = array<i32>} : memref<512x128xf32, #tpu.memory_space<vmem>>, vector<16xf32>,
      %mul3A_1192 = arith.constant 16 : i32
      %mul3A_1193 = arith.muli %scan3A_50, %mul3A_1192 : i32
      %add3A_1194 = arith.constant 6 : i32
      %add3A_1195 = arith.addi %mul3A_1193, %add3A_1194 : i32
      %mul3A_1196 = arith.constant 256 : i32
      %mul3A_1197 = arith.muli %sub3A_1063, %mul3A_1196 : i32
      %add3A_1198 = arith.constant 0 : i32
      %add3A_1199 = arith.addi %mul3A_1197, %add3A_1198 : i32
      %get3A_1200 = arith.index_cast %add3A_1199 : i32 to index
      %get3A_1201 = tpu.vector_load %arg6[%get3A_1200] {strides = array<i32>} : memref<102400xbf16, #tpu.memory_space<vmem>>, vector<32xbf16>,
      %mul3A_1202 = arith.constant 256 : i32
      %mul3A_1203 = arith.muli %add3A_1068, %mul3A_1202 : i32
      %add3A_1204 = arith.constant 0 : i32
      %add3A_1205 = arith.addi %mul3A_1203, %add3A_1204 : i32
      %get3A_1206 = arith.index_cast %add3A_1205 : i32 to index
      %get3A_1207 = tpu.vector_load %arg6[%get3A_1206] {strides = array<i32>} : memref<102400xbf16, #tpu.memory_space<vmem>>, vector<32xbf16>,
      %mul3A_1208 = arith.constant 256 : i32
      %mul3A_1209 = arith.muli %add3A_1073, %mul3A_1208 : i32
      %add3A_1210 = arith.constant 0 : i32
      %add3A_1211 = arith.addi %mul3A_1209, %add3A_1210 : i32
      %get3A_1212 = arith.index_cast %add3A_1211 : i32 to index
      %get3A_1213 = tpu.vector_load %arg6[%get3A_1212] {strides = array<i32>} : memref<102400xbf16, #tpu.memory_space<vmem>>, vector<32xbf16>,
      %mul3A_1214 = arith.constant 256 : i32
      %mul3A_1215 = arith.muli %add3A_1075, %mul3A_1214 : i32
      %add3A_1216 = arith.constant 0 : i32
      %add3A_1217 = arith.addi %mul3A_1215, %add3A_1216 : i32
      %get3A_1218 = arith.index_cast %add3A_1217 : i32 to index
      %get3A_1219 = tpu.vector_load %arg6[%get3A_1218] {strides = array<i32>} : memref<102400xbf16, #tpu.memory_space<vmem>>, vector<32xbf16>,
      %slice3A_1220 = vector.extract_strided_slice %get3A_53 {offsets = [8], sizes = [1], strides = [1]} : vector<16xi32> to vector<1xi32>
      %squeeze3A_1221 = vector.extract %slice3A_1220[0] : i32 from vector<1xi32>
      %div3A_1222 = arith.constant 100 : i32
      %div3A_1223 = arith.divsi %squeeze3A_1221, %div3A_1222 : i32
      %div3A_1224 = arith.constant 100 : i32
      %div3A_1225 = arith.divsi %div3A_1223, %div3A_1224 : i32
      %div3A_1226 = arith.constant 100 : i32
      %div3A_1227 = arith.divsi %div3A_1225, %div3A_1226 : i32
      %mul3A_1228 = arith.constant 100 : i32
      %mul3A_1229 = arith.muli %div3A_1223, %mul3A_1228 : i32
      %sub3A_1230 = arith.subi %squeeze3A_1221, %mul3A_1229 : i32
      %mul3A_1231 = arith.constant 100 : i32
      %mul3A_1232 = arith.muli %div3A_1225, %mul3A_1231 : i32
      %sub3A_1233 = arith.subi %div3A_1223, %mul3A_1232 : i32
      %add3A_1234 = arith.constant 100 : i32
      %add3A_1235 = arith.addi %sub3A_1233, %add3A_1234 : i32
      %mul3A_1236 = arith.constant 100 : i32
      %mul3A_1237 = arith.muli %div3A_1227, %mul3A_1236 : i32
      %sub3A_1238 = arith.subi %div3A_1225, %mul3A_1237 : i32
      %add3A_1239 = arith.constant 200 : i32
      %add3A_1240 = arith.addi %sub3A_1238, %add3A_1239 : i32
      %add3A_1241 = arith.constant 300 : i32
      %add3A_1242 = arith.addi %div3A_1227, %add3A_1241 : i32
      %add3A_1243 = arith.addf %get3A_1034, %get3A_1040 : vector<32xbf16>
      %add3A_1244 = arith.addf %get3A_1046, %get3A_1052 : vector<32xbf16>
      %add3A_1245 = arith.addf %add3A_1243, %add3A_1244 : vector<32xbf16>
      %unpack3A_1246 = tpu.unpack_subelements %add3A_1245, 0 {pack_format = #tpu.pack_format<interleaved>} : vector<32xbf16> -> vector<16xf32>
      %unpack3A_1247 = tpu.unpack_subelements %add3A_1245, 1 {pack_format = #tpu.pack_format<interleaved>} : vector<32xbf16> -> vector<16xf32>
      %swap3A_1248 = arith.index_cast %add3A_1195 : i32 to index
      %swap3A_1249 = arith.constant 0 : index
      %swap3A_1250 = tpu.vector_load %arg8[%swap3A_1248, %swap3A_1249] {strides = array<i32>} : memref<512x128xf32, #tpu.memory_space<vmem>>, vector<16xf32>,
      tpu.vector_store %arg8[%swap3A_1248, %swap3A_1249], %unpack3A_1246 {strides = array<i32>} : memref<512x128xf32, #tpu.memory_space<vmem>>, vector<16xf32>,
      %swap3A_1251 = arith.index_cast %add3A_1195 : i32 to index
      %swap3A_1252 = arith.constant 16 : index
      %swap3A_1253 = tpu.vector_load %arg8[%swap3A_1251, %swap3A_1252] {strides = array<i32>} : memref<512x128xf32, #tpu.memory_space<vmem>>, vector<16xf32>,
      tpu.vector_store %arg8[%swap3A_1251, %swap3A_1252], %unpack3A_1247 {strides = array<i32>} : memref<512x128xf32, #tpu.memory_space<vmem>>, vector<16xf32>,
      %mul3A_1254 = arith.constant 256 : i32
      %mul3A_1255 = arith.muli %sub3A_1063, %mul3A_1254 : i32
      %add3A_1256 = arith.constant 32 : i32
      %add3A_1257 = arith.addi %mul3A_1255, %add3A_1256 : i32
      %get3A_1258 = arith.index_cast %add3A_1257 : i32 to index
      %get3A_1259 = tpu.vector_load %arg6[%get3A_1258] {strides = array<i32>} : memref<102400xbf16, #tpu.memory_space<vmem>>, vector<32xbf16>,
      %mul3A_1260 = arith.constant 256 : i32
      %mul3A_1261 = arith.muli %add3A_1068, %mul3A_1260 : i32
      %add3A_1262 = arith.constant 32 : i32
      %add3A_1263 = arith.addi %mul3A_1261, %add3A_1262 : i32
      %get3A_1264 = arith.index_cast %add3A_1263 : i32 to index
      %get3A_1265 = tpu.vector_load %arg6[%get3A_1264] {strides = array<i32>} : memref<102400xbf16, #tpu.memory_space<vmem>>, vector<32xbf16>,
      %mul3A_1266 = arith.constant 256 : i32
      %mul3A_1267 = arith.muli %add3A_1073, %mul3A_1266 : i32
      %add3A_1268 = arith.constant 32 : i32
      %add3A_1269 = arith.addi %mul3A_1267, %add3A_1268 : i32
      %get3A_1270 = arith.index_cast %add3A_1269 : i32 to index
      %get3A_1271 = tpu.vector_load %arg6[%get3A_1270] {strides = array<i32>} : memref<102400xbf16, #tpu.memory_space<vmem>>, vector<32xbf16>,
      %mul3A_1272 = arith.constant 256 : i32
      %mul3A_1273 = arith.muli %add3A_1075, %mul3A_1272 : i32
      %add3A_1274 = arith.constant 32 : i32
      %add3A_1275 = arith.addi %mul3A_1273, %add3A_1274 : i32
      %get3A_1276 = arith.index_cast %add3A_1275 : i32 to index
      %get3A_1277 = tpu.vector_load %arg6[%get3A_1276] {strides = array<i32>} : memref<102400xbf16, #tpu.memory_space<vmem>>, vector<32xbf16>,
      %add3A_1278 = arith.addf %get3A_1092, %get3A_1098 : vector<32xbf16>
      %add3A_1279 = arith.addf %get3A_1104, %get3A_1110 : vector<32xbf16>
      %add3A_1280 = arith.addf %add3A_1278, %add3A_1279 : vector<32xbf16>
      %unpack3A_1281 = tpu.unpack_subelements %add3A_1280, 0 {pack_format = #tpu.pack_format<interleaved>} : vector<32xbf16> -> vector<16xf32>
      %unpack3A_1282 = tpu.unpack_subelements %add3A_1280, 1 {pack_format = #tpu.pack_format<interleaved>} : vector<32xbf16> -> vector<16xf32>
      %swap3A_1283 = arith.index_cast %add3A_1195 : i32 to index
      %swap3A_1284 = arith.constant 32 : index
      %swap3A_1285 = tpu.vector_load %arg8[%swap3A_1283, %swap3A_1284] {strides = array<i32>} : memref<512x128xf32, #tpu.memory_space<vmem>>, vector<16xf32>,
      tpu.vector_store %arg8[%swap3A_1283, %swap3A_1284], %unpack3A_1281 {strides = array<i32>} : memref<512x128xf32, #tpu.memory_space<vmem>>, vector<16xf32>,
      %swap3A_1286 = arith.index_cast %add3A_1195 : i32 to index
      %swap3A_1287 = arith.constant 48 : index
      %swap3A_1288 = tpu.vector_load %arg8[%swap3A_1286, %swap3A_1287] {strides = array<i32>} : memref<512x128xf32, #tpu.memory_space<vmem>>, vector<16xf32>,
      tpu.vector_store %arg8[%swap3A_1286, %swap3A_1287], %unpack3A_1282 {strides = array<i32>} : memref<512x128xf32, #tpu.memory_space<vmem>>, vector<16xf32>,
      %mul3A_1289 = arith.constant 256 : i32
      %mul3A_1290 = arith.muli %sub3A_1063, %mul3A_1289 : i32
      %add3A_1291 = arith.constant 64 : i32
      %add3A_1292 = arith.addi %mul3A_1290, %add3A_1291 : i32
      %get3A_1293 = arith.index_cast %add3A_1292 : i32 to index
      %get3A_1294 = tpu.vector_load %arg6[%get3A_1293] {strides = array<i32>} : memref<102400xbf16, #tpu.memory_space<vmem>>, vector<32xbf16>,
      %mul3A_1295 = arith.constant 256 : i32
      %mul3A_1296 = arith.muli %add3A_1068, %mul3A_1295 : i32
      %add3A_1297 = arith.constant 64 : i32
      %add3A_1298 = arith.addi %mul3A_1296, %add3A_1297 : i32
      %get3A_1299 = arith.index_cast %add3A_1298 : i32 to index
      %get3A_1300 = tpu.vector_load %arg6[%get3A_1299] {strides = array<i32>} : memref<102400xbf16, #tpu.memory_space<vmem>>, vector<32xbf16>,
      %mul3A_1301 = arith.constant 256 : i32
      %mul3A_1302 = arith.muli %add3A_1073, %mul3A_1301 : i32
      %add3A_1303 = arith.constant 64 : i32
      %add3A_1304 = arith.addi %mul3A_1302, %add3A_1303 : i32
      %get3A_1305 = arith.index_cast %add3A_1304 : i32 to index
      %get3A_1306 = tpu.vector_load %arg6[%get3A_1305] {strides = array<i32>} : memref<102400xbf16, #tpu.memory_space<vmem>>, vector<32xbf16>,
      %mul3A_1307 = arith.constant 256 : i32
      %mul3A_1308 = arith.muli %add3A_1075, %mul3A_1307 : i32
      %add3A_1309 = arith.constant 64 : i32
      %add3A_1310 = arith.addi %mul3A_1308, %add3A_1309 : i32
      %get3A_1311 = arith.index_cast %add3A_1310 : i32 to index
      %get3A_1312 = tpu.vector_load %arg6[%get3A_1311] {strides = array<i32>} : memref<102400xbf16, #tpu.memory_space<vmem>>, vector<32xbf16>,
      %add3A_1313 = arith.addf %get3A_1127, %get3A_1133 : vector<32xbf16>
      %add3A_1314 = arith.addf %get3A_1139, %get3A_1145 : vector<32xbf16>
      %add3A_1315 = arith.addf %add3A_1313, %add3A_1314 : vector<32xbf16>
      %unpack3A_1316 = tpu.unpack_subelements %add3A_1315, 0 {pack_format = #tpu.pack_format<interleaved>} : vector<32xbf16> -> vector<16xf32>
      %unpack3A_1317 = tpu.unpack_subelements %add3A_1315, 1 {pack_format = #tpu.pack_format<interleaved>} : vector<32xbf16> -> vector<16xf32>
      %swap3A_1318 = arith.index_cast %add3A_1195 : i32 to index
      %swap3A_1319 = arith.constant 64 : index
      %swap3A_1320 = tpu.vector_load %arg8[%swap3A_1318, %swap3A_1319] {strides = array<i32>} : memref<512x128xf32, #tpu.memory_space<vmem>>, vector<16xf32>,
      tpu.vector_store %arg8[%swap3A_1318, %swap3A_1319], %unpack3A_1316 {strides = array<i32>} : memref<512x128xf32, #tpu.memory_space<vmem>>, vector<16xf32>,
      %swap3A_1321 = arith.index_cast %add3A_1195 : i32 to index
      %swap3A_1322 = arith.constant 80 : index
      %swap3A_1323 = tpu.vector_load %arg8[%swap3A_1321, %swap3A_1322] {strides = array<i32>} : memref<512x128xf32, #tpu.memory_space<vmem>>, vector<16xf32>,
      tpu.vector_store %arg8[%swap3A_1321, %swap3A_1322], %unpack3A_1317 {strides = array<i32>} : memref<512x128xf32, #tpu.memory_space<vmem>>, vector<16xf32>,
      %mul3A_1324 = arith.constant 256 : i32
      %mul3A_1325 = arith.muli %sub3A_1063, %mul3A_1324 : i32
      %add3A_1326 = arith.constant 96 : i32
      %add3A_1327 = arith.addi %mul3A_1325, %add3A_1326 : i32
      %get3A_1328 = arith.index_cast %add3A_1327 : i32 to index
      %get3A_1329 = tpu.vector_load %arg6[%get3A_1328] {strides = array<i32>} : memref<102400xbf16, #tpu.memory_space<vmem>>, vector<32xbf16>,
      %mul3A_1330 = arith.constant 256 : i32
      %mul3A_1331 = arith.muli %add3A_1068, %mul3A_1330 : i32
      %add3A_1332 = arith.constant 96 : i32
      %add3A_1333 = arith.addi %mul3A_1331, %add3A_1332 : i32
      %get3A_1334 = arith.index_cast %add3A_1333 : i32 to index
      %get3A_1335 = tpu.vector_load %arg6[%get3A_1334] {strides = array<i32>} : memref<102400xbf16, #tpu.memory_space<vmem>>, vector<32xbf16>,
      %mul3A_1336 = arith.constant 256 : i32
      %mul3A_1337 = arith.muli %add3A_1073, %mul3A_1336 : i32
      %add3A_1338 = arith.constant 96 : i32
      %add3A_1339 = arith.addi %mul3A_1337, %add3A_1338 : i32
      %get3A_1340 = arith.index_cast %add3A_1339 : i32 to index
      %get3A_1341 = tpu.vector_load %arg6[%get3A_1340] {strides = array<i32>} : memref<102400xbf16, #tpu.memory_space<vmem>>, vector<32xbf16>,
      %mul3A_1342 = arith.constant 256 : i32
      %mul3A_1343 = arith.muli %add3A_1075, %mul3A_1342 : i32
      %add3A_1344 = arith.constant 96 : i32
      %add3A_1345 = arith.addi %mul3A_1343, %add3A_1344 : i32
      %get3A_1346 = arith.index_cast %add3A_1345 : i32 to index
      %get3A_1347 = tpu.vector_load %arg6[%get3A_1346] {strides = array<i32>} : memref<102400xbf16, #tpu.memory_space<vmem>>, vector<32xbf16>,
      %add3A_1348 = arith.addf %get3A_1162, %get3A_1168 : vector<32xbf16>
      %add3A_1349 = arith.addf %get3A_1174, %get3A_1180 : vector<32xbf16>
      %add3A_1350 = arith.addf %add3A_1348, %add3A_1349 : vector<32xbf16>
      %unpack3A_1351 = tpu.unpack_subelements %add3A_1350, 0 {pack_format = #tpu.pack_format<interleaved>} : vector<32xbf16> -> vector<16xf32>
      %unpack3A_1352 = tpu.unpack_subelements %add3A_1350, 1 {pack_format = #tpu.pack_format<interleaved>} : vector<32xbf16> -> vector<16xf32>
      %swap3A_1353 = arith.index_cast %add3A_1195 : i32 to index
      %swap3A_1354 = arith.constant 96 : index
      %swap3A_1355 = tpu.vector_load %arg8[%swap3A_1353, %swap3A_1354] {strides = array<i32>} : memref<512x128xf32, #tpu.memory_space<vmem>>, vector<16xf32>,
      tpu.vector_store %arg8[%swap3A_1353, %swap3A_1354], %unpack3A_1351 {strides = array<i32>} : memref<512x128xf32, #tpu.memory_space<vmem>>, vector<16xf32>,
      %swap3A_1356 = arith.index_cast %add3A_1195 : i32 to index
      %swap3A_1357 = arith.constant 112 : index
      %swap3A_1358 = tpu.vector_load %arg8[%swap3A_1356, %swap3A_1357] {strides = array<i32>} : memref<512x128xf32, #tpu.memory_space<vmem>>, vector<16xf32>,
      tpu.vector_store %arg8[%swap3A_1356, %swap3A_1357], %unpack3A_1352 {strides = array<i32>} : memref<512x128xf32, #tpu.memory_space<vmem>>, vector<16xf32>,
      %mul3A_1359 = arith.constant 16 : i32
      %mul3A_1360 = arith.muli %scan3A_50, %mul3A_1359 : i32
      %add3A_1361 = arith.constant 7 : i32
      %add3A_1362 = arith.addi %mul3A_1360, %add3A_1361 : i32
      %mul3A_1363 = arith.constant 256 : i32
      %mul3A_1364 = arith.muli %sub3A_1230, %mul3A_1363 : i32
      %add3A_1365 = arith.constant 0 : i32
      %add3A_1366 = arith.addi %mul3A_1364, %add3A_1365 : i32
      %get3A_1367 = arith.index_cast %add3A_1366 : i32 to index
      %get3A_1368 = tpu.vector_load %arg6[%get3A_1367] {strides = array<i32>} : memref<102400xbf16, #tpu.memory_space<vmem>>, vector<32xbf16>,
      %mul3A_1369 = arith.constant 256 : i32
      %mul3A_1370 = arith.muli %add3A_1235, %mul3A_1369 : i32
      %add3A_1371 = arith.constant 0 : i32
      %add3A_1372 = arith.addi %mul3A_1370, %add3A_1371 : i32
      %get3A_1373 = arith.index_cast %add3A_1372 : i32 to index
      %get3A_1374 = tpu.vector_load %arg6[%get3A_1373] {strides = array<i32>} : memref<102400xbf16, #tpu.memory_space<vmem>>, vector<32xbf16>,
      %mul3A_1375 = arith.constant 256 : i32
      %mul3A_1376 = arith.muli %add3A_1240, %mul3A_1375 : i32
      %add3A_1377 = arith.constant 0 : i32
      %add3A_1378 = arith.addi %mul3A_1376, %add3A_1377 : i32
      %get3A_1379 = arith.index_cast %add3A_1378 : i32 to index
      %get3A_1380 = tpu.vector_load %arg6[%get3A_1379] {strides = array<i32>} : memref<102400xbf16, #tpu.memory_space<vmem>>, vector<32xbf16>,
      %mul3A_1381 = arith.constant 256 : i32
      %mul3A_1382 = arith.muli %add3A_1242, %mul3A_1381 : i32
      %add3A_1383 = arith.constant 0 : i32
      %add3A_1384 = arith.addi %mul3A_1382, %add3A_1383 : i32
      %get3A_1385 = arith.index_cast %add3A_1384 : i32 to index
      %get3A_1386 = tpu.vector_load %arg6[%get3A_1385] {strides = array<i32>} : memref<102400xbf16, #tpu.memory_space<vmem>>, vector<32xbf16>,
      %slice3A_1387 = vector.extract_strided_slice %get3A_53 {offsets = [9], sizes = [1], strides = [1]} : vector<16xi32> to vector<1xi32>
      %squeeze3A_1388 = vector.extract %slice3A_1387[0] : i32 from vector<1xi32>
      %div3A_1389 = arith.constant 100 : i32
      %div3A_1390 = arith.divsi %squeeze3A_1388, %div3A_1389 : i32
      %div3A_1391 = arith.constant 100 : i32
      %div3A_1392 = arith.divsi %div3A_1390, %div3A_1391 : i32
      %div3A_1393 = arith.constant 100 : i32
      %div3A_1394 = arith.divsi %div3A_1392, %div3A_1393 : i32
      %mul3A_1395 = arith.constant 100 : i32
      %mul3A_1396 = arith.muli %div3A_1390, %mul3A_1395 : i32
      %sub3A_1397 = arith.subi %squeeze3A_1388, %mul3A_1396 : i32
      %mul3A_1398 = arith.constant 100 : i32
      %mul3A_1399 = arith.muli %div3A_1392, %mul3A_1398 : i32
      %sub3A_1400 = arith.subi %div3A_1390, %mul3A_1399 : i32
      %add3A_1401 = arith.constant 100 : i32
      %add3A_1402 = arith.addi %sub3A_1400, %add3A_1401 : i32
      %mul3A_1403 = arith.constant 100 : i32
      %mul3A_1404 = arith.muli %div3A_1394, %mul3A_1403 : i32
      %sub3A_1405 = arith.subi %div3A_1392, %mul3A_1404 : i32
      %add3A_1406 = arith.constant 200 : i32
      %add3A_1407 = arith.addi %sub3A_1405, %add3A_1406 : i32
      %add3A_1408 = arith.constant 300 : i32
      %add3A_1409 = arith.addi %div3A_1394, %add3A_1408 : i32
      %add3A_1410 = arith.addf %get3A_1201, %get3A_1207 : vector<32xbf16>
      %add3A_1411 = arith.addf %get3A_1213, %get3A_1219 : vector<32xbf16>
      %add3A_1412 = arith.addf %add3A_1410, %add3A_1411 : vector<32xbf16>
      %unpack3A_1413 = tpu.unpack_subelements %add3A_1412, 0 {pack_format = #tpu.pack_format<interleaved>} : vector<32xbf16> -> vector<16xf32>
      %unpack3A_1414 = tpu.unpack_subelements %add3A_1412, 1 {pack_format = #tpu.pack_format<interleaved>} : vector<32xbf16> -> vector<16xf32>
      %swap3A_1415 = arith.index_cast %add3A_1362 : i32 to index
      %swap3A_1416 = arith.constant 0 : index
      %swap3A_1417 = tpu.vector_load %arg8[%swap3A_1415, %swap3A_1416] {strides = array<i32>} : memref<512x128xf32, #tpu.memory_space<vmem>>, vector<16xf32>,
      tpu.vector_store %arg8[%swap3A_1415, %swap3A_1416], %unpack3A_1413 {strides = array<i32>} : memref<512x128xf32, #tpu.memory_space<vmem>>, vector<16xf32>,
      %swap3A_1418 = arith.index_cast %add3A_1362 : i32 to index
      %swap3A_1419 = arith.constant 16 : index
      %swap3A_1420 = tpu.vector_load %arg8[%swap3A_1418, %swap3A_1419] {strides = array<i32>} : memref<512x128xf32, #tpu.memory_space<vmem>>, vector<16xf32>,
      tpu.vector_store %arg8[%swap3A_1418, %swap3A_1419], %unpack3A_1414 {strides = array<i32>} : memref<512x128xf32, #tpu.memory_space<vmem>>, vector<16xf32>,
      %mul3A_1421 = arith.constant 256 : i32
      %mul3A_1422 = arith.muli %sub3A_1230, %mul3A_1421 : i32
      %add3A_1423 = arith.constant 32 : i32
      %add3A_1424 = arith.addi %mul3A_1422, %add3A_1423 : i32
      %get3A_1425 = arith.index_cast %add3A_1424 : i32 to index
      %get3A_1426 = tpu.vector_load %arg6[%get3A_1425] {strides = array<i32>} : memref<102400xbf16, #tpu.memory_space<vmem>>, vector<32xbf16>,
      %mul3A_1427 = arith.constant 256 : i32
      %mul3A_1428 = arith.muli %add3A_1235, %mul3A_1427 : i32
      %add3A_1429 = arith.constant 32 : i32
      %add3A_1430 = arith.addi %mul3A_1428, %add3A_1429 : i32
      %get3A_1431 = arith.index_cast %add3A_1430 : i32 to index
      %get3A_1432 = tpu.vector_load %arg6[%get3A_1431] {strides = array<i32>} : memref<102400xbf16, #tpu.memory_space<vmem>>, vector<32xbf16>,
      %mul3A_1433 = arith.constant 256 : i32
      %mul3A_1434 = arith.muli %add3A_1240, %mul3A_1433 : i32
      %add3A_1435 = arith.constant 32 : i32
      %add3A_1436 = arith.addi %mul3A_1434, %add3A_1435 : i32
      %get3A_1437 = arith.index_cast %add3A_1436 : i32 to index
      %get3A_1438 = tpu.vector_load %arg6[%get3A_1437] {strides = array<i32>} : memref<102400xbf16, #tpu.memory_space<vmem>>, vector<32xbf16>,
      %mul3A_1439 = arith.constant 256 : i32
      %mul3A_1440 = arith.muli %add3A_1242, %mul3A_1439 : i32
      %add3A_1441 = arith.constant 32 : i32
      %add3A_1442 = arith.addi %mul3A_1440, %add3A_1441 : i32
      %get3A_1443 = arith.index_cast %add3A_1442 : i32 to index
      %get3A_1444 = tpu.vector_load %arg6[%get3A_1443] {strides = array<i32>} : memref<102400xbf16, #tpu.memory_space<vmem>>, vector<32xbf16>,
      %add3A_1445 = arith.addf %get3A_1259, %get3A_1265 : vector<32xbf16>
      %add3A_1446 = arith.addf %get3A_1271, %get3A_1277 : vector<32xbf16>
      %add3A_1447 = arith.addf %add3A_1445, %add3A_1446 : vector<32xbf16>
      %unpack3A_1448 = tpu.unpack_subelements %add3A_1447, 0 {pack_format = #tpu.pack_format<interleaved>} : vector<32xbf16> -> vector<16xf32>
      %unpack3A_1449 = tpu.unpack_subelements %add3A_1447, 1 {pack_format = #tpu.pack_format<interleaved>} : vector<32xbf16> -> vector<16xf32>
      %swap3A_1450 = arith.index_cast %add3A_1362 : i32 to index
      %swap3A_1451 = arith.constant 32 : index
      %swap3A_1452 = tpu.vector_load %arg8[%swap3A_1450, %swap3A_1451] {strides = array<i32>} : memref<512x128xf32, #tpu.memory_space<vmem>>, vector<16xf32>,
      tpu.vector_store %arg8[%swap3A_1450, %swap3A_1451], %unpack3A_1448 {strides = array<i32>} : memref<512x128xf32, #tpu.memory_space<vmem>>, vector<16xf32>,
      %swap3A_1453 = arith.index_cast %add3A_1362 : i32 to index
      %swap3A_1454 = arith.constant 48 : index
      %swap3A_1455 = tpu.vector_load %arg8[%swap3A_1453, %swap3A_1454] {strides = array<i32>} : memref<512x128xf32, #tpu.memory_space<vmem>>, vector<16xf32>,
      tpu.vector_store %arg8[%swap3A_1453, %swap3A_1454], %unpack3A_1449 {strides = array<i32>} : memref<512x128xf32, #tpu.memory_space<vmem>>, vector<16xf32>,
      %mul3A_1456 = arith.constant 256 : i32
      %mul3A_1457 = arith.muli %sub3A_1230, %mul3A_1456 : i32
      %add3A_1458 = arith.constant 64 : i32
      %add3A_1459 = arith.addi %mul3A_1457, %add3A_1458 : i32
      %get3A_1460 = arith.index_cast %add3A_1459 : i32 to index
      %get3A_1461 = tpu.vector_load %arg6[%get3A_1460] {strides = array<i32>} : memref<102400xbf16, #tpu.memory_space<vmem>>, vector<32xbf16>,
      %mul3A_1462 = arith.constant 256 : i32
      %mul3A_1463 = arith.muli %add3A_1235, %mul3A_1462 : i32
      %add3A_1464 = arith.constant 64 : i32
      %add3A_1465 = arith.addi %mul3A_1463, %add3A_1464 : i32
      %get3A_1466 = arith.index_cast %add3A_1465 : i32 to index
      %get3A_1467 = tpu.vector_load %arg6[%get3A_1466] {strides = array<i32>} : memref<102400xbf16, #tpu.memory_space<vmem>>, vector<32xbf16>,
      %mul3A_1468 = arith.constant 256 : i32
      %mul3A_1469 = arith.muli %add3A_1240, %mul3A_1468 : i32
      %add3A_1470 = arith.constant 64 : i32
      %add3A_1471 = arith.addi %mul3A_1469, %add3A_1470 : i32
      %get3A_1472 = arith.index_cast %add3A_1471 : i32 to index
      %get3A_1473 = tpu.vector_load %arg6[%get3A_1472] {strides = array<i32>} : memref<102400xbf16, #tpu.memory_space<vmem>>, vector<32xbf16>,
      %mul3A_1474 = arith.constant 256 : i32
      %mul3A_1475 = arith.muli %add3A_1242, %mul3A_1474 : i32
      %add3A_1476 = arith.constant 64 : i32
      %add3A_1477 = arith.addi %mul3A_1475, %add3A_1476 : i32
      %get3A_1478 = arith.index_cast %add3A_1477 : i32 to index
      %get3A_1479 = tpu.vector_load %arg6[%get3A_1478] {strides = array<i32>} : memref<102400xbf16, #tpu.memory_space<vmem>>, vector<32xbf16>,
      %add3A_1480 = arith.addf %get3A_1294, %get3A_1300 : vector<32xbf16>
      %add3A_1481 = arith.addf %get3A_1306, %get3A_1312 : vector<32xbf16>
      %add3A_1482 = arith.addf %add3A_1480, %add3A_1481 : vector<32xbf16>
      %unpack3A_1483 = tpu.unpack_subelements %add3A_1482, 0 {pack_format = #tpu.pack_format<interleaved>} : vector<32xbf16> -> vector<16xf32>
      %unpack3A_1484 = tpu.unpack_subelements %add3A_1482, 1 {pack_format = #tpu.pack_format<interleaved>} : vector<32xbf16> -> vector<16xf32>
      %swap3A_1485 = arith.index_cast %add3A_1362 : i32 to index
      %swap3A_1486 = arith.constant 64 : index
      %swap3A_1487 = tpu.vector_load %arg8[%swap3A_1485, %swap3A_1486] {strides = array<i32>} : memref<512x128xf32, #tpu.memory_space<vmem>>, vector<16xf32>,
      tpu.vector_store %arg8[%swap3A_1485, %swap3A_1486], %unpack3A_1483 {strides = array<i32>} : memref<512x128xf32, #tpu.memory_space<vmem>>, vector<16xf32>,
      %swap3A_1488 = arith.index_cast %add3A_1362 : i32 to index
      %swap3A_1489 = arith.constant 80 : index
      %swap3A_1490 = tpu.vector_load %arg8[%swap3A_1488, %swap3A_1489] {strides = array<i32>} : memref<512x128xf32, #tpu.memory_space<vmem>>, vector<16xf32>,
      tpu.vector_store %arg8[%swap3A_1488, %swap3A_1489], %unpack3A_1484 {strides = array<i32>} : memref<512x128xf32, #tpu.memory_space<vmem>>, vector<16xf32>,
      %mul3A_1491 = arith.constant 256 : i32
      %mul3A_1492 = arith.muli %sub3A_1230, %mul3A_1491 : i32
      %add3A_1493 = arith.constant 96 : i32
      %add3A_1494 = arith.addi %mul3A_1492, %add3A_1493 : i32
      %get3A_1495 = arith.index_cast %add3A_1494 : i32 to index
      %get3A_1496 = tpu.vector_load %arg6[%get3A_1495] {strides = array<i32>} : memref<102400xbf16, #tpu.memory_space<vmem>>, vector<32xbf16>,
      %mul3A_1497 = arith.constant 256 : i32
      %mul3A_1498 = arith.muli %add3A_1235, %mul3A_1497 : i32
      %add3A_1499 = arith.constant 96 : i32
      %add3A_1500 = arith.addi %mul3A_1498, %add3A_1499 : i32
      %get3A_1501 = arith.index_cast %add3A_1500 : i32 to index
      %get3A_1502 = tpu.vector_load %arg6[%get3A_1501] {strides = array<i32>} : memref<102400xbf16, #tpu.memory_space<vmem>>, vector<32xbf16>,
      %mul3A_1503 = arith.constant 256 : i32
      %mul3A_1504 = arith.muli %add3A_1240, %mul3A_1503 : i32
      %add3A_1505 = arith.constant 96 : i32
      %add3A_1506 = arith.addi %mul3A_1504, %add3A_1505 : i32
      %get3A_1507 = arith.index_cast %add3A_1506 : i32 to index
      %get3A_1508 = tpu.vector_load %arg6[%get3A_1507] {strides = array<i32>} : memref<102400xbf16, #tpu.memory_space<vmem>>, vector<32xbf16>,
      %mul3A_1509 = arith.constant 256 : i32
      %mul3A_1510 = arith.muli %add3A_1242, %mul3A_1509 : i32
      %add3A_1511 = arith.constant 96 : i32
      %add3A_1512 = arith.addi %mul3A_1510, %add3A_1511 : i32
      %get3A_1513 = arith.index_cast %add3A_1512 : i32 to index
      %get3A_1514 = tpu.vector_load %arg6[%get3A_1513] {strides = array<i32>} : memref<102400xbf16, #tpu.memory_space<vmem>>, vector<32xbf16>,
      %add3A_1515 = arith.addf %get3A_1329, %get3A_1335 : vector<32xbf16>
      %add3A_1516 = arith.addf %get3A_1341, %get3A_1347 : vector<32xbf16>
      %add3A_1517 = arith.addf %add3A_1515, %add3A_1516 : vector<32xbf16>
      %unpack3A_1518 = tpu.unpack_subelements %add3A_1517, 0 {pack_format = #tpu.pack_format<interleaved>} : vector<32xbf16> -> vector<16xf32>
      %unpack3A_1519 = tpu.unpack_subelements %add3A_1517, 1 {pack_format = #tpu.pack_format<interleaved>} : vector<32xbf16> -> vector<16xf32>
      %swap3A_1520 = arith.index_cast %add3A_1362 : i32 to index
      %swap3A_1521 = arith.constant 96 : index
      %swap3A_1522 = tpu.vector_load %arg8[%swap3A_1520, %swap3A_1521] {strides = array<i32>} : memref<512x128xf32, #tpu.memory_space<vmem>>, vector<16xf32>,
      tpu.vector_store %arg8[%swap3A_1520, %swap3A_1521], %unpack3A_1518 {strides = array<i32>} : memref<512x128xf32, #tpu.memory_space<vmem>>, vector<16xf32>,
      %swap3A_1523 = arith.index_cast %add3A_1362 : i32 to index
      %swap3A_1524 = arith.constant 112 : index
      %swap3A_1525 = tpu.vector_load %arg8[%swap3A_1523, %swap3A_1524] {strides = array<i32>} : memref<512x128xf32, #tpu.memory_space<vmem>>, vector<16xf32>,
      tpu.vector_store %arg8[%swap3A_1523, %swap3A_1524], %unpack3A_1519 {strides = array<i32>} : memref<512x128xf32, #tpu.memory_space<vmem>>, vector<16xf32>,
      %mul3A_1526 = arith.constant 16 : i32
      %mul3A_1527 = arith.muli %scan3A_50, %mul3A_1526 : i32
      %add3A_1528 = arith.constant 8 : i32
      %add3A_1529 = arith.addi %mul3A_1527, %add3A_1528 : i32
      %mul3A_1530 = arith.constant 256 : i32
      %mul3A_1531 = arith.muli %sub3A_1397, %mul3A_1530 : i32
      %add3A_1532 = arith.constant 0 : i32
      %add3A_1533 = arith.addi %mul3A_1531, %add3A_1532 : i32
      %get3A_1534 = arith.index_cast %add3A_1533 : i32 to index
      %get3A_1535 = tpu.vector_load %arg6[%get3A_1534] {strides = array<i32>} : memref<102400xbf16, #tpu.memory_space<vmem>>, vector<32xbf16>,
      %mul3A_1536 = arith.constant 256 : i32
      %mul3A_1537 = arith.muli %add3A_1402, %mul3A_1536 : i32
      %add3A_1538 = arith.constant 0 : i32
      %add3A_1539 = arith.addi %mul3A_1537, %add3A_1538 : i32
      %get3A_1540 = arith.index_cast %add3A_1539 : i32 to index
      %get3A_1541 = tpu.vector_load %arg6[%get3A_1540] {strides = array<i32>} : memref<102400xbf16, #tpu.memory_space<vmem>>, vector<32xbf16>,
      %mul3A_1542 = arith.constant 256 : i32
      %mul3A_1543 = arith.muli %add3A_1407, %mul3A_1542 : i32
      %add3A_1544 = arith.constant 0 : i32
      %add3A_1545 = arith.addi %mul3A_1543, %add3A_1544 : i32
      %get3A_1546 = arith.index_cast %add3A_1545 : i32 to index
      %get3A_1547 = tpu.vector_load %arg6[%get3A_1546] {strides = array<i32>} : memref<102400xbf16, #tpu.memory_space<vmem>>, vector<32xbf16>,
      %mul3A_1548 = arith.constant 256 : i32
      %mul3A_1549 = arith.muli %add3A_1409, %mul3A_1548 : i32
      %add3A_1550 = arith.constant 0 : i32
      %add3A_1551 = arith.addi %mul3A_1549, %add3A_1550 : i32
      %get3A_1552 = arith.index_cast %add3A_1551 : i32 to index
      %get3A_1553 = tpu.vector_load %arg6[%get3A_1552] {strides = array<i32>} : memref<102400xbf16, #tpu.memory_space<vmem>>, vector<32xbf16>,
      %slice3A_1554 = vector.extract_strided_slice %get3A_53 {offsets = [10], sizes = [1], strides = [1]} : vector<16xi32> to vector<1xi32>
      %squeeze3A_1555 = vector.extract %slice3A_1554[0] : i32 from vector<1xi32>
      %div3A_1556 = arith.constant 100 : i32
      %div3A_1557 = arith.divsi %squeeze3A_1555, %div3A_1556 : i32
      %div3A_1558 = arith.constant 100 : i32
      %div3A_1559 = arith.divsi %div3A_1557, %div3A_1558 : i32
      %div3A_1560 = arith.constant 100 : i32
      %div3A_1561 = arith.divsi %div3A_1559, %div3A_1560 : i32
      %mul3A_1562 = arith.constant 100 : i32
      %mul3A_1563 = arith.muli %div3A_1557, %mul3A_1562 : i32
      %sub3A_1564 = arith.subi %squeeze3A_1555, %mul3A_1563 : i32
      %mul3A_1565 = arith.constant 100 : i32
      %mul3A_1566 = arith.muli %div3A_1559, %mul3A_1565 : i32
      %sub3A_1567 = arith.subi %div3A_1557, %mul3A_1566 : i32
      %add3A_1568 = arith.constant 100 : i32
      %add3A_1569 = arith.addi %sub3A_1567, %add3A_1568 : i32
      %mul3A_1570 = arith.constant 100 : i32
      %mul3A_1571 = arith.muli %div3A_1561, %mul3A_1570 : i32
      %sub3A_1572 = arith.subi %div3A_1559, %mul3A_1571 : i32
      %add3A_1573 = arith.constant 200 : i32
      %add3A_1574 = arith.addi %sub3A_1572, %add3A_1573 : i32
      %add3A_1575 = arith.constant 300 : i32
      %add3A_1576 = arith.addi %div3A_1561, %add3A_1575 : i32
      %add3A_1577 = arith.addf %get3A_1368, %get3A_1374 : vector<32xbf16>
      %add3A_1578 = arith.addf %get3A_1380, %get3A_1386 : vector<32xbf16>
      %add3A_1579 = arith.addf %add3A_1577, %add3A_1578 : vector<32xbf16>
      %unpack3A_1580 = tpu.unpack_subelements %add3A_1579, 0 {pack_format = #tpu.pack_format<interleaved>} : vector<32xbf16> -> vector<16xf32>
      %unpack3A_1581 = tpu.unpack_subelements %add3A_1579, 1 {pack_format = #tpu.pack_format<interleaved>} : vector<32xbf16> -> vector<16xf32>
      %swap3A_1582 = arith.index_cast %add3A_1529 : i32 to index
      %swap3A_1583 = arith.constant 0 : index
      %swap3A_1584 = tpu.vector_load %arg8[%swap3A_1582, %swap3A_1583] {strides = array<i32>} : memref<512x128xf32, #tpu.memory_space<vmem>>, vector<16xf32>,
      tpu.vector_store %arg8[%swap3A_1582, %swap3A_1583], %unpack3A_1580 {strides = array<i32>} : memref<512x128xf32, #tpu.memory_space<vmem>>, vector<16xf32>,
      %swap3A_1585 = arith.index_cast %add3A_1529 : i32 to index
      %swap3A_1586 = arith.constant 16 : index
      %swap3A_1587 = tpu.vector_load %arg8[%swap3A_1585, %swap3A_1586] {strides = array<i32>} : memref<512x128xf32, #tpu.memory_space<vmem>>, vector<16xf32>,
      tpu.vector_store %arg8[%swap3A_1585, %swap3A_1586], %unpack3A_1581 {strides = array<i32>} : memref<512x128xf32, #tpu.memory_space<vmem>>, vector<16xf32>,
      %mul3A_1588 = arith.constant 256 : i32
      %mul3A_1589 = arith.muli %sub3A_1397, %mul3A_1588 : i32
      %add3A_1590 = arith.constant 32 : i32
      %add3A_1591 = arith.addi %mul3A_1589, %add3A_1590 : i32
      %get3A_1592 = arith.index_cast %add3A_1591 : i32 to index
      %get3A_1593 = tpu.vector_load %arg6[%get3A_1592] {strides = array<i32>} : memref<102400xbf16, #tpu.memory_space<vmem>>, vector<32xbf16>,
      %mul3A_1594 = arith.constant 256 : i32
      %mul3A_1595 = arith.muli %add3A_1402, %mul3A_1594 : i32
      %add3A_1596 = arith.constant 32 : i32
      %add3A_1597 = arith.addi %mul3A_1595, %add3A_1596 : i32
      %get3A_1598 = arith.index_cast %add3A_1597 : i32 to index
      %get3A_1599 = tpu.vector_load %arg6[%get3A_1598] {strides = array<i32>} : memref<102400xbf16, #tpu.memory_space<vmem>>, vector<32xbf16>,
      %mul3A_1600 = arith.constant 256 : i32
      %mul3A_1601 = arith.muli %add3A_1407, %mul3A_1600 : i32
      %add3A_1602 = arith.constant 32 : i32
      %add3A_1603 = arith.addi %mul3A_1601, %add3A_1602 : i32
      %get3A_1604 = arith.index_cast %add3A_1603 : i32 to index
      %get3A_1605 = tpu.vector_load %arg6[%get3A_1604] {strides = array<i32>} : memref<102400xbf16, #tpu.memory_space<vmem>>, vector<32xbf16>,
      %mul3A_1606 = arith.constant 256 : i32
      %mul3A_1607 = arith.muli %add3A_1409, %mul3A_1606 : i32
      %add3A_1608 = arith.constant 32 : i32
      %add3A_1609 = arith.addi %mul3A_1607, %add3A_1608 : i32
      %get3A_1610 = arith.index_cast %add3A_1609 : i32 to index
      %get3A_1611 = tpu.vector_load %arg6[%get3A_1610] {strides = array<i32>} : memref<102400xbf16, #tpu.memory_space<vmem>>, vector<32xbf16>,
      %add3A_1612 = arith.addf %get3A_1426, %get3A_1432 : vector<32xbf16>
      %add3A_1613 = arith.addf %get3A_1438, %get3A_1444 : vector<32xbf16>
      %add3A_1614 = arith.addf %add3A_1612, %add3A_1613 : vector<32xbf16>
      %unpack3A_1615 = tpu.unpack_subelements %add3A_1614, 0 {pack_format = #tpu.pack_format<interleaved>} : vector<32xbf16> -> vector<16xf32>
      %unpack3A_1616 = tpu.unpack_subelements %add3A_1614, 1 {pack_format = #tpu.pack_format<interleaved>} : vector<32xbf16> -> vector<16xf32>
      %swap3A_1617 = arith.index_cast %add3A_1529 : i32 to index
      %swap3A_1618 = arith.constant 32 : index
      %swap3A_1619 = tpu.vector_load %arg8[%swap3A_1617, %swap3A_1618] {strides = array<i32>} : memref<512x128xf32, #tpu.memory_space<vmem>>, vector<16xf32>,
      tpu.vector_store %arg8[%swap3A_1617, %swap3A_1618], %unpack3A_1615 {strides = array<i32>} : memref<512x128xf32, #tpu.memory_space<vmem>>, vector<16xf32>,
      %swap3A_1620 = arith.index_cast %add3A_1529 : i32 to index
      %swap3A_1621 = arith.constant 48 : index
      %swap3A_1622 = tpu.vector_load %arg8[%swap3A_1620, %swap3A_1621] {strides = array<i32>} : memref<512x128xf32, #tpu.memory_space<vmem>>, vector<16xf32>,
      tpu.vector_store %arg8[%swap3A_1620, %swap3A_1621], %unpack3A_1616 {strides = array<i32>} : memref<512x128xf32, #tpu.memory_space<vmem>>, vector<16xf32>,
      %mul3A_1623 = arith.constant 256 : i32
      %mul3A_1624 = arith.muli %sub3A_1397, %mul3A_1623 : i32
      %add3A_1625 = arith.constant 64 : i32
      %add3A_1626 = arith.addi %mul3A_1624, %add3A_1625 : i32
      %get3A_1627 = arith.index_cast %add3A_1626 : i32 to index
      %get3A_1628 = tpu.vector_load %arg6[%get3A_1627] {strides = array<i32>} : memref<102400xbf16, #tpu.memory_space<vmem>>, vector<32xbf16>,
      %mul3A_1629 = arith.constant 256 : i32
      %mul3A_1630 = arith.muli %add3A_1402, %mul3A_1629 : i32
      %add3A_1631 = arith.constant 64 : i32
      %add3A_1632 = arith.addi %mul3A_1630, %add3A_1631 : i32
      %get3A_1633 = arith.index_cast %add3A_1632 : i32 to index
      %get3A_1634 = tpu.vector_load %arg6[%get3A_1633] {strides = array<i32>} : memref<102400xbf16, #tpu.memory_space<vmem>>, vector<32xbf16>,
      %mul3A_1635 = arith.constant 256 : i32
      %mul3A_1636 = arith.muli %add3A_1407, %mul3A_1635 : i32
      %add3A_1637 = arith.constant 64 : i32
      %add3A_1638 = arith.addi %mul3A_1636, %add3A_1637 : i32
      %get3A_1639 = arith.index_cast %add3A_1638 : i32 to index
      %get3A_1640 = tpu.vector_load %arg6[%get3A_1639] {strides = array<i32>} : memref<102400xbf16, #tpu.memory_space<vmem>>, vector<32xbf16>,
      %mul3A_1641 = arith.constant 256 : i32
      %mul3A_1642 = arith.muli %add3A_1409, %mul3A_1641 : i32
      %add3A_1643 = arith.constant 64 : i32
      %add3A_1644 = arith.addi %mul3A_1642, %add3A_1643 : i32
      %get3A_1645 = arith.index_cast %add3A_1644 : i32 to index
      %get3A_1646 = tpu.vector_load %arg6[%get3A_1645] {strides = array<i32>} : memref<102400xbf16, #tpu.memory_space<vmem>>, vector<32xbf16>,
      %add3A_1647 = arith.addf %get3A_1461, %get3A_1467 : vector<32xbf16>
      %add3A_1648 = arith.addf %get3A_1473, %get3A_1479 : vector<32xbf16>
      %add3A_1649 = arith.addf %add3A_1647, %add3A_1648 : vector<32xbf16>
      %unpack3A_1650 = tpu.unpack_subelements %add3A_1649, 0 {pack_format = #tpu.pack_format<interleaved>} : vector<32xbf16> -> vector<16xf32>
      %unpack3A_1651 = tpu.unpack_subelements %add3A_1649, 1 {pack_format = #tpu.pack_format<interleaved>} : vector<32xbf16> -> vector<16xf32>
      %swap3A_1652 = arith.index_cast %add3A_1529 : i32 to index
      %swap3A_1653 = arith.constant 64 : index
      %swap3A_1654 = tpu.vector_load %arg8[%swap3A_1652, %swap3A_1653] {strides = array<i32>} : memref<512x128xf32, #tpu.memory_space<vmem>>, vector<16xf32>,
      tpu.vector_store %arg8[%swap3A_1652, %swap3A_1653], %unpack3A_1650 {strides = array<i32>} : memref<512x128xf32, #tpu.memory_space<vmem>>, vector<16xf32>,
      %swap3A_1655 = arith.index_cast %add3A_1529 : i32 to index
      %swap3A_1656 = arith.constant 80 : index
      %swap3A_1657 = tpu.vector_load %arg8[%swap3A_1655, %swap3A_1656] {strides = array<i32>} : memref<512x128xf32, #tpu.memory_space<vmem>>, vector<16xf32>,
      tpu.vector_store %arg8[%swap3A_1655, %swap3A_1656], %unpack3A_1651 {strides = array<i32>} : memref<512x128xf32, #tpu.memory_space<vmem>>, vector<16xf32>,
      %mul3A_1658 = arith.constant 256 : i32
      %mul3A_1659 = arith.muli %sub3A_1397, %mul3A_1658 : i32
      %add3A_1660 = arith.constant 96 : i32
      %add3A_1661 = arith.addi %mul3A_1659, %add3A_1660 : i32
      %get3A_1662 = arith.index_cast %add3A_1661 : i32 to index
      %get3A_1663 = tpu.vector_load %arg6[%get3A_1662] {strides = array<i32>} : memref<102400xbf16, #tpu.memory_space<vmem>>, vector<32xbf16>,
      %mul3A_1664 = arith.constant 256 : i32
      %mul3A_1665 = arith.muli %add3A_1402, %mul3A_1664 : i32
      %add3A_1666 = arith.constant 96 : i32
      %add3A_1667 = arith.addi %mul3A_1665, %add3A_1666 : i32
      %get3A_1668 = arith.index_cast %add3A_1667 : i32 to index
      %get3A_1669 = tpu.vector_load %arg6[%get3A_1668] {strides = array<i32>} : memref<102400xbf16, #tpu.memory_space<vmem>>, vector<32xbf16>,
      %mul3A_1670 = arith.constant 256 : i32
      %mul3A_1671 = arith.muli %add3A_1407, %mul3A_1670 : i32
      %add3A_1672 = arith.constant 96 : i32
      %add3A_1673 = arith.addi %mul3A_1671, %add3A_1672 : i32
      %get3A_1674 = arith.index_cast %add3A_1673 : i32 to index
      %get3A_1675 = tpu.vector_load %arg6[%get3A_1674] {strides = array<i32>} : memref<102400xbf16, #tpu.memory_space<vmem>>, vector<32xbf16>,
      %mul3A_1676 = arith.constant 256 : i32
      %mul3A_1677 = arith.muli %add3A_1409, %mul3A_1676 : i32
      %add3A_1678 = arith.constant 96 : i32
      %add3A_1679 = arith.addi %mul3A_1677, %add3A_1678 : i32
      %get3A_1680 = arith.index_cast %add3A_1679 : i32 to index
      %get3A_1681 = tpu.vector_load %arg6[%get3A_1680] {strides = array<i32>} : memref<102400xbf16, #tpu.memory_space<vmem>>, vector<32xbf16>,
      %add3A_1682 = arith.addf %get3A_1496, %get3A_1502 : vector<32xbf16>
      %add3A_1683 = arith.addf %get3A_1508, %get3A_1514 : vector<32xbf16>
      %add3A_1684 = arith.addf %add3A_1682, %add3A_1683 : vector<32xbf16>
      %unpack3A_1685 = tpu.unpack_subelements %add3A_1684, 0 {pack_format = #tpu.pack_format<interleaved>} : vector<32xbf16> -> vector<16xf32>
      %unpack3A_1686 = tpu.unpack_subelements %add3A_1684, 1 {pack_format = #tpu.pack_format<interleaved>} : vector<32xbf16> -> vector<16xf32>
      %swap3A_1687 = arith.index_cast %add3A_1529 : i32 to index
      %swap3A_1688 = arith.constant 96 : index
      %swap3A_1689 = tpu.vector_load %arg8[%swap3A_1687, %swap3A_1688] {strides = array<i32>} : memref<512x128xf32, #tpu.memory_space<vmem>>, vector<16xf32>,
      tpu.vector_store %arg8[%swap3A_1687, %swap3A_1688], %unpack3A_1685 {strides = array<i32>} : memref<512x128xf32, #tpu.memory_space<vmem>>, vector<16xf32>,
      %swap3A_1690 = arith.index_cast %add3A_1529 : i32 to index
      %swap3A_1691 = arith.constant 112 : index
      %swap3A_1692 = tpu.vector_load %arg8[%swap3A_1690, %swap3A_1691] {strides = array<i32>} : memref<512x128xf32, #tpu.memory_space<vmem>>, vector<16xf32>,
      tpu.vector_store %arg8[%swap3A_1690, %swap3A_1691], %unpack3A_1686 {strides = array<i32>} : memref<512x128xf32, #tpu.memory_space<vmem>>, vector<16xf32>,
      %mul3A_1693 = arith.constant 16 : i32
      %mul3A_1694 = arith.muli %scan3A_50, %mul3A_1693 : i32
      %add3A_1695 = arith.constant 9 : i32
      %add3A_1696 = arith.addi %mul3A_1694, %add3A_1695 : i32
      %mul3A_1697 = arith.constant 256 : i32
      %mul3A_1698 = arith.muli %sub3A_1564, %mul3A_1697 : i32
      %add3A_1699 = arith.constant 0 : i32
      %add3A_1700 = arith.addi %mul3A_1698, %add3A_1699 : i32
      %get3A_1701 = arith.index_cast %add3A_1700 : i32 to index
      %get3A_1702 = tpu.vector_load %arg6[%get3A_1701] {strides = array<i32>} : memref<102400xbf16, #tpu.memory_space<vmem>>, vector<32xbf16>,
      %mul3A_1703 = arith.constant 256 : i32
      %mul3A_1704 = arith.muli %add3A_1569, %mul3A_1703 : i32
      %add3A_1705 = arith.constant 0 : i32
      %add3A_1706 = arith.addi %mul3A_1704, %add3A_1705 : i32
      %get3A_1707 = arith.index_cast %add3A_1706 : i32 to index
      %get3A_1708 = tpu.vector_load %arg6[%get3A_1707] {strides = array<i32>} : memref<102400xbf16, #tpu.memory_space<vmem>>, vector<32xbf16>,
      %mul3A_1709 = arith.constant 256 : i32
      %mul3A_1710 = arith.muli %add3A_1574, %mul3A_1709 : i32
      %add3A_1711 = arith.constant 0 : i32
      %add3A_1712 = arith.addi %mul3A_1710, %add3A_1711 : i32
      %get3A_1713 = arith.index_cast %add3A_1712 : i32 to index
      %get3A_1714 = tpu.vector_load %arg6[%get3A_1713] {strides = array<i32>} : memref<102400xbf16, #tpu.memory_space<vmem>>, vector<32xbf16>,
      %mul3A_1715 = arith.constant 256 : i32
      %mul3A_1716 = arith.muli %add3A_1576, %mul3A_1715 : i32
      %add3A_1717 = arith.constant 0 : i32
      %add3A_1718 = arith.addi %mul3A_1716, %add3A_1717 : i32
      %get3A_1719 = arith.index_cast %add3A_1718 : i32 to index
      %get3A_1720 = tpu.vector_load %arg6[%get3A_1719] {strides = array<i32>} : memref<102400xbf16, #tpu.memory_space<vmem>>, vector<32xbf16>,
      %slice3A_1721 = vector.extract_strided_slice %get3A_53 {offsets = [11], sizes = [1], strides = [1]} : vector<16xi32> to vector<1xi32>
      %squeeze3A_1722 = vector.extract %slice3A_1721[0] : i32 from vector<1xi32>
      %div3A_1723 = arith.constant 100 : i32
      %div3A_1724 = arith.divsi %squeeze3A_1722, %div3A_1723 : i32
      %div3A_1725 = arith.constant 100 : i32
      %div3A_1726 = arith.divsi %div3A_1724, %div3A_1725 : i32
      %div3A_1727 = arith.constant 100 : i32
      %div3A_1728 = arith.divsi %div3A_1726, %div3A_1727 : i32
      %mul3A_1729 = arith.constant 100 : i32
      %mul3A_1730 = arith.muli %div3A_1724, %mul3A_1729 : i32
      %sub3A_1731 = arith.subi %squeeze3A_1722, %mul3A_1730 : i32
      %mul3A_1732 = arith.constant 100 : i32
      %mul3A_1733 = arith.muli %div3A_1726, %mul3A_1732 : i32
      %sub3A_1734 = arith.subi %div3A_1724, %mul3A_1733 : i32
      %add3A_1735 = arith.constant 100 : i32
      %add3A_1736 = arith.addi %sub3A_1734, %add3A_1735 : i32
      %mul3A_1737 = arith.constant 100 : i32
      %mul3A_1738 = arith.muli %div3A_1728, %mul3A_1737 : i32
      %sub3A_1739 = arith.subi %div3A_1726, %mul3A_1738 : i32
      %add3A_1740 = arith.constant 200 : i32
      %add3A_1741 = arith.addi %sub3A_1739, %add3A_1740 : i32
      %add3A_1742 = arith.constant 300 : i32
      %add3A_1743 = arith.addi %div3A_1728, %add3A_1742 : i32
      %add3A_1744 = arith.addf %get3A_1535, %get3A_1541 : vector<32xbf16>
      %add3A_1745 = arith.addf %get3A_1547, %get3A_1553 : vector<32xbf16>
      %add3A_1746 = arith.addf %add3A_1744, %add3A_1745 : vector<32xbf16>
      %unpack3A_1747 = tpu.unpack_subelements %add3A_1746, 0 {pack_format = #tpu.pack_format<interleaved>} : vector<32xbf16> -> vector<16xf32>
      %unpack3A_1748 = tpu.unpack_subelements %add3A_1746, 1 {pack_format = #tpu.pack_format<interleaved>} : vector<32xbf16> -> vector<16xf32>
      %swap3A_1749 = arith.index_cast %add3A_1696 : i32 to index
      %swap3A_1750 = arith.constant 0 : index
      %swap3A_1751 = tpu.vector_load %arg8[%swap3A_1749, %swap3A_1750] {strides = array<i32>} : memref<512x128xf32, #tpu.memory_space<vmem>>, vector<16xf32>,
      tpu.vector_store %arg8[%swap3A_1749, %swap3A_1750], %unpack3A_1747 {strides = array<i32>} : memref<512x128xf32, #tpu.memory_space<vmem>>, vector<16xf32>,
      %swap3A_1752 = arith.index_cast %add3A_1696 : i32 to index
      %swap3A_1753 = arith.constant 16 : index
      %swap3A_1754 = tpu.vector_load %arg8[%swap3A_1752, %swap3A_1753] {strides = array<i32>} : memref<512x128xf32, #tpu.memory_space<vmem>>, vector<16xf32>,
      tpu.vector_store %arg8[%swap3A_1752, %swap3A_1753], %unpack3A_1748 {strides = array<i32>} : memref<512x128xf32, #tpu.memory_space<vmem>>, vector<16xf32>,
      %mul3A_1755 = arith.constant 256 : i32
      %mul3A_1756 = arith.muli %sub3A_1564, %mul3A_1755 : i32
      %add3A_1757 = arith.constant 32 : i32
      %add3A_1758 = arith.addi %mul3A_1756, %add3A_1757 : i32
      %get3A_1759 = arith.index_cast %add3A_1758 : i32 to index
      %get3A_1760 = tpu.vector_load %arg6[%get3A_1759] {strides = array<i32>} : memref<102400xbf16, #tpu.memory_space<vmem>>, vector<32xbf16>,
      %mul3A_1761 = arith.constant 256 : i32
      %mul3A_1762 = arith.muli %add3A_1569, %mul3A_1761 : i32
      %add3A_1763 = arith.constant 32 : i32
      %add3A_1764 = arith.addi %mul3A_1762, %add3A_1763 : i32
      %get3A_1765 = arith.index_cast %add3A_1764 : i32 to index
      %get3A_1766 = tpu.vector_load %arg6[%get3A_1765] {strides = array<i32>} : memref<102400xbf16, #tpu.memory_space<vmem>>, vector<32xbf16>,
      %mul3A_1767 = arith.constant 256 : i32
      %mul3A_1768 = arith.muli %add3A_1574, %mul3A_1767 : i32
      %add3A_1769 = arith.constant 32 : i32
      %add3A_1770 = arith.addi %mul3A_1768, %add3A_1769 : i32
      %get3A_1771 = arith.index_cast %add3A_1770 : i32 to index
      %get3A_1772 = tpu.vector_load %arg6[%get3A_1771] {strides = array<i32>} : memref<102400xbf16, #tpu.memory_space<vmem>>, vector<32xbf16>,
      %mul3A_1773 = arith.constant 256 : i32
      %mul3A_1774 = arith.muli %add3A_1576, %mul3A_1773 : i32
      %add3A_1775 = arith.constant 32 : i32
      %add3A_1776 = arith.addi %mul3A_1774, %add3A_1775 : i32
      %get3A_1777 = arith.index_cast %add3A_1776 : i32 to index
      %get3A_1778 = tpu.vector_load %arg6[%get3A_1777] {strides = array<i32>} : memref<102400xbf16, #tpu.memory_space<vmem>>, vector<32xbf16>,
      %add3A_1779 = arith.addf %get3A_1593, %get3A_1599 : vector<32xbf16>
      %add3A_1780 = arith.addf %get3A_1605, %get3A_1611 : vector<32xbf16>
      %add3A_1781 = arith.addf %add3A_1779, %add3A_1780 : vector<32xbf16>
      %unpack3A_1782 = tpu.unpack_subelements %add3A_1781, 0 {pack_format = #tpu.pack_format<interleaved>} : vector<32xbf16> -> vector<16xf32>
      %unpack3A_1783 = tpu.unpack_subelements %add3A_1781, 1 {pack_format = #tpu.pack_format<interleaved>} : vector<32xbf16> -> vector<16xf32>
      %swap3A_1784 = arith.index_cast %add3A_1696 : i32 to index
      %swap3A_1785 = arith.constant 32 : index
      %swap3A_1786 = tpu.vector_load %arg8[%swap3A_1784, %swap3A_1785] {strides = array<i32>} : memref<512x128xf32, #tpu.memory_space<vmem>>, vector<16xf32>,
      tpu.vector_store %arg8[%swap3A_1784, %swap3A_1785], %unpack3A_1782 {strides = array<i32>} : memref<512x128xf32, #tpu.memory_space<vmem>>, vector<16xf32>,
      %swap3A_1787 = arith.index_cast %add3A_1696 : i32 to index
      %swap3A_1788 = arith.constant 48 : index
      %swap3A_1789 = tpu.vector_load %arg8[%swap3A_1787, %swap3A_1788] {strides = array<i32>} : memref<512x128xf32, #tpu.memory_space<vmem>>, vector<16xf32>,
      tpu.vector_store %arg8[%swap3A_1787, %swap3A_1788], %unpack3A_1783 {strides = array<i32>} : memref<512x128xf32, #tpu.memory_space<vmem>>, vector<16xf32>,
      %mul3A_1790 = arith.constant 256 : i32
      %mul3A_1791 = arith.muli %sub3A_1564, %mul3A_1790 : i32
      %add3A_1792 = arith.constant 64 : i32
      %add3A_1793 = arith.addi %mul3A_1791, %add3A_1792 : i32
      %get3A_1794 = arith.index_cast %add3A_1793 : i32 to index
      %get3A_1795 = tpu.vector_load %arg6[%get3A_1794] {strides = array<i32>} : memref<102400xbf16, #tpu.memory_space<vmem>>, vector<32xbf16>,
      %mul3A_1796 = arith.constant 256 : i32
      %mul3A_1797 = arith.muli %add3A_1569, %mul3A_1796 : i32
      %add3A_1798 = arith.constant 64 : i32
      %add3A_1799 = arith.addi %mul3A_1797, %add3A_1798 : i32
      %get3A_1800 = arith.index_cast %add3A_1799 : i32 to index
      %get3A_1801 = tpu.vector_load %arg6[%get3A_1800] {strides = array<i32>} : memref<102400xbf16, #tpu.memory_space<vmem>>, vector<32xbf16>,
      %mul3A_1802 = arith.constant 256 : i32
      %mul3A_1803 = arith.muli %add3A_1574, %mul3A_1802 : i32
      %add3A_1804 = arith.constant 64 : i32
      %add3A_1805 = arith.addi %mul3A_1803, %add3A_1804 : i32
      %get3A_1806 = arith.index_cast %add3A_1805 : i32 to index
      %get3A_1807 = tpu.vector_load %arg6[%get3A_1806] {strides = array<i32>} : memref<102400xbf16, #tpu.memory_space<vmem>>, vector<32xbf16>,
      %mul3A_1808 = arith.constant 256 : i32
      %mul3A_1809 = arith.muli %add3A_1576, %mul3A_1808 : i32
      %add3A_1810 = arith.constant 64 : i32
      %add3A_1811 = arith.addi %mul3A_1809, %add3A_1810 : i32
      %get3A_1812 = arith.index_cast %add3A_1811 : i32 to index
      %get3A_1813 = tpu.vector_load %arg6[%get3A_1812] {strides = array<i32>} : memref<102400xbf16, #tpu.memory_space<vmem>>, vector<32xbf16>,
      %add3A_1814 = arith.addf %get3A_1628, %get3A_1634 : vector<32xbf16>
      %add3A_1815 = arith.addf %get3A_1640, %get3A_1646 : vector<32xbf16>
      %add3A_1816 = arith.addf %add3A_1814, %add3A_1815 : vector<32xbf16>
      %unpack3A_1817 = tpu.unpack_subelements %add3A_1816, 0 {pack_format = #tpu.pack_format<interleaved>} : vector<32xbf16> -> vector<16xf32>
      %unpack3A_1818 = tpu.unpack_subelements %add3A_1816, 1 {pack_format = #tpu.pack_format<interleaved>} : vector<32xbf16> -> vector<16xf32>
      %swap3A_1819 = arith.index_cast %add3A_1696 : i32 to index
      %swap3A_1820 = arith.constant 64 : index
      %swap3A_1821 = tpu.vector_load %arg8[%swap3A_1819, %swap3A_1820] {strides = array<i32>} : memref<512x128xf32, #tpu.memory_space<vmem>>, vector<16xf32>,
      tpu.vector_store %arg8[%swap3A_1819, %swap3A_1820], %unpack3A_1817 {strides = array<i32>} : memref<512x128xf32, #tpu.memory_space<vmem>>, vector<16xf32>,
      %swap3A_1822 = arith.index_cast %add3A_1696 : i32 to index
      %swap3A_1823 = arith.constant 80 : index
      %swap3A_1824 = tpu.vector_load %arg8[%swap3A_1822, %swap3A_1823] {strides = array<i32>} : memref<512x128xf32, #tpu.memory_space<vmem>>, vector<16xf32>,
      tpu.vector_store %arg8[%swap3A_1822, %swap3A_1823], %unpack3A_1818 {strides = array<i32>} : memref<512x128xf32, #tpu.memory_space<vmem>>, vector<16xf32>,
      %mul3A_1825 = arith.constant 256 : i32
      %mul3A_1826 = arith.muli %sub3A_1564, %mul3A_1825 : i32
      %add3A_1827 = arith.constant 96 : i32
      %add3A_1828 = arith.addi %mul3A_1826, %add3A_1827 : i32
      %get3A_1829 = arith.index_cast %add3A_1828 : i32 to index
      %get3A_1830 = tpu.vector_load %arg6[%get3A_1829] {strides = array<i32>} : memref<102400xbf16, #tpu.memory_space<vmem>>, vector<32xbf16>,
      %mul3A_1831 = arith.constant 256 : i32
      %mul3A_1832 = arith.muli %add3A_1569, %mul3A_1831 : i32
      %add3A_1833 = arith.constant 96 : i32
      %add3A_1834 = arith.addi %mul3A_1832, %add3A_1833 : i32
      %get3A_1835 = arith.index_cast %add3A_1834 : i32 to index
      %get3A_1836 = tpu.vector_load %arg6[%get3A_1835] {strides = array<i32>} : memref<102400xbf16, #tpu.memory_space<vmem>>, vector<32xbf16>,
      %mul3A_1837 = arith.constant 256 : i32
      %mul3A_1838 = arith.muli %add3A_1574, %mul3A_1837 : i32
      %add3A_1839 = arith.constant 96 : i32
      %add3A_1840 = arith.addi %mul3A_1838, %add3A_1839 : i32
      %get3A_1841 = arith.index_cast %add3A_1840 : i32 to index
      %get3A_1842 = tpu.vector_load %arg6[%get3A_1841] {strides = array<i32>} : memref<102400xbf16, #tpu.memory_space<vmem>>, vector<32xbf16>,
      %mul3A_1843 = arith.constant 256 : i32
      %mul3A_1844 = arith.muli %add3A_1576, %mul3A_1843 : i32
      %add3A_1845 = arith.constant 96 : i32
      %add3A_1846 = arith.addi %mul3A_1844, %add3A_1845 : i32
      %get3A_1847 = arith.index_cast %add3A_1846 : i32 to index
      %get3A_1848 = tpu.vector_load %arg6[%get3A_1847] {strides = array<i32>} : memref<102400xbf16, #tpu.memory_space<vmem>>, vector<32xbf16>,
      %add3A_1849 = arith.addf %get3A_1663, %get3A_1669 : vector<32xbf16>
      %add3A_1850 = arith.addf %get3A_1675, %get3A_1681 : vector<32xbf16>
      %add3A_1851 = arith.addf %add3A_1849, %add3A_1850 : vector<32xbf16>
      %unpack3A_1852 = tpu.unpack_subelements %add3A_1851, 0 {pack_format = #tpu.pack_format<interleaved>} : vector<32xbf16> -> vector<16xf32>
      %unpack3A_1853 = tpu.unpack_subelements %add3A_1851, 1 {pack_format = #tpu.pack_format<interleaved>} : vector<32xbf16> -> vector<16xf32>
      %swap3A_1854 = arith.index_cast %add3A_1696 : i32 to index
      %swap3A_1855 = arith.constant 96 : index
      %swap3A_1856 = tpu.vector_load %arg8[%swap3A_1854, %swap3A_1855] {strides = array<i32>} : memref<512x128xf32, #tpu.memory_space<vmem>>, vector<16xf32>,
      tpu.vector_store %arg8[%swap3A_1854, %swap3A_1855], %unpack3A_1852 {strides = array<i32>} : memref<512x128xf32, #tpu.memory_space<vmem>>, vector<16xf32>,
      %swap3A_1857 = arith.index_cast %add3A_1696 : i32 to index
      %swap3A_1858 = arith.constant 112 : index
      %swap3A_1859 = tpu.vector_load %arg8[%swap3A_1857, %swap3A_1858] {strides = array<i32>} : memref<512x128xf32, #tpu.memory_space<vmem>>, vector<16xf32>,
      tpu.vector_store %arg8[%swap3A_1857, %swap3A_1858], %unpack3A_1853 {strides = array<i32>} : memref<512x128xf32, #tpu.memory_space<vmem>>, vector<16xf32>,
      %mul3A_1860 = arith.constant 16 : i32
      %mul3A_1861 = arith.muli %scan3A_50, %mul3A_1860 : i32
      %add3A_1862 = arith.constant 10 : i32
      %add3A_1863 = arith.addi %mul3A_1861, %add3A_1862 : i32
      %mul3A_1864 = arith.constant 256 : i32
      %mul3A_1865 = arith.muli %sub3A_1731, %mul3A_1864 : i32
      %add3A_1866 = arith.constant 0 : i32
      %add3A_1867 = arith.addi %mul3A_1865, %add3A_1866 : i32
      %get3A_1868 = arith.index_cast %add3A_1867 : i32 to index
      %get3A_1869 = tpu.vector_load %arg6[%get3A_1868] {strides = array<i32>} : memref<102400xbf16, #tpu.memory_space<vmem>>, vector<32xbf16>,
      %mul3A_1870 = arith.constant 256 : i32
      %mul3A_1871 = arith.muli %add3A_1736, %mul3A_1870 : i32
      %add3A_1872 = arith.constant 0 : i32
      %add3A_1873 = arith.addi %mul3A_1871, %add3A_1872 : i32
      %get3A_1874 = arith.index_cast %add3A_1873 : i32 to index
      %get3A_1875 = tpu.vector_load %arg6[%get3A_1874] {strides = array<i32>} : memref<102400xbf16, #tpu.memory_space<vmem>>, vector<32xbf16>,
      %mul3A_1876 = arith.constant 256 : i32
      %mul3A_1877 = arith.muli %add3A_1741, %mul3A_1876 : i32
      %add3A_1878 = arith.constant 0 : i32
      %add3A_1879 = arith.addi %mul3A_1877, %add3A_1878 : i32
      %get3A_1880 = arith.index_cast %add3A_1879 : i32 to index
      %get3A_1881 = tpu.vector_load %arg6[%get3A_1880] {strides = array<i32>} : memref<102400xbf16, #tpu.memory_space<vmem>>, vector<32xbf16>,
      %mul3A_1882 = arith.constant 256 : i32
      %mul3A_1883 = arith.muli %add3A_1743, %mul3A_1882 : i32
      %add3A_1884 = arith.constant 0 : i32
      %add3A_1885 = arith.addi %mul3A_1883, %add3A_1884 : i32
      %get3A_1886 = arith.index_cast %add3A_1885 : i32 to index
      %get3A_1887 = tpu.vector_load %arg6[%get3A_1886] {strides = array<i32>} : memref<102400xbf16, #tpu.memory_space<vmem>>, vector<32xbf16>,
      %slice3A_1888 = vector.extract_strided_slice %get3A_53 {offsets = [12], sizes = [1], strides = [1]} : vector<16xi32> to vector<1xi32>
      %squeeze3A_1889 = vector.extract %slice3A_1888[0] : i32 from vector<1xi32>
      %div3A_1890 = arith.constant 100 : i32
      %div3A_1891 = arith.divsi %squeeze3A_1889, %div3A_1890 : i32
      %div3A_1892 = arith.constant 100 : i32
      %div3A_1893 = arith.divsi %div3A_1891, %div3A_1892 : i32
      %div3A_1894 = arith.constant 100 : i32
      %div3A_1895 = arith.divsi %div3A_1893, %div3A_1894 : i32
      %mul3A_1896 = arith.constant 100 : i32
      %mul3A_1897 = arith.muli %div3A_1891, %mul3A_1896 : i32
      %sub3A_1898 = arith.subi %squeeze3A_1889, %mul3A_1897 : i32
      %mul3A_1899 = arith.constant 100 : i32
      %mul3A_1900 = arith.muli %div3A_1893, %mul3A_1899 : i32
      %sub3A_1901 = arith.subi %div3A_1891, %mul3A_1900 : i32
      %add3A_1902 = arith.constant 100 : i32
      %add3A_1903 = arith.addi %sub3A_1901, %add3A_1902 : i32
      %mul3A_1904 = arith.constant 100 : i32
      %mul3A_1905 = arith.muli %div3A_1895, %mul3A_1904 : i32
      %sub3A_1906 = arith.subi %div3A_1893, %mul3A_1905 : i32
      %add3A_1907 = arith.constant 200 : i32
      %add3A_1908 = arith.addi %sub3A_1906, %add3A_1907 : i32
      %add3A_1909 = arith.constant 300 : i32
      %add3A_1910 = arith.addi %div3A_1895, %add3A_1909 : i32
      %add3A_1911 = arith.addf %get3A_1702, %get3A_1708 : vector<32xbf16>
      %add3A_1912 = arith.addf %get3A_1714, %get3A_1720 : vector<32xbf16>
      %add3A_1913 = arith.addf %add3A_1911, %add3A_1912 : vector<32xbf16>
      %unpack3A_1914 = tpu.unpack_subelements %add3A_1913, 0 {pack_format = #tpu.pack_format<interleaved>} : vector<32xbf16> -> vector<16xf32>
      %unpack3A_1915 = tpu.unpack_subelements %add3A_1913, 1 {pack_format = #tpu.pack_format<interleaved>} : vector<32xbf16> -> vector<16xf32>
      %swap3A_1916 = arith.index_cast %add3A_1863 : i32 to index
      %swap3A_1917 = arith.constant 0 : index
      %swap3A_1918 = tpu.vector_load %arg8[%swap3A_1916, %swap3A_1917] {strides = array<i32>} : memref<512x128xf32, #tpu.memory_space<vmem>>, vector<16xf32>,
      tpu.vector_store %arg8[%swap3A_1916, %swap3A_1917], %unpack3A_1914 {strides = array<i32>} : memref<512x128xf32, #tpu.memory_space<vmem>>, vector<16xf32>,
      %swap3A_1919 = arith.index_cast %add3A_1863 : i32 to index
      %swap3A_1920 = arith.constant 16 : index
      %swap3A_1921 = tpu.vector_load %arg8[%swap3A_1919, %swap3A_1920] {strides = array<i32>} : memref<512x128xf32, #tpu.memory_space<vmem>>, vector<16xf32>,
      tpu.vector_store %arg8[%swap3A_1919, %swap3A_1920], %unpack3A_1915 {strides = array<i32>} : memref<512x128xf32, #tpu.memory_space<vmem>>, vector<16xf32>,
      %mul3A_1922 = arith.constant 256 : i32
      %mul3A_1923 = arith.muli %sub3A_1731, %mul3A_1922 : i32
      %add3A_1924 = arith.constant 32 : i32
      %add3A_1925 = arith.addi %mul3A_1923, %add3A_1924 : i32
      %get3A_1926 = arith.index_cast %add3A_1925 : i32 to index
      %get3A_1927 = tpu.vector_load %arg6[%get3A_1926] {strides = array<i32>} : memref<102400xbf16, #tpu.memory_space<vmem>>, vector<32xbf16>,
      %mul3A_1928 = arith.constant 256 : i32
      %mul3A_1929 = arith.muli %add3A_1736, %mul3A_1928 : i32
      %add3A_1930 = arith.constant 32 : i32
      %add3A_1931 = arith.addi %mul3A_1929, %add3A_1930 : i32
      %get3A_1932 = arith.index_cast %add3A_1931 : i32 to index
      %get3A_1933 = tpu.vector_load %arg6[%get3A_1932] {strides = array<i32>} : memref<102400xbf16, #tpu.memory_space<vmem>>, vector<32xbf16>,
      %mul3A_1934 = arith.constant 256 : i32
      %mul3A_1935 = arith.muli %add3A_1741, %mul3A_1934 : i32
      %add3A_1936 = arith.constant 32 : i32
      %add3A_1937 = arith.addi %mul3A_1935, %add3A_1936 : i32
      %get3A_1938 = arith.index_cast %add3A_1937 : i32 to index
      %get3A_1939 = tpu.vector_load %arg6[%get3A_1938] {strides = array<i32>} : memref<102400xbf16, #tpu.memory_space<vmem>>, vector<32xbf16>,
      %mul3A_1940 = arith.constant 256 : i32
      %mul3A_1941 = arith.muli %add3A_1743, %mul3A_1940 : i32
      %add3A_1942 = arith.constant 32 : i32
      %add3A_1943 = arith.addi %mul3A_1941, %add3A_1942 : i32
      %get3A_1944 = arith.index_cast %add3A_1943 : i32 to index
      %get3A_1945 = tpu.vector_load %arg6[%get3A_1944] {strides = array<i32>} : memref<102400xbf16, #tpu.memory_space<vmem>>, vector<32xbf16>,
      %add3A_1946 = arith.addf %get3A_1760, %get3A_1766 : vector<32xbf16>
      %add3A_1947 = arith.addf %get3A_1772, %get3A_1778 : vector<32xbf16>
      %add3A_1948 = arith.addf %add3A_1946, %add3A_1947 : vector<32xbf16>
      %unpack3A_1949 = tpu.unpack_subelements %add3A_1948, 0 {pack_format = #tpu.pack_format<interleaved>} : vector<32xbf16> -> vector<16xf32>
      %unpack3A_1950 = tpu.unpack_subelements %add3A_1948, 1 {pack_format = #tpu.pack_format<interleaved>} : vector<32xbf16> -> vector<16xf32>
      %swap3A_1951 = arith.index_cast %add3A_1863 : i32 to index
      %swap3A_1952 = arith.constant 32 : index
      %swap3A_1953 = tpu.vector_load %arg8[%swap3A_1951, %swap3A_1952] {strides = array<i32>} : memref<512x128xf32, #tpu.memory_space<vmem>>, vector<16xf32>,
      tpu.vector_store %arg8[%swap3A_1951, %swap3A_1952], %unpack3A_1949 {strides = array<i32>} : memref<512x128xf32, #tpu.memory_space<vmem>>, vector<16xf32>,
      %swap3A_1954 = arith.index_cast %add3A_1863 : i32 to index
      %swap3A_1955 = arith.constant 48 : index
      %swap3A_1956 = tpu.vector_load %arg8[%swap3A_1954, %swap3A_1955] {strides = array<i32>} : memref<512x128xf32, #tpu.memory_space<vmem>>, vector<16xf32>,
      tpu.vector_store %arg8[%swap3A_1954, %swap3A_1955], %unpack3A_1950 {strides = array<i32>} : memref<512x128xf32, #tpu.memory_space<vmem>>, vector<16xf32>,
      %mul3A_1957 = arith.constant 256 : i32
      %mul3A_1958 = arith.muli %sub3A_1731, %mul3A_1957 : i32
      %add3A_1959 = arith.constant 64 : i32
      %add3A_1960 = arith.addi %mul3A_1958, %add3A_1959 : i32
      %get3A_1961 = arith.index_cast %add3A_1960 : i32 to index
      %get3A_1962 = tpu.vector_load %arg6[%get3A_1961] {strides = array<i32>} : memref<102400xbf16, #tpu.memory_space<vmem>>, vector<32xbf16>,
      %mul3A_1963 = arith.constant 256 : i32
      %mul3A_1964 = arith.muli %add3A_1736, %mul3A_1963 : i32
      %add3A_1965 = arith.constant 64 : i32
      %add3A_1966 = arith.addi %mul3A_1964, %add3A_1965 : i32
      %get3A_1967 = arith.index_cast %add3A_1966 : i32 to index
      %get3A_1968 = tpu.vector_load %arg6[%get3A_1967] {strides = array<i32>} : memref<102400xbf16, #tpu.memory_space<vmem>>, vector<32xbf16>,
      %mul3A_1969 = arith.constant 256 : i32
      %mul3A_1970 = arith.muli %add3A_1741, %mul3A_1969 : i32
      %add3A_1971 = arith.constant 64 : i32
      %add3A_1972 = arith.addi %mul3A_1970, %add3A_1971 : i32
      %get3A_1973 = arith.index_cast %add3A_1972 : i32 to index
      %get3A_1974 = tpu.vector_load %arg6[%get3A_1973] {strides = array<i32>} : memref<102400xbf16, #tpu.memory_space<vmem>>, vector<32xbf16>,
      %mul3A_1975 = arith.constant 256 : i32
      %mul3A_1976 = arith.muli %add3A_1743, %mul3A_1975 : i32
      %add3A_1977 = arith.constant 64 : i32
      %add3A_1978 = arith.addi %mul3A_1976, %add3A_1977 : i32
      %get3A_1979 = arith.index_cast %add3A_1978 : i32 to index
      %get3A_1980 = tpu.vector_load %arg6[%get3A_1979] {strides = array<i32>} : memref<102400xbf16, #tpu.memory_space<vmem>>, vector<32xbf16>,
      %add3A_1981 = arith.addf %get3A_1795, %get3A_1801 : vector<32xbf16>
      %add3A_1982 = arith.addf %get3A_1807, %get3A_1813 : vector<32xbf16>
      %add3A_1983 = arith.addf %add3A_1981, %add3A_1982 : vector<32xbf16>
      %unpack3A_1984 = tpu.unpack_subelements %add3A_1983, 0 {pack_format = #tpu.pack_format<interleaved>} : vector<32xbf16> -> vector<16xf32>
      %unpack3A_1985 = tpu.unpack_subelements %add3A_1983, 1 {pack_format = #tpu.pack_format<interleaved>} : vector<32xbf16> -> vector<16xf32>
      %swap3A_1986 = arith.index_cast %add3A_1863 : i32 to index
      %swap3A_1987 = arith.constant 64 : index
      %swap3A_1988 = tpu.vector_load %arg8[%swap3A_1986, %swap3A_1987] {strides = array<i32>} : memref<512x128xf32, #tpu.memory_space<vmem>>, vector<16xf32>,
      tpu.vector_store %arg8[%swap3A_1986, %swap3A_1987], %unpack3A_1984 {strides = array<i32>} : memref<512x128xf32, #tpu.memory_space<vmem>>, vector<16xf32>,
      %swap3A_1989 = arith.index_cast %add3A_1863 : i32 to index
      %swap3A_1990 = arith.constant 80 : index
      %swap3A_1991 = tpu.vector_load %arg8[%swap3A_1989, %swap3A_1990] {strides = array<i32>} : memref<512x128xf32, #tpu.memory_space<vmem>>, vector<16xf32>,
      tpu.vector_store %arg8[%swap3A_1989, %swap3A_1990], %unpack3A_1985 {strides = array<i32>} : memref<512x128xf32, #tpu.memory_space<vmem>>, vector<16xf32>,
      %mul3A_1992 = arith.constant 256 : i32
      %mul3A_1993 = arith.muli %sub3A_1731, %mul3A_1992 : i32
      %add3A_1994 = arith.constant 96 : i32
      %add3A_1995 = arith.addi %mul3A_1993, %add3A_1994 : i32
      %get3A_1996 = arith.index_cast %add3A_1995 : i32 to index
      %get3A_1997 = tpu.vector_load %arg6[%get3A_1996] {strides = array<i32>} : memref<102400xbf16, #tpu.memory_space<vmem>>, vector<32xbf16>,
      %mul3A_1998 = arith.constant 256 : i32
      %mul3A_1999 = arith.muli %add3A_1736, %mul3A_1998 : i32
      %add3A_2000 = arith.constant 96 : i32
      %add3A_2001 = arith.addi %mul3A_1999, %add3A_2000 : i32
      %get3A_2002 = arith.index_cast %add3A_2001 : i32 to index
      %get3A_2003 = tpu.vector_load %arg6[%get3A_2002] {strides = array<i32>} : memref<102400xbf16, #tpu.memory_space<vmem>>, vector<32xbf16>,
      %mul3A_2004 = arith.constant 256 : i32
      %mul3A_2005 = arith.muli %add3A_1741, %mul3A_2004 : i32
      %add3A_2006 = arith.constant 96 : i32
      %add3A_2007 = arith.addi %mul3A_2005, %add3A_2006 : i32
      %get3A_2008 = arith.index_cast %add3A_2007 : i32 to index
      %get3A_2009 = tpu.vector_load %arg6[%get3A_2008] {strides = array<i32>} : memref<102400xbf16, #tpu.memory_space<vmem>>, vector<32xbf16>,
      %mul3A_2010 = arith.constant 256 : i32
      %mul3A_2011 = arith.muli %add3A_1743, %mul3A_2010 : i32
      %add3A_2012 = arith.constant 96 : i32
      %add3A_2013 = arith.addi %mul3A_2011, %add3A_2012 : i32
      %get3A_2014 = arith.index_cast %add3A_2013 : i32 to index
      %get3A_2015 = tpu.vector_load %arg6[%get3A_2014] {strides = array<i32>} : memref<102400xbf16, #tpu.memory_space<vmem>>, vector<32xbf16>,
      %add3A_2016 = arith.addf %get3A_1830, %get3A_1836 : vector<32xbf16>
      %add3A_2017 = arith.addf %get3A_1842, %get3A_1848 : vector<32xbf16>
      %add3A_2018 = arith.addf %add3A_2016, %add3A_2017 : vector<32xbf16>
      %unpack3A_2019 = tpu.unpack_subelements %add3A_2018, 0 {pack_format = #tpu.pack_format<interleaved>} : vector<32xbf16> -> vector<16xf32>
      %unpack3A_2020 = tpu.unpack_subelements %add3A_2018, 1 {pack_format = #tpu.pack_format<interleaved>} : vector<32xbf16> -> vector<16xf32>
      %swap3A_2021 = arith.index_cast %add3A_1863 : i32 to index
      %swap3A_2022 = arith.constant 96 : index
      %swap3A_2023 = tpu.vector_load %arg8[%swap3A_2021, %swap3A_2022] {strides = array<i32>} : memref<512x128xf32, #tpu.memory_space<vmem>>, vector<16xf32>,
      tpu.vector_store %arg8[%swap3A_2021, %swap3A_2022], %unpack3A_2019 {strides = array<i32>} : memref<512x128xf32, #tpu.memory_space<vmem>>, vector<16xf32>,
      %swap3A_2024 = arith.index_cast %add3A_1863 : i32 to index
      %swap3A_2025 = arith.constant 112 : index
      %swap3A_2026 = tpu.vector_load %arg8[%swap3A_2024, %swap3A_2025] {strides = array<i32>} : memref<512x128xf32, #tpu.memory_space<vmem>>, vector<16xf32>,
      tpu.vector_store %arg8[%swap3A_2024, %swap3A_2025], %unpack3A_2020 {strides = array<i32>} : memref<512x128xf32, #tpu.memory_space<vmem>>, vector<16xf32>,
      %mul3A_2027 = arith.constant 16 : i32
      %mul3A_2028 = arith.muli %scan3A_50, %mul3A_2027 : i32
      %add3A_2029 = arith.constant 11 : i32
      %add3A_2030 = arith.addi %mul3A_2028, %add3A_2029 : i32
      %mul3A_2031 = arith.constant 256 : i32
      %mul3A_2032 = arith.muli %sub3A_1898, %mul3A_2031 : i32
      %add3A_2033 = arith.constant 0 : i32
      %add3A_2034 = arith.addi %mul3A_2032, %add3A_2033 : i32
      %get3A_2035 = arith.index_cast %add3A_2034 : i32 to index
      %get3A_2036 = tpu.vector_load %arg6[%get3A_2035] {strides = array<i32>} : memref<102400xbf16, #tpu.memory_space<vmem>>, vector<32xbf16>,
      %mul3A_2037 = arith.constant 256 : i32
      %mul3A_2038 = arith.muli %add3A_1903, %mul3A_2037 : i32
      %add3A_2039 = arith.constant 0 : i32
      %add3A_2040 = arith.addi %mul3A_2038, %add3A_2039 : i32
      %get3A_2041 = arith.index_cast %add3A_2040 : i32 to index
      %get3A_2042 = tpu.vector_load %arg6[%get3A_2041] {strides = array<i32>} : memref<102400xbf16, #tpu.memory_space<vmem>>, vector<32xbf16>,
      %mul3A_2043 = arith.constant 256 : i32
      %mul3A_2044 = arith.muli %add3A_1908, %mul3A_2043 : i32
      %add3A_2045 = arith.constant 0 : i32
      %add3A_2046 = arith.addi %mul3A_2044, %add3A_2045 : i32
      %get3A_2047 = arith.index_cast %add3A_2046 : i32 to index
      %get3A_2048 = tpu.vector_load %arg6[%get3A_2047] {strides = array<i32>} : memref<102400xbf16, #tpu.memory_space<vmem>>, vector<32xbf16>,
      %mul3A_2049 = arith.constant 256 : i32
      %mul3A_2050 = arith.muli %add3A_1910, %mul3A_2049 : i32
      %add3A_2051 = arith.constant 0 : i32
      %add3A_2052 = arith.addi %mul3A_2050, %add3A_2051 : i32
      %get3A_2053 = arith.index_cast %add3A_2052 : i32 to index
      %get3A_2054 = tpu.vector_load %arg6[%get3A_2053] {strides = array<i32>} : memref<102400xbf16, #tpu.memory_space<vmem>>, vector<32xbf16>,
      %slice3A_2055 = vector.extract_strided_slice %get3A_53 {offsets = [13], sizes = [1], strides = [1]} : vector<16xi32> to vector<1xi32>
      %squeeze3A_2056 = vector.extract %slice3A_2055[0] : i32 from vector<1xi32>
      %div3A_2057 = arith.constant 100 : i32
      %div3A_2058 = arith.divsi %squeeze3A_2056, %div3A_2057 : i32
      %div3A_2059 = arith.constant 100 : i32
      %div3A_2060 = arith.divsi %div3A_2058, %div3A_2059 : i32
      %div3A_2061 = arith.constant 100 : i32
      %div3A_2062 = arith.divsi %div3A_2060, %div3A_2061 : i32
      %mul3A_2063 = arith.constant 100 : i32
      %mul3A_2064 = arith.muli %div3A_2058, %mul3A_2063 : i32
      %sub3A_2065 = arith.subi %squeeze3A_2056, %mul3A_2064 : i32
      %mul3A_2066 = arith.constant 100 : i32
      %mul3A_2067 = arith.muli %div3A_2060, %mul3A_2066 : i32
      %sub3A_2068 = arith.subi %div3A_2058, %mul3A_2067 : i32
      %add3A_2069 = arith.constant 100 : i32
      %add3A_2070 = arith.addi %sub3A_2068, %add3A_2069 : i32
      %mul3A_2071 = arith.constant 100 : i32
      %mul3A_2072 = arith.muli %div3A_2062, %mul3A_2071 : i32
      %sub3A_2073 = arith.subi %div3A_2060, %mul3A_2072 : i32
      %add3A_2074 = arith.constant 200 : i32
      %add3A_2075 = arith.addi %sub3A_2073, %add3A_2074 : i32
      %add3A_2076 = arith.constant 300 : i32
      %add3A_2077 = arith.addi %div3A_2062, %add3A_2076 : i32
      %add3A_2078 = arith.addf %get3A_1869, %get3A_1875 : vector<32xbf16>
      %add3A_2079 = arith.addf %get3A_1881, %get3A_1887 : vector<32xbf16>
      %add3A_2080 = arith.addf %add3A_2078, %add3A_2079 : vector<32xbf16>
      %unpack3A_2081 = tpu.unpack_subelements %add3A_2080, 0 {pack_format = #tpu.pack_format<interleaved>} : vector<32xbf16> -> vector<16xf32>
      %unpack3A_2082 = tpu.unpack_subelements %add3A_2080, 1 {pack_format = #tpu.pack_format<interleaved>} : vector<32xbf16> -> vector<16xf32>
      %swap3A_2083 = arith.index_cast %add3A_2030 : i32 to index
      %swap3A_2084 = arith.constant 0 : index
      %swap3A_2085 = tpu.vector_load %arg8[%swap3A_2083, %swap3A_2084] {strides = array<i32>} : memref<512x128xf32, #tpu.memory_space<vmem>>, vector<16xf32>,
      tpu.vector_store %arg8[%swap3A_2083, %swap3A_2084], %unpack3A_2081 {strides = array<i32>} : memref<512x128xf32, #tpu.memory_space<vmem>>, vector<16xf32>,
      %swap3A_2086 = arith.index_cast %add3A_2030 : i32 to index
      %swap3A_2087 = arith.constant 16 : index
      %swap3A_2088 = tpu.vector_load %arg8[%swap3A_2086, %swap3A_2087] {strides = array<i32>} : memref<512x128xf32, #tpu.memory_space<vmem>>, vector<16xf32>,
      tpu.vector_store %arg8[%swap3A_2086, %swap3A_2087], %unpack3A_2082 {strides = array<i32>} : memref<512x128xf32, #tpu.memory_space<vmem>>, vector<16xf32>,
      %mul3A_2089 = arith.constant 256 : i32
      %mul3A_2090 = arith.muli %sub3A_1898, %mul3A_2089 : i32
      %add3A_2091 = arith.constant 32 : i32
      %add3A_2092 = arith.addi %mul3A_2090, %add3A_2091 : i32
      %get3A_2093 = arith.index_cast %add3A_2092 : i32 to index
      %get3A_2094 = tpu.vector_load %arg6[%get3A_2093] {strides = array<i32>} : memref<102400xbf16, #tpu.memory_space<vmem>>, vector<32xbf16>,
      %mul3A_2095 = arith.constant 256 : i32
      %mul3A_2096 = arith.muli %add3A_1903, %mul3A_2095 : i32
      %add3A_2097 = arith.constant 32 : i32
      %add3A_2098 = arith.addi %mul3A_2096, %add3A_2097 : i32
      %get3A_2099 = arith.index_cast %add3A_2098 : i32 to index
      %get3A_2100 = tpu.vector_load %arg6[%get3A_2099] {strides = array<i32>} : memref<102400xbf16, #tpu.memory_space<vmem>>, vector<32xbf16>,
      %mul3A_2101 = arith.constant 256 : i32
      %mul3A_2102 = arith.muli %add3A_1908, %mul3A_2101 : i32
      %add3A_2103 = arith.constant 32 : i32
      %add3A_2104 = arith.addi %mul3A_2102, %add3A_2103 : i32
      %get3A_2105 = arith.index_cast %add3A_2104 : i32 to index
      %get3A_2106 = tpu.vector_load %arg6[%get3A_2105] {strides = array<i32>} : memref<102400xbf16, #tpu.memory_space<vmem>>, vector<32xbf16>,
      %mul3A_2107 = arith.constant 256 : i32
      %mul3A_2108 = arith.muli %add3A_1910, %mul3A_2107 : i32
      %add3A_2109 = arith.constant 32 : i32
      %add3A_2110 = arith.addi %mul3A_2108, %add3A_2109 : i32
      %get3A_2111 = arith.index_cast %add3A_2110 : i32 to index
      %get3A_2112 = tpu.vector_load %arg6[%get3A_2111] {strides = array<i32>} : memref<102400xbf16, #tpu.memory_space<vmem>>, vector<32xbf16>,
      %add3A_2113 = arith.addf %get3A_1927, %get3A_1933 : vector<32xbf16>
      %add3A_2114 = arith.addf %get3A_1939, %get3A_1945 : vector<32xbf16>
      %add3A_2115 = arith.addf %add3A_2113, %add3A_2114 : vector<32xbf16>
      %unpack3A_2116 = tpu.unpack_subelements %add3A_2115, 0 {pack_format = #tpu.pack_format<interleaved>} : vector<32xbf16> -> vector<16xf32>
      %unpack3A_2117 = tpu.unpack_subelements %add3A_2115, 1 {pack_format = #tpu.pack_format<interleaved>} : vector<32xbf16> -> vector<16xf32>
      %swap3A_2118 = arith.index_cast %add3A_2030 : i32 to index
      %swap3A_2119 = arith.constant 32 : index
      %swap3A_2120 = tpu.vector_load %arg8[%swap3A_2118, %swap3A_2119] {strides = array<i32>} : memref<512x128xf32, #tpu.memory_space<vmem>>, vector<16xf32>,
      tpu.vector_store %arg8[%swap3A_2118, %swap3A_2119], %unpack3A_2116 {strides = array<i32>} : memref<512x128xf32, #tpu.memory_space<vmem>>, vector<16xf32>,
      %swap3A_2121 = arith.index_cast %add3A_2030 : i32 to index
      %swap3A_2122 = arith.constant 48 : index
      %swap3A_2123 = tpu.vector_load %arg8[%swap3A_2121, %swap3A_2122] {strides = array<i32>} : memref<512x128xf32, #tpu.memory_space<vmem>>, vector<16xf32>,
      tpu.vector_store %arg8[%swap3A_2121, %swap3A_2122], %unpack3A_2117 {strides = array<i32>} : memref<512x128xf32, #tpu.memory_space<vmem>>, vector<16xf32>,
      %mul3A_2124 = arith.constant 256 : i32
      %mul3A_2125 = arith.muli %sub3A_1898, %mul3A_2124 : i32
      %add3A_2126 = arith.constant 64 : i32
      %add3A_2127 = arith.addi %mul3A_2125, %add3A_2126 : i32
      %get3A_2128 = arith.index_cast %add3A_2127 : i32 to index
      %get3A_2129 = tpu.vector_load %arg6[%get3A_2128] {strides = array<i32>} : memref<102400xbf16, #tpu.memory_space<vmem>>, vector<32xbf16>,
      %mul3A_2130 = arith.constant 256 : i32
      %mul3A_2131 = arith.muli %add3A_1903, %mul3A_2130 : i32
      %add3A_2132 = arith.constant 64 : i32
      %add3A_2133 = arith.addi %mul3A_2131, %add3A_2132 : i32
      %get3A_2134 = arith.index_cast %add3A_2133 : i32 to index
      %get3A_2135 = tpu.vector_load %arg6[%get3A_2134] {strides = array<i32>} : memref<102400xbf16, #tpu.memory_space<vmem>>, vector<32xbf16>,
      %mul3A_2136 = arith.constant 256 : i32
      %mul3A_2137 = arith.muli %add3A_1908, %mul3A_2136 : i32
      %add3A_2138 = arith.constant 64 : i32
      %add3A_2139 = arith.addi %mul3A_2137, %add3A_2138 : i32
      %get3A_2140 = arith.index_cast %add3A_2139 : i32 to index
      %get3A_2141 = tpu.vector_load %arg6[%get3A_2140] {strides = array<i32>} : memref<102400xbf16, #tpu.memory_space<vmem>>, vector<32xbf16>,
      %mul3A_2142 = arith.constant 256 : i32
      %mul3A_2143 = arith.muli %add3A_1910, %mul3A_2142 : i32
      %add3A_2144 = arith.constant 64 : i32
      %add3A_2145 = arith.addi %mul3A_2143, %add3A_2144 : i32
      %get3A_2146 = arith.index_cast %add3A_2145 : i32 to index
      %get3A_2147 = tpu.vector_load %arg6[%get3A_2146] {strides = array<i32>} : memref<102400xbf16, #tpu.memory_space<vmem>>, vector<32xbf16>,
      %add3A_2148 = arith.addf %get3A_1962, %get3A_1968 : vector<32xbf16>
      %add3A_2149 = arith.addf %get3A_1974, %get3A_1980 : vector<32xbf16>
      %add3A_2150 = arith.addf %add3A_2148, %add3A_2149 : vector<32xbf16>
      %unpack3A_2151 = tpu.unpack_subelements %add3A_2150, 0 {pack_format = #tpu.pack_format<interleaved>} : vector<32xbf16> -> vector<16xf32>
      %unpack3A_2152 = tpu.unpack_subelements %add3A_2150, 1 {pack_format = #tpu.pack_format<interleaved>} : vector<32xbf16> -> vector<16xf32>
      %swap3A_2153 = arith.index_cast %add3A_2030 : i32 to index
      %swap3A_2154 = arith.constant 64 : index
      %swap3A_2155 = tpu.vector_load %arg8[%swap3A_2153, %swap3A_2154] {strides = array<i32>} : memref<512x128xf32, #tpu.memory_space<vmem>>, vector<16xf32>,
      tpu.vector_store %arg8[%swap3A_2153, %swap3A_2154], %unpack3A_2151 {strides = array<i32>} : memref<512x128xf32, #tpu.memory_space<vmem>>, vector<16xf32>,
      %swap3A_2156 = arith.index_cast %add3A_2030 : i32 to index
      %swap3A_2157 = arith.constant 80 : index
      %swap3A_2158 = tpu.vector_load %arg8[%swap3A_2156, %swap3A_2157] {strides = array<i32>} : memref<512x128xf32, #tpu.memory_space<vmem>>, vector<16xf32>,
      tpu.vector_store %arg8[%swap3A_2156, %swap3A_2157], %unpack3A_2152 {strides = array<i32>} : memref<512x128xf32, #tpu.memory_space<vmem>>, vector<16xf32>,
      %mul3A_2159 = arith.constant 256 : i32
      %mul3A_2160 = arith.muli %sub3A_1898, %mul3A_2159 : i32
      %add3A_2161 = arith.constant 96 : i32
      %add3A_2162 = arith.addi %mul3A_2160, %add3A_2161 : i32
      %get3A_2163 = arith.index_cast %add3A_2162 : i32 to index
      %get3A_2164 = tpu.vector_load %arg6[%get3A_2163] {strides = array<i32>} : memref<102400xbf16, #tpu.memory_space<vmem>>, vector<32xbf16>,
      %mul3A_2165 = arith.constant 256 : i32
      %mul3A_2166 = arith.muli %add3A_1903, %mul3A_2165 : i32
      %add3A_2167 = arith.constant 96 : i32
      %add3A_2168 = arith.addi %mul3A_2166, %add3A_2167 : i32
      %get3A_2169 = arith.index_cast %add3A_2168 : i32 to index
      %get3A_2170 = tpu.vector_load %arg6[%get3A_2169] {strides = array<i32>} : memref<102400xbf16, #tpu.memory_space<vmem>>, vector<32xbf16>,
      %mul3A_2171 = arith.constant 256 : i32
      %mul3A_2172 = arith.muli %add3A_1908, %mul3A_2171 : i32
      %add3A_2173 = arith.constant 96 : i32
      %add3A_2174 = arith.addi %mul3A_2172, %add3A_2173 : i32
      %get3A_2175 = arith.index_cast %add3A_2174 : i32 to index
      %get3A_2176 = tpu.vector_load %arg6[%get3A_2175] {strides = array<i32>} : memref<102400xbf16, #tpu.memory_space<vmem>>, vector<32xbf16>,
      %mul3A_2177 = arith.constant 256 : i32
      %mul3A_2178 = arith.muli %add3A_1910, %mul3A_2177 : i32
      %add3A_2179 = arith.constant 96 : i32
      %add3A_2180 = arith.addi %mul3A_2178, %add3A_2179 : i32
      %get3A_2181 = arith.index_cast %add3A_2180 : i32 to index
      %get3A_2182 = tpu.vector_load %arg6[%get3A_2181] {strides = array<i32>} : memref<102400xbf16, #tpu.memory_space<vmem>>, vector<32xbf16>,
      %add3A_2183 = arith.addf %get3A_1997, %get3A_2003 : vector<32xbf16>
      %add3A_2184 = arith.addf %get3A_2009, %get3A_2015 : vector<32xbf16>
      %add3A_2185 = arith.addf %add3A_2183, %add3A_2184 : vector<32xbf16>
      %unpack3A_2186 = tpu.unpack_subelements %add3A_2185, 0 {pack_format = #tpu.pack_format<interleaved>} : vector<32xbf16> -> vector<16xf32>
      %unpack3A_2187 = tpu.unpack_subelements %add3A_2185, 1 {pack_format = #tpu.pack_format<interleaved>} : vector<32xbf16> -> vector<16xf32>
      %swap3A_2188 = arith.index_cast %add3A_2030 : i32 to index
      %swap3A_2189 = arith.constant 96 : index
      %swap3A_2190 = tpu.vector_load %arg8[%swap3A_2188, %swap3A_2189] {strides = array<i32>} : memref<512x128xf32, #tpu.memory_space<vmem>>, vector<16xf32>,
      tpu.vector_store %arg8[%swap3A_2188, %swap3A_2189], %unpack3A_2186 {strides = array<i32>} : memref<512x128xf32, #tpu.memory_space<vmem>>, vector<16xf32>,
      %swap3A_2191 = arith.index_cast %add3A_2030 : i32 to index
      %swap3A_2192 = arith.constant 112 : index
      %swap3A_2193 = tpu.vector_load %arg8[%swap3A_2191, %swap3A_2192] {strides = array<i32>} : memref<512x128xf32, #tpu.memory_space<vmem>>, vector<16xf32>,
      tpu.vector_store %arg8[%swap3A_2191, %swap3A_2192], %unpack3A_2187 {strides = array<i32>} : memref<512x128xf32, #tpu.memory_space<vmem>>, vector<16xf32>,
      %mul3A_2194 = arith.constant 16 : i32
      %mul3A_2195 = arith.muli %scan3A_50, %mul3A_2194 : i32
      %add3A_2196 = arith.constant 12 : i32
      %add3A_2197 = arith.addi %mul3A_2195, %add3A_2196 : i32
      %mul3A_2198 = arith.constant 256 : i32
      %mul3A_2199 = arith.muli %sub3A_2065, %mul3A_2198 : i32
      %add3A_2200 = arith.constant 0 : i32
      %add3A_2201 = arith.addi %mul3A_2199, %add3A_2200 : i32
      %get3A_2202 = arith.index_cast %add3A_2201 : i32 to index
      %get3A_2203 = tpu.vector_load %arg6[%get3A_2202] {strides = array<i32>} : memref<102400xbf16, #tpu.memory_space<vmem>>, vector<32xbf16>,
      %mul3A_2204 = arith.constant 256 : i32
      %mul3A_2205 = arith.muli %add3A_2070, %mul3A_2204 : i32
      %add3A_2206 = arith.constant 0 : i32
      %add3A_2207 = arith.addi %mul3A_2205, %add3A_2206 : i32
      %get3A_2208 = arith.index_cast %add3A_2207 : i32 to index
      %get3A_2209 = tpu.vector_load %arg6[%get3A_2208] {strides = array<i32>} : memref<102400xbf16, #tpu.memory_space<vmem>>, vector<32xbf16>,
      %mul3A_2210 = arith.constant 256 : i32
      %mul3A_2211 = arith.muli %add3A_2075, %mul3A_2210 : i32
      %add3A_2212 = arith.constant 0 : i32
      %add3A_2213 = arith.addi %mul3A_2211, %add3A_2212 : i32
      %get3A_2214 = arith.index_cast %add3A_2213 : i32 to index
      %get3A_2215 = tpu.vector_load %arg6[%get3A_2214] {strides = array<i32>} : memref<102400xbf16, #tpu.memory_space<vmem>>, vector<32xbf16>,
      %mul3A_2216 = arith.constant 256 : i32
      %mul3A_2217 = arith.muli %add3A_2077, %mul3A_2216 : i32
      %add3A_2218 = arith.constant 0 : i32
      %add3A_2219 = arith.addi %mul3A_2217, %add3A_2218 : i32
      %get3A_2220 = arith.index_cast %add3A_2219 : i32 to index
      %get3A_2221 = tpu.vector_load %arg6[%get3A_2220] {strides = array<i32>} : memref<102400xbf16, #tpu.memory_space<vmem>>, vector<32xbf16>,
      %slice3A_2222 = vector.extract_strided_slice %get3A_53 {offsets = [14], sizes = [1], strides = [1]} : vector<16xi32> to vector<1xi32>
      %squeeze3A_2223 = vector.extract %slice3A_2222[0] : i32 from vector<1xi32>
      %div3A_2224 = arith.constant 100 : i32
      %div3A_2225 = arith.divsi %squeeze3A_2223, %div3A_2224 : i32
      %div3A_2226 = arith.constant 100 : i32
      %div3A_2227 = arith.divsi %div3A_2225, %div3A_2226 : i32
      %div3A_2228 = arith.constant 100 : i32
      %div3A_2229 = arith.divsi %div3A_2227, %div3A_2228 : i32
      %mul3A_2230 = arith.constant 100 : i32
      %mul3A_2231 = arith.muli %div3A_2225, %mul3A_2230 : i32
      %sub3A_2232 = arith.subi %squeeze3A_2223, %mul3A_2231 : i32
      %mul3A_2233 = arith.constant 100 : i32
      %mul3A_2234 = arith.muli %div3A_2227, %mul3A_2233 : i32
      %sub3A_2235 = arith.subi %div3A_2225, %mul3A_2234 : i32
      %add3A_2236 = arith.constant 100 : i32
      %add3A_2237 = arith.addi %sub3A_2235, %add3A_2236 : i32
      %mul3A_2238 = arith.constant 100 : i32
      %mul3A_2239 = arith.muli %div3A_2229, %mul3A_2238 : i32
      %sub3A_2240 = arith.subi %div3A_2227, %mul3A_2239 : i32
      %add3A_2241 = arith.constant 200 : i32
      %add3A_2242 = arith.addi %sub3A_2240, %add3A_2241 : i32
      %add3A_2243 = arith.constant 300 : i32
      %add3A_2244 = arith.addi %div3A_2229, %add3A_2243 : i32
      %add3A_2245 = arith.addf %get3A_2036, %get3A_2042 : vector<32xbf16>
      %add3A_2246 = arith.addf %get3A_2048, %get3A_2054 : vector<32xbf16>
      %add3A_2247 = arith.addf %add3A_2245, %add3A_2246 : vector<32xbf16>
      %unpack3A_2248 = tpu.unpack_subelements %add3A_2247, 0 {pack_format = #tpu.pack_format<interleaved>} : vector<32xbf16> -> vector<16xf32>
      %unpack3A_2249 = tpu.unpack_subelements %add3A_2247, 1 {pack_format = #tpu.pack_format<interleaved>} : vector<32xbf16> -> vector<16xf32>
      %swap3A_2250 = arith.index_cast %add3A_2197 : i32 to index
      %swap3A_2251 = arith.constant 0 : index
      %swap3A_2252 = tpu.vector_load %arg8[%swap3A_2250, %swap3A_2251] {strides = array<i32>} : memref<512x128xf32, #tpu.memory_space<vmem>>, vector<16xf32>,
      tpu.vector_store %arg8[%swap3A_2250, %swap3A_2251], %unpack3A_2248 {strides = array<i32>} : memref<512x128xf32, #tpu.memory_space<vmem>>, vector<16xf32>,
      %swap3A_2253 = arith.index_cast %add3A_2197 : i32 to index
      %swap3A_2254 = arith.constant 16 : index
      %swap3A_2255 = tpu.vector_load %arg8[%swap3A_2253, %swap3A_2254] {strides = array<i32>} : memref<512x128xf32, #tpu.memory_space<vmem>>, vector<16xf32>,
      tpu.vector_store %arg8[%swap3A_2253, %swap3A_2254], %unpack3A_2249 {strides = array<i32>} : memref<512x128xf32, #tpu.memory_space<vmem>>, vector<16xf32>,
      %mul3A_2256 = arith.constant 256 : i32
      %mul3A_2257 = arith.muli %sub3A_2065, %mul3A_2256 : i32
      %add3A_2258 = arith.constant 32 : i32
      %add3A_2259 = arith.addi %mul3A_2257, %add3A_2258 : i32
      %get3A_2260 = arith.index_cast %add3A_2259 : i32 to index
      %get3A_2261 = tpu.vector_load %arg6[%get3A_2260] {strides = array<i32>} : memref<102400xbf16, #tpu.memory_space<vmem>>, vector<32xbf16>,
      %mul3A_2262 = arith.constant 256 : i32
      %mul3A_2263 = arith.muli %add3A_2070, %mul3A_2262 : i32
      %add3A_2264 = arith.constant 32 : i32
      %add3A_2265 = arith.addi %mul3A_2263, %add3A_2264 : i32
      %get3A_2266 = arith.index_cast %add3A_2265 : i32 to index
      %get3A_2267 = tpu.vector_load %arg6[%get3A_2266] {strides = array<i32>} : memref<102400xbf16, #tpu.memory_space<vmem>>, vector<32xbf16>,
      %mul3A_2268 = arith.constant 256 : i32
      %mul3A_2269 = arith.muli %add3A_2075, %mul3A_2268 : i32
      %add3A_2270 = arith.constant 32 : i32
      %add3A_2271 = arith.addi %mul3A_2269, %add3A_2270 : i32
      %get3A_2272 = arith.index_cast %add3A_2271 : i32 to index
      %get3A_2273 = tpu.vector_load %arg6[%get3A_2272] {strides = array<i32>} : memref<102400xbf16, #tpu.memory_space<vmem>>, vector<32xbf16>,
      %mul3A_2274 = arith.constant 256 : i32
      %mul3A_2275 = arith.muli %add3A_2077, %mul3A_2274 : i32
      %add3A_2276 = arith.constant 32 : i32
      %add3A_2277 = arith.addi %mul3A_2275, %add3A_2276 : i32
      %get3A_2278 = arith.index_cast %add3A_2277 : i32 to index
      %get3A_2279 = tpu.vector_load %arg6[%get3A_2278] {strides = array<i32>} : memref<102400xbf16, #tpu.memory_space<vmem>>, vector<32xbf16>,
      %add3A_2280 = arith.addf %get3A_2094, %get3A_2100 : vector<32xbf16>
      %add3A_2281 = arith.addf %get3A_2106, %get3A_2112 : vector<32xbf16>
      %add3A_2282 = arith.addf %add3A_2280, %add3A_2281 : vector<32xbf16>
      %unpack3A_2283 = tpu.unpack_subelements %add3A_2282, 0 {pack_format = #tpu.pack_format<interleaved>} : vector<32xbf16> -> vector<16xf32>
      %unpack3A_2284 = tpu.unpack_subelements %add3A_2282, 1 {pack_format = #tpu.pack_format<interleaved>} : vector<32xbf16> -> vector<16xf32>
      %swap3A_2285 = arith.index_cast %add3A_2197 : i32 to index
      %swap3A_2286 = arith.constant 32 : index
      %swap3A_2287 = tpu.vector_load %arg8[%swap3A_2285, %swap3A_2286] {strides = array<i32>} : memref<512x128xf32, #tpu.memory_space<vmem>>, vector<16xf32>,
      tpu.vector_store %arg8[%swap3A_2285, %swap3A_2286], %unpack3A_2283 {strides = array<i32>} : memref<512x128xf32, #tpu.memory_space<vmem>>, vector<16xf32>,
      %swap3A_2288 = arith.index_cast %add3A_2197 : i32 to index
      %swap3A_2289 = arith.constant 48 : index
      %swap3A_2290 = tpu.vector_load %arg8[%swap3A_2288, %swap3A_2289] {strides = array<i32>} : memref<512x128xf32, #tpu.memory_space<vmem>>, vector<16xf32>,
      tpu.vector_store %arg8[%swap3A_2288, %swap3A_2289], %unpack3A_2284 {strides = array<i32>} : memref<512x128xf32, #tpu.memory_space<vmem>>, vector<16xf32>,
      %mul3A_2291 = arith.constant 256 : i32
      %mul3A_2292 = arith.muli %sub3A_2065, %mul3A_2291 : i32
      %add3A_2293 = arith.constant 64 : i32
      %add3A_2294 = arith.addi %mul3A_2292, %add3A_2293 : i32
      %get3A_2295 = arith.index_cast %add3A_2294 : i32 to index
      %get3A_2296 = tpu.vector_load %arg6[%get3A_2295] {strides = array<i32>} : memref<102400xbf16, #tpu.memory_space<vmem>>, vector<32xbf16>,
      %mul3A_2297 = arith.constant 256 : i32
      %mul3A_2298 = arith.muli %add3A_2070, %mul3A_2297 : i32
      %add3A_2299 = arith.constant 64 : i32
      %add3A_2300 = arith.addi %mul3A_2298, %add3A_2299 : i32
      %get3A_2301 = arith.index_cast %add3A_2300 : i32 to index
      %get3A_2302 = tpu.vector_load %arg6[%get3A_2301] {strides = array<i32>} : memref<102400xbf16, #tpu.memory_space<vmem>>, vector<32xbf16>,
      %mul3A_2303 = arith.constant 256 : i32
      %mul3A_2304 = arith.muli %add3A_2075, %mul3A_2303 : i32
      %add3A_2305 = arith.constant 64 : i32
      %add3A_2306 = arith.addi %mul3A_2304, %add3A_2305 : i32
      %get3A_2307 = arith.index_cast %add3A_2306 : i32 to index
      %get3A_2308 = tpu.vector_load %arg6[%get3A_2307] {strides = array<i32>} : memref<102400xbf16, #tpu.memory_space<vmem>>, vector<32xbf16>,
      %mul3A_2309 = arith.constant 256 : i32
      %mul3A_2310 = arith.muli %add3A_2077, %mul3A_2309 : i32
      %add3A_2311 = arith.constant 64 : i32
      %add3A_2312 = arith.addi %mul3A_2310, %add3A_2311 : i32
      %get3A_2313 = arith.index_cast %add3A_2312 : i32 to index
      %get3A_2314 = tpu.vector_load %arg6[%get3A_2313] {strides = array<i32>} : memref<102400xbf16, #tpu.memory_space<vmem>>, vector<32xbf16>,
      %add3A_2315 = arith.addf %get3A_2129, %get3A_2135 : vector<32xbf16>
      %add3A_2316 = arith.addf %get3A_2141, %get3A_2147 : vector<32xbf16>
      %add3A_2317 = arith.addf %add3A_2315, %add3A_2316 : vector<32xbf16>
      %unpack3A_2318 = tpu.unpack_subelements %add3A_2317, 0 {pack_format = #tpu.pack_format<interleaved>} : vector<32xbf16> -> vector<16xf32>
      %unpack3A_2319 = tpu.unpack_subelements %add3A_2317, 1 {pack_format = #tpu.pack_format<interleaved>} : vector<32xbf16> -> vector<16xf32>
      %swap3A_2320 = arith.index_cast %add3A_2197 : i32 to index
      %swap3A_2321 = arith.constant 64 : index
      %swap3A_2322 = tpu.vector_load %arg8[%swap3A_2320, %swap3A_2321] {strides = array<i32>} : memref<512x128xf32, #tpu.memory_space<vmem>>, vector<16xf32>,
      tpu.vector_store %arg8[%swap3A_2320, %swap3A_2321], %unpack3A_2318 {strides = array<i32>} : memref<512x128xf32, #tpu.memory_space<vmem>>, vector<16xf32>,
      %swap3A_2323 = arith.index_cast %add3A_2197 : i32 to index
      %swap3A_2324 = arith.constant 80 : index
      %swap3A_2325 = tpu.vector_load %arg8[%swap3A_2323, %swap3A_2324] {strides = array<i32>} : memref<512x128xf32, #tpu.memory_space<vmem>>, vector<16xf32>,
      tpu.vector_store %arg8[%swap3A_2323, %swap3A_2324], %unpack3A_2319 {strides = array<i32>} : memref<512x128xf32, #tpu.memory_space<vmem>>, vector<16xf32>,
      %mul3A_2326 = arith.constant 256 : i32
      %mul3A_2327 = arith.muli %sub3A_2065, %mul3A_2326 : i32
      %add3A_2328 = arith.constant 96 : i32
      %add3A_2329 = arith.addi %mul3A_2327, %add3A_2328 : i32
      %get3A_2330 = arith.index_cast %add3A_2329 : i32 to index
      %get3A_2331 = tpu.vector_load %arg6[%get3A_2330] {strides = array<i32>} : memref<102400xbf16, #tpu.memory_space<vmem>>, vector<32xbf16>,
      %mul3A_2332 = arith.constant 256 : i32
      %mul3A_2333 = arith.muli %add3A_2070, %mul3A_2332 : i32
      %add3A_2334 = arith.constant 96 : i32
      %add3A_2335 = arith.addi %mul3A_2333, %add3A_2334 : i32
      %get3A_2336 = arith.index_cast %add3A_2335 : i32 to index
      %get3A_2337 = tpu.vector_load %arg6[%get3A_2336] {strides = array<i32>} : memref<102400xbf16, #tpu.memory_space<vmem>>, vector<32xbf16>,
      %mul3A_2338 = arith.constant 256 : i32
      %mul3A_2339 = arith.muli %add3A_2075, %mul3A_2338 : i32
      %add3A_2340 = arith.constant 96 : i32
      %add3A_2341 = arith.addi %mul3A_2339, %add3A_2340 : i32
      %get3A_2342 = arith.index_cast %add3A_2341 : i32 to index
      %get3A_2343 = tpu.vector_load %arg6[%get3A_2342] {strides = array<i32>} : memref<102400xbf16, #tpu.memory_space<vmem>>, vector<32xbf16>,
      %mul3A_2344 = arith.constant 256 : i32
      %mul3A_2345 = arith.muli %add3A_2077, %mul3A_2344 : i32
      %add3A_2346 = arith.constant 96 : i32
      %add3A_2347 = arith.addi %mul3A_2345, %add3A_2346 : i32
      %get3A_2348 = arith.index_cast %add3A_2347 : i32 to index
      %get3A_2349 = tpu.vector_load %arg6[%get3A_2348] {strides = array<i32>} : memref<102400xbf16, #tpu.memory_space<vmem>>, vector<32xbf16>,
      %add3A_2350 = arith.addf %get3A_2164, %get3A_2170 : vector<32xbf16>
      %add3A_2351 = arith.addf %get3A_2176, %get3A_2182 : vector<32xbf16>
      %add3A_2352 = arith.addf %add3A_2350, %add3A_2351 : vector<32xbf16>
      %unpack3A_2353 = tpu.unpack_subelements %add3A_2352, 0 {pack_format = #tpu.pack_format<interleaved>} : vector<32xbf16> -> vector<16xf32>
      %unpack3A_2354 = tpu.unpack_subelements %add3A_2352, 1 {pack_format = #tpu.pack_format<interleaved>} : vector<32xbf16> -> vector<16xf32>
      %swap3A_2355 = arith.index_cast %add3A_2197 : i32 to index
      %swap3A_2356 = arith.constant 96 : index
      %swap3A_2357 = tpu.vector_load %arg8[%swap3A_2355, %swap3A_2356] {strides = array<i32>} : memref<512x128xf32, #tpu.memory_space<vmem>>, vector<16xf32>,
      tpu.vector_store %arg8[%swap3A_2355, %swap3A_2356], %unpack3A_2353 {strides = array<i32>} : memref<512x128xf32, #tpu.memory_space<vmem>>, vector<16xf32>,
      %swap3A_2358 = arith.index_cast %add3A_2197 : i32 to index
      %swap3A_2359 = arith.constant 112 : index
      %swap3A_2360 = tpu.vector_load %arg8[%swap3A_2358, %swap3A_2359] {strides = array<i32>} : memref<512x128xf32, #tpu.memory_space<vmem>>, vector<16xf32>,
      tpu.vector_store %arg8[%swap3A_2358, %swap3A_2359], %unpack3A_2354 {strides = array<i32>} : memref<512x128xf32, #tpu.memory_space<vmem>>, vector<16xf32>,
      %mul3A_2361 = arith.constant 16 : i32
      %mul3A_2362 = arith.muli %scan3A_50, %mul3A_2361 : i32
      %add3A_2363 = arith.constant 13 : i32
      %add3A_2364 = arith.addi %mul3A_2362, %add3A_2363 : i32
      %mul3A_2365 = arith.constant 256 : i32
      %mul3A_2366 = arith.muli %sub3A_2232, %mul3A_2365 : i32
      %add3A_2367 = arith.constant 0 : i32
      %add3A_2368 = arith.addi %mul3A_2366, %add3A_2367 : i32
      %get3A_2369 = arith.index_cast %add3A_2368 : i32 to index
      %get3A_2370 = tpu.vector_load %arg6[%get3A_2369] {strides = array<i32>} : memref<102400xbf16, #tpu.memory_space<vmem>>, vector<32xbf16>,
      %mul3A_2371 = arith.constant 256 : i32
      %mul3A_2372 = arith.muli %add3A_2237, %mul3A_2371 : i32
      %add3A_2373 = arith.constant 0 : i32
      %add3A_2374 = arith.addi %mul3A_2372, %add3A_2373 : i32
      %get3A_2375 = arith.index_cast %add3A_2374 : i32 to index
      %get3A_2376 = tpu.vector_load %arg6[%get3A_2375] {strides = array<i32>} : memref<102400xbf16, #tpu.memory_space<vmem>>, vector<32xbf16>,
      %mul3A_2377 = arith.constant 256 : i32
      %mul3A_2378 = arith.muli %add3A_2242, %mul3A_2377 : i32
      %add3A_2379 = arith.constant 0 : i32
      %add3A_2380 = arith.addi %mul3A_2378, %add3A_2379 : i32
      %get3A_2381 = arith.index_cast %add3A_2380 : i32 to index
      %get3A_2382 = tpu.vector_load %arg6[%get3A_2381] {strides = array<i32>} : memref<102400xbf16, #tpu.memory_space<vmem>>, vector<32xbf16>,
      %mul3A_2383 = arith.constant 256 : i32
      %mul3A_2384 = arith.muli %add3A_2244, %mul3A_2383 : i32
      %add3A_2385 = arith.constant 0 : i32
      %add3A_2386 = arith.addi %mul3A_2384, %add3A_2385 : i32
      %get3A_2387 = arith.index_cast %add3A_2386 : i32 to index
      %get3A_2388 = tpu.vector_load %arg6[%get3A_2387] {strides = array<i32>} : memref<102400xbf16, #tpu.memory_space<vmem>>, vector<32xbf16>,
      %slice3A_2389 = vector.extract_strided_slice %get3A_53 {offsets = [15], sizes = [1], strides = [1]} : vector<16xi32> to vector<1xi32>
      %squeeze3A_2390 = vector.extract %slice3A_2389[0] : i32 from vector<1xi32>
      %div3A_2391 = arith.constant 100 : i32
      %div3A_2392 = arith.divsi %squeeze3A_2390, %div3A_2391 : i32
      %div3A_2393 = arith.constant 100 : i32
      %div3A_2394 = arith.divsi %div3A_2392, %div3A_2393 : i32
      %div3A_2395 = arith.constant 100 : i32
      %div3A_2396 = arith.divsi %div3A_2394, %div3A_2395 : i32
      %mul3A_2397 = arith.constant 100 : i32
      %mul3A_2398 = arith.muli %div3A_2392, %mul3A_2397 : i32
      %sub3A_2399 = arith.subi %squeeze3A_2390, %mul3A_2398 : i32
      %mul3A_2400 = arith.constant 100 : i32
      %mul3A_2401 = arith.muli %div3A_2394, %mul3A_2400 : i32
      %sub3A_2402 = arith.subi %div3A_2392, %mul3A_2401 : i32
      %add3A_2403 = arith.constant 100 : i32
      %add3A_2404 = arith.addi %sub3A_2402, %add3A_2403 : i32
      %mul3A_2405 = arith.constant 100 : i32
      %mul3A_2406 = arith.muli %div3A_2396, %mul3A_2405 : i32
      %sub3A_2407 = arith.subi %div3A_2394, %mul3A_2406 : i32
      %add3A_2408 = arith.constant 200 : i32
      %add3A_2409 = arith.addi %sub3A_2407, %add3A_2408 : i32
      %add3A_2410 = arith.constant 300 : i32
      %add3A_2411 = arith.addi %div3A_2396, %add3A_2410 : i32
      %add3A_2412 = arith.addf %get3A_2203, %get3A_2209 : vector<32xbf16>
      %add3A_2413 = arith.addf %get3A_2215, %get3A_2221 : vector<32xbf16>
      %add3A_2414 = arith.addf %add3A_2412, %add3A_2413 : vector<32xbf16>
      %unpack3A_2415 = tpu.unpack_subelements %add3A_2414, 0 {pack_format = #tpu.pack_format<interleaved>} : vector<32xbf16> -> vector<16xf32>
      %unpack3A_2416 = tpu.unpack_subelements %add3A_2414, 1 {pack_format = #tpu.pack_format<interleaved>} : vector<32xbf16> -> vector<16xf32>
      %swap3A_2417 = arith.index_cast %add3A_2364 : i32 to index
      %swap3A_2418 = arith.constant 0 : index
      %swap3A_2419 = tpu.vector_load %arg8[%swap3A_2417, %swap3A_2418] {strides = array<i32>} : memref<512x128xf32, #tpu.memory_space<vmem>>, vector<16xf32>,
      tpu.vector_store %arg8[%swap3A_2417, %swap3A_2418], %unpack3A_2415 {strides = array<i32>} : memref<512x128xf32, #tpu.memory_space<vmem>>, vector<16xf32>,
      %swap3A_2420 = arith.index_cast %add3A_2364 : i32 to index
      %swap3A_2421 = arith.constant 16 : index
      %swap3A_2422 = tpu.vector_load %arg8[%swap3A_2420, %swap3A_2421] {strides = array<i32>} : memref<512x128xf32, #tpu.memory_space<vmem>>, vector<16xf32>,
      tpu.vector_store %arg8[%swap3A_2420, %swap3A_2421], %unpack3A_2416 {strides = array<i32>} : memref<512x128xf32, #tpu.memory_space<vmem>>, vector<16xf32>,
      %mul3A_2423 = arith.constant 256 : i32
      %mul3A_2424 = arith.muli %sub3A_2232, %mul3A_2423 : i32
      %add3A_2425 = arith.constant 32 : i32
      %add3A_2426 = arith.addi %mul3A_2424, %add3A_2425 : i32
      %get3A_2427 = arith.index_cast %add3A_2426 : i32 to index
      %get3A_2428 = tpu.vector_load %arg6[%get3A_2427] {strides = array<i32>} : memref<102400xbf16, #tpu.memory_space<vmem>>, vector<32xbf16>,
      %mul3A_2429 = arith.constant 256 : i32
      %mul3A_2430 = arith.muli %add3A_2237, %mul3A_2429 : i32
      %add3A_2431 = arith.constant 32 : i32
      %add3A_2432 = arith.addi %mul3A_2430, %add3A_2431 : i32
      %get3A_2433 = arith.index_cast %add3A_2432 : i32 to index
      %get3A_2434 = tpu.vector_load %arg6[%get3A_2433] {strides = array<i32>} : memref<102400xbf16, #tpu.memory_space<vmem>>, vector<32xbf16>,
      %mul3A_2435 = arith.constant 256 : i32
      %mul3A_2436 = arith.muli %add3A_2242, %mul3A_2435 : i32
      %add3A_2437 = arith.constant 32 : i32
      %add3A_2438 = arith.addi %mul3A_2436, %add3A_2437 : i32
      %get3A_2439 = arith.index_cast %add3A_2438 : i32 to index
      %get3A_2440 = tpu.vector_load %arg6[%get3A_2439] {strides = array<i32>} : memref<102400xbf16, #tpu.memory_space<vmem>>, vector<32xbf16>,
      %mul3A_2441 = arith.constant 256 : i32
      %mul3A_2442 = arith.muli %add3A_2244, %mul3A_2441 : i32
      %add3A_2443 = arith.constant 32 : i32
      %add3A_2444 = arith.addi %mul3A_2442, %add3A_2443 : i32
      %get3A_2445 = arith.index_cast %add3A_2444 : i32 to index
      %get3A_2446 = tpu.vector_load %arg6[%get3A_2445] {strides = array<i32>} : memref<102400xbf16, #tpu.memory_space<vmem>>, vector<32xbf16>,
      %add3A_2447 = arith.addf %get3A_2261, %get3A_2267 : vector<32xbf16>
      %add3A_2448 = arith.addf %get3A_2273, %get3A_2279 : vector<32xbf16>
      %add3A_2449 = arith.addf %add3A_2447, %add3A_2448 : vector<32xbf16>
      %unpack3A_2450 = tpu.unpack_subelements %add3A_2449, 0 {pack_format = #tpu.pack_format<interleaved>} : vector<32xbf16> -> vector<16xf32>
      %unpack3A_2451 = tpu.unpack_subelements %add3A_2449, 1 {pack_format = #tpu.pack_format<interleaved>} : vector<32xbf16> -> vector<16xf32>
      %swap3A_2452 = arith.index_cast %add3A_2364 : i32 to index
      %swap3A_2453 = arith.constant 32 : index
      %swap3A_2454 = tpu.vector_load %arg8[%swap3A_2452, %swap3A_2453] {strides = array<i32>} : memref<512x128xf32, #tpu.memory_space<vmem>>, vector<16xf32>,
      tpu.vector_store %arg8[%swap3A_2452, %swap3A_2453], %unpack3A_2450 {strides = array<i32>} : memref<512x128xf32, #tpu.memory_space<vmem>>, vector<16xf32>,
      %swap3A_2455 = arith.index_cast %add3A_2364 : i32 to index
      %swap3A_2456 = arith.constant 48 : index
      %swap3A_2457 = tpu.vector_load %arg8[%swap3A_2455, %swap3A_2456] {strides = array<i32>} : memref<512x128xf32, #tpu.memory_space<vmem>>, vector<16xf32>,
      tpu.vector_store %arg8[%swap3A_2455, %swap3A_2456], %unpack3A_2451 {strides = array<i32>} : memref<512x128xf32, #tpu.memory_space<vmem>>, vector<16xf32>,
      %mul3A_2458 = arith.constant 256 : i32
      %mul3A_2459 = arith.muli %sub3A_2232, %mul3A_2458 : i32
      %add3A_2460 = arith.constant 64 : i32
      %add3A_2461 = arith.addi %mul3A_2459, %add3A_2460 : i32
      %get3A_2462 = arith.index_cast %add3A_2461 : i32 to index
      %get3A_2463 = tpu.vector_load %arg6[%get3A_2462] {strides = array<i32>} : memref<102400xbf16, #tpu.memory_space<vmem>>, vector<32xbf16>,
      %mul3A_2464 = arith.constant 256 : i32
      %mul3A_2465 = arith.muli %add3A_2237, %mul3A_2464 : i32
      %add3A_2466 = arith.constant 64 : i32
      %add3A_2467 = arith.addi %mul3A_2465, %add3A_2466 : i32
      %get3A_2468 = arith.index_cast %add3A_2467 : i32 to index
      %get3A_2469 = tpu.vector_load %arg6[%get3A_2468] {strides = array<i32>} : memref<102400xbf16, #tpu.memory_space<vmem>>, vector<32xbf16>,
      %mul3A_2470 = arith.constant 256 : i32
      %mul3A_2471 = arith.muli %add3A_2242, %mul3A_2470 : i32
      %add3A_2472 = arith.constant 64 : i32
      %add3A_2473 = arith.addi %mul3A_2471, %add3A_2472 : i32
      %get3A_2474 = arith.index_cast %add3A_2473 : i32 to index
      %get3A_2475 = tpu.vector_load %arg6[%get3A_2474] {strides = array<i32>} : memref<102400xbf16, #tpu.memory_space<vmem>>, vector<32xbf16>,
      %mul3A_2476 = arith.constant 256 : i32
      %mul3A_2477 = arith.muli %add3A_2244, %mul3A_2476 : i32
      %add3A_2478 = arith.constant 64 : i32
      %add3A_2479 = arith.addi %mul3A_2477, %add3A_2478 : i32
      %get3A_2480 = arith.index_cast %add3A_2479 : i32 to index
      %get3A_2481 = tpu.vector_load %arg6[%get3A_2480] {strides = array<i32>} : memref<102400xbf16, #tpu.memory_space<vmem>>, vector<32xbf16>,
      %add3A_2482 = arith.addf %get3A_2296, %get3A_2302 : vector<32xbf16>
      %add3A_2483 = arith.addf %get3A_2308, %get3A_2314 : vector<32xbf16>
      %add3A_2484 = arith.addf %add3A_2482, %add3A_2483 : vector<32xbf16>
      %unpack3A_2485 = tpu.unpack_subelements %add3A_2484, 0 {pack_format = #tpu.pack_format<interleaved>} : vector<32xbf16> -> vector<16xf32>
      %unpack3A_2486 = tpu.unpack_subelements %add3A_2484, 1 {pack_format = #tpu.pack_format<interleaved>} : vector<32xbf16> -> vector<16xf32>
      %swap3A_2487 = arith.index_cast %add3A_2364 : i32 to index
      %swap3A_2488 = arith.constant 64 : index
      %swap3A_2489 = tpu.vector_load %arg8[%swap3A_2487, %swap3A_2488] {strides = array<i32>} : memref<512x128xf32, #tpu.memory_space<vmem>>, vector<16xf32>,
      tpu.vector_store %arg8[%swap3A_2487, %swap3A_2488], %unpack3A_2485 {strides = array<i32>} : memref<512x128xf32, #tpu.memory_space<vmem>>, vector<16xf32>,
      %swap3A_2490 = arith.index_cast %add3A_2364 : i32 to index
      %swap3A_2491 = arith.constant 80 : index
      %swap3A_2492 = tpu.vector_load %arg8[%swap3A_2490, %swap3A_2491] {strides = array<i32>} : memref<512x128xf32, #tpu.memory_space<vmem>>, vector<16xf32>,
      tpu.vector_store %arg8[%swap3A_2490, %swap3A_2491], %unpack3A_2486 {strides = array<i32>} : memref<512x128xf32, #tpu.memory_space<vmem>>, vector<16xf32>,
      %mul3A_2493 = arith.constant 256 : i32
      %mul3A_2494 = arith.muli %sub3A_2232, %mul3A_2493 : i32
      %add3A_2495 = arith.constant 96 : i32
      %add3A_2496 = arith.addi %mul3A_2494, %add3A_2495 : i32
      %get3A_2497 = arith.index_cast %add3A_2496 : i32 to index
      %get3A_2498 = tpu.vector_load %arg6[%get3A_2497] {strides = array<i32>} : memref<102400xbf16, #tpu.memory_space<vmem>>, vector<32xbf16>,
      %mul3A_2499 = arith.constant 256 : i32
      %mul3A_2500 = arith.muli %add3A_2237, %mul3A_2499 : i32
      %add3A_2501 = arith.constant 96 : i32
      %add3A_2502 = arith.addi %mul3A_2500, %add3A_2501 : i32
      %get3A_2503 = arith.index_cast %add3A_2502 : i32 to index
      %get3A_2504 = tpu.vector_load %arg6[%get3A_2503] {strides = array<i32>} : memref<102400xbf16, #tpu.memory_space<vmem>>, vector<32xbf16>,
      %mul3A_2505 = arith.constant 256 : i32
      %mul3A_2506 = arith.muli %add3A_2242, %mul3A_2505 : i32
      %add3A_2507 = arith.constant 96 : i32
      %add3A_2508 = arith.addi %mul3A_2506, %add3A_2507 : i32
      %get3A_2509 = arith.index_cast %add3A_2508 : i32 to index
      %get3A_2510 = tpu.vector_load %arg6[%get3A_2509] {strides = array<i32>} : memref<102400xbf16, #tpu.memory_space<vmem>>, vector<32xbf16>,
      %mul3A_2511 = arith.constant 256 : i32
      %mul3A_2512 = arith.muli %add3A_2244, %mul3A_2511 : i32
      %add3A_2513 = arith.constant 96 : i32
      %add3A_2514 = arith.addi %mul3A_2512, %add3A_2513 : i32
      %get3A_2515 = arith.index_cast %add3A_2514 : i32 to index
      %get3A_2516 = tpu.vector_load %arg6[%get3A_2515] {strides = array<i32>} : memref<102400xbf16, #tpu.memory_space<vmem>>, vector<32xbf16>,
      %add3A_2517 = arith.addf %get3A_2331, %get3A_2337 : vector<32xbf16>
      %add3A_2518 = arith.addf %get3A_2343, %get3A_2349 : vector<32xbf16>
      %add3A_2519 = arith.addf %add3A_2517, %add3A_2518 : vector<32xbf16>
      %unpack3A_2520 = tpu.unpack_subelements %add3A_2519, 0 {pack_format = #tpu.pack_format<interleaved>} : vector<32xbf16> -> vector<16xf32>
      %unpack3A_2521 = tpu.unpack_subelements %add3A_2519, 1 {pack_format = #tpu.pack_format<interleaved>} : vector<32xbf16> -> vector<16xf32>
      %swap3A_2522 = arith.index_cast %add3A_2364 : i32 to index
      %swap3A_2523 = arith.constant 96 : index
      %swap3A_2524 = tpu.vector_load %arg8[%swap3A_2522, %swap3A_2523] {strides = array<i32>} : memref<512x128xf32, #tpu.memory_space<vmem>>, vector<16xf32>,
      tpu.vector_store %arg8[%swap3A_2522, %swap3A_2523], %unpack3A_2520 {strides = array<i32>} : memref<512x128xf32, #tpu.memory_space<vmem>>, vector<16xf32>,
      %swap3A_2525 = arith.index_cast %add3A_2364 : i32 to index
      %swap3A_2526 = arith.constant 112 : index
      %swap3A_2527 = tpu.vector_load %arg8[%swap3A_2525, %swap3A_2526] {strides = array<i32>} : memref<512x128xf32, #tpu.memory_space<vmem>>, vector<16xf32>,
      tpu.vector_store %arg8[%swap3A_2525, %swap3A_2526], %unpack3A_2521 {strides = array<i32>} : memref<512x128xf32, #tpu.memory_space<vmem>>, vector<16xf32>,
      %mul3A_2528 = arith.constant 16 : i32
      %mul3A_2529 = arith.muli %scan3A_50, %mul3A_2528 : i32
      %add3A_2530 = arith.constant 14 : i32
      %add3A_2531 = arith.addi %mul3A_2529, %add3A_2530 : i32
      %mul3A_2532 = arith.constant 256 : i32
      %mul3A_2533 = arith.muli %sub3A_2399, %mul3A_2532 : i32
      %add3A_2534 = arith.constant 0 : i32
      %add3A_2535 = arith.addi %mul3A_2533, %add3A_2534 : i32
      %get3A_2536 = arith.index_cast %add3A_2535 : i32 to index
      %get3A_2537 = tpu.vector_load %arg6[%get3A_2536] {strides = array<i32>} : memref<102400xbf16, #tpu.memory_space<vmem>>, vector<32xbf16>,
      %mul3A_2538 = arith.constant 256 : i32
      %mul3A_2539 = arith.muli %add3A_2404, %mul3A_2538 : i32
      %add3A_2540 = arith.constant 0 : i32
      %add3A_2541 = arith.addi %mul3A_2539, %add3A_2540 : i32
      %get3A_2542 = arith.index_cast %add3A_2541 : i32 to index
      %get3A_2543 = tpu.vector_load %arg6[%get3A_2542] {strides = array<i32>} : memref<102400xbf16, #tpu.memory_space<vmem>>, vector<32xbf16>,
      %mul3A_2544 = arith.constant 256 : i32
      %mul3A_2545 = arith.muli %add3A_2409, %mul3A_2544 : i32
      %add3A_2546 = arith.constant 0 : i32
      %add3A_2547 = arith.addi %mul3A_2545, %add3A_2546 : i32
      %get3A_2548 = arith.index_cast %add3A_2547 : i32 to index
      %get3A_2549 = tpu.vector_load %arg6[%get3A_2548] {strides = array<i32>} : memref<102400xbf16, #tpu.memory_space<vmem>>, vector<32xbf16>,
      %mul3A_2550 = arith.constant 256 : i32
      %mul3A_2551 = arith.muli %add3A_2411, %mul3A_2550 : i32
      %add3A_2552 = arith.constant 0 : i32
      %add3A_2553 = arith.addi %mul3A_2551, %add3A_2552 : i32
      %get3A_2554 = arith.index_cast %add3A_2553 : i32 to index
      %get3A_2555 = tpu.vector_load %arg6[%get3A_2554] {strides = array<i32>} : memref<102400xbf16, #tpu.memory_space<vmem>>, vector<32xbf16>,
      %add3A_2556 = arith.addf %get3A_2370, %get3A_2376 : vector<32xbf16>
      %add3A_2557 = arith.addf %get3A_2382, %get3A_2388 : vector<32xbf16>
      %add3A_2558 = arith.addf %add3A_2556, %add3A_2557 : vector<32xbf16>
      %unpack3A_2559 = tpu.unpack_subelements %add3A_2558, 0 {pack_format = #tpu.pack_format<interleaved>} : vector<32xbf16> -> vector<16xf32>
      %unpack3A_2560 = tpu.unpack_subelements %add3A_2558, 1 {pack_format = #tpu.pack_format<interleaved>} : vector<32xbf16> -> vector<16xf32>
      %swap3A_2561 = arith.index_cast %add3A_2531 : i32 to index
      %swap3A_2562 = arith.constant 0 : index
      %swap3A_2563 = tpu.vector_load %arg8[%swap3A_2561, %swap3A_2562] {strides = array<i32>} : memref<512x128xf32, #tpu.memory_space<vmem>>, vector<16xf32>,
      tpu.vector_store %arg8[%swap3A_2561, %swap3A_2562], %unpack3A_2559 {strides = array<i32>} : memref<512x128xf32, #tpu.memory_space<vmem>>, vector<16xf32>,
      %swap3A_2564 = arith.index_cast %add3A_2531 : i32 to index
      %swap3A_2565 = arith.constant 16 : index
      %swap3A_2566 = tpu.vector_load %arg8[%swap3A_2564, %swap3A_2565] {strides = array<i32>} : memref<512x128xf32, #tpu.memory_space<vmem>>, vector<16xf32>,
      tpu.vector_store %arg8[%swap3A_2564, %swap3A_2565], %unpack3A_2560 {strides = array<i32>} : memref<512x128xf32, #tpu.memory_space<vmem>>, vector<16xf32>,
      %mul3A_2567 = arith.constant 256 : i32
      %mul3A_2568 = arith.muli %sub3A_2399, %mul3A_2567 : i32
      %add3A_2569 = arith.constant 32 : i32
      %add3A_2570 = arith.addi %mul3A_2568, %add3A_2569 : i32
      %get3A_2571 = arith.index_cast %add3A_2570 : i32 to index
      %get3A_2572 = tpu.vector_load %arg6[%get3A_2571] {strides = array<i32>} : memref<102400xbf16, #tpu.memory_space<vmem>>, vector<32xbf16>,
      %mul3A_2573 = arith.constant 256 : i32
      %mul3A_2574 = arith.muli %add3A_2404, %mul3A_2573 : i32
      %add3A_2575 = arith.constant 32 : i32
      %add3A_2576 = arith.addi %mul3A_2574, %add3A_2575 : i32
      %get3A_2577 = arith.index_cast %add3A_2576 : i32 to index
      %get3A_2578 = tpu.vector_load %arg6[%get3A_2577] {strides = array<i32>} : memref<102400xbf16, #tpu.memory_space<vmem>>, vector<32xbf16>,
      %mul3A_2579 = arith.constant 256 : i32
      %mul3A_2580 = arith.muli %add3A_2409, %mul3A_2579 : i32
      %add3A_2581 = arith.constant 32 : i32
      %add3A_2582 = arith.addi %mul3A_2580, %add3A_2581 : i32
      %get3A_2583 = arith.index_cast %add3A_2582 : i32 to index
      %get3A_2584 = tpu.vector_load %arg6[%get3A_2583] {strides = array<i32>} : memref<102400xbf16, #tpu.memory_space<vmem>>, vector<32xbf16>,
      %mul3A_2585 = arith.constant 256 : i32
      %mul3A_2586 = arith.muli %add3A_2411, %mul3A_2585 : i32
      %add3A_2587 = arith.constant 32 : i32
      %add3A_2588 = arith.addi %mul3A_2586, %add3A_2587 : i32
      %get3A_2589 = arith.index_cast %add3A_2588 : i32 to index
      %get3A_2590 = tpu.vector_load %arg6[%get3A_2589] {strides = array<i32>} : memref<102400xbf16, #tpu.memory_space<vmem>>, vector<32xbf16>,
      %add3A_2591 = arith.addf %get3A_2428, %get3A_2434 : vector<32xbf16>
      %add3A_2592 = arith.addf %get3A_2440, %get3A_2446 : vector<32xbf16>
      %add3A_2593 = arith.addf %add3A_2591, %add3A_2592 : vector<32xbf16>
      %unpack3A_2594 = tpu.unpack_subelements %add3A_2593, 0 {pack_format = #tpu.pack_format<interleaved>} : vector<32xbf16> -> vector<16xf32>
      %unpack3A_2595 = tpu.unpack_subelements %add3A_2593, 1 {pack_format = #tpu.pack_format<interleaved>} : vector<32xbf16> -> vector<16xf32>
      %swap3A_2596 = arith.index_cast %add3A_2531 : i32 to index
      %swap3A_2597 = arith.constant 32 : index
      %swap3A_2598 = tpu.vector_load %arg8[%swap3A_2596, %swap3A_2597] {strides = array<i32>} : memref<512x128xf32, #tpu.memory_space<vmem>>, vector<16xf32>,
      tpu.vector_store %arg8[%swap3A_2596, %swap3A_2597], %unpack3A_2594 {strides = array<i32>} : memref<512x128xf32, #tpu.memory_space<vmem>>, vector<16xf32>,
      %swap3A_2599 = arith.index_cast %add3A_2531 : i32 to index
      %swap3A_2600 = arith.constant 48 : index
      %swap3A_2601 = tpu.vector_load %arg8[%swap3A_2599, %swap3A_2600] {strides = array<i32>} : memref<512x128xf32, #tpu.memory_space<vmem>>, vector<16xf32>,
      tpu.vector_store %arg8[%swap3A_2599, %swap3A_2600], %unpack3A_2595 {strides = array<i32>} : memref<512x128xf32, #tpu.memory_space<vmem>>, vector<16xf32>,
      %mul3A_2602 = arith.constant 256 : i32
      %mul3A_2603 = arith.muli %sub3A_2399, %mul3A_2602 : i32
      %add3A_2604 = arith.constant 64 : i32
      %add3A_2605 = arith.addi %mul3A_2603, %add3A_2604 : i32
      %get3A_2606 = arith.index_cast %add3A_2605 : i32 to index
      %get3A_2607 = tpu.vector_load %arg6[%get3A_2606] {strides = array<i32>} : memref<102400xbf16, #tpu.memory_space<vmem>>, vector<32xbf16>,
      %mul3A_2608 = arith.constant 256 : i32
      %mul3A_2609 = arith.muli %add3A_2404, %mul3A_2608 : i32
      %add3A_2610 = arith.constant 64 : i32
      %add3A_2611 = arith.addi %mul3A_2609, %add3A_2610 : i32
      %get3A_2612 = arith.index_cast %add3A_2611 : i32 to index
      %get3A_2613 = tpu.vector_load %arg6[%get3A_2612] {strides = array<i32>} : memref<102400xbf16, #tpu.memory_space<vmem>>, vector<32xbf16>,
      %mul3A_2614 = arith.constant 256 : i32
      %mul3A_2615 = arith.muli %add3A_2409, %mul3A_2614 : i32
      %add3A_2616 = arith.constant 64 : i32
      %add3A_2617 = arith.addi %mul3A_2615, %add3A_2616 : i32
      %get3A_2618 = arith.index_cast %add3A_2617 : i32 to index
      %get3A_2619 = tpu.vector_load %arg6[%get3A_2618] {strides = array<i32>} : memref<102400xbf16, #tpu.memory_space<vmem>>, vector<32xbf16>,
      %mul3A_2620 = arith.constant 256 : i32
      %mul3A_2621 = arith.muli %add3A_2411, %mul3A_2620 : i32
      %add3A_2622 = arith.constant 64 : i32
      %add3A_2623 = arith.addi %mul3A_2621, %add3A_2622 : i32
      %get3A_2624 = arith.index_cast %add3A_2623 : i32 to index
      %get3A_2625 = tpu.vector_load %arg6[%get3A_2624] {strides = array<i32>} : memref<102400xbf16, #tpu.memory_space<vmem>>, vector<32xbf16>,
      %add3A_2626 = arith.addf %get3A_2463, %get3A_2469 : vector<32xbf16>
      %add3A_2627 = arith.addf %get3A_2475, %get3A_2481 : vector<32xbf16>
      %add3A_2628 = arith.addf %add3A_2626, %add3A_2627 : vector<32xbf16>
      %unpack3A_2629 = tpu.unpack_subelements %add3A_2628, 0 {pack_format = #tpu.pack_format<interleaved>} : vector<32xbf16> -> vector<16xf32>
      %unpack3A_2630 = tpu.unpack_subelements %add3A_2628, 1 {pack_format = #tpu.pack_format<interleaved>} : vector<32xbf16> -> vector<16xf32>
      %swap3A_2631 = arith.index_cast %add3A_2531 : i32 to index
      %swap3A_2632 = arith.constant 64 : index
      %swap3A_2633 = tpu.vector_load %arg8[%swap3A_2631, %swap3A_2632] {strides = array<i32>} : memref<512x128xf32, #tpu.memory_space<vmem>>, vector<16xf32>,
      tpu.vector_store %arg8[%swap3A_2631, %swap3A_2632], %unpack3A_2629 {strides = array<i32>} : memref<512x128xf32, #tpu.memory_space<vmem>>, vector<16xf32>,
      %swap3A_2634 = arith.index_cast %add3A_2531 : i32 to index
      %swap3A_2635 = arith.constant 80 : index
      %swap3A_2636 = tpu.vector_load %arg8[%swap3A_2634, %swap3A_2635] {strides = array<i32>} : memref<512x128xf32, #tpu.memory_space<vmem>>, vector<16xf32>,
      tpu.vector_store %arg8[%swap3A_2634, %swap3A_2635], %unpack3A_2630 {strides = array<i32>} : memref<512x128xf32, #tpu.memory_space<vmem>>, vector<16xf32>,
      %mul3A_2637 = arith.constant 256 : i32
      %mul3A_2638 = arith.muli %sub3A_2399, %mul3A_2637 : i32
      %add3A_2639 = arith.constant 96 : i32
      %add3A_2640 = arith.addi %mul3A_2638, %add3A_2639 : i32
      %get3A_2641 = arith.index_cast %add3A_2640 : i32 to index
      %get3A_2642 = tpu.vector_load %arg6[%get3A_2641] {strides = array<i32>} : memref<102400xbf16, #tpu.memory_space<vmem>>, vector<32xbf16>,
      %mul3A_2643 = arith.constant 256 : i32
      %mul3A_2644 = arith.muli %add3A_2404, %mul3A_2643 : i32
      %add3A_2645 = arith.constant 96 : i32
      %add3A_2646 = arith.addi %mul3A_2644, %add3A_2645 : i32
      %get3A_2647 = arith.index_cast %add3A_2646 : i32 to index
      %get3A_2648 = tpu.vector_load %arg6[%get3A_2647] {strides = array<i32>} : memref<102400xbf16, #tpu.memory_space<vmem>>, vector<32xbf16>,
      %mul3A_2649 = arith.constant 256 : i32
      %mul3A_2650 = arith.muli %add3A_2409, %mul3A_2649 : i32
      %add3A_2651 = arith.constant 96 : i32
      %add3A_2652 = arith.addi %mul3A_2650, %add3A_2651 : i32
      %get3A_2653 = arith.index_cast %add3A_2652 : i32 to index
      %get3A_2654 = tpu.vector_load %arg6[%get3A_2653] {strides = array<i32>} : memref<102400xbf16, #tpu.memory_space<vmem>>, vector<32xbf16>,
      %mul3A_2655 = arith.constant 256 : i32
      %mul3A_2656 = arith.muli %add3A_2411, %mul3A_2655 : i32
      %add3A_2657 = arith.constant 96 : i32
      %add3A_2658 = arith.addi %mul3A_2656, %add3A_2657 : i32
      %get3A_2659 = arith.index_cast %add3A_2658 : i32 to index
      %get3A_2660 = tpu.vector_load %arg6[%get3A_2659] {strides = array<i32>} : memref<102400xbf16, #tpu.memory_space<vmem>>, vector<32xbf16>,
      %add3A_2661 = arith.addf %get3A_2498, %get3A_2504 : vector<32xbf16>
      %add3A_2662 = arith.addf %get3A_2510, %get3A_2516 : vector<32xbf16>
      %add3A_2663 = arith.addf %add3A_2661, %add3A_2662 : vector<32xbf16>
      %unpack3A_2664 = tpu.unpack_subelements %add3A_2663, 0 {pack_format = #tpu.pack_format<interleaved>} : vector<32xbf16> -> vector<16xf32>
      %unpack3A_2665 = tpu.unpack_subelements %add3A_2663, 1 {pack_format = #tpu.pack_format<interleaved>} : vector<32xbf16> -> vector<16xf32>
      %swap3A_2666 = arith.index_cast %add3A_2531 : i32 to index
      %swap3A_2667 = arith.constant 96 : index
      %swap3A_2668 = tpu.vector_load %arg8[%swap3A_2666, %swap3A_2667] {strides = array<i32>} : memref<512x128xf32, #tpu.memory_space<vmem>>, vector<16xf32>,
      tpu.vector_store %arg8[%swap3A_2666, %swap3A_2667], %unpack3A_2664 {strides = array<i32>} : memref<512x128xf32, #tpu.memory_space<vmem>>, vector<16xf32>,
      %swap3A_2669 = arith.index_cast %add3A_2531 : i32 to index
      %swap3A_2670 = arith.constant 112 : index
      %swap3A_2671 = tpu.vector_load %arg8[%swap3A_2669, %swap3A_2670] {strides = array<i32>} : memref<512x128xf32, #tpu.memory_space<vmem>>, vector<16xf32>,
      tpu.vector_store %arg8[%swap3A_2669, %swap3A_2670], %unpack3A_2665 {strides = array<i32>} : memref<512x128xf32, #tpu.memory_space<vmem>>, vector<16xf32>,
      %mul3A_2672 = arith.constant 16 : i32
      %mul3A_2673 = arith.muli %scan3A_50, %mul3A_2672 : i32
      %add3A_2674 = arith.constant 15 : i32
      %add3A_2675 = arith.addi %mul3A_2673, %add3A_2674 : i32
      %add3A_2676 = arith.addf %get3A_2537, %get3A_2543 : vector<32xbf16>
      %add3A_2677 = arith.addf %get3A_2549, %get3A_2555 : vector<32xbf16>
      %add3A_2678 = arith.addf %add3A_2676, %add3A_2677 : vector<32xbf16>
      %unpack3A_2679 = tpu.unpack_subelements %add3A_2678, 0 {pack_format = #tpu.pack_format<interleaved>} : vector<32xbf16> -> vector<16xf32>
      %unpack3A_2680 = tpu.unpack_subelements %add3A_2678, 1 {pack_format = #tpu.pack_format<interleaved>} : vector<32xbf16> -> vector<16xf32>
      %swap3A_2681 = arith.index_cast %add3A_2675 : i32 to index
      %swap3A_2682 = arith.constant 0 : index
      %swap3A_2683 = tpu.vector_load %arg8[%swap3A_2681, %swap3A_2682] {strides = array<i32>} : memref<512x128xf32, #tpu.memory_space<vmem>>, vector<16xf32>,
      tpu.vector_store %arg8[%swap3A_2681, %swap3A_2682], %unpack3A_2679 {strides = array<i32>} : memref<512x128xf32, #tpu.memory_space<vmem>>, vector<16xf32>,
      %swap3A_2684 = arith.index_cast %add3A_2675 : i32 to index
      %swap3A_2685 = arith.constant 16 : index
      %swap3A_2686 = tpu.vector_load %arg8[%swap3A_2684, %swap3A_2685] {strides = array<i32>} : memref<512x128xf32, #tpu.memory_space<vmem>>, vector<16xf32>,
      tpu.vector_store %arg8[%swap3A_2684, %swap3A_2685], %unpack3A_2680 {strides = array<i32>} : memref<512x128xf32, #tpu.memory_space<vmem>>, vector<16xf32>,
      %add3A_2687 = arith.addf %get3A_2572, %get3A_2578 : vector<32xbf16>
      %add3A_2688 = arith.addf %get3A_2584, %get3A_2590 : vector<32xbf16>
      %add3A_2689 = arith.addf %add3A_2687, %add3A_2688 : vector<32xbf16>
      %unpack3A_2690 = tpu.unpack_subelements %add3A_2689, 0 {pack_format = #tpu.pack_format<interleaved>} : vector<32xbf16> -> vector<16xf32>
      %unpack3A_2691 = tpu.unpack_subelements %add3A_2689, 1 {pack_format = #tpu.pack_format<interleaved>} : vector<32xbf16> -> vector<16xf32>
      %swap3A_2692 = arith.index_cast %add3A_2675 : i32 to index
      %swap3A_2693 = arith.constant 32 : index
      %swap3A_2694 = tpu.vector_load %arg8[%swap3A_2692, %swap3A_2693] {strides = array<i32>} : memref<512x128xf32, #tpu.memory_space<vmem>>, vector<16xf32>,
      tpu.vector_store %arg8[%swap3A_2692, %swap3A_2693], %unpack3A_2690 {strides = array<i32>} : memref<512x128xf32, #tpu.memory_space<vmem>>, vector<16xf32>,
      %swap3A_2695 = arith.index_cast %add3A_2675 : i32 to index
      %swap3A_2696 = arith.constant 48 : index
      %swap3A_2697 = tpu.vector_load %arg8[%swap3A_2695, %swap3A_2696] {strides = array<i32>} : memref<512x128xf32, #tpu.memory_space<vmem>>, vector<16xf32>,
      tpu.vector_store %arg8[%swap3A_2695, %swap3A_2696], %unpack3A_2691 {strides = array<i32>} : memref<512x128xf32, #tpu.memory_space<vmem>>, vector<16xf32>,
      %add3A_2698 = arith.addf %get3A_2607, %get3A_2613 : vector<32xbf16>
      %add3A_2699 = arith.addf %get3A_2619, %get3A_2625 : vector<32xbf16>
      %add3A_2700 = arith.addf %add3A_2698, %add3A_2699 : vector<32xbf16>
      %unpack3A_2701 = tpu.unpack_subelements %add3A_2700, 0 {pack_format = #tpu.pack_format<interleaved>} : vector<32xbf16> -> vector<16xf32>
      %unpack3A_2702 = tpu.unpack_subelements %add3A_2700, 1 {pack_format = #tpu.pack_format<interleaved>} : vector<32xbf16> -> vector<16xf32>
      %swap3A_2703 = arith.index_cast %add3A_2675 : i32 to index
      %swap3A_2704 = arith.constant 64 : index
      %swap3A_2705 = tpu.vector_load %arg8[%swap3A_2703, %swap3A_2704] {strides = array<i32>} : memref<512x128xf32, #tpu.memory_space<vmem>>, vector<16xf32>,
      tpu.vector_store %arg8[%swap3A_2703, %swap3A_2704], %unpack3A_2701 {strides = array<i32>} : memref<512x128xf32, #tpu.memory_space<vmem>>, vector<16xf32>,
      %swap3A_2706 = arith.index_cast %add3A_2675 : i32 to index
      %swap3A_2707 = arith.constant 80 : index
      %swap3A_2708 = tpu.vector_load %arg8[%swap3A_2706, %swap3A_2707] {strides = array<i32>} : memref<512x128xf32, #tpu.memory_space<vmem>>, vector<16xf32>,
      tpu.vector_store %arg8[%swap3A_2706, %swap3A_2707], %unpack3A_2702 {strides = array<i32>} : memref<512x128xf32, #tpu.memory_space<vmem>>, vector<16xf32>,
      %add3A_2709 = arith.addf %get3A_2642, %get3A_2648 : vector<32xbf16>
      %add3A_2710 = arith.addf %get3A_2654, %get3A_2660 : vector<32xbf16>
      %add3A_2711 = arith.addf %add3A_2709, %add3A_2710 : vector<32xbf16>
      %unpack3A_2712 = tpu.unpack_subelements %add3A_2711, 0 {pack_format = #tpu.pack_format<interleaved>} : vector<32xbf16> -> vector<16xf32>
      %unpack3A_2713 = tpu.unpack_subelements %add3A_2711, 1 {pack_format = #tpu.pack_format<interleaved>} : vector<32xbf16> -> vector<16xf32>
      %swap3A_2714 = arith.index_cast %add3A_2675 : i32 to index
      %swap3A_2715 = arith.constant 96 : index
      %swap3A_2716 = tpu.vector_load %arg8[%swap3A_2714, %swap3A_2715] {strides = array<i32>} : memref<512x128xf32, #tpu.memory_space<vmem>>, vector<16xf32>,
      tpu.vector_store %arg8[%swap3A_2714, %swap3A_2715], %unpack3A_2712 {strides = array<i32>} : memref<512x128xf32, #tpu.memory_space<vmem>>, vector<16xf32>,
      %swap3A_2717 = arith.index_cast %add3A_2675 : i32 to index
      %swap3A_2718 = arith.constant 112 : index
      %swap3A_2719 = tpu.vector_load %arg8[%swap3A_2717, %swap3A_2718] {strides = array<i32>} : memref<512x128xf32, #tpu.memory_space<vmem>>, vector<16xf32>,
      tpu.vector_store %arg8[%swap3A_2717, %swap3A_2718], %unpack3A_2713 {strides = array<i32>} : memref<512x128xf32, #tpu.memory_space<vmem>>, vector<16xf32>,
      %eq3A = arith.constant 15 : i32
      %eq3A_2720 = arith.cmpi eq, %scan3A_50, %eq3A : i32
      %convert_element_type3A = arith.extui %eq3A_2720 : i1 to i32
      %cond3A = arith.constant 0 : i32
      %cond3A_2721 = arith.cmpi ne, %convert_element_type3A, %cond3A : i32
      scf.if %cond3A_2721 {
        %dma_start3A_2722 = arith.constant 0 : i32
        %dma_start3A_2723 = arith.constant 0 : i32
        %dma_start3A_2724 = tpu.memref_slice %arg8[%dma_start3A_2722, %dma_start3A_2723] : memref<512x128xf32, #tpu.memory_space<vmem>> -> memref<256x128xf32, #tpu.memory_space<vmem>>
        %dma_start3A_2725 = arith.constant 0 : i32
        %dma_start3A_2726 = tpu.memref_slice %arg4[%mul3A_2, %dma_start3A_2725] : memref<16384x128xf32, #tpu.memory_space<hbm>> -> memref<256x128xf32, #tpu.memory_space<hbm>>
        %dma_start3A_2727 = arith.constant 0 : i32
        %dma_start3A_2728 = tpu.memref_slice %arg4[%mul3A_2, %dma_start3A_2727] : memref<16384x128xf32, #tpu.memory_space<hbm>> -> memref<256x128xf32, #tpu.memory_space<hbm>>
        %dma_start3A_2729 = arith.constant 0 : i32
        %dma_start3A_2730 = arith.constant 0 : i32
        %dma_start3A_2731 = tpu.memref_slice %arg8[%dma_start3A_2729, %dma_start3A_2730] : memref<512x128xf32, #tpu.memory_space<vmem>> -> memref<256x128xf32, #tpu.memory_space<vmem>>
        tpu.enqueue_dma source(%dma_start3A_2731 : memref<256x128xf32, #tpu.memory_space<vmem>>) target(%dma_start3A_2728 : memref<256x128xf32, #tpu.memory_space<hbm>>) target_semaphore(%arg9 : memref<!tpu.dma_semaphore, #tpu.memory_space<semaphore_mem>>)
      } else {
      }
    }
    %scan3A_19 = arith.constant 32 : i32
    %add3A_20 = arith.constant 256 : i32
    %add3A_21 = arith.addi %mul3A_2, %add3A_20 : i32
    %dma_start3A = arith.constant 256 : i32
    %dma_start3A_22 = arith.constant 0 : i32
    %dma_start3A_23 = tpu.memref_slice %arg8[%dma_start3A, %dma_start3A_22] : memref<512x128xf32, #tpu.memory_space<vmem>> -> memref<256x128xf32, #tpu.memory_space<vmem>>
    %dma_start3A_24 = arith.constant 0 : i32
    %dma_start3A_25 = tpu.memref_slice %arg4[%add3A_21, %dma_start3A_24] : memref<16384x128xf32, #tpu.memory_space<hbm>> -> memref<256x128xf32, #tpu.memory_space<hbm>>
    %dma_start3A_26 = arith.constant 0 : i32
    %dma_start3A_27 = tpu.memref_slice %arg4[%add3A_21, %dma_start3A_26] : memref<16384x128xf32, #tpu.memory_space<hbm>> -> memref<256x128xf32, #tpu.memory_space<hbm>>
    %dma_start3A_28 = arith.constant 256 : i32
    %dma_start3A_29 = arith.constant 0 : i32
    %dma_start3A_30 = tpu.memref_slice %arg8[%dma_start3A_28, %dma_start3A_29] : memref<512x128xf32, #tpu.memory_space<vmem>> -> memref<256x128xf32, #tpu.memory_space<vmem>>
    tpu.enqueue_dma source(%dma_start3A_30 : memref<256x128xf32, #tpu.memory_space<vmem>>) target(%dma_start3A_27 : memref<256x128xf32, #tpu.memory_space<hbm>>) target_semaphore(%arg10 : memref<!tpu.dma_semaphore, #tpu.memory_space<semaphore_mem>>)
    %dma_wait3A = arith.constant 0 : i32
    %dma_wait3A_31 = arith.constant 0 : i32
    %dma_wait3A_32 = tpu.memref_slice %arg8[%dma_wait3A, %dma_wait3A_31] : memref<512x128xf32, #tpu.memory_space<vmem>> -> memref<256x128xf32, #tpu.memory_space<vmem>>
    %dma_wait3A_33 = arith.constant 0 : i32
    %dma_wait3A_34 = tpu.memref_slice %arg4[%mul3A_2, %dma_wait3A_33] : memref<16384x128xf32, #tpu.memory_space<hbm>> -> memref<256x128xf32, #tpu.memory_space<hbm>>
    %dma_wait3A_35 = arith.constant 0 : i32
    %dma_wait3A_36 = tpu.memref_slice %arg4[%mul3A_2, %dma_wait3A_35] : memref<16384x128xf32, #tpu.memory_space<hbm>> -> memref<256x128xf32, #tpu.memory_space<hbm>>
    %dma_wait3A_37 = arith.constant 0 : i32
    %dma_wait3A_38 = arith.constant 0 : i32
    %dma_wait3A_39 = tpu.memref_slice %arg8[%dma_wait3A_37, %dma_wait3A_38] : memref<512x128xf32, #tpu.memory_space<vmem>> -> memref<256x128xf32, #tpu.memory_space<vmem>>
    tpu.wait_dma2 semaphore(%arg9 : memref<!tpu.dma_semaphore, #tpu.memory_space<semaphore_mem>>) src(%dma_wait3A_39 : memref<256x128xf32, #tpu.memory_space<vmem>>) dst(%dma_wait3A_36 : memref<256x128xf32, #tpu.memory_space<hbm>>)
    %dma_wait3A_40 = arith.constant 256 : i32
    %dma_wait3A_41 = arith.constant 0 : i32
    %dma_wait3A_42 = tpu.memref_slice %arg8[%dma_wait3A_40, %dma_wait3A_41] : memref<512x128xf32, #tpu.memory_space<vmem>> -> memref<256x128xf32, #tpu.memory_space<vmem>>
    %dma_wait3A_43 = arith.constant 0 : i32
    %dma_wait3A_44 = tpu.memref_slice %arg4[%add3A_21, %dma_wait3A_43] : memref<16384x128xf32, #tpu.memory_space<hbm>> -> memref<256x128xf32, #tpu.memory_space<hbm>>
    %dma_wait3A_45 = arith.constant 0 : i32
    %dma_wait3A_46 = tpu.memref_slice %arg4[%add3A_21, %dma_wait3A_45] : memref<16384x128xf32, #tpu.memory_space<hbm>> -> memref<256x128xf32, #tpu.memory_space<hbm>>
    %dma_wait3A_47 = arith.constant 256 : i32
    %dma_wait3A_48 = arith.constant 0 : i32
    %dma_wait3A_49 = tpu.memref_slice %arg8[%dma_wait3A_47, %dma_wait3A_48] : memref<512x128xf32, #tpu.memory_space<vmem>> -> memref<256x128xf32, #tpu.memory_space<vmem>>
    tpu.wait_dma2 semaphore(%arg10 : memref<!tpu.dma_semaphore, #tpu.memory_space<semaphore_mem>>) src(%dma_wait3A_49 : memref<256x128xf32, #tpu.memory_space<vmem>>) dst(%dma_wait3A_46 : memref<256x128xf32, #tpu.memory_space<hbm>>)
    return
  }
}

</mosaic_0001>

<sc_bundles>
// kernel: kernel.3.cloned.1.call-start
scs
__scs_entry_jumppad:
0x0: {  	(pc) =	sbr.rel $0x88, $3  }
0x1: {  	(tag) =	ssettag $0x0;
	lr =	simm.s32 $0x1  }
0x2: {  	[smem:$0x3F9F] =	sst lr;
	_ =	strace $0xD0000000  }
0x3: {  	_ = 	snop  }
0x4: {  	_ = 	snop  }
0x5: {  	_ = 	snop  }
0x6: {  	_ = 	snop  }
0x7: {  	_ = 	snop  }
__scs_overlays_trampoline_lowered:
0x8: {  	[smem:$0x3FAE] =	sst s0  }
0x9: {  	[smem:$0x3FAF] =	sst s1  }
0xa: {  	[smem:$0x3FB0] =	sst s2  }
0xb: {  	[smem:$0x3FB1] =	sst s3  }
0xc: {  	[smem:$0x3FB2] =	sst s4  }
0xd: {  	[smem:$0x3FB3] =	sst s5  }
0xe: {  	[smem:$0x3FB4] =	sst s6  }
0xf: {  	[smem:$0x3FB5] =	sst s7  }
0x10: {  	[smem:$0x3FB6] =	sst s8  }
0x11: {  	[smem:$0x3FB7] =	sst s9;
	s0 =	simm.s32 @!p0 $0x0  }
0x12: {  	s1 =	sld [smem:$0x3F9D];
	s0 =	simm.s32 @p0 $0x1  }
0x13: {  	[smem:$0x3FB8] =	sst s0;
	s0 =	simm.s32 @!p1 $0x0  }
0x14: {  	s2 =	sld [smem:$0x3F9C];
	s0 =	simm.s32 @p1 $0x1  }
0x15: {  	[smem:$0x3FB9] =	sst s0;
	s0 =	simm.s32 @!p2 $0x0  }
0x16: {  	s3 =	sld [smem:$0x3FDB];
	s0 =	simm.s32 @p2 $0x1  }
0x17: {  	s4 =	simm.s32 $0x1BF5;
	[smem:$0x3FBB] =	sst s0  }
0x18: {  	s0 =	sld [smem:$0x3F9E];
	_ =	swait.ge [sflag:s4], $0x0  }
0x19: {  	s7 =	sld [smem:$0x3F9F]  }
0x1a: {  	s8 =	sadd.s32 $0xFFFFE003, lr  }
0x1b: {  	s9 =	sadd.s32 $0xFFFFFEF7, lr;
	s5 =	simm.s32 $0xFFFFFFFF;
	p2 =	slt.u32 s8, $0xFFFFF086  }
0x1c: {  	p1 =	slt.u32 s9, $0xF7A;
	s5 =	simm.s32 @!p2 $0x0  }
0x1d: {  	s5 =	simm.s32 @p1 $0x1;
	p0 =	seq.s32 s7, s2  }
0x1e: {  	s7 =	smul.u32 @!p0 $0xF7A, s2;
	p2 =	seq.s32 @!p0 s5, $0x0  }
0x1f: {  	s9 =	smul.u32 $0xF7A, s1;
	s8 =	simm.s32 @!p0 $0x1BF5;
	p2 =	por !p2, p0  }
0x20: {  	[sflag:s8] =	ssyncset.s32 @!p0 $0xFFFFF086;
	s6 =	sadd.s32 @!p0 s3, s7;
	s7 =	simm.s32 @!p0 $0x108  }
0x21: {  	s3 =	sadd.s32 s3, s9;
	s6 =	sadd.s32 @!p0 $0x88, s6;
	s7 =	simm.s32 @p2 $0x1082  }
0x22: {  	[simem:s7], [sflag:s8] =	dma.local @!p0 [hbm:s6], $0xF7A  }
0x23: {  	s9 =	sor.u32 $0xD0000000, s2;
	s6 =	simm.s32 $0x108;
	_ =	swait.ge @!p0 [sflag:s8], $0x0  }
0x24: {  	s3 =	sadd.s32 $0x88, s3;
	s6 =	simm.s32 @!p1 $0x1082;
	[sflag:s4] =	ssyncset.s32 $0xFFFFF086  }
0x25: {  	[simem:s6], [sflag:s4] =	dma.local [hbm:s3], $0xF7A  }
0x26: {  	[smem:$0x3F9F] =	sst s1;
	(tag) =	ssettag s2;
	_ =	strace s9  }
0x27: {  	s1 =	sld [smem:$0x3FAF]  }
0x28: {  	s2 =	sld [smem:$0x3FB0]  }
0x29: {  	s4 =	sld [smem:$0x3FB2]  }
0x2a: {  	p0 =	seq.s32 s5, $0x0;
	s5 =	sld [smem:$0x3FB3]  }
0x2b: {  	s6 =	sld [smem:$0x3FB4]  }
0x2c: {  	s7 =	sld [smem:$0x3FB5]  }
0x2d: {  	s3 =	simm.s32 $0x108;
	s8 =	sld [smem:$0x3FB6]  }
0x2e: {  	s3 =	simm.s32 @!p0 $0x1082;
	s9 =	sld [smem:$0x3FB7]  }
0x2f: {  	lr =	sadd.s32 s0, s3;
	s0 =	sld [smem:$0x3FAE]  }
0x30: {  	s3 =	sld [smem:$0x3FB1]  }
0x31: {  	[smem:$0x3FBA] =	sst s10  }
0x32: {  	s10 =	sld [smem:$0x3FB8];
	_ =	sdelay $0x3  }
0x33: {  	p0 =	seq.s32 s10, $0x1;
	s10 =	sld [smem:$0x3FBA];
	_ =	sdelay $0x3  }
0x34: {  	[smem:$0x3FBA] =	sst s10  }
0x35: {  	s10 =	sld [smem:$0x3FB9];
	_ =	sdelay $0x3  }
0x36: {  	p1 =	seq.s32 s10, $0x1;
	s10 =	sld [smem:$0x3FBA];
	_ =	sdelay $0x3  }
0x37: {  	[smem:$0x3FBA] =	sst s10  }
0x38: {  	s10 =	sld [smem:$0x3FBB]  }
0x39: {  	_ = 	snop;
	(pc) =	sbr.ind lr, $3  }
0x3a: {  	_ = 	snop  }
0x3b: {  	_ = 	snop  }
0x3c: {  	p2 =	seq.s32 s10, $0x1;
	s10 =	sld [smem:$0x3FBA]  }
0x3d: {  	_ =	shalt  }
0x3e: {  	_ =	shalt  }
0x3f: {  	_ =	shalt  }
0x40: {  	_ =	shalt  }
0x41: {  	_ =	shalt  }
0x42: {  	_ =	shalt  }
0x43: {  	_ =	shalt  }
0x44: {  	_ =	shalt  }
0x45: {  	_ =	shalt  }
0x46: {  	_ =	shalt  }
0x47: {  	_ =	shalt  }
0x48: {  	_ =	shalt  }
0x49: {  	_ =	shalt  }
0x4a: {  	_ =	shalt  }
0x4b: {  	_ =	shalt  }
0x4c: {  	_ =	shalt  }
0x4d: {  	_ =	shalt  }
0x4e: {  	_ =	shalt  }
0x4f: {  	_ =	shalt  }
0x50: {  	_ =	shalt  }
0x51: {  	_ =	shalt  }
0x52: {  	_ =	shalt  }
0x53: {  	_ =	shalt  }
0x54: {  	_ =	shalt  }
0x55: {  	_ =	shalt  }
0x56: {  	_ =	shalt  }
0x57: {  	_ =	shalt  }
0x58: {  	_ =	shalt  }
0x59: {  	_ =	shalt  }
0x5a: {  	_ =	shalt  }
0x5b: {  	_ =	shalt  }
0x5c: {  	_ =	shalt  }
0x5d: {  	_ =	shalt  }
0x5e: {  	_ =	shalt  }
0x5f: {  	_ =	shalt  }
0x60: {  	_ =	shalt  }
0x61: {  	_ =	shalt  }
0x62: {  	_ =	shalt  }
0x63: {  	_ =	shalt  }
0x64: {  	_ =	shalt  }
0x65: {  	_ =	shalt  }
0x66: {  	_ =	shalt  }
0x67: {  	_ =	shalt  }
0x68: {  	_ =	shalt  }
0x69: {  	_ =	shalt  }
0x6a: {  	_ =	shalt  }
0x6b: {  	_ =	shalt  }
0x6c: {  	_ =	shalt  }
0x6d: {  	_ =	shalt  }
0x6e: {  	_ =	shalt  }
0x6f: {  	_ =	shalt  }
0x70: {  	_ =	shalt  }
0x71: {  	_ =	shalt  }
0x72: {  	_ =	shalt  }
0x73: {  	_ =	shalt  }
0x74: {  	_ =	shalt  }
0x75: {  	_ =	shalt  }
0x76: {  	_ =	shalt  }
0x77: {  	_ =	shalt  }
0x78: {  	_ =	shalt  }
0x79: {  	_ =	shalt  }
0x7a: {  	_ =	shalt  }
0x7b: {  	_ =	shalt  }
0x7c: {  	_ =	shalt  }
0x7d: {  	_ =	shalt  }
0x7e: {  	_ =	shalt  }
0x7f: {  	_ =	shalt  }
0x80: {  	_ =	shalt  }
0x81: {  	_ =	shalt  }
0x82: {  	_ =	shalt  }
0x83: {  	_ =	shalt  }
0x84: {  	_ =	shalt  }
0x85: {  	_ =	shalt  }
0x86: {  	_ =	shalt  }
0x87: {  	_ =	shalt  }
.Lfunc_end0:
.L_simem_size_0:
called_computation_lowered:
.L_overlay_start_0:
0x88: {  	s2 =	sld [smem:$0x3FD9]  }
0x89: {  	s3 =	sld [smem:$0x3FFE];
	_ =	sdelay $0x1  }
0x8a: {  	s1 =	srdreg.scid  }
0x8b: {  	s0 =	sand.u32 $0x1, s1  }
0x8c: {  	s18 =	sshll.u32 s0, $0xA;
	s2 =	sadd.s32 s3, s2  }
0x8d: {  	s2 =	sadd.s32 s2, s18  }
0x8e: {  	[smem:$0x3FC6] =	sst s2  }
0x8f: {  	_ = 	snop  }
0x90: {  	s2 =	sld [smem:$0x3FC9]  }
0x91: {  	s19 =	sld [smem:$0x3FC8]  }
0x92: {  	s4 =	sld [smem:$0x3FD0];
	(tm) =	ssettm $0x1  }
0x93: {  	s5 =	sld [smem:$0x3FFB];
	_ =	sdelay $0x3  }
0x94: {  	_ =	strace s5  }
0x95: {  	s5 =	sld [smem:$0x3FFC];
	_ =	sdelay $0x3  }
0x96: {  	_ =	strace s5  }
0x97: {  	s5 =	sld [smem:$0x3FFD];
	_ =	sdelay $0x3  }
0x98: {  	_ =	strace s5  }
0x99: {  	_ =	strace $0x8FFFFFFF  }
0x9a: {  	s20 =	sld [smem:$0x3FDB];
	_ =	sdelay $0x1  }
0x9b: {  	s6 =	simm.s32 $_scs_section_size  }
0x9c: {  	s7 =	simm.s32 $_size__tile_overlayer_lowered;
	s8 =	simm.s32 $_tile_overlayer_lowered  }
0x9d: {  	s23 =	simm.s32 $0x1BFF;
	s22 =	sshll.u32 s8, $0x1;
	s5 =	sadd.s32 s6, s20  }
0x9e: {  	s9 =	simm.s32 $0x0;
	s21 =	sshll.u32 s7, $0x1;
	s7 =	sadd.s32 s22, s5  }
0x9f: {  	[timem:s9], [sflag:s23] =	dma.local [hbm:s7], s21  }
0xa0: {  	_ =	swait.ge [sflag:s23], s21  }
0xa1: {  	s6 =	ssub.s32 $0x0, s21;
	[sflag:s23] =	ssyncset.done $0x0  }
0xa2: {  	[sflag:s23] =	ssyncadd.s32 s6;
	_ =	sdelay $0x1  }
0xa3: {  	s24 =	simm.s32 $0x1B8B  }
0xa4: {  	_ =	swait.ge [sflag:s24], $0x1  }
0xa5: {  	[sflag:s24] =	ssyncset.done $0x0  }
0xa6: {  	s25 =	simm.s32 $0x1B8E;
	[sflag:s24] =	ssyncadd.s32 $0xFFFFFFFF  }
0xa7: {  	s26 =	simm.s32 $execute0_lowered;
	[smem:$0x3FD2] =	sst s25  }
0xa8: {  	s6 =	sshll.u32 s26, $0x1;
	_ =	strace $0x80000046;
	[dreg:$0x1] =	wrdreg $0xFFFFFFFF  }
0xa9: {  	s28 =	simm.s32 $_size_execute0_lowered;
	s5 =	sadd.s32 s5, s6;
	[dreg:$0x0] =	wrdreg $0x0  }
0xaa: {  	s6 =	sshll.u32 s28, $0x1;
	[dreg:$0x2] =	wrdreg s5  }
0xab: {  	[dreg:$0x3] =	wrdreg s6  }
0xac: {  	[dreg:$0x4] =	wrdreg $0xC0  }
0xad: {  	_ =	task [dreg:s9], $0x5FFFF  }
0xae: {  	[dreg:$0x1] =	wrdreg $0xFFFFFFFF  }
0xaf: {  	[dreg:$0x0] =	wrdreg $0x60  }
0xb0: {  	[dreg:$0x2] =	wrdreg s2  }
0xb1: {  	[dreg:$0x3] =	wrdreg s19  }
0xb2: {  	[dreg:$0x4] =	wrdreg s4  }
0xb3: {  	[dreg:$0x5] =	wrdreg $0x9  }
0xb4: {  	_ =	task.clear_ibuf [dreg:s9], $0x6FFFF;
	_ =	strace $0x90000046  }
0xb5: {  	s29 =	simm.s32 $0x9;
	_ =	strace $0x80000048  }
0xb6: {  	_ =	swait.ge [sflag:s29], $0x1  }
0xb7: {  	[sflag:s29] =	ssyncadd.s32 $0xFFFFFFFF  }
0xb8: {  	_ =	strace $0x90000048  }
0xb9: {  	_ =	sfence  }
0xba: {  	s30 =	sld [smem:$0x0];
	_ =	sdelay $0x2  }
0xbb: {  	s31 =	sshll.u32 s1, $0xD;
	s1 =	sshrl.u32 s1, $0x2  }
0xbc: {  	s3 =	sand.u32 $0x4000, s31;
	s1 =	sadd.s32 s1, s30  }
0xbd: {  	s0 =	sor.u32 s3, s0;
	s1 =	sshll.u32 s1, $0x11  }
0xbe: {  	s0 =	sor.u32 s1, s0  }
0xbf: {  	s0 =	sadd.s32 $0x8F2B, s0  }
0xc0: {  	[sflag:s0] =	ssyncadd.remote.s32 $0x1  }
0xc1: {  	_ =	sfence.sel $0xFFFF  }
0xc2: {  	[dreg:$0x0] =	wrdreg $0xFFFFFFFF;
	(pc) =	sbr.abs _section_cstart, $3  }
0xc3: {  	[dreg:$0x1] =	wrdreg $0xFFFFFFFF  }
0xc4: {  	_ =	task.clear_ibuf [dreg:s9], $0x2FFFF;
	_ =	strace $0x9FFFFFFF  }
0xc5: {  	(tm) =	ssettm $0x7FFFFFFF  }
tec
execute0_lowered:
.L_overlay_start_1:
0x0: {  	(tag) =	ssettag $0x1  }
0x1: {  	s4 =	rddreg [dreg:$0x0]  }
0x2: {  	s1 =	rddreg [dreg:$0x1]  }
0x3: {  	s5 =	rddreg [dreg:$0x2]  }
0x4: {  	s0 =	rddreg [dreg:$0x3];
	s6 =	srdreg.scid  }
0x5: {  	s3 =	simm.s32 $0x0;
	s2 =	stileid.u32;
	s10 =	simm.s32 $0xF000  }
0x6: {  	s11 =	simm.s32 $0x17200;
	s12 =	simm.s32 $0x1;
	s13 =	simm.s32 $0x2  }
0x7: {  	s14 =	simm.s32 $0x0;
	s6 =	sand.u32 $0x1, s6;
	[smem:$0x7FF] =	sst s3  }
0x8: {  	s7 =	sshll.u32 s2, $0xA;
	s8 =	sshll.u32 s6, $0x9;
	s6 =	ssub.s32 $0x2, s6  }
0x9: {  	_ =	strace $0x80000047;
	s7 =	sor.u32 s8, s7;
	s31 =	sshrl.u32 s6, $0x1  }
0xa: {  	s9 =	sshrl.u32 s7, $0x3;
	s7 =	sshll.u32 s7, $0x4;
	s8 =	ssub.s32 s6, s31  }
0xb: {  	s4 =	sadd.s32 s4, s9;
	s5 =	sadd.s32 s5, s7;
	s7 =	smax.u32 s8, $0x1  }
0xc: {  	s8 =	simm.s32 $0xF200;
	s9 =	simm.s32 $0x3;
	s6 =	sadd.s32 $0x1000, s5  }
.LBB2_1:
0xd: {  	[tilespmem:s8], [sflag:$0x3] =	stream.linear.gather [hbm4b:s1+s3], $0x2800, $0x38;
	[tilespmem:$0x1F200] =	vst v63  }
0xe: {  	_ =	swait.ge [sflag:s9], $0x2800  }
0xf: {  	[sflag:s9] =	ssyncset.done $0x0  }
0x10: {  	[sflag:s9] =	ssyncadd.s32 $0xFFFFD800  }
0x11: {  	[tilespmem:s10], [sflag:$0x3] =	stream.linear.gather [hbm4b:s4+s3], $0x200, $0x38;
	[tilespmem:$0x1F200] =	vst v63  }
0x12: {  	_ =	swait.ge [sflag:s9], $0x200  }
0x13: {  	[sflag:s9] =	ssyncset.done $0x0  }
0x14: {  	s17 =	simm.s32 $0x0;
	[sflag:s9] =	ssyncadd.s32 $0xFFFFFE00  }
0x15: {  	v0 =	vld [tilespmem:s17+$0xF260]  }
0x16: {  	v4 =	vld [tilespmem:s17+$0xF270]  }
0x17: {  	v5 =	vld [tilespmem:s17+$0xF200]  }
0x18: {  	v6 =	vld [tilespmem:s17+$0xF210]  }
0x19: {  	v2 =	vld [tilespmem:s17+$0xF220]  }
0x1a: {  	v3 =	vld [tilespmem:s17+$0xF230]  }
0x1b: {  	v1 =	vld [tilespmem:s17+$0xF240];
	v0 =	vpack.i.f32.bf16 v4, v0  }
0x1c: {  	s16 =	simm.s32 $0x80;
	v4 =	vld [tilespmem:s17+$0xF250];
	[tilespmem:s17+$0x60] =	vst v0  }
0x1d: {  	s15 =	simm.s32 $0x400;
	v5 =	vpack.i.f32.bf16 v6, v5;
	v0 =	vld [tilespmem:s16+$0xF260]  }
.LBB2_2:
0x1e: {  	p0 =	sne.s32 s15, $0x9E00;
	v6 =	vld [tilespmem:s16+$0xF270];
	[tilespmem:s17+$0x0] =	vst v5  }
0x1f: {  	v5 =	vld [tilespmem:s16+$0xF200];
	v2 =	vpack.i.f32.bf16 v3, v2  }
0x20: {  	v7 =	vld [tilespmem:s16+$0xF210];
	[tilespmem:s17+$0x20] =	vst v2  }
.Ltmp0:
0x21: {  	v2 =	vld [tilespmem:s16+$0xF220];
	v1 =	vpack.i.f32.bf16 v4, v1;
	(pc) =	sbr.rel @p0 .LBB2_2-.Ltmp0, $4  }
0x22: {  	v3 =	vld [tilespmem:s16+$0xF230];
	[tilespmem:s17+$0x40] =	vst v1;
	s17 =	smov.u32 s16  }
0x23: {  	v1 =	vld [tilespmem:s17+$0xF240];
	v0 =	vpack.i.f32.bf16 v6, v0  }
0x24: {  	s16 =	sshra.s32 s15, $0x2;
	v4 =	vld [tilespmem:s17+$0xF250];
	[tilespmem:s17+$0x60] =	vst v0  }
0x25: {  	s15 =	sadd.s32 $0x200, s15;
	v0 =	vld [tilespmem:s16+$0xF260];
	v5 =	vpack.i.f32.bf16 v7, v5  }
0x26: {  	v6 =	vld [tilespmem:s16+$0xF270];
	[tilespmem:s17+$0x0] =	vst v5  }
0x27: {  	v5 =	vld [tilespmem:s16+$0xF200];
	v2 =	vpack.i.f32.bf16 v3, v2  }
0x28: {  	v3 =	vld [tilespmem:s16+$0xF210];
	[tilespmem:s17+$0x20] =	vst v2  }
0x29: {  	s15 =	simm.s32 $0x0;
	v2 =	vld [tilespmem:s16+$0xF220];
	v1 =	vpack.i.f32.bf16 v4, v1  }
0x2a: {  	s31 =	smul.u32 $0xCD, s15;
	v4 =	vld [tilespmem:s16+$0xF230];
	[tilespmem:s17+$0x40] =	vst v1  }
0x2b: {  	v1 =	vld [tilespmem:s16+$0xF240]  }
0x2c: {  	s18 =	sshrl.u32 s31, $0xB;
	v7 =	vld [tilespmem:s16+$0xF250]  }
0x2d: {  	s18 =	sand.u32 $0x1F, s18  }
0x2e: {  	v0 =	vpack.i.f32.bf16 v6, v0;
	s18 =	smul.u32 $0xA, s18  }
0x2f: {  	[tilespmem:s16+$0x60] =	vst v0;
	v0 =	vpack.i.f32.bf16 v3, v5  }
0x30: {  	[tilespmem:s16+$0x0] =	vst v0;
	s18 =	ssub.s32 $0x0, s18;
	v0 =	vpack.i.f32.bf16 v4, v2  }
0x31: {  	s18 =	sand.u32 $0xFF, s18;
	[tilespmem:s16+$0x20] =	vst v0;
	v0 =	vpack.i.f32.bf16 v7, v1  }
0x32: {  	s17 =	sshrl.u32 s31, $0x4;
	[tilespmem:s16+$0x40] =	vst v0;
	s16 =	sshll.u32 s18, $0x7  }
0x33: {  	s17 =	sand.u32 $0xF80, s17;
	v0 =	vld [tilespmem:s16+$0x0]  }
0x34: {  	v1 =	vld [tilespmem:s17+$0x500]  }
0x35: {  	v2 =	vld [tilespmem:s17+$0x520]  }
0x36: {  	v3 =	vld [tilespmem:s16+$0x20];
	_ =	sdelay $0x2  }
0x37: {  	v0 =	vadd.bf16 v1, v0  }
0x38: {  	s18 =	simm.s32 $0x0  }
0x39: {  	[tilespmem:s18+$0x2800] =	vst v0;
	v0 =	vadd.bf16 v2, v3  }
0x3a: {  	v1 =	vld [tilespmem:s16+$0x40]  }
0x3b: {  	v2 =	vld [tilespmem:s17+$0x540];
	[tilespmem:s18+$0x2820] =	vst v0  }
0x3c: {  	v0 =	vld [tilespmem:s16+$0x60]  }
0x3d: {  	v3 =	vld [tilespmem:s17+$0x560];
	_ =	sdelay $0x2  }
0x3e: {  	v1 =	vadd.bf16 v2, v1;
	_ =	sdelay $0x1  }
0x3f: {  	[tilespmem:s18+$0x2840] =	vst v1;
	v0 =	vadd.bf16 v3, v0  }
0x40: {  	v1 =	vld [tilespmem:s16+$0xA00]  }
0x41: {  	v2 =	vld [tilespmem:s17+$0xF00];
	[tilespmem:s18+$0x2860] =	vst v0  }
0x42: {  	v0 =	vld [tilespmem:s16+$0xA20]  }
0x43: {  	v3 =	vld [tilespmem:s17+$0xF20];
	_ =	sdelay $0x2  }
0x44: {  	v1 =	vadd.bf16 v2, v1;
	_ =	sdelay $0x1  }
0x45: {  	[tilespmem:s18+$0x5A00] =	vst v1;
	v0 =	vadd.bf16 v3, v0  }
0x46: {  	v1 =	vld [tilespmem:s16+$0xA40]  }
0x47: {  	v2 =	vld [tilespmem:s17+$0xF40];
	[tilespmem:s18+$0x5A20] =	vst v0  }
0x48: {  	v0 =	vld [tilespmem:s16+$0xA60]  }
0x49: {  	v3 =	vld [tilespmem:s17+$0xF60];
	_ =	sdelay $0x2  }
0x4a: {  	v1 =	vadd.bf16 v2, v1;
	_ =	sdelay $0x1  }
0x4b: {  	[tilespmem:s18+$0x5A40] =	vst v1;
	v0 =	vadd.bf16 v3, v0  }
0x4c: {  	v1 =	vld [tilespmem:s16+$0x1400]  }
0x4d: {  	v2 =	vld [tilespmem:s17+$0x1900];
	[tilespmem:s18+$0x5A60] =	vst v0  }
0x4e: {  	v3 =	vld [tilespmem:s16+$0x1420]  }
0x4f: {  	v4 =	vld [tilespmem:s17+$0x1920];
	_ =	sdelay $0x2  }
0x50: {  	v0 =	vadd.bf16 v2, v1  }
0x51: {  	p0 =	por $0x1, $0x1  }
.Ltmp1:
0x52: {  	[tilespmem:s18+$0x8C00] =	vst v0;
	v1 =	vadd.bf16 v4, v3;
	(pc) =	sbr.rel @!p0 .LBB2_5-.Ltmp1, $4  }
0x53: {  	v0 =	vld [tilespmem:s16+$0x1440]  }
0x54: {  	v3 =	vld [tilespmem:s17+$0x1940];
	[tilespmem:s18+$0x8C20] =	vst v1  }
0x55: {  	v1 =	vld [tilespmem:s16+$0x1460]  }
0x56: {  	s19 =	simm.s32 $0x200;
	s20 =	simm.s32 $0x0;
	v2 =	vld [tilespmem:s17+$0x1960]  }
.LBB2_4:
0x57: {  	p0 =	sne.s32 s19, $0xC600  }
0x58: {  	s20 =	sadd.s32 $0x1, s20;
	s21 =	smov.u32 s19;
	s19 =	sadd.s32 $0x200, s19  }
0x59: {  	s22 =	smul.u32 $0xCD, s20;
	v0 =	vadd.bf16 v3, v0;
	_ =	sdelay $0x1  }
0x5a: {  	s23 =	sshrl.u32 s22, $0xB;
	s22 =	sshrl.u32 s22, $0x4;
	[tilespmem:s18+$0x8C40] =	vst v0  }
0x5b: {  	s23 =	sand.u32 $0x1F, s23;
	v0 =	vld [tilespmem:s16+$0x1E00];
	v1 =	vadd.bf16 v2, v1  }
0x5c: {  	s23 =	smul.u32 $0xA, s23;
	v2 =	vld [tilespmem:s17+$0x2300]  }
0x5d: {  	[tilespmem:s18+$0x8C60] =	vst v1  }
0x5e: {  	s23 =	ssub.s32 s20, s23;
	v1 =	vld [tilespmem:s16+$0x1E20]  }
0x5f: {  	s23 =	sand.u32 $0xFF, s23;
	v3 =	vld [tilespmem:s17+$0x2320]  }
0x60: {  	s22 =	sand.u32 $0xF80, s22;
	s23 =	sshll.u32 s23, $0x7  }
0x61: {  	v0 =	vadd.bf16 v2, v0;
	_ =	sdelay $0x1  }
0x62: {  	[tilespmem:s18+$0xBE00] =	vst v0  }
0x63: {  	v0 =	vld [tilespmem:s16+$0x1E40];
	v1 =	vadd.bf16 v3, v1  }
0x64: {  	v2 =	vld [tilespmem:s17+$0x2340]  }
0x65: {  	[tilespmem:s18+$0xBE20] =	vst v1  }
0x66: {  	v1 =	vld [tilespmem:s16+$0x1E60];
	s16 =	smov.u32 s23  }
0x67: {  	v3 =	vld [tilespmem:s17+$0x2360];
	s17 =	smov.u32 s22;
	_ =	sdelay $0x1  }
0x68: {  	v0 =	vadd.bf16 v2, v0;
	_ =	sdelay $0x1  }
0x69: {  	[tilespmem:s18+$0xBE40] =	vst v0  }
0x6a: {  	v0 =	vadd.bf16 v3, v1;
	_ =	sdelay $0x1  }
0x6b: {  	[tilespmem:s18+$0xBE60] =	vst v0  }
0x6c: {  	v0 =	vld [tilespmem:s16+$0x0]  }
0x6d: {  	v1 =	vld [tilespmem:s17+$0x500]  }
0x6e: {  	v2 =	vld [tilespmem:s17+$0x520]  }
0x6f: {  	v3 =	vld [tilespmem:s16+$0x20];
	_ =	sdelay $0x2  }
0x70: {  	v0 =	vadd.bf16 v1, v0  }
0x71: {  	s18 =	sshra.s32 s21, $0x2  }
0x72: {  	[tilespmem:s18+$0x2800] =	vst v0;
	v0 =	vadd.bf16 v2, v3  }
0x73: {  	v1 =	vld [tilespmem:s16+$0x40]  }
0x74: {  	v2 =	vld [tilespmem:s17+$0x540]  }
0x75: {  	[tilespmem:s18+$0x2820] =	vst v0  }
0x76: {  	v0 =	vld [tilespmem:s16+$0x60]  }
0x77: {  	v3 =	vld [tilespmem:s17+$0x560];
	_ =	sdelay $0x1  }
0x78: {  	v1 =	vadd.bf16 v2, v1;
	_ =	sdelay $0x1  }
0x79: {  	[tilespmem:s18+$0x2840] =	vst v1  }
0x7a: {  	v1 =	vld [tilespmem:s16+$0xA00];
	v0 =	vadd.bf16 v3, v0  }
0x7b: {  	v2 =	vld [tilespmem:s17+$0xF00]  }
0x7c: {  	[tilespmem:s18+$0x2860] =	vst v0  }
0x7d: {  	v0 =	vld [tilespmem:s16+$0xA20]  }
0x7e: {  	v3 =	vld [tilespmem:s17+$0xF20];
	_ =	sdelay $0x1  }
0x7f: {  	v1 =	vadd.bf16 v2, v1;
	_ =	sdelay $0x1  }
0x80: {  	[tilespmem:s18+$0x5A00] =	vst v1  }
0x81: {  	v1 =	vld [tilespmem:s16+$0xA40];
	v0 =	vadd.bf16 v3, v0  }
0x82: {  	v2 =	vld [tilespmem:s17+$0xF40]  }
0x83: {  	[tilespmem:s18+$0x5A20] =	vst v0  }
0x84: {  	v0 =	vld [tilespmem:s16+$0xA60]  }
0x85: {  	v3 =	vld [tilespmem:s17+$0xF60];
	_ =	sdelay $0x1  }
0x86: {  	v1 =	vadd.bf16 v2, v1;
	_ =	sdelay $0x1  }
0x87: {  	[tilespmem:s18+$0x5A40] =	vst v1  }
0x88: {  	v1 =	vld [tilespmem:s16+$0x1400];
	v0 =	vadd.bf16 v3, v0  }
0x89: {  	v2 =	vld [tilespmem:s17+$0x1900]  }
0x8a: {  	[tilespmem:s18+$0x5A60] =	vst v0  }
0x8b: {  	v3 =	vld [tilespmem:s16+$0x1420]  }
0x8c: {  	v4 =	vld [tilespmem:s17+$0x1920];
	_ =	sdelay $0x1  }
0x8d: {  	v0 =	vadd.bf16 v2, v1;
	_ =	sdelay $0x1  }
0x8e: {  	[tilespmem:s18+$0x8C00] =	vst v0  }
.Ltmp2:
0x8f: {  	v0 =	vld [tilespmem:s16+$0x1440];
	v1 =	vadd.bf16 v4, v3;
	(pc) =	sbr.rel @p0 .LBB2_4-.Ltmp2, $4  }
0x90: {  	v3 =	vld [tilespmem:s17+$0x1940]  }
0x91: {  	[tilespmem:s18+$0x8C20] =	vst v1  }
0x92: {  	v1 =	vld [tilespmem:s16+$0x1460]  }
0x93: {  	v2 =	vld [tilespmem:s17+$0x1960]  }
.LBB2_5:
0x94: {  	_ =	sdelay $0x1  }
0x95: {  	v0 =	vadd.bf16 v3, v0;
	_ =	sdelay $0x1  }
0x96: {  	[tilespmem:s18+$0x8C40] =	vst v0;
	v1 =	vadd.bf16 v2, v1  }
0x97: {  	v0 =	vld [tilespmem:s16+$0x1E00]  }
0x98: {  	v60 =	vld [tilespmem:s17+$0x2300];
	[tilespmem:s18+$0x8C60] =	vst v1  }
0x99: {  	v1 =	vld [tilespmem:s16+$0x1E20]  }
0x9a: {  	v61 =	vld [tilespmem:s17+$0x2320];
	_ =	sdelay $0x2  }
0x9b: {  	v0 =	vadd.bf16 v60, v0;
	_ =	sdelay $0x1  }
0x9c: {  	[tilespmem:s18+$0xBE00] =	vst v0;
	v1 =	vadd.bf16 v61, v1  }
0x9d: {  	v0 =	vld [tilespmem:s16+$0x1E40]  }
0x9e: {  	v62 =	vld [tilespmem:s17+$0x2340];
	[tilespmem:s18+$0xBE20] =	vst v1  }
0x9f: {  	v1 =	vld [tilespmem:s16+$0x1E60]  }
0xa0: {  	v63 =	vld [tilespmem:s17+$0x2360];
	_ =	sdelay $0x3  }
0xa1: {  	v0 =	vadd.bf16 v62, v0  }
0xa2: {  	v1 =	vadd.bf16 v63, v1  }
0xa3: {  	[tilespmem:s18+$0xBE40] =	vst v0  }
0xa4: {  	s16 =	simm.s32 $0xF600;
	[tilespmem:s18+$0xBE60] =	vst v1  }
.LBB2_6:
0xa5: {  	s17 =	sshra.s32 s15, $0x2  }
0xa6: {  	v0 =	vld [tilespmem:s17+$0xF000];
	_ =	sdelay $0x4  }
0xa7: {  	(v2sf) =	vpush v0, $0x0;
	_ =	sdelay $0xe  }
0xa8: {  	s30 =	spop (v2sf);
	(v2sf) =	vpush v0, $0x1  }
0xa9: {  	s18 =	smulhi.u32 $0x51EB851F, s30  }
0xaa: {  	s21 =	smulhi.u32 $0x68DB8BAD, s30  }
0xab: {  	s19 =	sshra.s32 s30, $0x1F;
	s31 =	smulhi.u32 $0x431BDE83, s30  }
0xac: {  	s20 =	smul.u32 $0x51EB851F, s19  }
0xad: {  	s22 =	smul.u32 $0x68DB8BAD, s19  }
0xae: {  	s19 =	smul.u32 $0x431BDE83, s19;
	_ =	sdelay $0x1  }
0xaf: {  	s18 =	sadd.s32 s20, s18;
	s21 =	sadd.s32 s22, s21;
	s19 =	sadd.s32 s19, s31  }
0xb0: {  	s23 =	sshrl.u32 s18, $0x1F;
	s18 =	sshra.s32 s18, $0x5;
	s22 =	sshrl.u32 s21, $0x1F  }
0xb1: {  	s20 =	sshrl.u32 s19, $0x1F;
	s19 =	sshra.s32 s19, $0x12;
	s18 =	sadd.s32 s23, s18  }
0xb2: {  	s21 =	sshra.s32 s21, $0xC;
	s19 =	sadd.s32 s20, s19;
	s23 =	smul.u32 $0x7FFF9C, s18  }
0xb3: {  	s21 =	sadd.s32 s22, s21;
	s25 =	smul.u32 $0x7FFF9C, s19;
	s19 =	sshll.u32 s19, $0x9  }
0xb4: {  	s24 =	smul.u32 $0x7FFF9C, s21;
	s19 =	sshra.s32 s19, $0x2  }
0xb5: {  	s17 =	sadd.s32 s30, s23;
	v4 =	vld [tilespmem:s19+$0xBE00]  }
0xb6: {  	s18 =	sadd.s32 s18, s24;
	s26 =	sadd.s32 s21, s25;
	v8 =	vld [tilespmem:s19+$0xBE20];
	s21 =	spop (v2sf)  }
0xb7: {  	v12 =	vld [tilespmem:s19+$0xBE40];
	s17 =	sshll.u32 s17, $0x9;
	s18 =	sshll.u32 s18, $0x9;
	s28 =	smulhi.u32 $0x51EB851F, s21  }
0xb8: {  	v16 =	vld [tilespmem:s19+$0xBE60];
	s20 =	sshll.u32 s26, $0x9;
	s17 =	sshra.s32 s17, $0x2;
	s25 =	smulhi.u32 $0x68DB8BAD, s21  }
0xb9: {  	s18 =	sshra.s32 s18, $0x2;
	v1 =	vld [tilespmem:s17+$0x2800];
	s29 =	sshra.s32 s21, $0x1F;
	s30 =	smulhi.u32 $0x431BDE83, s21  }
0xba: {  	s20 =	sshra.s32 s20, $0x2;
	v2 =	vld [tilespmem:s18+$0x5A00];
	s24 =	smul.u32 $0x51EB851F, s29  }
0xbb: {  	v3 =	vld [tilespmem:s20+$0x8C00];
	s26 =	smul.u32 $0x68DB8BAD, s29  }
0xbc: {  	v5 =	vld [tilespmem:s17+$0x2820];
	s23 =	smul.u32 $0x431BDE83, s29  }
0xbd: {  	v6 =	vld [tilespmem:s18+$0x5A20];
	(v2sf) =	vpush v0, $0x2  }
0xbe: {  	v7 =	vld [tilespmem:s20+$0x8C20];
	s22 =	sadd.s32 s24, s28;
	s25 =	sadd.s32 s26, s25;
	s23 =	sadd.s32 s23, s30  }
0xbf: {  	v9 =	vld [tilespmem:s17+$0x2840];
	s28 =	sshrl.u32 s22, $0x1F;
	s22 =	sshra.s32 s22, $0x5;
	s26 =	sshrl.u32 s25, $0x1F  }
0xc0: {  	v10 =	vld [tilespmem:s18+$0x5A40];
	s25 =	sshra.s32 s25, $0xC;
	s24 =	sshrl.u32 s23, $0x1F;
	s22 =	sadd.s32 s28, s22  }
0xc1: {  	v11 =	vld [tilespmem:s20+$0x8C40];
	s23 =	sshra.s32 s23, $0x12;
	s25 =	sadd.s32 s26, s25;
	s31 =	smul.u32 $0x7FFF9C, s22  }
0xc2: {  	v13 =	vld [tilespmem:s17+$0x2860];
	s23 =	sadd.s32 s24, s23;
	s28 =	smul.u32 $0x7FFF9C, s25  }
0xc3: {  	v14 =	vld [tilespmem:s18+$0x5A60];
	v1 =	vadd.bf16 v2, v1;
	v43 =	vadd.bf16 v4, v3;
	s30 =	smul.u32 $0x7FFF9C, s23;
	s23 =	sshll.u32 s23, $0x9;
	s29 =	sadd.s32 s21, s31  }
0xc4: {  	v15 =	vld [tilespmem:s20+$0x8C60];
	s20 =	sshra.s32 s23, $0x2;
	s31 =	sadd.s32 s22, s28;
	s17 =	sshll.u32 s29, $0x9  }
0xc5: {  	v1 =	vadd.bf16 v43, v1;
	s21 =	sadd.s32 s25, s30;
	v17 =	vld [tilespmem:s20+$0xBE00];
	s18 =	sshll.u32 s31, $0x9;
	s17 =	sshra.s32 s17, $0x2  }
0xc6: {  	s22 =	sshll.u32 s21, $0x9;
	s18 =	sshra.s32 s18, $0x2;
	v44 =	vld [tilespmem:s17+$0x2800]  }
0xc7: {  	v18 =	vunpack.i.l.bf16.f32 v1;
	s19 =	sshra.s32 s22, $0x2;
	v45 =	vld [tilespmem:s18+$0x5A00]  }
0xc8: {  	v47 =	vadd.bf16 v6, v5;
	v48 =	vadd.bf16 v8, v7;
	v1 =	vunpack.i.u.bf16.f32 v1;
	v46 =	vld [tilespmem:s19+$0x8C00];
	[tilespmem:s16+$0xFFFFFC00] =	vst v18  }
0xc9: {  	[tilespmem:s16+$0xFFFFFC10] =	vst v1  }
0xca: {  	v1 =	vadd.bf16 v48, v47;
	v49 =	vld [tilespmem:s17+$0x2820]  }
0xcb: {  	v50 =	vld [tilespmem:s18+$0x5A20]  }
0xcc: {  	v51 =	vld [tilespmem:s19+$0x8C20];
	v53 =	vunpack.i.l.bf16.f32 v1;
	s21 =	spop (v2sf)  }
0xcd: {  	v54 =	vadd.bf16 v10, v9;
	v55 =	vadd.bf16 v12, v11;
	v52 =	vld [tilespmem:s20+$0xBE20];
	v1 =	vunpack.i.u.bf16.f32 v1;
	[tilespmem:s16+$0xFFFFFC20] =	vst v53;
	s24 =	smulhi.u32 $0x51EB851F, s21  }
0xce: {  	[tilespmem:s16+$0xFFFFFC30] =	vst v1;
	s23 =	sshra.s32 s21, $0x1F;
	s26 =	smulhi.u32 $0x68DB8BAD, s21  }
0xcf: {  	v1 =	vadd.bf16 v55, v54;
	(v2sf) =	vpush v0, $0x3;
	v56 =	vld [tilespmem:s17+$0x2840];
	s25 =	smul.u32 $0x51EB851F, s23  }
0xd0: {  	v57 =	vld [tilespmem:s18+$0x5A40];
	s29 =	smul.u32 $0x68DB8BAD, s23  }
0xd1: {  	v58 =	vld [tilespmem:s19+$0x8C40];
	s30 =	smulhi.u32 $0x431BDE83, s21;
	v60 =	vunpack.i.l.bf16.f32 v1;
	s22 =	sadd.s32 s25, s24  }
0xd2: {  	v61 =	vadd.bf16 v14, v13;
	v62 =	vadd.bf16 v16, v15;
	v59 =	vld [tilespmem:s20+$0xBE40];
	s23 =	smul.u32 $0x431BDE83, s23;
	v1 =	vunpack.i.u.bf16.f32 v1;
	[tilespmem:s16+$0xFFFFFC40] =	vst v60;
	s25 =	sadd.s32 s29, s26;
	s31 =	sshrl.u32 s22, $0x1F  }
0xd3: {  	[tilespmem:s16+$0xFFFFFC50] =	vst v1;
	s22 =	sshra.s32 s22, $0x5;
	s26 =	sshrl.u32 s25, $0x1F;
	s25 =	sshra.s32 s25, $0xC  }
0xd4: {  	v1 =	vadd.bf16 v62, v61;
	s23 =	sadd.s32 s23, s30;
	v63 =	vld [tilespmem:s17+$0x2860];
	s22 =	sadd.s32 s31, s22;
	s25 =	sadd.s32 s26, s25  }
0xd5: {  	v21 =	vld [tilespmem:s18+$0x5A60];
	s26 =	sshrl.u32 s23, $0x1F;
	s23 =	sshra.s32 s23, $0x12;
	s28 =	smul.u32 $0x7FFF9C, s22  }
0xd6: {  	v22 =	vld [tilespmem:s19+$0x8C60];
	v24 =	vunpack.i.l.bf16.f32 v1;
	s17 =	sadd.s32 s26, s23;
	s29 =	smul.u32 $0x7FFF9C, s25  }
0xd7: {  	v25 =	vadd.bf16 v45, v44;
	v2 =	vadd.bf16 v17, v46;
	v23 =	vld [tilespmem:s20+$0xBE60];
	v1 =	vunpack.i.u.bf16.f32 v1;
	[tilespmem:s16+$0xFFFFFC60] =	vst v24;
	s31 =	smul.u32 $0x7FFF9C, s17;
	s17 =	sshll.u32 s17, $0x9;
	s30 =	sadd.s32 s21, s28  }
0xd8: {  	[tilespmem:s16+$0xFFFFFC70] =	vst v1;
	s18 =	sadd.s32 s22, s29;
	s17 =	sshra.s32 s17, $0x2;
	s19 =	sshll.u32 s30, $0x9  }
0xd9: {  	v1 =	vadd.bf16 v2, v25;
	s23 =	sadd.s32 s25, s31;
	s18 =	sshll.u32 s18, $0x9;
	v29 =	vld [tilespmem:s17+$0xBE00];
	s19 =	sshra.s32 s19, $0x2  }
0xda: {  	s18 =	sshra.s32 s18, $0x2;
	s20 =	sshll.u32 s23, $0x9;
	v26 =	vld [tilespmem:s19+$0x2800]  }
0xdb: {  	v30 =	vunpack.i.l.bf16.f32 v1;
	v27 =	vld [tilespmem:s18+$0x5A00];
	s20 =	sshra.s32 s20, $0x2  }
0xdc: {  	v31 =	vadd.bf16 v50, v49;
	v5 =	vadd.bf16 v52, v51;
	v1 =	vunpack.i.u.bf16.f32 v1;
	v28 =	vld [tilespmem:s20+$0x8C00];
	[tilespmem:s16+$0xFFFFFC80] =	vst v30  }
0xdd: {  	[tilespmem:s16+$0xFFFFFC90] =	vst v1  }
0xde: {  	v1 =	vadd.bf16 v5, v31;
	v32 =	vld [tilespmem:s19+$0x2820];
	s21 =	spop (v2sf)  }
0xdf: {  	v33 =	vld [tilespmem:s18+$0x5A20];
	s24 =	smulhi.u32 $0x51EB851F, s21  }
0xe0: {  	v34 =	vld [tilespmem:s20+$0x8C20];
	v36 =	vunpack.i.l.bf16.f32 v1;
	s26 =	smulhi.u32 $0x68DB8BAD, s21  }
0xe1: {  	v37 =	vadd.bf16 v57, v56;
	v9 =	vadd.bf16 v59, v58;
	v35 =	vld [tilespmem:s17+$0xBE20];
	v1 =	vunpack.i.u.bf16.f32 v1;
	[tilespmem:s16+$0xFFFFFCA0] =	vst v36;
	s23 =	sshra.s32 s21, $0x1F;
	s31 =	smulhi.u32 $0x431BDE83, s21  }
0xe2: {  	[tilespmem:s16+$0xFFFFFCB0] =	vst v1;
	s25 =	smul.u32 $0x51EB851F, s23  }
0xe3: {  	(v2sf) =	vpush v0, $0x4;
	v1 =	vadd.bf16 v9, v37;
	v38 =	vld [tilespmem:s19+$0x2840];
	s30 =	smul.u32 $0x68DB8BAD, s23  }
0xe4: {  	v39 =	vld [tilespmem:s18+$0x5A40];
	s23 =	smul.u32 $0x431BDE83, s23  }
0xe5: {  	v40 =	vld [tilespmem:s20+$0x8C40];
	v42 =	vunpack.i.l.bf16.f32 v1  }
0xe6: {  	v43 =	vadd.bf16 v21, v63;
	v13 =	vadd.bf16 v23, v22;
	v41 =	vld [tilespmem:s17+$0xBE40];
	v1 =	vunpack.i.u.bf16.f32 v1;
	s22 =	sadd.s32 s25, s24;
	s25 =	sadd.s32 s30, s26;
	[tilespmem:s16+$0xFFFFFCC0] =	vst v42;
	s23 =	sadd.s32 s23, s31  }
0xe7: {  	[tilespmem:s16+$0xFFFFFCD0] =	vst v1;
	s29 =	sshrl.u32 s22, $0x1F;
	s22 =	sshra.s32 s22, $0x5;
	s26 =	sshrl.u32 s25, $0x1F  }
0xe8: {  	v1 =	vadd.bf16 v13, v43;
	s25 =	sshra.s32 s25, $0xC;
	v44 =	vld [tilespmem:s19+$0x2860];
	s30 =	sshrl.u32 s23, $0x1F;
	s22 =	sadd.s32 s29, s22  }
0xe9: {  	s23 =	sshra.s32 s23, $0x12;
	v45 =	vld [tilespmem:s18+$0x5A60];
	s25 =	sadd.s32 s26, s25;
	s31 =	smul.u32 $0x7FFF9C, s22  }
0xea: {  	v46 =	vld [tilespmem:s20+$0x8C60];
	s26 =	sadd.s32 s30, s23;
	v48 =	vunpack.i.l.bf16.f32 v1;
	s28 =	smul.u32 $0x7FFF9C, s25  }
0xeb: {  	v49 =	vadd.bf16 v27, v26;
	v2 =	vadd.bf16 v29, v28;
	v47 =	vld [tilespmem:s17+$0xBE60];
	v1 =	vunpack.i.u.bf16.f32 v1;
	s30 =	smul.u32 $0x7FFF9C, s26;
	[tilespmem:s16+$0xFFFFFCE0] =	vst v48;
	s18 =	sshll.u32 s26, $0x9;
	s29 =	sadd.s32 s21, s31  }
0xec: {  	[tilespmem:s16+$0xFFFFFCF0] =	vst v1;
	s18 =	sshra.s32 s18, $0x2;
	s31 =	sadd.s32 s22, s28;
	s22 =	sshll.u32 s29, $0x9  }
0xed: {  	v1 =	vadd.bf16 v2, v49;
	s23 =	sadd.s32 s25, s30;
	v53 =	vld [tilespmem:s18+$0xBE00];
	s17 =	sshll.u32 s31, $0x9;
	s19 =	sshra.s32 s22, $0x2  }
0xee: {  	s20 =	sshll.u32 s23, $0x9;
	s17 =	sshra.s32 s17, $0x2;
	v50 =	vld [tilespmem:s19+$0x2800]  }
0xef: {  	v54 =	vunpack.i.l.bf16.f32 v1;
	s20 =	sshra.s32 s20, $0x2;
	v51 =	vld [tilespmem:s17+$0x5A00]  }
0xf0: {  	v55 =	vadd.bf16 v33, v32;
	v5 =	vadd.bf16 v35, v34;
	v1 =	vunpack.i.u.bf16.f32 v1;
	v52 =	vld [tilespmem:s20+$0x8C00];
	[tilespmem:s16+$0xFFFFFD00] =	vst v54  }
0xf1: {  	[tilespmem:s16+$0xFFFFFD10] =	vst v1  }
0xf2: {  	v1 =	vadd.bf16 v5, v55;
	v56 =	vld [tilespmem:s19+$0x2820];
	s21 =	spop (v2sf)  }
0xf3: {  	v57 =	vld [tilespmem:s17+$0x5A20];
	s24 =	smulhi.u32 $0x51EB851F, s21  }
0xf4: {  	v58 =	vld [tilespmem:s20+$0x8C20];
	v60 =	vunpack.i.l.bf16.f32 v1;
	s26 =	smulhi.u32 $0x68DB8BAD, s21  }
0xf5: {  	v61 =	vadd.bf16 v39, v38;
	v9 =	vadd.bf16 v41, v40;
	v59 =	vld [tilespmem:s18+$0xBE20];
	v1 =	vunpack.i.u.bf16.f32 v1;
	[tilespmem:s16+$0xFFFFFD20] =	vst v60;
	s23 =	sshra.s32 s21, $0x1F;
	s31 =	smulhi.u32 $0x431BDE83, s21  }
0xf6: {  	[tilespmem:s16+$0xFFFFFD30] =	vst v1;
	s25 =	smul.u32 $0x51EB851F, s23  }
0xf7: {  	v1 =	vadd.bf16 v9, v61;
	(v2sf) =	vpush v0, $0x5;
	v62 =	vld [tilespmem:s19+$0x2840];
	s30 =	smul.u32 $0x68DB8BAD, s23  }
0xf8: {  	v63 =	vld [tilespmem:s17+$0x5A40];
	s23 =	smul.u32 $0x431BDE83, s23  }
0xf9: {  	v21 =	vld [tilespmem:s20+$0x8C40];
	v23 =	vunpack.i.l.bf16.f32 v1  }
0xfa: {  	v24 =	vadd.bf16 v45, v44;
	v13 =	vadd.bf16 v47, v46;
	v22 =	vld [tilespmem:s18+$0xBE40];
	v1 =	vunpack.i.u.bf16.f32 v1;
	[tilespmem:s16+$0xFFFFFD40] =	vst v23;
	s22 =	sadd.s32 s25, s24;
	s25 =	sadd.s32 s30, s26;
	s23 =	sadd.s32 s23, s31  }
0xfb: {  	[tilespmem:s16+$0xFFFFFD50] =	vst v1;
	s29 =	sshrl.u32 s22, $0x1F;
	s22 =	sshra.s32 s22, $0x5;
	s26 =	sshrl.u32 s25, $0x1F  }
0xfc: {  	v1 =	vadd.bf16 v13, v24;
	v25 =	vld [tilespmem:s19+$0x2860];
	s25 =	sshra.s32 s25, $0xC;
	s30 =	sshrl.u32 s23, $0x1F;
	s22 =	sadd.s32 s29, s22  }
0xfd: {  	v26 =	vld [tilespmem:s17+$0x5A60];
	s23 =	sshra.s32 s23, $0x12;
	s25 =	sadd.s32 s26, s25;
	s31 =	smul.u32 $0x7FFF9C, s22  }
0xfe: {  	v27 =	vld [tilespmem:s20+$0x8C60];
	v29 =	vunpack.i.l.bf16.f32 v1;
	s26 =	sadd.s32 s30, s23;
	s28 =	smul.u32 $0x7FFF9C, s25  }
0xff: {  	v30 =	vadd.bf16 v51, v50;
	v2 =	vadd.bf16 v53, v52;
	v28 =	vld [tilespmem:s18+$0xBE60];
	v1 =	vunpack.i.u.bf16.f32 v1;
	[tilespmem:s16+$0xFFFFFD60] =	vst v29;
	s30 =	smul.u32 $0x7FFF9C, s26;
	s17 =	sshll.u32 s26, $0x9;
	s29 =	sadd.s32 s21, s31  }
0x100: {  	[tilespmem:s16+$0xFFFFFD70] =	vst v1;
	s17 =	sshra.s32 s17, $0x2;
	s31 =	sadd.s32 s22, s28;
	s22 =	sshll.u32 s29, $0x9  }
0x101: {  	v1 =	vadd.bf16 v2, v30;
	s23 =	sadd.s32 s25, s30;
	v34 =	vld [tilespmem:s17+$0xBE00];
	s18 =	sshll.u32 s31, $0x9;
	s19 =	sshra.s32 s22, $0x2  }
0x102: {  	s20 =	sshll.u32 s23, $0x9;
	s18 =	sshra.s32 s18, $0x2;
	v31 =	vld [tilespmem:s19+$0x2800]  }
0x103: {  	v35 =	vunpack.i.l.bf16.f32 v1;
	s20 =	sshra.s32 s20, $0x2;
	v32 =	vld [tilespmem:s18+$0x5A00]  }
0x104: {  	v36 =	vadd.bf16 v57, v56;
	v5 =	vadd.bf16 v59, v58;
	v1 =	vunpack.i.u.bf16.f32 v1;
	v33 =	vld [tilespmem:s20+$0x8C00];
	[tilespmem:s16+$0xFFFFFD80] =	vst v35  }
0x105: {  	[tilespmem:s16+$0xFFFFFD90] =	vst v1  }
0x106: {  	v1 =	vadd.bf16 v5, v36;
	v37 =	vld [tilespmem:s19+$0x2820];
	s21 =	spop (v2sf)  }
0x107: {  	v38 =	vld [tilespmem:s18+$0x5A20];
	s24 =	smulhi.u32 $0x51EB851F, s21  }
0x108: {  	v39 =	vld [tilespmem:s20+$0x8C20];
	v41 =	vunpack.i.l.bf16.f32 v1;
	s26 =	smulhi.u32 $0x68DB8BAD, s21  }
0x109: {  	v42 =	vadd.bf16 v63, v62;
	v9 =	vadd.bf16 v22, v21;
	v40 =	vld [tilespmem:s17+$0xBE20];
	v1 =	vunpack.i.u.bf16.f32 v1;
	[tilespmem:s16+$0xFFFFFDA0] =	vst v41;
	s23 =	sshra.s32 s21, $0x1F;
	s31 =	smulhi.u32 $0x431BDE83, s21  }
0x10a: {  	[tilespmem:s16+$0xFFFFFDB0] =	vst v1;
	s25 =	smul.u32 $0x51EB851F, s23  }
0x10b: {  	v1 =	vadd.bf16 v9, v42;
	(v2sf) =	vpush v0, $0x6;
	v43 =	vld [tilespmem:s19+$0x2840];
	s30 =	smul.u32 $0x68DB8BAD, s23  }
0x10c: {  	v44 =	vld [tilespmem:s18+$0x5A40];
	s23 =	smul.u32 $0x431BDE83, s23  }
0x10d: {  	v45 =	vld [tilespmem:s20+$0x8C40];
	v47 =	vunpack.i.l.bf16.f32 v1  }
0x10e: {  	v48 =	vadd.bf16 v26, v25;
	v13 =	vadd.bf16 v28, v27;
	v46 =	vld [tilespmem:s17+$0xBE40];
	v1 =	vunpack.i.u.bf16.f32 v1;
	[tilespmem:s16+$0xFFFFFDC0] =	vst v47;
	s22 =	sadd.s32 s25, s24;
	s25 =	sadd.s32 s30, s26;
	s23 =	sadd.s32 s23, s31  }
0x10f: {  	[tilespmem:s16+$0xFFFFFDD0] =	vst v1;
	s29 =	sshrl.u32 s22, $0x1F;
	s22 =	sshra.s32 s22, $0x5;
	s26 =	sshrl.u32 s25, $0x1F  }
0x110: {  	v1 =	vadd.bf16 v13, v48;
	v49 =	vld [tilespmem:s19+$0x2860];
	s25 =	sshra.s32 s25, $0xC;
	s30 =	sshrl.u32 s23, $0x1F;
	s22 =	sadd.s32 s29, s22  }
0x111: {  	v50 =	vld [tilespmem:s18+$0x5A60];
	s23 =	sshra.s32 s23, $0x12;
	s25 =	sadd.s32 s26, s25;
	s31 =	smul.u32 $0x7FFF9C, s22  }
0x112: {  	v51 =	vld [tilespmem:s20+$0x8C60];
	v53 =	vunpack.i.l.bf16.f32 v1;
	s26 =	sadd.s32 s30, s23;
	s28 =	smul.u32 $0x7FFF9C, s25  }
0x113: {  	v54 =	vadd.bf16 v32, v31;
	v2 =	vadd.bf16 v34, v33;
	v52 =	vld [tilespmem:s17+$0xBE60];
	v1 =	vunpack.i.u.bf16.f32 v1;
	[tilespmem:s16+$0xFFFFFDE0] =	vst v53;
	s30 =	smul.u32 $0x7FFF9C, s26;
	s18 =	sshll.u32 s26, $0x9;
	s29 =	sadd.s32 s21, s31  }
0x114: {  	[tilespmem:s16+$0xFFFFFDF0] =	vst v1;
	s18 =	sshra.s32 s18, $0x2;
	s31 =	sadd.s32 s22, s28;
	s22 =	sshll.u32 s29, $0x9  }
0x115: {  	v1 =	vadd.bf16 v2, v54;
	s23 =	sadd.s32 s25, s30;
	v58 =	vld [tilespmem:s18+$0xBE00];
	s17 =	sshll.u32 s31, $0x9;
	s19 =	sshra.s32 s22, $0x2  }
0x116: {  	s20 =	sshll.u32 s23, $0x9;
	s17 =	sshra.s32 s17, $0x2;
	v55 =	vld [tilespmem:s19+$0x2800]  }
0x117: {  	v59 =	vunpack.i.l.bf16.f32 v1;
	s20 =	sshra.s32 s20, $0x2;
	v56 =	vld [tilespmem:s17+$0x5A00]  }
0x118: {  	v60 =	vadd.bf16 v38, v37;
	v5 =	vadd.bf16 v40, v39;
	v1 =	vunpack.i.u.bf16.f32 v1;
	v57 =	vld [tilespmem:s20+$0x8C00];
	[tilespmem:s16+$0xFFFFFE00] =	vst v59  }
0x119: {  	[tilespmem:s16+$0xFFFFFE10] =	vst v1  }
0x11a: {  	v1 =	vadd.bf16 v5, v60;
	v61 =	vld [tilespmem:s19+$0x2820];
	s21 =	spop (v2sf)  }
0x11b: {  	v62 =	vld [tilespmem:s17+$0x5A20];
	s24 =	smulhi.u32 $0x51EB851F, s21  }
0x11c: {  	v63 =	vld [tilespmem:s20+$0x8C20];
	v22 =	vunpack.i.l.bf16.f32 v1;
	s26 =	smulhi.u32 $0x68DB8BAD, s21  }
0x11d: {  	v23 =	vadd.bf16 v44, v43;
	v9 =	vadd.bf16 v46, v45;
	v21 =	vld [tilespmem:s18+$0xBE20];
	v1 =	vunpack.i.u.bf16.f32 v1;
	[tilespmem:s16+$0xFFFFFE20] =	vst v22;
	s23 =	sshra.s32 s21, $0x1F;
	s31 =	smulhi.u32 $0x431BDE83, s21  }
0x11e: {  	[tilespmem:s16+$0xFFFFFE30] =	vst v1;
	s25 =	smul.u32 $0x51EB851F, s23  }
0x11f: {  	v1 =	vadd.bf16 v9, v23;
	(v2sf) =	vpush v0, $0x7;
	v24 =	vld [tilespmem:s19+$0x2840];
	s30 =	smul.u32 $0x68DB8BAD, s23  }
0x120: {  	v25 =	vld [tilespmem:s17+$0x5A40];
	s23 =	smul.u32 $0x431BDE83, s23  }
0x121: {  	v26 =	vld [tilespmem:s20+$0x8C40];
	v28 =	vunpack.i.l.bf16.f32 v1  }
0x122: {  	v29 =	vadd.bf16 v50, v49;
	v13 =	vadd.bf16 v52, v51;
	v27 =	vld [tilespmem:s18+$0xBE40];
	v1 =	vunpack.i.u.bf16.f32 v1;
	[tilespmem:s16+$0xFFFFFE40] =	vst v28;
	s22 =	sadd.s32 s25, s24;
	s25 =	sadd.s32 s30, s26;
	s23 =	sadd.s32 s23, s31  }
0x123: {  	[tilespmem:s16+$0xFFFFFE50] =	vst v1;
	s29 =	sshrl.u32 s22, $0x1F;
	s22 =	sshra.s32 s22, $0x5;
	s26 =	sshrl.u32 s25, $0x1F  }
0x124: {  	v1 =	vadd.bf16 v13, v29;
	v30 =	vld [tilespmem:s19+$0x2860];
	s25 =	sshra.s32 s25, $0xC;
	s30 =	sshrl.u32 s23, $0x1F;
	s22 =	sadd.s32 s29, s22  }
0x125: {  	v31 =	vld [tilespmem:s17+$0x5A60];
	s23 =	sshra.s32 s23, $0x12;
	s25 =	sadd.s32 s26, s25;
	s31 =	smul.u32 $0x7FFF9C, s22  }
0x126: {  	v32 =	vld [tilespmem:s20+$0x8C60];
	v34 =	vunpack.i.l.bf16.f32 v1;
	s26 =	sadd.s32 s30, s23;
	s28 =	smul.u32 $0x7FFF9C, s25  }
0x127: {  	v35 =	vadd.bf16 v56, v55;
	v2 =	vadd.bf16 v58, v57;
	v33 =	vld [tilespmem:s18+$0xBE60];
	v1 =	vunpack.i.u.bf16.f32 v1;
	[tilespmem:s16+$0xFFFFFE60] =	vst v34;
	s30 =	smul.u32 $0x7FFF9C, s26;
	s17 =	sshll.u32 s26, $0x9;
	s29 =	sadd.s32 s21, s31  }
0x128: {  	[tilespmem:s16+$0xFFFFFE70] =	vst v1;
	s17 =	sshra.s32 s17, $0x2;
	s31 =	sadd.s32 s22, s28;
	s22 =	sshll.u32 s29, $0x9  }
0x129: {  	v1 =	vadd.bf16 v2, v35;
	s23 =	sadd.s32 s25, s30;
	v39 =	vld [tilespmem:s17+$0xBE00];
	s18 =	sshll.u32 s31, $0x9;
	s19 =	sshra.s32 s22, $0x2  }
0x12a: {  	s20 =	sshll.u32 s23, $0x9;
	s18 =	sshra.s32 s18, $0x2;
	v36 =	vld [tilespmem:s19+$0x2800]  }
0x12b: {  	v40 =	vunpack.i.l.bf16.f32 v1;
	s20 =	sshra.s32 s20, $0x2;
	v37 =	vld [tilespmem:s18+$0x5A00]  }
0x12c: {  	v41 =	vadd.bf16 v62, v61;
	v5 =	vadd.bf16 v21, v63;
	v1 =	vunpack.i.u.bf16.f32 v1;
	v38 =	vld [tilespmem:s20+$0x8C00];
	[tilespmem:s16+$0xFFFFFE80] =	vst v40  }
0x12d: {  	[tilespmem:s16+$0xFFFFFE90] =	vst v1  }
0x12e: {  	v1 =	vadd.bf16 v5, v41;
	v42 =	vld [tilespmem:s19+$0x2820];
	s21 =	spop (v2sf)  }
0x12f: {  	v43 =	vld [tilespmem:s18+$0x5A20];
	s24 =	smulhi.u32 $0x51EB851F, s21  }
0x130: {  	v44 =	vld [tilespmem:s20+$0x8C20];
	v46 =	vunpack.i.l.bf16.f32 v1;
	s26 =	smulhi.u32 $0x68DB8BAD, s21  }
0x131: {  	v47 =	vadd.bf16 v25, v24;
	v9 =	vadd.bf16 v27, v26;
	v45 =	vld [tilespmem:s17+$0xBE20];
	v1 =	vunpack.i.u.bf16.f32 v1;
	[tilespmem:s16+$0xFFFFFEA0] =	vst v46;
	s23 =	sshra.s32 s21, $0x1F;
	s31 =	smulhi.u32 $0x431BDE83, s21  }
0x132: {  	[tilespmem:s16+$0xFFFFFEB0] =	vst v1;
	s25 =	smul.u32 $0x51EB851F, s23  }
0x133: {  	v1 =	vadd.bf16 v9, v47;
	(v2sf) =	vpush v0, $0x8;
	v48 =	vld [tilespmem:s19+$0x2840];
	s30 =	smul.u32 $0x68DB8BAD, s23  }
0x134: {  	v49 =	vld [tilespmem:s18+$0x5A40];
	s23 =	smul.u32 $0x431BDE83, s23  }
0x135: {  	v50 =	vld [tilespmem:s20+$0x8C40];
	v52 =	vunpack.i.l.bf16.f32 v1  }
0x136: {  	v53 =	vadd.bf16 v31, v30;
	v13 =	vadd.bf16 v33, v32;
	v51 =	vld [tilespmem:s17+$0xBE40];
	v1 =	vunpack.i.u.bf16.f32 v1;
	[tilespmem:s16+$0xFFFFFEC0] =	vst v52;
	s22 =	sadd.s32 s25, s24;
	s25 =	sadd.s32 s30, s26;
	s23 =	sadd.s32 s23, s31  }
0x137: {  	[tilespmem:s16+$0xFFFFFED0] =	vst v1;
	s29 =	sshrl.u32 s22, $0x1F;
	s22 =	sshra.s32 s22, $0x5;
	s26 =	sshrl.u32 s25, $0x1F  }
0x138: {  	v1 =	vadd.bf16 v13, v53;
	v54 =	vld [tilespmem:s19+$0x2860];
	s25 =	sshra.s32 s25, $0xC;
	s30 =	sshrl.u32 s23, $0x1F;
	s22 =	sadd.s32 s29, s22  }
0x139: {  	v55 =	vld [tilespmem:s18+$0x5A60];
	s23 =	sshra.s32 s23, $0x12;
	s25 =	sadd.s32 s26, s25;
	s31 =	smul.u32 $0x7FFF9C, s22  }
0x13a: {  	v56 =	vld [tilespmem:s20+$0x8C60];
	v58 =	vunpack.i.l.bf16.f32 v1;
	s26 =	sadd.s32 s30, s23;
	s28 =	smul.u32 $0x7FFF9C, s25  }
0x13b: {  	v59 =	vadd.bf16 v37, v36;
	v2 =	vadd.bf16 v39, v38;
	v57 =	vld [tilespmem:s17+$0xBE60];
	v1 =	vunpack.i.u.bf16.f32 v1;
	[tilespmem:s16+$0xFFFFFEE0] =	vst v58;
	s30 =	smul.u32 $0x7FFF9C, s26;
	s18 =	sshll.u32 s26, $0x9;
	s29 =	sadd.s32 s21, s31  }
0x13c: {  	[tilespmem:s16+$0xFFFFFEF0] =	vst v1;
	s18 =	sshra.s32 s18, $0x2;
	s31 =	sadd.s32 s22, s28;
	s22 =	sshll.u32 s29, $0x9  }
0x13d: {  	v1 =	vadd.bf16 v2, v59;
	s23 =	sadd.s32 s25, s30;
	v63 =	vld [tilespmem:s18+$0xBE00];
	s17 =	sshll.u32 s31, $0x9;
	s19 =	sshra.s32 s22, $0x2  }
0x13e: {  	s20 =	sshll.u32 s23, $0x9;
	s17 =	sshra.s32 s17, $0x2;
	v60 =	vld [tilespmem:s19+$0x2800]  }
0x13f: {  	v21 =	vunpack.i.l.bf16.f32 v1;
	s20 =	sshra.s32 s20, $0x2;
	v61 =	vld [tilespmem:s17+$0x5A00]  }
0x140: {  	v22 =	vadd.bf16 v43, v42;
	v5 =	vadd.bf16 v45, v44;
	v1 =	vunpack.i.u.bf16.f32 v1;
	v62 =	vld [tilespmem:s20+$0x8C00];
	[tilespmem:s16+$0xFFFFFF00] =	vst v21  }
0x141: {  	[tilespmem:s16+$0xFFFFFF10] =	vst v1  }
0x142: {  	v1 =	vadd.bf16 v5, v22;
	v23 =	vld [tilespmem:s19+$0x2820];
	s21 =	spop (v2sf)  }
0x143: {  	v24 =	vld [tilespmem:s17+$0x5A20];
	s24 =	smulhi.u32 $0x51EB851F, s21  }
0x144: {  	v25 =	vld [tilespmem:s20+$0x8C20];
	v27 =	vunpack.i.l.bf16.f32 v1;
	s26 =	smulhi.u32 $0x68DB8BAD, s21  }
0x145: {  	v28 =	vadd.bf16 v49, v48;
	v9 =	vadd.bf16 v51, v50;
	v26 =	vld [tilespmem:s18+$0xBE20];
	v1 =	vunpack.i.u.bf16.f32 v1;
	[tilespmem:s16+$0xFFFFFF20] =	vst v27;
	s23 =	sshra.s32 s21, $0x1F;
	s31 =	smulhi.u32 $0x431BDE83, s21  }
0x146: {  	[tilespmem:s16+$0xFFFFFF30] =	vst v1;
	s25 =	smul.u32 $0x51EB851F, s23  }
0x147: {  	v1 =	vadd.bf16 v9, v28;
	(v2sf) =	vpush v0, $0x9;
	v29 =	vld [tilespmem:s19+$0x2840];
	s30 =	smul.u32 $0x68DB8BAD, s23  }
0x148: {  	v30 =	vld [tilespmem:s17+$0x5A40];
	s23 =	smul.u32 $0x431BDE83, s23  }
0x149: {  	v31 =	vld [tilespmem:s20+$0x8C40];
	v33 =	vunpack.i.l.bf16.f32 v1  }
0x14a: {  	v34 =	vadd.bf16 v55, v54;
	v13 =	vadd.bf16 v57, v56;
	v32 =	vld [tilespmem:s18+$0xBE40];
	v1 =	vunpack.i.u.bf16.f32 v1;
	[tilespmem:s16+$0xFFFFFF40] =	vst v33;
	s22 =	sadd.s32 s25, s24;
	s25 =	sadd.s32 s30, s26;
	s23 =	sadd.s32 s23, s31  }
0x14b: {  	[tilespmem:s16+$0xFFFFFF50] =	vst v1;
	s29 =	sshrl.u32 s22, $0x1F;
	s22 =	sshra.s32 s22, $0x5;
	s26 =	sshrl.u32 s25, $0x1F  }
0x14c: {  	v1 =	vadd.bf16 v13, v34;
	v35 =	vld [tilespmem:s19+$0x2860];
	s25 =	sshra.s32 s25, $0xC;
	s30 =	sshrl.u32 s23, $0x1F;
	s22 =	sadd.s32 s29, s22  }
0x14d: {  	v36 =	vld [tilespmem:s17+$0x5A60];
	s23 =	sshra.s32 s23, $0x12;
	s25 =	sadd.s32 s26, s25;
	s31 =	smul.u32 $0x7FFF9C, s22  }
0x14e: {  	v37 =	vld [tilespmem:s20+$0x8C60];
	v39 =	vunpack.i.l.bf16.f32 v1;
	s26 =	sadd.s32 s30, s23;
	s28 =	smul.u32 $0x7FFF9C, s25  }
0x14f: {  	v40 =	vadd.bf16 v61, v60;
	v2 =	vadd.bf16 v63, v62;
	v38 =	vld [tilespmem:s18+$0xBE60];
	v1 =	vunpack.i.u.bf16.f32 v1;
	[tilespmem:s16+$0xFFFFFF60] =	vst v39;
	s30 =	smul.u32 $0x7FFF9C, s26;
	s17 =	sshll.u32 s26, $0x9;
	s29 =	sadd.s32 s21, s31  }
0x150: {  	[tilespmem:s16+$0xFFFFFF70] =	vst v1;
	s17 =	sshra.s32 s17, $0x2;
	s31 =	sadd.s32 s22, s28;
	s22 =	sshll.u32 s29, $0x9  }
0x151: {  	v1 =	vadd.bf16 v2, v40;
	s23 =	sadd.s32 s25, s30;
	v44 =	vld [tilespmem:s17+$0xBE00];
	s18 =	sshll.u32 s31, $0x9;
	s19 =	sshra.s32 s22, $0x2  }
0x152: {  	s20 =	sshll.u32 s23, $0x9;
	s18 =	sshra.s32 s18, $0x2;
	v41 =	vld [tilespmem:s19+$0x2800]  }
0x153: {  	v45 =	vunpack.i.l.bf16.f32 v1;
	s20 =	sshra.s32 s20, $0x2;
	v42 =	vld [tilespmem:s18+$0x5A00]  }
0x154: {  	v46 =	vadd.bf16 v24, v23;
	v5 =	vadd.bf16 v26, v25;
	v1 =	vunpack.i.u.bf16.f32 v1;
	v43 =	vld [tilespmem:s20+$0x8C00];
	[tilespmem:s16+$0xFFFFFF80] =	vst v45  }
0x155: {  	[tilespmem:s16+$0xFFFFFF90] =	vst v1  }
0x156: {  	v1 =	vadd.bf16 v5, v46;
	v47 =	vld [tilespmem:s19+$0x2820];
	s21 =	spop (v2sf)  }
0x157: {  	v48 =	vld [tilespmem:s18+$0x5A20];
	s24 =	smulhi.u32 $0x51EB851F, s21  }
0x158: {  	v49 =	vld [tilespmem:s20+$0x8C20];
	v51 =	vunpack.i.l.bf16.f32 v1;
	s26 =	smulhi.u32 $0x68DB8BAD, s21  }
0x159: {  	v52 =	vadd.bf16 v30, v29;
	v9 =	vadd.bf16 v32, v31;
	v50 =	vld [tilespmem:s17+$0xBE20];
	v1 =	vunpack.i.u.bf16.f32 v1;
	[tilespmem:s16+$0xFFFFFFA0] =	vst v51;
	s23 =	sshra.s32 s21, $0x1F;
	s31 =	smulhi.u32 $0x431BDE83, s21  }
0x15a: {  	[tilespmem:s16+$0xFFFFFFB0] =	vst v1;
	s25 =	smul.u32 $0x51EB851F, s23  }
0x15b: {  	v1 =	vadd.bf16 v9, v52;
	(v2sf) =	vpush v0, $0xA;
	v53 =	vld [tilespmem:s19+$0x2840];
	s30 =	smul.u32 $0x68DB8BAD, s23  }
0x15c: {  	v54 =	vld [tilespmem:s18+$0x5A40];
	s23 =	smul.u32 $0x431BDE83, s23  }
0x15d: {  	v55 =	vld [tilespmem:s20+$0x8C40];
	v57 =	vunpack.i.l.bf16.f32 v1  }
0x15e: {  	v58 =	vadd.bf16 v36, v35;
	v13 =	vadd.bf16 v38, v37;
	v56 =	vld [tilespmem:s17+$0xBE40];
	v1 =	vunpack.i.u.bf16.f32 v1;
	[tilespmem:s16+$0xFFFFFFC0] =	vst v57;
	s22 =	sadd.s32 s25, s24;
	s25 =	sadd.s32 s30, s26;
	s23 =	sadd.s32 s23, s31  }
0x15f: {  	[tilespmem:s16+$0xFFFFFFD0] =	vst v1;
	s29 =	sshrl.u32 s22, $0x1F;
	s22 =	sshra.s32 s22, $0x5;
	s26 =	sshrl.u32 s25, $0x1F  }
0x160: {  	v1 =	vadd.bf16 v13, v58;
	v59 =	vld [tilespmem:s19+$0x2860];
	s25 =	sshra.s32 s25, $0xC;
	s30 =	sshrl.u32 s23, $0x1F;
	s22 =	sadd.s32 s29, s22  }
0x161: {  	v60 =	vld [tilespmem:s18+$0x5A60];
	s23 =	sshra.s32 s23, $0x12;
	s25 =	sadd.s32 s26, s25;
	s31 =	smul.u32 $0x7FFF9C, s22  }
0x162: {  	v61 =	vld [tilespmem:s20+$0x8C60];
	v63 =	vunpack.i.l.bf16.f32 v1;
	s26 =	sadd.s32 s30, s23;
	s28 =	smul.u32 $0x7FFF9C, s25  }
0x163: {  	v20 =	vadd.bf16 v42, v41;
	v2 =	vadd.bf16 v44, v43;
	v62 =	vld [tilespmem:s17+$0xBE60];
	v1 =	vunpack.i.u.bf16.f32 v1;
	[tilespmem:s16+$0xFFFFFFE0] =	vst v63;
	s30 =	smul.u32 $0x7FFF9C, s26;
	s18 =	sshll.u32 s26, $0x9;
	s29 =	sadd.s32 s21, s31  }
0x164: {  	[tilespmem:s16+$0xFFFFFFF0] =	vst v1;
	s18 =	sshra.s32 s18, $0x2;
	s31 =	sadd.s32 s22, s28;
	s22 =	sshll.u32 s29, $0x9  }
0x165: {  	v1 =	vadd.bf16 v2, v20;
	s23 =	sadd.s32 s25, s30;
	v24 =	vld [tilespmem:s18+$0xBE00];
	s17 =	sshll.u32 s31, $0x9;
	s19 =	sshra.s32 s22, $0x2  }
0x166: {  	s20 =	sshll.u32 s23, $0x9;
	s17 =	sshra.s32 s17, $0x2;
	v21 =	vld [tilespmem:s19+$0x2800]  }
0x167: {  	v25 =	vunpack.i.l.bf16.f32 v1;
	s20 =	sshra.s32 s20, $0x2;
	v22 =	vld [tilespmem:s17+$0x5A00]  }
0x168: {  	v26 =	vadd.bf16 v48, v47;
	v5 =	vadd.bf16 v50, v49;
	v1 =	vunpack.i.u.bf16.f32 v1;
	v23 =	vld [tilespmem:s20+$0x8C00];
	[tilespmem:s16+$0x0] =	vst v25  }
0x169: {  	[tilespmem:s16+$0x10] =	vst v1  }
0x16a: {  	v1 =	vadd.bf16 v5, v26;
	v27 =	vld [tilespmem:s19+$0x2820];
	s21 =	spop (v2sf)  }
0x16b: {  	v28 =	vld [tilespmem:s17+$0x5A20];
	s24 =	smulhi.u32 $0x51EB851F, s21  }
0x16c: {  	v29 =	vld [tilespmem:s20+$0x8C20];
	v31 =	vunpack.i.l.bf16.f32 v1;
	s26 =	smulhi.u32 $0x68DB8BAD, s21  }
0x16d: {  	v32 =	vadd.bf16 v54, v53;
	v9 =	vadd.bf16 v56, v55;
	v30 =	vld [tilespmem:s18+$0xBE20];
	v1 =	vunpack.i.u.bf16.f32 v1;
	[tilespmem:s16+$0x20] =	vst v31;
	s23 =	sshra.s32 s21, $0x1F;
	s31 =	smulhi.u32 $0x431BDE83, s21  }
0x16e: {  	[tilespmem:s16+$0x30] =	vst v1;
	s25 =	smul.u32 $0x51EB851F, s23  }
0x16f: {  	v1 =	vadd.bf16 v9, v32;
	(v2sf) =	vpush v0, $0xB;
	v33 =	vld [tilespmem:s19+$0x2840];
	s30 =	smul.u32 $0x68DB8BAD, s23  }
0x170: {  	v34 =	vld [tilespmem:s17+$0x5A40];
	s23 =	smul.u32 $0x431BDE83, s23  }
0x171: {  	v35 =	vld [tilespmem:s20+$0x8C40];
	v37 =	vunpack.i.l.bf16.f32 v1  }
0x172: {  	v38 =	vadd.bf16 v60, v59;
	v13 =	vadd.bf16 v62, v61;
	v36 =	vld [tilespmem:s18+$0xBE40];
	v1 =	vunpack.i.u.bf16.f32 v1;
	[tilespmem:s16+$0x40] =	vst v37;
	s22 =	sadd.s32 s25, s24;
	s25 =	sadd.s32 s30, s26;
	s23 =	sadd.s32 s23, s31  }
0x173: {  	[tilespmem:s16+$0x50] =	vst v1;
	s29 =	sshrl.u32 s22, $0x1F;
	s22 =	sshra.s32 s22, $0x5;
	s26 =	sshrl.u32 s25, $0x1F  }
0x174: {  	v1 =	vadd.bf16 v13, v38;
	v39 =	vld [tilespmem:s19+$0x2860];
	s25 =	sshra.s32 s25, $0xC;
	s30 =	sshrl.u32 s23, $0x1F;
	s22 =	sadd.s32 s29, s22  }
0x175: {  	v40 =	vld [tilespmem:s17+$0x5A60];
	s23 =	sshra.s32 s23, $0x12;
	s25 =	sadd.s32 s26, s25;
	s31 =	smul.u32 $0x7FFF9C, s22  }
0x176: {  	v41 =	vld [tilespmem:s20+$0x8C60];
	v43 =	vunpack.i.l.bf16.f32 v1;
	s26 =	sadd.s32 s30, s23;
	s28 =	smul.u32 $0x7FFF9C, s25  }
0x177: {  	v44 =	vadd.bf16 v22, v21;
	v2 =	vadd.bf16 v24, v23;
	v42 =	vld [tilespmem:s18+$0xBE60];
	v1 =	vunpack.i.u.bf16.f32 v1;
	[tilespmem:s16+$0x60] =	vst v43;
	s30 =	smul.u32 $0x7FFF9C, s26;
	s17 =	sshll.u32 s26, $0x9;
	s29 =	sadd.s32 s21, s31  }
0x178: {  	[tilespmem:s16+$0x70] =	vst v1;
	s17 =	sshra.s32 s17, $0x2;
	s31 =	sadd.s32 s22, s28;
	s22 =	sshll.u32 s29, $0x9  }
0x179: {  	v1 =	vadd.bf16 v2, v44;
	s23 =	sadd.s32 s25, s30;
	v48 =	vld [tilespmem:s17+$0xBE00];
	s18 =	sshll.u32 s31, $0x9;
	s19 =	sshra.s32 s22, $0x2  }
0x17a: {  	s20 =	sshll.u32 s23, $0x9;
	s18 =	sshra.s32 s18, $0x2;
	v45 =	vld [tilespmem:s19+$0x2800]  }
0x17b: {  	v49 =	vunpack.i.l.bf16.f32 v1;
	s20 =	sshra.s32 s20, $0x2;
	v46 =	vld [tilespmem:s18+$0x5A00]  }
0x17c: {  	v50 =	vadd.bf16 v28, v27;
	v5 =	vadd.bf16 v30, v29;
	v1 =	vunpack.i.u.bf16.f32 v1;
	v47 =	vld [tilespmem:s20+$0x8C00];
	[tilespmem:s16+$0x80] =	vst v49  }
0x17d: {  	[tilespmem:s16+$0x90] =	vst v1  }
0x17e: {  	v1 =	vadd.bf16 v5, v50;
	v51 =	vld [tilespmem:s19+$0x2820];
	s21 =	spop (v2sf)  }
0x17f: {  	v52 =	vld [tilespmem:s18+$0x5A20];
	s24 =	smulhi.u32 $0x51EB851F, s21  }
0x180: {  	v53 =	vld [tilespmem:s20+$0x8C20];
	v55 =	vunpack.i.l.bf16.f32 v1;
	s26 =	smulhi.u32 $0x68DB8BAD, s21  }
0x181: {  	v56 =	vadd.bf16 v34, v33;
	v9 =	vadd.bf16 v36, v35;
	v54 =	vld [tilespmem:s17+$0xBE20];
	v1 =	vunpack.i.u.bf16.f32 v1;
	[tilespmem:s16+$0xA0] =	vst v55;
	s23 =	sshra.s32 s21, $0x1F;
	s31 =	smulhi.u32 $0x431BDE83, s21  }
0x182: {  	[tilespmem:s16+$0xB0] =	vst v1;
	s25 =	smul.u32 $0x51EB851F, s23  }
0x183: {  	v1 =	vadd.bf16 v9, v56;
	(v2sf) =	vpush v0, $0xC;
	v57 =	vld [tilespmem:s19+$0x2840];
	s30 =	smul.u32 $0x68DB8BAD, s23  }
0x184: {  	v58 =	vld [tilespmem:s18+$0x5A40];
	s23 =	smul.u32 $0x431BDE83, s23  }
0x185: {  	v59 =	vld [tilespmem:s20+$0x8C40];
	v61 =	vunpack.i.l.bf16.f32 v1  }
0x186: {  	v62 =	vadd.bf16 v40, v39;
	v13 =	vadd.bf16 v42, v41;
	v60 =	vld [tilespmem:s17+$0xBE40];
	v1 =	vunpack.i.u.bf16.f32 v1;
	[tilespmem:s16+$0xC0] =	vst v61;
	s22 =	sadd.s32 s25, s24;
	s25 =	sadd.s32 s30, s26;
	s23 =	sadd.s32 s23, s31  }
0x187: {  	[tilespmem:s16+$0xD0] =	vst v1;
	s29 =	sshrl.u32 s22, $0x1F;
	s22 =	sshra.s32 s22, $0x5;
	s26 =	sshrl.u32 s25, $0x1F  }
0x188: {  	v1 =	vadd.bf16 v13, v62;
	v63 =	vld [tilespmem:s19+$0x2860];
	s25 =	sshra.s32 s25, $0xC;
	s30 =	sshrl.u32 s23, $0x1F;
	s22 =	sadd.s32 s29, s22  }
0x189: {  	v21 =	vld [tilespmem:s18+$0x5A60];
	s23 =	sshra.s32 s23, $0x12;
	s25 =	sadd.s32 s26, s25;
	s31 =	smul.u32 $0x7FFF9C, s22  }
0x18a: {  	v22 =	vld [tilespmem:s20+$0x8C60];
	v24 =	vunpack.i.l.bf16.f32 v1;
	s26 =	sadd.s32 s30, s23;
	s28 =	smul.u32 $0x7FFF9C, s25  }
0x18b: {  	v25 =	vadd.bf16 v46, v45;
	v2 =	vadd.bf16 v48, v47;
	v23 =	vld [tilespmem:s17+$0xBE60];
	v1 =	vunpack.i.u.bf16.f32 v1;
	[tilespmem:s16+$0xE0] =	vst v24;
	s30 =	smul.u32 $0x7FFF9C, s26;
	s18 =	sshll.u32 s26, $0x9;
	s29 =	sadd.s32 s21, s31  }
0x18c: {  	[tilespmem:s16+$0xF0] =	vst v1;
	s18 =	sshra.s32 s18, $0x2;
	s31 =	sadd.s32 s22, s28;
	s22 =	sshll.u32 s29, $0x9  }
0x18d: {  	v1 =	vadd.bf16 v2, v25;
	s23 =	sadd.s32 s25, s30;
	v29 =	vld [tilespmem:s18+$0xBE00];
	s17 =	sshll.u32 s31, $0x9;
	s19 =	sshra.s32 s22, $0x2  }
0x18e: {  	s20 =	sshll.u32 s23, $0x9;
	s17 =	sshra.s32 s17, $0x2;
	v26 =	vld [tilespmem:s19+$0x2800]  }
0x18f: {  	v30 =	vunpack.i.l.bf16.f32 v1;
	s20 =	sshra.s32 s20, $0x2;
	v27 =	vld [tilespmem:s17+$0x5A00]  }
0x190: {  	v31 =	vadd.bf16 v52, v51;
	v5 =	vadd.bf16 v54, v53;
	v1 =	vunpack.i.u.bf16.f32 v1;
	v28 =	vld [tilespmem:s20+$0x8C00];
	[tilespmem:s16+$0x100] =	vst v30  }
0x191: {  	[tilespmem:s16+$0x110] =	vst v1  }
0x192: {  	v1 =	vadd.bf16 v5, v31;
	v32 =	vld [tilespmem:s19+$0x2820];
	s21 =	spop (v2sf)  }
0x193: {  	v33 =	vld [tilespmem:s17+$0x5A20];
	s24 =	smulhi.u32 $0x51EB851F, s21  }
0x194: {  	v34 =	vld [tilespmem:s20+$0x8C20];
	v36 =	vunpack.i.l.bf16.f32 v1;
	s26 =	smulhi.u32 $0x68DB8BAD, s21  }
0x195: {  	v37 =	vadd.bf16 v58, v57;
	v9 =	vadd.bf16 v60, v59;
	v35 =	vld [tilespmem:s18+$0xBE20];
	v1 =	vunpack.i.u.bf16.f32 v1;
	[tilespmem:s16+$0x120] =	vst v36;
	s23 =	sshra.s32 s21, $0x1F;
	s31 =	smulhi.u32 $0x431BDE83, s21  }
0x196: {  	[tilespmem:s16+$0x130] =	vst v1;
	s25 =	smul.u32 $0x51EB851F, s23  }
0x197: {  	v1 =	vadd.bf16 v9, v37;
	(v2sf) =	vpush v0, $0xD;
	v38 =	vld [tilespmem:s19+$0x2840];
	s30 =	smul.u32 $0x68DB8BAD, s23  }
0x198: {  	v39 =	vld [tilespmem:s17+$0x5A40];
	s23 =	smul.u32 $0x431BDE83, s23  }
0x199: {  	v40 =	vld [tilespmem:s20+$0x8C40];
	v42 =	vunpack.i.l.bf16.f32 v1  }
0x19a: {  	v43 =	vadd.bf16 v21, v63;
	v13 =	vadd.bf16 v23, v22;
	v41 =	vld [tilespmem:s18+$0xBE40];
	v1 =	vunpack.i.u.bf16.f32 v1;
	[tilespmem:s16+$0x140] =	vst v42;
	s22 =	sadd.s32 s25, s24;
	s25 =	sadd.s32 s30, s26;
	s23 =	sadd.s32 s23, s31  }
0x19b: {  	[tilespmem:s16+$0x150] =	vst v1;
	s29 =	sshrl.u32 s22, $0x1F;
	s22 =	sshra.s32 s22, $0x5;
	s26 =	sshrl.u32 s25, $0x1F  }
0x19c: {  	v1 =	vadd.bf16 v13, v43;
	v44 =	vld [tilespmem:s19+$0x2860];
	s25 =	sshra.s32 s25, $0xC;
	s30 =	sshrl.u32 s23, $0x1F;
	s22 =	sadd.s32 s29, s22  }
0x19d: {  	v45 =	vld [tilespmem:s17+$0x5A60];
	s23 =	sshra.s32 s23, $0x12;
	s25 =	sadd.s32 s26, s25;
	s31 =	smul.u32 $0x7FFF9C, s22  }
0x19e: {  	v46 =	vld [tilespmem:s20+$0x8C60];
	v48 =	vunpack.i.l.bf16.f32 v1;
	s26 =	sadd.s32 s30, s23;
	s28 =	smul.u32 $0x7FFF9C, s25  }
0x19f: {  	v49 =	vadd.bf16 v27, v26;
	v2 =	vadd.bf16 v29, v28;
	v47 =	vld [tilespmem:s18+$0xBE60];
	v1 =	vunpack.i.u.bf16.f32 v1;
	[tilespmem:s16+$0x160] =	vst v48;
	s30 =	smul.u32 $0x7FFF9C, s26;
	s17 =	sshll.u32 s26, $0x9;
	s29 =	sadd.s32 s21, s31  }
0x1a0: {  	[tilespmem:s16+$0x170] =	vst v1;
	s17 =	sshra.s32 s17, $0x2;
	s31 =	sadd.s32 s22, s28;
	s22 =	sshll.u32 s29, $0x9  }
0x1a1: {  	v1 =	vadd.bf16 v2, v49;
	s23 =	sadd.s32 s25, s30;
	v53 =	vld [tilespmem:s17+$0xBE00];
	s18 =	sshll.u32 s31, $0x9;
	s19 =	sshra.s32 s22, $0x2  }
0x1a2: {  	s20 =	sshll.u32 s23, $0x9;
	s18 =	sshra.s32 s18, $0x2;
	v50 =	vld [tilespmem:s19+$0x2800]  }
0x1a3: {  	v54 =	vunpack.i.l.bf16.f32 v1;
	s20 =	sshra.s32 s20, $0x2;
	v51 =	vld [tilespmem:s18+$0x5A00]  }
0x1a4: {  	v55 =	vadd.bf16 v33, v32;
	v5 =	vadd.bf16 v35, v34;
	v1 =	vunpack.i.u.bf16.f32 v1;
	v52 =	vld [tilespmem:s20+$0x8C00];
	[tilespmem:s16+$0x180] =	vst v54  }
0x1a5: {  	[tilespmem:s16+$0x190] =	vst v1  }
0x1a6: {  	v1 =	vadd.bf16 v5, v55;
	v56 =	vld [tilespmem:s19+$0x2820];
	s21 =	spop (v2sf)  }
0x1a7: {  	v57 =	vld [tilespmem:s18+$0x5A20];
	s24 =	smulhi.u32 $0x51EB851F, s21  }
0x1a8: {  	v58 =	vld [tilespmem:s20+$0x8C20];
	v60 =	vunpack.i.l.bf16.f32 v1;
	s26 =	smulhi.u32 $0x68DB8BAD, s21  }
0x1a9: {  	v61 =	vadd.bf16 v39, v38;
	v9 =	vadd.bf16 v41, v40;
	v59 =	vld [tilespmem:s17+$0xBE20];
	v1 =	vunpack.i.u.bf16.f32 v1;
	[tilespmem:s16+$0x1A0] =	vst v60;
	s23 =	sshra.s32 s21, $0x1F;
	s31 =	smulhi.u32 $0x431BDE83, s21  }
0x1aa: {  	[tilespmem:s16+$0x1B0] =	vst v1;
	s25 =	smul.u32 $0x51EB851F, s23  }
0x1ab: {  	v1 =	vadd.bf16 v9, v61;
	(v2sf) =	vpush v0, $0xE;
	v62 =	vld [tilespmem:s19+$0x2840];
	s30 =	smul.u32 $0x68DB8BAD, s23  }
0x1ac: {  	v63 =	vld [tilespmem:s18+$0x5A40];
	s23 =	smul.u32 $0x431BDE83, s23  }
0x1ad: {  	v21 =	vld [tilespmem:s20+$0x8C40];
	v23 =	vunpack.i.l.bf16.f32 v1  }
0x1ae: {  	v24 =	vadd.bf16 v45, v44;
	v13 =	vadd.bf16 v47, v46;
	v22 =	vld [tilespmem:s17+$0xBE40];
	v1 =	vunpack.i.u.bf16.f32 v1;
	[tilespmem:s16+$0x1C0] =	vst v23;
	s22 =	sadd.s32 s25, s24;
	s25 =	sadd.s32 s30, s26;
	s23 =	sadd.s32 s23, s31  }
0x1af: {  	[tilespmem:s16+$0x1D0] =	vst v1;
	s29 =	sshrl.u32 s22, $0x1F;
	s22 =	sshra.s32 s22, $0x5;
	s26 =	sshrl.u32 s25, $0x1F  }
0x1b0: {  	v1 =	vadd.bf16 v13, v24;
	v25 =	vld [tilespmem:s19+$0x2860];
	s25 =	sshra.s32 s25, $0xC;
	s30 =	sshrl.u32 s23, $0x1F;
	s22 =	sadd.s32 s29, s22  }
0x1b1: {  	v26 =	vld [tilespmem:s18+$0x5A60];
	s23 =	sshra.s32 s23, $0x12;
	s25 =	sadd.s32 s26, s25;
	s31 =	smul.u32 $0x7FFF9C, s22  }
0x1b2: {  	v27 =	vld [tilespmem:s20+$0x8C60];
	v29 =	vunpack.i.l.bf16.f32 v1;
	s26 =	sadd.s32 s30, s23;
	s28 =	smul.u32 $0x7FFF9C, s25  }
0x1b3: {  	v30 =	vadd.bf16 v51, v50;
	v2 =	vadd.bf16 v53, v52;
	v28 =	vld [tilespmem:s17+$0xBE60];
	v1 =	vunpack.i.u.bf16.f32 v1;
	[tilespmem:s16+$0x1E0] =	vst v29;
	s30 =	smul.u32 $0x7FFF9C, s26;
	s18 =	sshll.u32 s26, $0x9;
	s29 =	sadd.s32 s21, s31  }
0x1b4: {  	[tilespmem:s16+$0x1F0] =	vst v1;
	s18 =	sshra.s32 s18, $0x2;
	s31 =	sadd.s32 s22, s28;
	s22 =	sshll.u32 s29, $0x9  }
0x1b5: {  	v1 =	vadd.bf16 v2, v30;
	s23 =	sadd.s32 s25, s30;
	v34 =	vld [tilespmem:s18+$0xBE00];
	s17 =	sshll.u32 s31, $0x9;
	s19 =	sshra.s32 s22, $0x2  }
0x1b6: {  	s20 =	sshll.u32 s23, $0x9;
	s17 =	sshra.s32 s17, $0x2;
	v31 =	vld [tilespmem:s19+$0x2800]  }
0x1b7: {  	v35 =	vunpack.i.l.bf16.f32 v1;
	s20 =	sshra.s32 s20, $0x2;
	v32 =	vld [tilespmem:s17+$0x5A00]  }
0x1b8: {  	v36 =	vadd.bf16 v57, v56;
	v5 =	vadd.bf16 v59, v58;
	v1 =	vunpack.i.u.bf16.f32 v1;
	v33 =	vld [tilespmem:s20+$0x8C00];
	[tilespmem:s16+$0x200] =	vst v35  }
0x1b9: {  	[tilespmem:s16+$0x210] =	vst v1  }
0x1ba: {  	v1 =	vadd.bf16 v5, v36;
	v37 =	vld [tilespmem:s19+$0x2820];
	s21 =	spop (v2sf)  }
0x1bb: {  	v38 =	vld [tilespmem:s17+$0x5A20];
	s24 =	smulhi.u32 $0x51EB851F, s21  }
0x1bc: {  	v39 =	vld [tilespmem:s20+$0x8C20];
	v41 =	vunpack.i.l.bf16.f32 v1;
	s26 =	smulhi.u32 $0x68DB8BAD, s21  }
0x1bd: {  	v42 =	vadd.bf16 v63, v62;
	v9 =	vadd.bf16 v22, v21;
	v40 =	vld [tilespmem:s18+$0xBE20];
	v1 =	vunpack.i.u.bf16.f32 v1;
	[tilespmem:s16+$0x220] =	vst v41;
	s23 =	sshra.s32 s21, $0x1F;
	s31 =	smulhi.u32 $0x431BDE83, s21  }
0x1be: {  	[tilespmem:s16+$0x230] =	vst v1;
	s25 =	smul.u32 $0x51EB851F, s23  }
0x1bf: {  	v1 =	vadd.bf16 v9, v42;
	(v2sf) =	vpush v0, $0xF;
	v43 =	vld [tilespmem:s19+$0x2840];
	s30 =	smul.u32 $0x68DB8BAD, s23  }
0x1c0: {  	v44 =	vld [tilespmem:s17+$0x5A40];
	s23 =	smul.u32 $0x431BDE83, s23  }
0x1c1: {  	v45 =	vld [tilespmem:s20+$0x8C40];
	v47 =	vunpack.i.l.bf16.f32 v1  }
0x1c2: {  	v48 =	vadd.bf16 v26, v25;
	v13 =	vadd.bf16 v28, v27;
	v46 =	vld [tilespmem:s18+$0xBE40];
	v1 =	vunpack.i.u.bf16.f32 v1;
	[tilespmem:s16+$0x240] =	vst v47;
	s22 =	sadd.s32 s25, s24;
	s25 =	sadd.s32 s30, s26;
	s23 =	sadd.s32 s23, s31  }
0x1c3: {  	[tilespmem:s16+$0x250] =	vst v1;
	s29 =	sshrl.u32 s22, $0x1F;
	s22 =	sshra.s32 s22, $0x5;
	s26 =	sshrl.u32 s25, $0x1F  }
0x1c4: {  	v1 =	vadd.bf16 v13, v48;
	v49 =	vld [tilespmem:s19+$0x2860];
	s25 =	sshra.s32 s25, $0xC;
	s30 =	sshrl.u32 s23, $0x1F;
	s22 =	sadd.s32 s29, s22  }
0x1c5: {  	v50 =	vld [tilespmem:s17+$0x5A60];
	s23 =	sshra.s32 s23, $0x12;
	s25 =	sadd.s32 s26, s25;
	s31 =	smul.u32 $0x7FFF9C, s22  }
0x1c6: {  	v51 =	vld [tilespmem:s20+$0x8C60];
	v53 =	vunpack.i.l.bf16.f32 v1;
	s26 =	sadd.s32 s30, s23;
	s28 =	smul.u32 $0x7FFF9C, s25  }
0x1c7: {  	v54 =	vadd.bf16 v32, v31;
	v2 =	vadd.bf16 v34, v33;
	v52 =	vld [tilespmem:s18+$0xBE60];
	v1 =	vunpack.i.u.bf16.f32 v1;
	[tilespmem:s16+$0x260] =	vst v53;
	s30 =	smul.u32 $0x7FFF9C, s26;
	s17 =	sshll.u32 s26, $0x9;
	s29 =	sadd.s32 s21, s31  }
0x1c8: {  	[tilespmem:s16+$0x270] =	vst v1;
	s17 =	sshra.s32 s17, $0x2;
	s31 =	sadd.s32 s22, s28;
	s22 =	sshll.u32 s29, $0x9  }
0x1c9: {  	v1 =	vadd.bf16 v2, v54;
	s23 =	sadd.s32 s25, s30;
	v16 =	vld [tilespmem:s17+$0xBE00];
	s18 =	sshll.u32 s31, $0x9;
	s19 =	sshra.s32 s22, $0x2  }
0x1ca: {  	s20 =	sshll.u32 s23, $0x9;
	s18 =	sshra.s32 s18, $0x2;
	v55 =	vld [tilespmem:s19+$0x2800]  }
0x1cb: {  	v58 =	vunpack.i.l.bf16.f32 v1;
	s20 =	sshra.s32 s20, $0x2;
	v56 =	vld [tilespmem:s18+$0x5A00]  }
0x1cc: {  	v59 =	vadd.bf16 v38, v37;
	v5 =	vadd.bf16 v40, v39;
	v1 =	vunpack.i.u.bf16.f32 v1;
	v57 =	vld [tilespmem:s20+$0x8C00];
	[tilespmem:s16+$0x280] =	vst v58  }
0x1cd: {  	[tilespmem:s16+$0x290] =	vst v1  }
0x1ce: {  	v1 =	vadd.bf16 v5, v59;
	v60 =	vld [tilespmem:s19+$0x2820];
	s21 =	spop (v2sf)  }
0x1cf: {  	v61 =	vld [tilespmem:s18+$0x5A20];
	s24 =	smulhi.u32 $0x51EB851F, s21  }
0x1d0: {  	v62 =	vld [tilespmem:s20+$0x8C20];
	v20 =	vunpack.i.l.bf16.f32 v1;
	s26 =	smulhi.u32 $0x68DB8BAD, s21  }
0x1d1: {  	v21 =	vadd.bf16 v44, v43;
	v9 =	vadd.bf16 v46, v45;
	v63 =	vld [tilespmem:s17+$0xBE20];
	v1 =	vunpack.i.u.bf16.f32 v1;
	[tilespmem:s16+$0x2A0] =	vst v20;
	s23 =	sshra.s32 s21, $0x1F;
	s31 =	smulhi.u32 $0x431BDE83, s21  }
0x1d2: {  	[tilespmem:s16+$0x2B0] =	vst v1;
	s25 =	smul.u32 $0x51EB851F, s23  }
0x1d3: {  	v1 =	vadd.bf16 v9, v21;
	v22 =	vld [tilespmem:s19+$0x2840];
	s30 =	smul.u32 $0x68DB8BAD, s23  }
0x1d4: {  	v23 =	vld [tilespmem:s18+$0x5A40];
	s23 =	smul.u32 $0x431BDE83, s23  }
0x1d5: {  	v24 =	vld [tilespmem:s20+$0x8C40];
	v26 =	vunpack.i.l.bf16.f32 v1  }
0x1d6: {  	v27 =	vadd.bf16 v50, v49;
	v0 =	vadd.bf16 v52, v51;
	v25 =	vld [tilespmem:s17+$0xBE40];
	v1 =	vunpack.i.u.bf16.f32 v1;
	[tilespmem:s16+$0x2C0] =	vst v26;
	s22 =	sadd.s32 s25, s24;
	s25 =	sadd.s32 s30, s26;
	s23 =	sadd.s32 s23, s31  }
0x1d7: {  	[tilespmem:s16+$0x2D0] =	vst v1;
	s29 =	sshrl.u32 s22, $0x1F;
	s22 =	sshra.s32 s22, $0x5;
	s26 =	sshrl.u32 s25, $0x1F  }
0x1d8: {  	v0 =	vadd.bf16 v0, v27;
	v28 =	vld [tilespmem:s19+$0x2860];
	s25 =	sshra.s32 s25, $0xC;
	s30 =	sshrl.u32 s23, $0x1F;
	s22 =	sadd.s32 s29, s22  }
0x1d9: {  	v29 =	vld [tilespmem:s18+$0x5A60];
	s23 =	sshra.s32 s23, $0x12;
	s25 =	sadd.s32 s26, s25;
	s31 =	smul.u32 $0x7FFF9C, s22  }
0x1da: {  	v32 =	vunpack.i.l.bf16.f32 v0;
	v30 =	vld [tilespmem:s20+$0x8C60];
	s18 =	sadd.s32 s30, s23;
	s23 =	smul.u32 $0x7FFF9C, s25  }
0x1db: {  	v0 =	vunpack.i.u.bf16.f32 v0;
	v33 =	vadd.bf16 v56, v55;
	v2 =	vadd.bf16 v16, v57;
	v31 =	vld [tilespmem:s17+$0xBE60];
	[tilespmem:s16+$0x2E0] =	vst v32;
	s28 =	smul.u32 $0x7FFF9C, s18;
	s18 =	sshll.u32 s18, $0x9;
	s26 =	sadd.s32 s21, s31  }
0x1dc: {  	[tilespmem:s16+$0x2F0] =	vst v0;
	s18 =	sshra.s32 s18, $0x2;
	s29 =	sadd.s32 s22, s23;
	s30 =	sshll.u32 s26, $0x9  }
0x1dd: {  	v0 =	vadd.bf16 v2, v33;
	s31 =	sadd.s32 s25, s28;
	v37 =	vld [tilespmem:s18+$0xBE00];
	s17 =	sshll.u32 s29, $0x9;
	s19 =	sshra.s32 s30, $0x2  }
0x1de: {  	s20 =	sshll.u32 s31, $0x9;
	s17 =	sshra.s32 s17, $0x2;
	v34 =	vld [tilespmem:s19+$0x2800]  }
0x1df: {  	v38 =	vunpack.i.l.bf16.f32 v0;
	s20 =	sshra.s32 s20, $0x2;
	v35 =	vld [tilespmem:s17+$0x5A00]  }
0x1e0: {  	v39 =	vadd.bf16 v61, v60;
	v5 =	vadd.bf16 v63, v62;
	v0 =	vunpack.i.u.bf16.f32 v0;
	v36 =	vld [tilespmem:s20+$0x8C00];
	[tilespmem:s16+$0x300] =	vst v38  }
0x1e1: {  	[tilespmem:s16+$0x310] =	vst v0  }
0x1e2: {  	v0 =	vadd.bf16 v5, v39;
	v40 =	vld [tilespmem:s19+$0x2820]  }
0x1e3: {  	v41 =	vld [tilespmem:s17+$0x5A20]  }
0x1e4: {  	v42 =	vld [tilespmem:s20+$0x8C20];
	v44 =	vunpack.i.l.bf16.f32 v0  }
0x1e5: {  	v45 =	vadd.bf16 v23, v22;
	v9 =	vadd.bf16 v25, v24;
	v43 =	vld [tilespmem:s18+$0xBE20];
	v0 =	vunpack.i.u.bf16.f32 v0;
	[tilespmem:s16+$0x320] =	vst v44  }
0x1e6: {  	[tilespmem:s16+$0x330] =	vst v0  }
0x1e7: {  	v0 =	vadd.bf16 v9, v45;
	v46 =	vld [tilespmem:s19+$0x2840]  }
0x1e8: {  	v47 =	vld [tilespmem:s17+$0x5A40]  }
0x1e9: {  	v48 =	vld [tilespmem:s20+$0x8C40];
	v50 =	vunpack.i.l.bf16.f32 v0  }
0x1ea: {  	v49 =	vld [tilespmem:s18+$0xBE40];
	v0 =	vunpack.i.u.bf16.f32 v0;
	[tilespmem:s16+$0x340] =	vst v50  }
0x1eb: {  	v13 =	vadd.bf16 v29, v28;
	v1 =	vadd.bf16 v31, v30;
	[tilespmem:s16+$0x350] =	vst v0  }
0x1ec: {  	v0 =	vld [tilespmem:s19+$0x2860]  }
0x1ed: {  	v1 =	vadd.bf16 v1, v13;
	v51 =	vld [tilespmem:s17+$0x5A60]  }
0x1ee: {  	v3 =	vadd.bf16 v35, v34;
	v2 =	vadd.bf16 v37, v36;
	v52 =	vld [tilespmem:s20+$0x8C60]  }
0x1ef: {  	v6 =	vadd.bf16 v41, v40;
	v53 =	vld [tilespmem:s18+$0xBE60]  }
0x1f0: {  	v54 =	vunpack.i.l.bf16.f32 v1;
	v5 =	vadd.bf16 v43, v42;
	v2 =	vadd.bf16 v2, v3  }
0x1f1: {  	v1 =	vunpack.i.u.bf16.f32 v1;
	[tilespmem:s16+$0x360] =	vst v54;
	v55 =	vadd.bf16 v47, v46;
	v56 =	vadd.bf16 v49, v48  }
0x1f2: {  	[tilespmem:s16+$0x370] =	vst v1;
	v5 =	vadd.bf16 v5, v6;
	v57 =	vunpack.i.l.bf16.f32 v2  }
0x1f3: {  	v2 =	vunpack.i.u.bf16.f32 v2;
	[tilespmem:s16+$0x380] =	vst v57;
	v58 =	vadd.bf16 v56, v55  }
0x1f4: {  	[tilespmem:s16+$0x390] =	vst v2;
	v59 =	vunpack.i.l.bf16.f32 v5;
	v0 =	vadd.bf16 v51, v0;
	v60 =	vadd.bf16 v53, v52  }
0x1f5: {  	v61 =	vunpack.i.u.bf16.f32 v5;
	[tilespmem:s16+$0x3A0] =	vst v59  }
0x1f6: {  	[tilespmem:s16+$0x3B0] =	vst v61;
	v62 =	vunpack.i.l.bf16.f32 v58;
	v0 =	vadd.bf16 v60, v0  }
0x1f7: {  	v1 =	vunpack.i.u.bf16.f32 v58;
	[tilespmem:s16+$0x3C0] =	vst v62  }
0x1f8: {  	[tilespmem:s16+$0x3D0] =	vst v1;
	v63 =	vunpack.i.l.bf16.f32 v0  }
0x1f9: {  	p0 =	sne.s32 s15, $0x3C0;
	v0 =	vunpack.i.u.bf16.f32 v0;
	[tilespmem:s16+$0x3E0] =	vst v63  }
0x1fa: {  	s15 =	sadd.s32 $0x40, s15;
	s17 =	simm.s32 @!p0 $0x0;
	s18 =	simm.s32 @!p0 $0xF200;
	[tilespmem:s16+$0x3F0] =	vst v0  }
0x1fb: {  	[hbm4b:s5+s17] =	stream.linear.scatter @!p0 [tilespmem:s18], [sflag:$0x1], $0x8000, $0x38;
	[tilespmem:$0x1F200] =	vst v63  }
0x1fc: {  	p0 =	sne.s32 s15, $0x800  }
.Ltmp3:
0x1fd: {  	_ = 	snop;
	(pc) =	sbr.rel @p0 .LBB2_6-.Ltmp3, $2  }
0x1fe: {  	_ =	sdelay $0x2  }
0x1ff: {  	s16 =	sadd.s32 $0x800, s16  }
0x200: {  	[hbm4b:s6+s3] =	stream.linear.scatter [tilespmem:s11], [sflag:$0x2], $0x8000, $0x38;
	[tilespmem:$0x1F200] =	vst v63  }
0x201: {  	s14 =	sadd.s32 $0x1, s14  }
0x202: {  	_ =	swait.ge [sflag:s12], $0x8000;
	p0 =	sne.s32 s14, s7  }
.Ltmp4:
0x203: {  	[sflag:s12] =	ssyncset.done $0x0;
	(pc) =	sbr.rel @p0 .LBB2_1-.Ltmp4, $4  }
0x204: {  	[sflag:s12] =	ssyncadd.s32 $0xFFFF8000  }
0x205: {  	_ =	swait.ge [sflag:s13], $0x8000  }
0x206: {  	[sflag:s13] =	ssyncset.done $0x0  }
0x207: {  	[sflag:s13] =	ssyncadd.s32 $0xFFFF8000  }
0x208: {  	_ =	sfence.sel $0x180000  }
0x209: {  	[bflag:$0x0] =	sbarrier.arrive $0xFFFF  }
0x20a: {  	p0 =	sne.s32 s2, $0x0;
	_ =	strace $0x90000047  }
0x20b: {  	s0 =	sadd.s32 @!p0 $0x100000, s0;
	[bflag:$0x2] =	sbarrier.arrive $0xFFFF  }
0x20c: {  	[sflag:s0] =	ssyncadd.tile.s32 @!p0 $0x1;
	_ =	shalt  }
.Lfunc_end2:
_tile_overlayer_lowered:
.L_overlay_start_2:
0x20d: {  	(tag) =	ssettag $0x2  }
0x20e: {  	s0 =	rddreg [dreg:$0x0];
	s2 =	stileid.u32  }
0x20f: {  	s1 =	rddreg [dreg:$0x1];
	p0 =	sne.s32 s2, $0x0  }
0x210: {  	s3 =	rddreg [dreg:$0x2];
	[bflag:$0x3] =	sbarrier.arrive $0xFFFF;
	s2 =	simm.s32 @!p0 $0x1C03  }
0x211: {  	[timem:s3], [sflag:s2] =	dma.local @!p0 [hbm:s0], s1  }
0x212: {  	s0 =	simm.s32 @!p0 $0x3  }
0x213: {  	_ =	swait.ge @!p0 [sflag:s0], s1  }
0x214: {  	s1 =	ssub.s32 @!p0 $0x0, s1;
	[sflag:s0] =	ssyncset.done @!p0 $0x0  }
0x215: {  	[sflag:s0] =	ssyncadd.s32 @!p0 s1  }
0x216: {  	[bflag:$0x3] =	sbarrier.arrive $0xFFFF  }
0x217: {  	_ =	shalt  }

</sc_bundles>
